<compile_context>
chip_gen: v7x
topology: tpu7x:2x2x1
jax: 0.10.2.dev20260603
libtpu: 0.0.44.dev20260713+nightly
codegen_flags: <defaults>
</compile_context>

<pallas_src>
import functools

import numpy as np
import jax
import jax.numpy as jnp
from jax import lax
from jax.experimental import pallas as pl
from jax.experimental.pallas import tpu as pltpu
from jax.experimental.pallas import tpu_sc as plsc

DL = 10.0
SIGMA = 5.0
SIGMA_SQ_HALF = SIGMA ** 2 / 2.0
TWOPI = 2.0 * np.pi
TWOPI_SQ = (2.0 * np.pi) ** 2
K_SQ_MAX = (TWOPI / DL) ** 2
BOX_CONST = np.full((3,), 200.0, dtype=np.float32)

def _static_kpoints():
    nk = np.maximum((BOX_CONST / DL).astype(np.int32), 1)
    kx = np.arange(-int(nk[0]), int(nk[0]) + 1, dtype=np.int32)
    ky = np.arange(-int(nk[1]), int(nk[1]) + 1, dtype=np.int32)
    kz = np.arange(-int(nk[2]), int(nk[2]) + 1, dtype=np.int32)
    kxt = (kx.astype(np.float32) / BOX_CONST[0]) ** 2
    kyt = (ky.astype(np.float32) / BOX_CONST[1]) ** 2
    kzt = (kz.astype(np.float32) / BOX_CONST[2]) ** 2
    ksq = np.float32(TWOPI_SQ) * (
        kxt[:, None, None] + kyt[None, :, None] + kzt[None, None, :]
    )
    mask = (ksq <= np.float32(K_SQ_MAX)) & (ksq > 0)
    ix, iy, iz = np.nonzero(mask)
    return (
        kx[ix].astype(np.float32),
        ky[iy].astype(np.float32),
        kz[iz].astype(np.float32),
    )


_KXF, _KYF, _KZF = _static_kpoints()
N_SEL = _KXF.shape[0]

NUM_CORES = 2
NUM_SUBCORES = 16
LANES = 16
NW = NUM_CORES * NUM_SUBCORES

VECS_PER_W = -(-N_SEL // (NW * LANES))
CHUNK = VECS_PER_W * LANES
N_PAD = CHUNK * NW
TAIL = N_SEL - (NW - 1) * CHUNK
PACK = 3 * CHUNK


def _pad(a, fill):
    out = np.full((N_PAD,), fill, dtype=np.float32)
    out[:N_SEL] = a
    return out


_KX_PAD = _pad(_KXF, 1.0)
_KY_PAD = _pad(_KYF, 0.0)
_KZ_PAD = _pad(_KZF, 0.0)

_PACKED = np.empty((NW, PACK), dtype=np.float32)
_PACKED[:, :CHUNK] = _KX_PAD.reshape(NW, CHUNK)
_PACKED[:, CHUNK : 2 * CHUNK] = _KY_PAD.reshape(NW, CHUNK)
_PACKED[:, 2 * CHUNK :] = _KZ_PAD.reshape(NW, CHUNK)
_PACKED = _PACKED.reshape(-1)

def _ewald_body(pk_hbm, box_hbm, vx_hbm, vy_hbm, vz_hbm, fac_hbm,
                pk_v, box_v, kv_v, fac_v, sem):
    wid = lax.axis_index("s") * NUM_CORES + lax.axis_index("c")
    base = pl.multiple_of(wid * CHUNK, 8)

    in_cp = pltpu.make_async_copy(
        pk_hbm.at[pl.ds(pl.multiple_of(wid * PACK, 8), PACK)], pk_v, sem)
    box_cp = pltpu.make_async_copy(box_hbm, box_v.at[pl.ds(0, 3)], sem)
    in_cp.start()
    box_cp.start()
    box_cp.wait()
    in_cp.wait()

    barr = box_v[...]
    inv = [TWOPI / jnp.broadcast_to(barr[t], (LANES,)) for t in range(3)]

    is_tail = wid == NW - 1
    outs = (vx_hbm, vy_hbm, vz_hbm)

    def _out_copies(n):
        cps = [pltpu.make_async_copy(kv_v.at[pl.ds(c * CHUNK, n)],
                                     outs[c].at[pl.ds(base, n)], sem)
               for c in range(3)]
        cps.append(pltpu.make_async_copy(fac_v.at[pl.ds(0, n)],
                                         fac_hbm.at[pl.ds(base, n)], sem))
        return cps

    for c in range(3):
        for j in range(VECS_PER_W):
            s = pl.ds(c * CHUNK + j * LANES, LANES)
            kv_v[s] = pk_v[s] * inv[c]

        @pl.when(jnp.logical_not(is_tail))
        def _start_full(c=c):
            _out_copies(CHUNK)[c].start()

        @pl.when(is_tail)
        def _start_tail(c=c):
            _out_copies(TAIL)[c].start()

    for j in range(VECS_PER_W):
        s = pl.ds(j * LANES, LANES)
        vx = kv_v[pl.ds(j * LANES, LANES)]
        vy = kv_v[pl.ds(CHUNK + j * LANES, LANES)]
        vz = kv_v[pl.ds(2 * CHUNK + j * LANES, LANES)]
        ksq = vx * vx + vy * vy + vz * vz
        fac_v[s] = (TWOPI * jnp.exp(-SIGMA_SQ_HALF * ksq)) / ksq

    @pl.when(jnp.logical_not(is_tail))
    def _finish_full():
        cps = _out_copies(CHUNK)
        cps[3].start()
        for cp in cps:
            cp.wait()

    @pl.when(is_tail)
    def _finish_tail():
        cps = _out_copies(TAIL)
        cps[3].start()
        for cp in cps:
            cp.wait()


@functools.cache
def _build_sc_call():
    return pl.kernel(
        _ewald_body,
        out_type=[
            jax.ShapeDtypeStruct((N_SEL,), jnp.float32),
            jax.ShapeDtypeStruct((N_SEL,), jnp.float32),
            jax.ShapeDtypeStruct((N_SEL,), jnp.float32),
            jax.ShapeDtypeStruct((N_SEL,), jnp.float32),
        ],
        mesh=plsc.VectorSubcoreMesh(
            core_axis_name="c", subcore_axis_name="s",
            num_cores=NUM_CORES, num_subcores=NUM_SUBCORES,
        ),
        scratch_types=[
            pltpu.VMEM((PACK,), jnp.float32),
            pltpu.VMEM((LANES,), jnp.float32),
            pltpu.VMEM((PACK,), jnp.float32),
            pltpu.VMEM((CHUNK,), jnp.float32),
            pltpu.SemaphoreType.DMA,
        ],
    )


def kernel(r_raw, box):
    del r_raw
    vx, vy, vz, factor = _build_sc_call()(
        jnp.asarray(_PACKED), box.astype(jnp.float32))
    return (jnp.stack((vx, vy, vz), axis=-1), factor)

# --- scband reference (transcript-rebuilt; emitter-appended) ---
"""Pipeline reference for scband-ewald-potential-81716047774380 (READ-ONLY COPY).

The authoritative reference and input builder live on the scoring server;
editing this copy changes nothing except your own understanding.
"""

import jax, jax.numpy as jnp
import numpy as np

DL = 10.0
SIGMA = 5.0
SIGMA_SQ_HALF = SIGMA ** 2 / 2.0
TWOPI = 2.0 * np.pi
TWOPI_SQ = 2.0 * np.pi
TWOPI_SQ = (2.0 * np.pi) ** 2
K_SQ_MAX = (TWOPI / DL) ** 2
BOX_CONST = np.full((3,), 200.0, dtype=np.float32)


def setup_inputs(seed: int = 0) -> dict:
    key = jax.random.key(seed)
    k1, _ = jax.random.split(key)
    # atom positions inside the box (values themselves don't affect output shape)
    r_raw = jax.random.normal(k1, (100000, 3), dtype=jnp.float32) * 50.0 + 100.0
    # realistic periodic box of 200 Angstrom per side (fill pool 'ones' scaled by 200)
    box = jnp.ones((3,), dtype=jnp.float32) * 200.0
    return {"r_raw": r_raw, "box": box}


def reference(r_raw, box):
    r = r_raw / box  # computed in original forward (unused in output)
    nk = np.maximum((BOX_CONST / DL).astype(np.int32), 1)
    kx = jnp.arange(-int(nk[0]), int(nk[0]) + 1)
    ky = jnp.arange(-int(nk[1]), int(nk[1]) + 1)
    kz = jnp.arange(-int(nk[2]), int(nk[2]) + 1)
    kx_term = (kx / box[0]) ** 2
    ky_term = (ky / box[1]) ** 2
    kz_term = (kz / box[2]) ** 2
    k_sq = TWOPI_SQ * (kx_term[:, None, None] + ky_term[None, :, None] + kz_term[None, None, :])
    kx_np = np.arange(-int(nk[0]), int(nk[0]) + 1, dtype=np.int32)
    ky_np = np.arange(-int(nk[1]), int(nk[1]) + 1, dtype=np.int32)
    kz_np = np.arange(-int(nk[2]), int(nk[2]) + 1, dtype=np.int32)
    kx_term_np = (kx_np.astype(np.float32) / BOX_CONST[0]) ** 2
    ky_term_np = (ky_np.astype(np.float32) / BOX_CONST[1]) ** 2
    kz_term_np = (kz_np.astype(np.float32) / BOX_CONST[2]) ** 2
    k_sq_np = np.float32(TWOPI_SQ) * (
        kx_term_np[:, None, None] + ky_term_np[None, :, None] + kz_term_np[None, None, :]
    )
    mask_np = (k_sq_np <= np.float32(K_SQ_MAX)) & (k_sq_np > 0)
    idx_x, idx_y, idx_z = np.nonzero(mask_np)
    kx_sel = kx[idx_x]
    ky_sel = ky[idx_y]
    kz_sel = kz[idx_z]
    kvec = jnp.stack((kx_sel / box[0], ky_sel / box[1], kz_sel / box[2]), axis=-1)
    kvec_sel = TWOPI * kvec
    k_sq_sel = k_sq[idx_x, idx_y, idx_z]
    k_sq_check = TWOPI_SQ * ((kx_sel / box[0]) ** 2 + (ky_sel / box[1]) ** 2 + (kz_sel / box[2]) ** 2)
    volume = box.prod()  # computed in original (unused)
    factor = jnp.full_like(k_sq_sel, TWOPI)
    factor = factor * jnp.exp(-SIGMA_SQ_HALF * k_sq_sel) / k_sq_sel
    return (kvec_sel, factor)

if __name__ == "__main__":
    import jax
    _d = setup_inputs()
    print(jax.jit(kernel)(*tuple(_d.values())))

</pallas_src>

<mosaic_0001>
#map = affine_map<(d0, d1) -> (0)>
module attributes {stable_mosaic.version = 14 : i64} {
  func.func @_ewald_body(%arg0: i32, %arg1: i32, %arg2: memref<101376xf32, #tpu.memory_space<hbm>>, %arg3: memref<3xf32, #tpu.memory_space<hbm>>, %arg4: memref<33400xf32, #tpu.memory_space<hbm>>, %arg5: memref<33400xf32, #tpu.memory_space<hbm>>, %arg6: memref<33400xf32, #tpu.memory_space<hbm>>, %arg7: memref<33400xf32, #tpu.memory_space<hbm>>, %arg8: memref<3168xf32, #tpu.memory_space<vmem>>, %arg9: memref<16xf32, #tpu.memory_space<vmem>>, %arg10: memref<3168xf32, #tpu.memory_space<vmem>>, %arg11: memref<1056xf32, #tpu.memory_space<vmem>>, %arg12: memref<!tpu.dma_semaphore, #tpu.memory_space<semaphore_mem>>) attributes {dimension_semantics = [#tpu.dimension_semantics<core_parallel>, #tpu.dimension_semantics<subcore_parallel>], iteration_bounds = array<i64: 2, 16>, scalar_prefetch = 0 : i64, scratch_operands = 5 : i64, tpu.core_type = #tpu.core_type<sc_vector_subcore>, window_params = [{transform_indices = #map}, {transform_indices = #map}, {transform_indices = #map}, {transform_indices = #map}, {transform_indices = #map}, {transform_indices = #map}]} {
    %mul3A = arith.constant 2 : i32
    %mul3A_0 = arith.muli %arg1, %mul3A : i32
    %add3A = arith.addi %mul3A_0, %arg0 : i32
    %mul3A_1 = arith.constant 1056 : i32
    %mul3A_2 = arith.muli %add3A, %mul3A_1 : i32
    %multiple_of3A = tpu.assume_multiple %mul3A_2, 8 : i32
    %mul3A_3 = arith.constant 3168 : i32
    %mul3A_4 = arith.muli %add3A, %mul3A_3 : i32
    %multiple_of3A_5 = tpu.assume_multiple %mul3A_4, 8 : i32
    %dma_start3A = tpu.memref_slice %arg2[%multiple_of3A_5] : memref<101376xf32, #tpu.memory_space<hbm>> -> memref<3168xf32, #tpu.memory_space<hbm>>
    %dma_start3A_6 = tpu.memref_slice %arg2[%multiple_of3A_5] : memref<101376xf32, #tpu.memory_space<hbm>> -> memref<3168xf32, #tpu.memory_space<hbm>>
    tpu.enqueue_dma source(%dma_start3A_6 : memref<3168xf32, #tpu.memory_space<hbm>>) target(%arg8 : memref<3168xf32, #tpu.memory_space<vmem>>) target_semaphore(%arg12 : memref<!tpu.dma_semaphore, #tpu.memory_space<semaphore_mem>>)
    %dma_start3A_7 = arith.constant 0 : i32
    %dma_start3A_8 = tpu.memref_slice %arg9[%dma_start3A_7] : memref<16xf32, #tpu.memory_space<vmem>> -> memref<3xf32, #tpu.memory_space<vmem>>
    %dma_start3A_9 = arith.constant 0 : i32
    %dma_start3A_10 = tpu.memref_slice %arg9[%dma_start3A_9] : memref<16xf32, #tpu.memory_space<vmem>> -> memref<3xf32, #tpu.memory_space<vmem>>
    tpu.enqueue_dma source(%arg3 : memref<3xf32, #tpu.memory_space<hbm>>) target(%dma_start3A_10 : memref<3xf32, #tpu.memory_space<vmem>>) target_semaphore(%arg12 : memref<!tpu.dma_semaphore, #tpu.memory_space<semaphore_mem>>)
    %dma_wait3A = arith.constant 0 : i32
    %dma_wait3A_11 = tpu.memref_slice %arg9[%dma_wait3A] : memref<16xf32, #tpu.memory_space<vmem>> -> memref<3xf32, #tpu.memory_space<vmem>>
    %dma_wait3A_12 = arith.constant 0 : i32
    %dma_wait3A_13 = tpu.memref_slice %arg9[%dma_wait3A_12] : memref<16xf32, #tpu.memory_space<vmem>> -> memref<3xf32, #tpu.memory_space<vmem>>
    tpu.wait_dma2 semaphore(%arg12 : memref<!tpu.dma_semaphore, #tpu.memory_space<semaphore_mem>>) src(%arg3 : memref<3xf32, #tpu.memory_space<hbm>>) dst(%dma_wait3A_13 : memref<3xf32, #tpu.memory_space<vmem>>)
    %dma_wait3A_14 = tpu.memref_slice %arg2[%multiple_of3A_5] : memref<101376xf32, #tpu.memory_space<hbm>> -> memref<3168xf32, #tpu.memory_space<hbm>>
    %dma_wait3A_15 = tpu.memref_slice %arg2[%multiple_of3A_5] : memref<101376xf32, #tpu.memory_space<hbm>> -> memref<3168xf32, #tpu.memory_space<hbm>>
    tpu.wait_dma2 semaphore(%arg12 : memref<!tpu.dma_semaphore, #tpu.memory_space<semaphore_mem>>) src(%dma_wait3A_15 : memref<3168xf32, #tpu.memory_space<hbm>>) dst(%arg8 : memref<3168xf32, #tpu.memory_space<vmem>>)
    %get3A = arith.constant 0 : index
    %get3A_16 = tpu.vector_load %arg9[%get3A] {strides = array<i32>} : memref<16xf32, #tpu.memory_space<vmem>>, vector<16xf32>,
    %get3A_17 = vector.shape_cast %get3A_16 : vector<16xf32> to vector<16xf32>
    %slice3A = vector.extract_strided_slice %get3A_17 {offsets = [0], sizes = [1], strides = [1]} : vector<16xf32> to vector<1xf32>
    %squeeze3A = vector.extract %slice3A[0] : f32 from vector<1xf32>
    %broadcast_in_dim3A = vector.broadcast %squeeze3A : f32 to vector<16xf32>
    %div3A = arith.constant 6.28318548 : f32
    %div3A_18 = vector.broadcast %div3A : f32 to vector<16xf32>
    %div3A_19 = arith.divf %div3A_18, %broadcast_in_dim3A : vector<16xf32>
    %slice3A_20 = vector.extract_strided_slice %get3A_17 {offsets = [1], sizes = [1], strides = [1]} : vector<16xf32> to vector<1xf32>
    %squeeze3A_21 = vector.extract %slice3A_20[0] : f32 from vector<1xf32>
    %broadcast_in_dim3A_22 = vector.broadcast %squeeze3A_21 : f32 to vector<16xf32>
    %div3A_23 = arith.constant 6.28318548 : f32
    %div3A_24 = vector.broadcast %div3A_23 : f32 to vector<16xf32>
    %div3A_25 = arith.divf %div3A_24, %broadcast_in_dim3A_22 : vector<16xf32>
    %slice3A_26 = vector.extract_strided_slice %get3A_17 {offsets = [2], sizes = [1], strides = [1]} : vector<16xf32> to vector<1xf32>
    %squeeze3A_27 = vector.extract %slice3A_26[0] : f32 from vector<1xf32>
    %broadcast_in_dim3A_28 = vector.broadcast %squeeze3A_27 : f32 to vector<16xf32>
    %div3A_29 = arith.constant 6.28318548 : f32
    %div3A_30 = vector.broadcast %div3A_29 : f32 to vector<16xf32>
    %div3A_31 = arith.divf %div3A_30, %broadcast_in_dim3A_28 : vector<16xf32>
    %eq3A = arith.constant 31 : i32
    %eq3A_32 = arith.cmpi eq, %add3A, %eq3A : i32
    %get3A_33 = arith.constant 0 : index
    %get3A_34 = tpu.vector_load %arg8[%get3A_33] {strides = array<i32>} : memref<3168xf32, #tpu.memory_space<vmem>>, vector<16xf32>,
    %get3A_35 = vector.shape_cast %get3A_34 : vector<16xf32> to vector<16xf32>
    %mul3A_36 = arith.mulf %get3A_35, %div3A_19 : vector<16xf32>
    %swap3A = arith.constant 0 : index
    %swap3A_37 = tpu.vector_load %arg10[%swap3A] {strides = array<i32>} : memref<3168xf32, #tpu.memory_space<vmem>>, vector<16xf32>,
    %swap3A_38 = vector.shape_cast %swap3A_37 : vector<16xf32> to vector<16xf32>
    %swap3A_39 = vector.shape_cast %mul3A_36 : vector<16xf32> to vector<16xf32>
    tpu.vector_store %arg10[%swap3A], %swap3A_39 {strides = array<i32>} : memref<3168xf32, #tpu.memory_space<vmem>>, vector<16xf32>,
    %get3A_40 = arith.constant 16 : index
    %get3A_41 = tpu.vector_load %arg8[%get3A_40] {strides = array<i32>} : memref<3168xf32, #tpu.memory_space<vmem>>, vector<16xf32>,
    %get3A_42 = vector.shape_cast %get3A_41 : vector<16xf32> to vector<16xf32>
    %mul3A_43 = arith.mulf %get3A_42, %div3A_19 : vector<16xf32>
    %swap3A_44 = arith.constant 16 : index
    %swap3A_45 = tpu.vector_load %arg10[%swap3A_44] {strides = array<i32>} : memref<3168xf32, #tpu.memory_space<vmem>>, vector<16xf32>,
    %swap3A_46 = vector.shape_cast %swap3A_45 : vector<16xf32> to vector<16xf32>
    %swap3A_47 = vector.shape_cast %mul3A_43 : vector<16xf32> to vector<16xf32>
    tpu.vector_store %arg10[%swap3A_44], %swap3A_47 {strides = array<i32>} : memref<3168xf32, #tpu.memory_space<vmem>>, vector<16xf32>,
    %get3A_48 = arith.constant 32 : index
    %get3A_49 = tpu.vector_load %arg8[%get3A_48] {strides = array<i32>} : memref<3168xf32, #tpu.memory_space<vmem>>, vector<16xf32>,
    %get3A_50 = vector.shape_cast %get3A_49 : vector<16xf32> to vector<16xf32>
    %mul3A_51 = arith.mulf %get3A_50, %div3A_19 : vector<16xf32>
    %swap3A_52 = arith.constant 32 : index
    %swap3A_53 = tpu.vector_load %arg10[%swap3A_52] {strides = array<i32>} : memref<3168xf32, #tpu.memory_space<vmem>>, vector<16xf32>,
    %swap3A_54 = vector.shape_cast %swap3A_53 : vector<16xf32> to vector<16xf32>
    %swap3A_55 = vector.shape_cast %mul3A_51 : vector<16xf32> to vector<16xf32>
    tpu.vector_store %arg10[%swap3A_52], %swap3A_55 {strides = array<i32>} : memref<3168xf32, #tpu.memory_space<vmem>>, vector<16xf32>,
    %get3A_56 = arith.constant 48 : index
    %get3A_57 = tpu.vector_load %arg8[%get3A_56] {strides = array<i32>} : memref<3168xf32, #tpu.memory_space<vmem>>, vector<16xf32>,
    %get3A_58 = vector.shape_cast %get3A_57 : vector<16xf32> to vector<16xf32>
    %mul3A_59 = arith.mulf %get3A_58, %div3A_19 : vector<16xf32>
    %swap3A_60 = arith.constant 48 : index
    %swap3A_61 = tpu.vector_load %arg10[%swap3A_60] {strides = array<i32>} : memref<3168xf32, #tpu.memory_space<vmem>>, vector<16xf32>,
    %swap3A_62 = vector.shape_cast %swap3A_61 : vector<16xf32> to vector<16xf32>
    %swap3A_63 = vector.shape_cast %mul3A_59 : vector<16xf32> to vector<16xf32>
    tpu.vector_store %arg10[%swap3A_60], %swap3A_63 {strides = array<i32>} : memref<3168xf32, #tpu.memory_space<vmem>>, vector<16xf32>,
    %get3A_64 = arith.constant 64 : index
    %get3A_65 = tpu.vector_load %arg8[%get3A_64] {strides = array<i32>} : memref<3168xf32, #tpu.memory_space<vmem>>, vector<16xf32>,
    %get3A_66 = vector.shape_cast %get3A_65 : vector<16xf32> to vector<16xf32>
    %mul3A_67 = arith.mulf %get3A_66, %div3A_19 : vector<16xf32>
    %swap3A_68 = arith.constant 64 : index
    %swap3A_69 = tpu.vector_load %arg10[%swap3A_68] {strides = array<i32>} : memref<3168xf32, #tpu.memory_space<vmem>>, vector<16xf32>,
    %swap3A_70 = vector.shape_cast %swap3A_69 : vector<16xf32> to vector<16xf32>
    %swap3A_71 = vector.shape_cast %mul3A_67 : vector<16xf32> to vector<16xf32>
    tpu.vector_store %arg10[%swap3A_68], %swap3A_71 {strides = array<i32>} : memref<3168xf32, #tpu.memory_space<vmem>>, vector<16xf32>,
    %get3A_72 = arith.constant 80 : index
    %get3A_73 = tpu.vector_load %arg8[%get3A_72] {strides = array<i32>} : memref<3168xf32, #tpu.memory_space<vmem>>, vector<16xf32>,
    %get3A_74 = vector.shape_cast %get3A_73 : vector<16xf32> to vector<16xf32>
    %mul3A_75 = arith.mulf %get3A_74, %div3A_19 : vector<16xf32>
    %swap3A_76 = arith.constant 80 : index
    %swap3A_77 = tpu.vector_load %arg10[%swap3A_76] {strides = array<i32>} : memref<3168xf32, #tpu.memory_space<vmem>>, vector<16xf32>,
    %swap3A_78 = vector.shape_cast %swap3A_77 : vector<16xf32> to vector<16xf32>
    %swap3A_79 = vector.shape_cast %mul3A_75 : vector<16xf32> to vector<16xf32>
    tpu.vector_store %arg10[%swap3A_76], %swap3A_79 {strides = array<i32>} : memref<3168xf32, #tpu.memory_space<vmem>>, vector<16xf32>,
    %get3A_80 = arith.constant 96 : index
    %get3A_81 = tpu.vector_load %arg8[%get3A_80] {strides = array<i32>} : memref<3168xf32, #tpu.memory_space<vmem>>, vector<16xf32>,
    %get3A_82 = vector.shape_cast %get3A_81 : vector<16xf32> to vector<16xf32>
    %mul3A_83 = arith.mulf %get3A_82, %div3A_19 : vector<16xf32>
    %swap3A_84 = arith.constant 96 : index
    %swap3A_85 = tpu.vector_load %arg10[%swap3A_84] {strides = array<i32>} : memref<3168xf32, #tpu.memory_space<vmem>>, vector<16xf32>,
    %swap3A_86 = vector.shape_cast %swap3A_85 : vector<16xf32> to vector<16xf32>
    %swap3A_87 = vector.shape_cast %mul3A_83 : vector<16xf32> to vector<16xf32>
    tpu.vector_store %arg10[%swap3A_84], %swap3A_87 {strides = array<i32>} : memref<3168xf32, #tpu.memory_space<vmem>>, vector<16xf32>,
    %get3A_88 = arith.constant 112 : index
    %get3A_89 = tpu.vector_load %arg8[%get3A_88] {strides = array<i32>} : memref<3168xf32, #tpu.memory_space<vmem>>, vector<16xf32>,
    %get3A_90 = vector.shape_cast %get3A_89 : vector<16xf32> to vector<16xf32>
    %mul3A_91 = arith.mulf %get3A_90, %div3A_19 : vector<16xf32>
    %swap3A_92 = arith.constant 112 : index
    %swap3A_93 = tpu.vector_load %arg10[%swap3A_92] {strides = array<i32>} : memref<3168xf32, #tpu.memory_space<vmem>>, vector<16xf32>,
    %swap3A_94 = vector.shape_cast %swap3A_93 : vector<16xf32> to vector<16xf32>
    %swap3A_95 = vector.shape_cast %mul3A_91 : vector<16xf32> to vector<16xf32>
    tpu.vector_store %arg10[%swap3A_92], %swap3A_95 {strides = array<i32>} : memref<3168xf32, #tpu.memory_space<vmem>>, vector<16xf32>,
    %get3A_96 = arith.constant 128 : index
    %get3A_97 = tpu.vector_load %arg8[%get3A_96] {strides = array<i32>} : memref<3168xf32, #tpu.memory_space<vmem>>, vector<16xf32>,
    %get3A_98 = vector.shape_cast %get3A_97 : vector<16xf32> to vector<16xf32>
    %mul3A_99 = arith.mulf %get3A_98, %div3A_19 : vector<16xf32>
    %swap3A_100 = arith.constant 128 : index
    %swap3A_101 = tpu.vector_load %arg10[%swap3A_100] {strides = array<i32>} : memref<3168xf32, #tpu.memory_space<vmem>>, vector<16xf32>,
    %swap3A_102 = vector.shape_cast %swap3A_101 : vector<16xf32> to vector<16xf32>
    %swap3A_103 = vector.shape_cast %mul3A_99 : vector<16xf32> to vector<16xf32>
    tpu.vector_store %arg10[%swap3A_100], %swap3A_103 {strides = array<i32>} : memref<3168xf32, #tpu.memory_space<vmem>>, vector<16xf32>,
    %get3A_104 = arith.constant 144 : index
    %get3A_105 = tpu.vector_load %arg8[%get3A_104] {strides = array<i32>} : memref<3168xf32, #tpu.memory_space<vmem>>, vector<16xf32>,
    %get3A_106 = vector.shape_cast %get3A_105 : vector<16xf32> to vector<16xf32>
    %mul3A_107 = arith.mulf %get3A_106, %div3A_19 : vector<16xf32>
    %swap3A_108 = arith.constant 144 : index
    %swap3A_109 = tpu.vector_load %arg10[%swap3A_108] {strides = array<i32>} : memref<3168xf32, #tpu.memory_space<vmem>>, vector<16xf32>,
    %swap3A_110 = vector.shape_cast %swap3A_109 : vector<16xf32> to vector<16xf32>
    %swap3A_111 = vector.shape_cast %mul3A_107 : vector<16xf32> to vector<16xf32>
    tpu.vector_store %arg10[%swap3A_108], %swap3A_111 {strides = array<i32>} : memref<3168xf32, #tpu.memory_space<vmem>>, vector<16xf32>,
    %get3A_112 = arith.constant 160 : index
    %get3A_113 = tpu.vector_load %arg8[%get3A_112] {strides = array<i32>} : memref<3168xf32, #tpu.memory_space<vmem>>, vector<16xf32>,
    %get3A_114 = vector.shape_cast %get3A_113 : vector<16xf32> to vector<16xf32>
    %mul3A_115 = arith.mulf %get3A_114, %div3A_19 : vector<16xf32>
    %swap3A_116 = arith.constant 160 : index
    %swap3A_117 = tpu.vector_load %arg10[%swap3A_116] {strides = array<i32>} : memref<3168xf32, #tpu.memory_space<vmem>>, vector<16xf32>,
    %swap3A_118 = vector.shape_cast %swap3A_117 : vector<16xf32> to vector<16xf32>
    %swap3A_119 = vector.shape_cast %mul3A_115 : vector<16xf32> to vector<16xf32>
    tpu.vector_store %arg10[%swap3A_116], %swap3A_119 {strides = array<i32>} : memref<3168xf32, #tpu.memory_space<vmem>>, vector<16xf32>,
    %get3A_120 = arith.constant 176 : index
    %get3A_121 = tpu.vector_load %arg8[%get3A_120] {strides = array<i32>} : memref<3168xf32, #tpu.memory_space<vmem>>, vector<16xf32>,
    %get3A_122 = vector.shape_cast %get3A_121 : vector<16xf32> to vector<16xf32>
    %mul3A_123 = arith.mulf %get3A_122, %div3A_19 : vector<16xf32>
    %swap3A_124 = arith.constant 176 : index
    %swap3A_125 = tpu.vector_load %arg10[%swap3A_124] {strides = array<i32>} : memref<3168xf32, #tpu.memory_space<vmem>>, vector<16xf32>,
    %swap3A_126 = vector.shape_cast %swap3A_125 : vector<16xf32> to vector<16xf32>
    %swap3A_127 = vector.shape_cast %mul3A_123 : vector<16xf32> to vector<16xf32>
    tpu.vector_store %arg10[%swap3A_124], %swap3A_127 {strides = array<i32>} : memref<3168xf32, #tpu.memory_space<vmem>>, vector<16xf32>,
    %get3A_128 = arith.constant 192 : index
    %get3A_129 = tpu.vector_load %arg8[%get3A_128] {strides = array<i32>} : memref<3168xf32, #tpu.memory_space<vmem>>, vector<16xf32>,
    %get3A_130 = vector.shape_cast %get3A_129 : vector<16xf32> to vector<16xf32>
    %mul3A_131 = arith.mulf %get3A_130, %div3A_19 : vector<16xf32>
    %swap3A_132 = arith.constant 192 : index
    %swap3A_133 = tpu.vector_load %arg10[%swap3A_132] {strides = array<i32>} : memref<3168xf32, #tpu.memory_space<vmem>>, vector<16xf32>,
    %swap3A_134 = vector.shape_cast %swap3A_133 : vector<16xf32> to vector<16xf32>
    %swap3A_135 = vector.shape_cast %mul3A_131 : vector<16xf32> to vector<16xf32>
    tpu.vector_store %arg10[%swap3A_132], %swap3A_135 {strides = array<i32>} : memref<3168xf32, #tpu.memory_space<vmem>>, vector<16xf32>,
    %get3A_136 = arith.constant 208 : index
    %get3A_137 = tpu.vector_load %arg8[%get3A_136] {strides = array<i32>} : memref<3168xf32, #tpu.memory_space<vmem>>, vector<16xf32>,
    %get3A_138 = vector.shape_cast %get3A_137 : vector<16xf32> to vector<16xf32>
    %mul3A_139 = arith.mulf %get3A_138, %div3A_19 : vector<16xf32>
    %swap3A_140 = arith.constant 208 : index
    %swap3A_141 = tpu.vector_load %arg10[%swap3A_140] {strides = array<i32>} : memref<3168xf32, #tpu.memory_space<vmem>>, vector<16xf32>,
    %swap3A_142 = vector.shape_cast %swap3A_141 : vector<16xf32> to vector<16xf32>
    %swap3A_143 = vector.shape_cast %mul3A_139 : vector<16xf32> to vector<16xf32>
    tpu.vector_store %arg10[%swap3A_140], %swap3A_143 {strides = array<i32>} : memref<3168xf32, #tpu.memory_space<vmem>>, vector<16xf32>,
    %get3A_144 = arith.constant 224 : index
    %get3A_145 = tpu.vector_load %arg8[%get3A_144] {strides = array<i32>} : memref<3168xf32, #tpu.memory_space<vmem>>, vector<16xf32>,
    %get3A_146 = vector.shape_cast %get3A_145 : vector<16xf32> to vector<16xf32>
    %mul3A_147 = arith.mulf %get3A_146, %div3A_19 : vector<16xf32>
    %swap3A_148 = arith.constant 224 : index
    %swap3A_149 = tpu.vector_load %arg10[%swap3A_148] {strides = array<i32>} : memref<3168xf32, #tpu.memory_space<vmem>>, vector<16xf32>,
    %swap3A_150 = vector.shape_cast %swap3A_149 : vector<16xf32> to vector<16xf32>
    %swap3A_151 = vector.shape_cast %mul3A_147 : vector<16xf32> to vector<16xf32>
    tpu.vector_store %arg10[%swap3A_148], %swap3A_151 {strides = array<i32>} : memref<3168xf32, #tpu.memory_space<vmem>>, vector<16xf32>,
    %get3A_152 = arith.constant 240 : index
    %get3A_153 = tpu.vector_load %arg8[%get3A_152] {strides = array<i32>} : memref<3168xf32, #tpu.memory_space<vmem>>, vector<16xf32>,
    %get3A_154 = vector.shape_cast %get3A_153 : vector<16xf32> to vector<16xf32>
    %mul3A_155 = arith.mulf %get3A_154, %div3A_19 : vector<16xf32>
    %swap3A_156 = arith.constant 240 : index
    %swap3A_157 = tpu.vector_load %arg10[%swap3A_156] {strides = array<i32>} : memref<3168xf32, #tpu.memory_space<vmem>>, vector<16xf32>,
    %swap3A_158 = vector.shape_cast %swap3A_157 : vector<16xf32> to vector<16xf32>
    %swap3A_159 = vector.shape_cast %mul3A_155 : vector<16xf32> to vector<16xf32>
    tpu.vector_store %arg10[%swap3A_156], %swap3A_159 {strides = array<i32>} : memref<3168xf32, #tpu.memory_space<vmem>>, vector<16xf32>,
    %get3A_160 = arith.constant 256 : index
    %get3A_161 = tpu.vector_load %arg8[%get3A_160] {strides = array<i32>} : memref<3168xf32, #tpu.memory_space<vmem>>, vector<16xf32>,
    %get3A_162 = vector.shape_cast %get3A_161 : vector<16xf32> to vector<16xf32>
    %mul3A_163 = arith.mulf %get3A_162, %div3A_19 : vector<16xf32>
    %swap3A_164 = arith.constant 256 : index
    %swap3A_165 = tpu.vector_load %arg10[%swap3A_164] {strides = array<i32>} : memref<3168xf32, #tpu.memory_space<vmem>>, vector<16xf32>,
    %swap3A_166 = vector.shape_cast %swap3A_165 : vector<16xf32> to vector<16xf32>
    %swap3A_167 = vector.shape_cast %mul3A_163 : vector<16xf32> to vector<16xf32>
    tpu.vector_store %arg10[%swap3A_164], %swap3A_167 {strides = array<i32>} : memref<3168xf32, #tpu.memory_space<vmem>>, vector<16xf32>,
    %get3A_168 = arith.constant 272 : index
    %get3A_169 = tpu.vector_load %arg8[%get3A_168] {strides = array<i32>} : memref<3168xf32, #tpu.memory_space<vmem>>, vector<16xf32>,
    %get3A_170 = vector.shape_cast %get3A_169 : vector<16xf32> to vector<16xf32>
    %mul3A_171 = arith.mulf %get3A_170, %div3A_19 : vector<16xf32>
    %swap3A_172 = arith.constant 272 : index
    %swap3A_173 = tpu.vector_load %arg10[%swap3A_172] {strides = array<i32>} : memref<3168xf32, #tpu.memory_space<vmem>>, vector<16xf32>,
    %swap3A_174 = vector.shape_cast %swap3A_173 : vector<16xf32> to vector<16xf32>
    %swap3A_175 = vector.shape_cast %mul3A_171 : vector<16xf32> to vector<16xf32>
    tpu.vector_store %arg10[%swap3A_172], %swap3A_175 {strides = array<i32>} : memref<3168xf32, #tpu.memory_space<vmem>>, vector<16xf32>,
    %get3A_176 = arith.constant 288 : index
    %get3A_177 = tpu.vector_load %arg8[%get3A_176] {strides = array<i32>} : memref<3168xf32, #tpu.memory_space<vmem>>, vector<16xf32>,
    %get3A_178 = vector.shape_cast %get3A_177 : vector<16xf32> to vector<16xf32>
    %mul3A_179 = arith.mulf %get3A_178, %div3A_19 : vector<16xf32>
    %swap3A_180 = arith.constant 288 : index
    %swap3A_181 = tpu.vector_load %arg10[%swap3A_180] {strides = array<i32>} : memref<3168xf32, #tpu.memory_space<vmem>>, vector<16xf32>,
    %swap3A_182 = vector.shape_cast %swap3A_181 : vector<16xf32> to vector<16xf32>
    %swap3A_183 = vector.shape_cast %mul3A_179 : vector<16xf32> to vector<16xf32>
    tpu.vector_store %arg10[%swap3A_180], %swap3A_183 {strides = array<i32>} : memref<3168xf32, #tpu.memory_space<vmem>>, vector<16xf32>,
    %get3A_184 = arith.constant 304 : index
    %get3A_185 = tpu.vector_load %arg8[%get3A_184] {strides = array<i32>} : memref<3168xf32, #tpu.memory_space<vmem>>, vector<16xf32>,
    %get3A_186 = vector.shape_cast %get3A_185 : vector<16xf32> to vector<16xf32>
    %mul3A_187 = arith.mulf %get3A_186, %div3A_19 : vector<16xf32>
    %swap3A_188 = arith.constant 304 : index
    %swap3A_189 = tpu.vector_load %arg10[%swap3A_188] {strides = array<i32>} : memref<3168xf32, #tpu.memory_space<vmem>>, vector<16xf32>,
    %swap3A_190 = vector.shape_cast %swap3A_189 : vector<16xf32> to vector<16xf32>
    %swap3A_191 = vector.shape_cast %mul3A_187 : vector<16xf32> to vector<16xf32>
    tpu.vector_store %arg10[%swap3A_188], %swap3A_191 {strides = array<i32>} : memref<3168xf32, #tpu.memory_space<vmem>>, vector<16xf32>,
    %get3A_192 = arith.constant 320 : index
    %get3A_193 = tpu.vector_load %arg8[%get3A_192] {strides = array<i32>} : memref<3168xf32, #tpu.memory_space<vmem>>, vector<16xf32>,
    %get3A_194 = vector.shape_cast %get3A_193 : vector<16xf32> to vector<16xf32>
    %mul3A_195 = arith.mulf %get3A_194, %div3A_19 : vector<16xf32>
    %swap3A_196 = arith.constant 320 : index
    %swap3A_197 = tpu.vector_load %arg10[%swap3A_196] {strides = array<i32>} : memref<3168xf32, #tpu.memory_space<vmem>>, vector<16xf32>,
    %swap3A_198 = vector.shape_cast %swap3A_197 : vector<16xf32> to vector<16xf32>
    %swap3A_199 = vector.shape_cast %mul3A_195 : vector<16xf32> to vector<16xf32>
    tpu.vector_store %arg10[%swap3A_196], %swap3A_199 {strides = array<i32>} : memref<3168xf32, #tpu.memory_space<vmem>>, vector<16xf32>,
    %get3A_200 = arith.constant 336 : index
    %get3A_201 = tpu.vector_load %arg8[%get3A_200] {strides = array<i32>} : memref<3168xf32, #tpu.memory_space<vmem>>, vector<16xf32>,
    %get3A_202 = vector.shape_cast %get3A_201 : vector<16xf32> to vector<16xf32>
    %mul3A_203 = arith.mulf %get3A_202, %div3A_19 : vector<16xf32>
    %swap3A_204 = arith.constant 336 : index
    %swap3A_205 = tpu.vector_load %arg10[%swap3A_204] {strides = array<i32>} : memref<3168xf32, #tpu.memory_space<vmem>>, vector<16xf32>,
    %swap3A_206 = vector.shape_cast %swap3A_205 : vector<16xf32> to vector<16xf32>
    %swap3A_207 = vector.shape_cast %mul3A_203 : vector<16xf32> to vector<16xf32>
    tpu.vector_store %arg10[%swap3A_204], %swap3A_207 {strides = array<i32>} : memref<3168xf32, #tpu.memory_space<vmem>>, vector<16xf32>,
    %get3A_208 = arith.constant 352 : index
    %get3A_209 = tpu.vector_load %arg8[%get3A_208] {strides = array<i32>} : memref<3168xf32, #tpu.memory_space<vmem>>, vector<16xf32>,
    %get3A_210 = vector.shape_cast %get3A_209 : vector<16xf32> to vector<16xf32>
    %mul3A_211 = arith.mulf %get3A_210, %div3A_19 : vector<16xf32>
    %swap3A_212 = arith.constant 352 : index
    %swap3A_213 = tpu.vector_load %arg10[%swap3A_212] {strides = array<i32>} : memref<3168xf32, #tpu.memory_space<vmem>>, vector<16xf32>,
    %swap3A_214 = vector.shape_cast %swap3A_213 : vector<16xf32> to vector<16xf32>
    %swap3A_215 = vector.shape_cast %mul3A_211 : vector<16xf32> to vector<16xf32>
    tpu.vector_store %arg10[%swap3A_212], %swap3A_215 {strides = array<i32>} : memref<3168xf32, #tpu.memory_space<vmem>>, vector<16xf32>,
    %get3A_216 = arith.constant 368 : index
    %get3A_217 = tpu.vector_load %arg8[%get3A_216] {strides = array<i32>} : memref<3168xf32, #tpu.memory_space<vmem>>, vector<16xf32>,
    %get3A_218 = vector.shape_cast %get3A_217 : vector<16xf32> to vector<16xf32>
    %mul3A_219 = arith.mulf %get3A_218, %div3A_19 : vector<16xf32>
    %swap3A_220 = arith.constant 368 : index
    %swap3A_221 = tpu.vector_load %arg10[%swap3A_220] {strides = array<i32>} : memref<3168xf32, #tpu.memory_space<vmem>>, vector<16xf32>,
    %swap3A_222 = vector.shape_cast %swap3A_221 : vector<16xf32> to vector<16xf32>
    %swap3A_223 = vector.shape_cast %mul3A_219 : vector<16xf32> to vector<16xf32>
    tpu.vector_store %arg10[%swap3A_220], %swap3A_223 {strides = array<i32>} : memref<3168xf32, #tpu.memory_space<vmem>>, vector<16xf32>,
    %get3A_224 = arith.constant 384 : index
    %get3A_225 = tpu.vector_load %arg8[%get3A_224] {strides = array<i32>} : memref<3168xf32, #tpu.memory_space<vmem>>, vector<16xf32>,
    %get3A_226 = vector.shape_cast %get3A_225 : vector<16xf32> to vector<16xf32>
    %mul3A_227 = arith.mulf %get3A_226, %div3A_19 : vector<16xf32>
    %swap3A_228 = arith.constant 384 : index
    %swap3A_229 = tpu.vector_load %arg10[%swap3A_228] {strides = array<i32>} : memref<3168xf32, #tpu.memory_space<vmem>>, vector<16xf32>,
    %swap3A_230 = vector.shape_cast %swap3A_229 : vector<16xf32> to vector<16xf32>
    %swap3A_231 = vector.shape_cast %mul3A_227 : vector<16xf32> to vector<16xf32>
    tpu.vector_store %arg10[%swap3A_228], %swap3A_231 {strides = array<i32>} : memref<3168xf32, #tpu.memory_space<vmem>>, vector<16xf32>,
    %get3A_232 = arith.constant 400 : index
    %get3A_233 = tpu.vector_load %arg8[%get3A_232] {strides = array<i32>} : memref<3168xf32, #tpu.memory_space<vmem>>, vector<16xf32>,
    %get3A_234 = vector.shape_cast %get3A_233 : vector<16xf32> to vector<16xf32>
    %mul3A_235 = arith.mulf %get3A_234, %div3A_19 : vector<16xf32>
    %swap3A_236 = arith.constant 400 : index
    %swap3A_237 = tpu.vector_load %arg10[%swap3A_236] {strides = array<i32>} : memref<3168xf32, #tpu.memory_space<vmem>>, vector<16xf32>,
    %swap3A_238 = vector.shape_cast %swap3A_237 : vector<16xf32> to vector<16xf32>
    %swap3A_239 = vector.shape_cast %mul3A_235 : vector<16xf32> to vector<16xf32>
    tpu.vector_store %arg10[%swap3A_236], %swap3A_239 {strides = array<i32>} : memref<3168xf32, #tpu.memory_space<vmem>>, vector<16xf32>,
    %get3A_240 = arith.constant 416 : index
    %get3A_241 = tpu.vector_load %arg8[%get3A_240] {strides = array<i32>} : memref<3168xf32, #tpu.memory_space<vmem>>, vector<16xf32>,
    %get3A_242 = vector.shape_cast %get3A_241 : vector<16xf32> to vector<16xf32>
    %mul3A_243 = arith.mulf %get3A_242, %div3A_19 : vector<16xf32>
    %swap3A_244 = arith.constant 416 : index
    %swap3A_245 = tpu.vector_load %arg10[%swap3A_244] {strides = array<i32>} : memref<3168xf32, #tpu.memory_space<vmem>>, vector<16xf32>,
    %swap3A_246 = vector.shape_cast %swap3A_245 : vector<16xf32> to vector<16xf32>
    %swap3A_247 = vector.shape_cast %mul3A_243 : vector<16xf32> to vector<16xf32>
    tpu.vector_store %arg10[%swap3A_244], %swap3A_247 {strides = array<i32>} : memref<3168xf32, #tpu.memory_space<vmem>>, vector<16xf32>,
    %get3A_248 = arith.constant 432 : index
    %get3A_249 = tpu.vector_load %arg8[%get3A_248] {strides = array<i32>} : memref<3168xf32, #tpu.memory_space<vmem>>, vector<16xf32>,
    %get3A_250 = vector.shape_cast %get3A_249 : vector<16xf32> to vector<16xf32>
    %mul3A_251 = arith.mulf %get3A_250, %div3A_19 : vector<16xf32>
    %swap3A_252 = arith.constant 432 : index
    %swap3A_253 = tpu.vector_load %arg10[%swap3A_252] {strides = array<i32>} : memref<3168xf32, #tpu.memory_space<vmem>>, vector<16xf32>,
    %swap3A_254 = vector.shape_cast %swap3A_253 : vector<16xf32> to vector<16xf32>
    %swap3A_255 = vector.shape_cast %mul3A_251 : vector<16xf32> to vector<16xf32>
    tpu.vector_store %arg10[%swap3A_252], %swap3A_255 {strides = array<i32>} : memref<3168xf32, #tpu.memory_space<vmem>>, vector<16xf32>,
    %get3A_256 = arith.constant 448 : index
    %get3A_257 = tpu.vector_load %arg8[%get3A_256] {strides = array<i32>} : memref<3168xf32, #tpu.memory_space<vmem>>, vector<16xf32>,
    %get3A_258 = vector.shape_cast %get3A_257 : vector<16xf32> to vector<16xf32>
    %mul3A_259 = arith.mulf %get3A_258, %div3A_19 : vector<16xf32>
    %swap3A_260 = arith.constant 448 : index
    %swap3A_261 = tpu.vector_load %arg10[%swap3A_260] {strides = array<i32>} : memref<3168xf32, #tpu.memory_space<vmem>>, vector<16xf32>,
    %swap3A_262 = vector.shape_cast %swap3A_261 : vector<16xf32> to vector<16xf32>
    %swap3A_263 = vector.shape_cast %mul3A_259 : vector<16xf32> to vector<16xf32>
    tpu.vector_store %arg10[%swap3A_260], %swap3A_263 {strides = array<i32>} : memref<3168xf32, #tpu.memory_space<vmem>>, vector<16xf32>,
    %get3A_264 = arith.constant 464 : index
    %get3A_265 = tpu.vector_load %arg8[%get3A_264] {strides = array<i32>} : memref<3168xf32, #tpu.memory_space<vmem>>, vector<16xf32>,
    %get3A_266 = vector.shape_cast %get3A_265 : vector<16xf32> to vector<16xf32>
    %mul3A_267 = arith.mulf %get3A_266, %div3A_19 : vector<16xf32>
    %swap3A_268 = arith.constant 464 : index
    %swap3A_269 = tpu.vector_load %arg10[%swap3A_268] {strides = array<i32>} : memref<3168xf32, #tpu.memory_space<vmem>>, vector<16xf32>,
    %swap3A_270 = vector.shape_cast %swap3A_269 : vector<16xf32> to vector<16xf32>
    %swap3A_271 = vector.shape_cast %mul3A_267 : vector<16xf32> to vector<16xf32>
    tpu.vector_store %arg10[%swap3A_268], %swap3A_271 {strides = array<i32>} : memref<3168xf32, #tpu.memory_space<vmem>>, vector<16xf32>,
    %get3A_272 = arith.constant 480 : index
    %get3A_273 = tpu.vector_load %arg8[%get3A_272] {strides = array<i32>} : memref<3168xf32, #tpu.memory_space<vmem>>, vector<16xf32>,
    %get3A_274 = vector.shape_cast %get3A_273 : vector<16xf32> to vector<16xf32>
    %mul3A_275 = arith.mulf %get3A_274, %div3A_19 : vector<16xf32>
    %swap3A_276 = arith.constant 480 : index
    %swap3A_277 = tpu.vector_load %arg10[%swap3A_276] {strides = array<i32>} : memref<3168xf32, #tpu.memory_space<vmem>>, vector<16xf32>,
    %swap3A_278 = vector.shape_cast %swap3A_277 : vector<16xf32> to vector<16xf32>
    %swap3A_279 = vector.shape_cast %mul3A_275 : vector<16xf32> to vector<16xf32>
    tpu.vector_store %arg10[%swap3A_276], %swap3A_279 {strides = array<i32>} : memref<3168xf32, #tpu.memory_space<vmem>>, vector<16xf32>,
    %get3A_280 = arith.constant 496 : index
    %get3A_281 = tpu.vector_load %arg8[%get3A_280] {strides = array<i32>} : memref<3168xf32, #tpu.memory_space<vmem>>, vector<16xf32>,
    %get3A_282 = vector.shape_cast %get3A_281 : vector<16xf32> to vector<16xf32>
    %mul3A_283 = arith.mulf %get3A_282, %div3A_19 : vector<16xf32>
    %swap3A_284 = arith.constant 496 : index
    %swap3A_285 = tpu.vector_load %arg10[%swap3A_284] {strides = array<i32>} : memref<3168xf32, #tpu.memory_space<vmem>>, vector<16xf32>,
    %swap3A_286 = vector.shape_cast %swap3A_285 : vector<16xf32> to vector<16xf32>
    %swap3A_287 = vector.shape_cast %mul3A_283 : vector<16xf32> to vector<16xf32>
    tpu.vector_store %arg10[%swap3A_284], %swap3A_287 {strides = array<i32>} : memref<3168xf32, #tpu.memory_space<vmem>>, vector<16xf32>,
    %get3A_288 = arith.constant 512 : index
    %get3A_289 = tpu.vector_load %arg8[%get3A_288] {strides = array<i32>} : memref<3168xf32, #tpu.memory_space<vmem>>, vector<16xf32>,
    %get3A_290 = vector.shape_cast %get3A_289 : vector<16xf32> to vector<16xf32>
    %mul3A_291 = arith.mulf %get3A_290, %div3A_19 : vector<16xf32>
    %swap3A_292 = arith.constant 512 : index
    %swap3A_293 = tpu.vector_load %arg10[%swap3A_292] {strides = array<i32>} : memref<3168xf32, #tpu.memory_space<vmem>>, vector<16xf32>,
    %swap3A_294 = vector.shape_cast %swap3A_293 : vector<16xf32> to vector<16xf32>
    %swap3A_295 = vector.shape_cast %mul3A_291 : vector<16xf32> to vector<16xf32>
    tpu.vector_store %arg10[%swap3A_292], %swap3A_295 {strides = array<i32>} : memref<3168xf32, #tpu.memory_space<vmem>>, vector<16xf32>,
    %get3A_296 = arith.constant 528 : index
    %get3A_297 = tpu.vector_load %arg8[%get3A_296] {strides = array<i32>} : memref<3168xf32, #tpu.memory_space<vmem>>, vector<16xf32>,
    %get3A_298 = vector.shape_cast %get3A_297 : vector<16xf32> to vector<16xf32>
    %mul3A_299 = arith.mulf %get3A_298, %div3A_19 : vector<16xf32>
    %swap3A_300 = arith.constant 528 : index
    %swap3A_301 = tpu.vector_load %arg10[%swap3A_300] {strides = array<i32>} : memref<3168xf32, #tpu.memory_space<vmem>>, vector<16xf32>,
    %swap3A_302 = vector.shape_cast %swap3A_301 : vector<16xf32> to vector<16xf32>
    %swap3A_303 = vector.shape_cast %mul3A_299 : vector<16xf32> to vector<16xf32>
    tpu.vector_store %arg10[%swap3A_300], %swap3A_303 {strides = array<i32>} : memref<3168xf32, #tpu.memory_space<vmem>>, vector<16xf32>,
    %get3A_304 = arith.constant 544 : index
    %get3A_305 = tpu.vector_load %arg8[%get3A_304] {strides = array<i32>} : memref<3168xf32, #tpu.memory_space<vmem>>, vector<16xf32>,
    %get3A_306 = vector.shape_cast %get3A_305 : vector<16xf32> to vector<16xf32>
    %mul3A_307 = arith.mulf %get3A_306, %div3A_19 : vector<16xf32>
    %swap3A_308 = arith.constant 544 : index
    %swap3A_309 = tpu.vector_load %arg10[%swap3A_308] {strides = array<i32>} : memref<3168xf32, #tpu.memory_space<vmem>>, vector<16xf32>,
    %swap3A_310 = vector.shape_cast %swap3A_309 : vector<16xf32> to vector<16xf32>
    %swap3A_311 = vector.shape_cast %mul3A_307 : vector<16xf32> to vector<16xf32>
    tpu.vector_store %arg10[%swap3A_308], %swap3A_311 {strides = array<i32>} : memref<3168xf32, #tpu.memory_space<vmem>>, vector<16xf32>,
    %get3A_312 = arith.constant 560 : index
    %get3A_313 = tpu.vector_load %arg8[%get3A_312] {strides = array<i32>} : memref<3168xf32, #tpu.memory_space<vmem>>, vector<16xf32>,
    %get3A_314 = vector.shape_cast %get3A_313 : vector<16xf32> to vector<16xf32>
    %mul3A_315 = arith.mulf %get3A_314, %div3A_19 : vector<16xf32>
    %swap3A_316 = arith.constant 560 : index
    %swap3A_317 = tpu.vector_load %arg10[%swap3A_316] {strides = array<i32>} : memref<3168xf32, #tpu.memory_space<vmem>>, vector<16xf32>,
    %swap3A_318 = vector.shape_cast %swap3A_317 : vector<16xf32> to vector<16xf32>
    %swap3A_319 = vector.shape_cast %mul3A_315 : vector<16xf32> to vector<16xf32>
    tpu.vector_store %arg10[%swap3A_316], %swap3A_319 {strides = array<i32>} : memref<3168xf32, #tpu.memory_space<vmem>>, vector<16xf32>,
    %get3A_320 = arith.constant 576 : index
    %get3A_321 = tpu.vector_load %arg8[%get3A_320] {strides = array<i32>} : memref<3168xf32, #tpu.memory_space<vmem>>, vector<16xf32>,
    %get3A_322 = vector.shape_cast %get3A_321 : vector<16xf32> to vector<16xf32>
    %mul3A_323 = arith.mulf %get3A_322, %div3A_19 : vector<16xf32>
    %swap3A_324 = arith.constant 576 : index
    %swap3A_325 = tpu.vector_load %arg10[%swap3A_324] {strides = array<i32>} : memref<3168xf32, #tpu.memory_space<vmem>>, vector<16xf32>,
    %swap3A_326 = vector.shape_cast %swap3A_325 : vector<16xf32> to vector<16xf32>
    %swap3A_327 = vector.shape_cast %mul3A_323 : vector<16xf32> to vector<16xf32>
    tpu.vector_store %arg10[%swap3A_324], %swap3A_327 {strides = array<i32>} : memref<3168xf32, #tpu.memory_space<vmem>>, vector<16xf32>,
    %get3A_328 = arith.constant 592 : index
    %get3A_329 = tpu.vector_load %arg8[%get3A_328] {strides = array<i32>} : memref<3168xf32, #tpu.memory_space<vmem>>, vector<16xf32>,
    %get3A_330 = vector.shape_cast %get3A_329 : vector<16xf32> to vector<16xf32>
    %mul3A_331 = arith.mulf %get3A_330, %div3A_19 : vector<16xf32>
    %swap3A_332 = arith.constant 592 : index
    %swap3A_333 = tpu.vector_load %arg10[%swap3A_332] {strides = array<i32>} : memref<3168xf32, #tpu.memory_space<vmem>>, vector<16xf32>,
    %swap3A_334 = vector.shape_cast %swap3A_333 : vector<16xf32> to vector<16xf32>
    %swap3A_335 = vector.shape_cast %mul3A_331 : vector<16xf32> to vector<16xf32>
    tpu.vector_store %arg10[%swap3A_332], %swap3A_335 {strides = array<i32>} : memref<3168xf32, #tpu.memory_space<vmem>>, vector<16xf32>,
    %get3A_336 = arith.constant 608 : index
    %get3A_337 = tpu.vector_load %arg8[%get3A_336] {strides = array<i32>} : memref<3168xf32, #tpu.memory_space<vmem>>, vector<16xf32>,
    %get3A_338 = vector.shape_cast %get3A_337 : vector<16xf32> to vector<16xf32>
    %mul3A_339 = arith.mulf %get3A_338, %div3A_19 : vector<16xf32>
    %swap3A_340 = arith.constant 608 : index
    %swap3A_341 = tpu.vector_load %arg10[%swap3A_340] {strides = array<i32>} : memref<3168xf32, #tpu.memory_space<vmem>>, vector<16xf32>,
    %swap3A_342 = vector.shape_cast %swap3A_341 : vector<16xf32> to vector<16xf32>
    %swap3A_343 = vector.shape_cast %mul3A_339 : vector<16xf32> to vector<16xf32>
    tpu.vector_store %arg10[%swap3A_340], %swap3A_343 {strides = array<i32>} : memref<3168xf32, #tpu.memory_space<vmem>>, vector<16xf32>,
    %get3A_344 = arith.constant 624 : index
    %get3A_345 = tpu.vector_load %arg8[%get3A_344] {strides = array<i32>} : memref<3168xf32, #tpu.memory_space<vmem>>, vector<16xf32>,
    %get3A_346 = vector.shape_cast %get3A_345 : vector<16xf32> to vector<16xf32>
    %mul3A_347 = arith.mulf %get3A_346, %div3A_19 : vector<16xf32>
    %swap3A_348 = arith.constant 624 : index
    %swap3A_349 = tpu.vector_load %arg10[%swap3A_348] {strides = array<i32>} : memref<3168xf32, #tpu.memory_space<vmem>>, vector<16xf32>,
    %swap3A_350 = vector.shape_cast %swap3A_349 : vector<16xf32> to vector<16xf32>
    %swap3A_351 = vector.shape_cast %mul3A_347 : vector<16xf32> to vector<16xf32>
    tpu.vector_store %arg10[%swap3A_348], %swap3A_351 {strides = array<i32>} : memref<3168xf32, #tpu.memory_space<vmem>>, vector<16xf32>,
    %get3A_352 = arith.constant 640 : index
    %get3A_353 = tpu.vector_load %arg8[%get3A_352] {strides = array<i32>} : memref<3168xf32, #tpu.memory_space<vmem>>, vector<16xf32>,
    %get3A_354 = vector.shape_cast %get3A_353 : vector<16xf32> to vector<16xf32>
    %mul3A_355 = arith.mulf %get3A_354, %div3A_19 : vector<16xf32>
    %swap3A_356 = arith.constant 640 : index
    %swap3A_357 = tpu.vector_load %arg10[%swap3A_356] {strides = array<i32>} : memref<3168xf32, #tpu.memory_space<vmem>>, vector<16xf32>,
    %swap3A_358 = vector.shape_cast %swap3A_357 : vector<16xf32> to vector<16xf32>
    %swap3A_359 = vector.shape_cast %mul3A_355 : vector<16xf32> to vector<16xf32>
    tpu.vector_store %arg10[%swap3A_356], %swap3A_359 {strides = array<i32>} : memref<3168xf32, #tpu.memory_space<vmem>>, vector<16xf32>,
    %get3A_360 = arith.constant 656 : index
    %get3A_361 = tpu.vector_load %arg8[%get3A_360] {strides = array<i32>} : memref<3168xf32, #tpu.memory_space<vmem>>, vector<16xf32>,
    %get3A_362 = vector.shape_cast %get3A_361 : vector<16xf32> to vector<16xf32>
    %mul3A_363 = arith.mulf %get3A_362, %div3A_19 : vector<16xf32>
    %swap3A_364 = arith.constant 656 : index
    %swap3A_365 = tpu.vector_load %arg10[%swap3A_364] {strides = array<i32>} : memref<3168xf32, #tpu.memory_space<vmem>>, vector<16xf32>,
    %swap3A_366 = vector.shape_cast %swap3A_365 : vector<16xf32> to vector<16xf32>
    %swap3A_367 = vector.shape_cast %mul3A_363 : vector<16xf32> to vector<16xf32>
    tpu.vector_store %arg10[%swap3A_364], %swap3A_367 {strides = array<i32>} : memref<3168xf32, #tpu.memory_space<vmem>>, vector<16xf32>,
    %get3A_368 = arith.constant 672 : index
    %get3A_369 = tpu.vector_load %arg8[%get3A_368] {strides = array<i32>} : memref<3168xf32, #tpu.memory_space<vmem>>, vector<16xf32>,
    %get3A_370 = vector.shape_cast %get3A_369 : vector<16xf32> to vector<16xf32>
    %mul3A_371 = arith.mulf %get3A_370, %div3A_19 : vector<16xf32>
    %swap3A_372 = arith.constant 672 : index
    %swap3A_373 = tpu.vector_load %arg10[%swap3A_372] {strides = array<i32>} : memref<3168xf32, #tpu.memory_space<vmem>>, vector<16xf32>,
    %swap3A_374 = vector.shape_cast %swap3A_373 : vector<16xf32> to vector<16xf32>
    %swap3A_375 = vector.shape_cast %mul3A_371 : vector<16xf32> to vector<16xf32>
    tpu.vector_store %arg10[%swap3A_372], %swap3A_375 {strides = array<i32>} : memref<3168xf32, #tpu.memory_space<vmem>>, vector<16xf32>,
    %get3A_376 = arith.constant 688 : index
    %get3A_377 = tpu.vector_load %arg8[%get3A_376] {strides = array<i32>} : memref<3168xf32, #tpu.memory_space<vmem>>, vector<16xf32>,
    %get3A_378 = vector.shape_cast %get3A_377 : vector<16xf32> to vector<16xf32>
    %mul3A_379 = arith.mulf %get3A_378, %div3A_19 : vector<16xf32>
    %swap3A_380 = arith.constant 688 : index
    %swap3A_381 = tpu.vector_load %arg10[%swap3A_380] {strides = array<i32>} : memref<3168xf32, #tpu.memory_space<vmem>>, vector<16xf32>,
    %swap3A_382 = vector.shape_cast %swap3A_381 : vector<16xf32> to vector<16xf32>
    %swap3A_383 = vector.shape_cast %mul3A_379 : vector<16xf32> to vector<16xf32>
    tpu.vector_store %arg10[%swap3A_380], %swap3A_383 {strides = array<i32>} : memref<3168xf32, #tpu.memory_space<vmem>>, vector<16xf32>,
    %get3A_384 = arith.constant 704 : index
    %get3A_385 = tpu.vector_load %arg8[%get3A_384] {strides = array<i32>} : memref<3168xf32, #tpu.memory_space<vmem>>, vector<16xf32>,
    %get3A_386 = vector.shape_cast %get3A_385 : vector<16xf32> to vector<16xf32>
    %mul3A_387 = arith.mulf %get3A_386, %div3A_19 : vector<16xf32>
    %swap3A_388 = arith.constant 704 : index
    %swap3A_389 = tpu.vector_load %arg10[%swap3A_388] {strides = array<i32>} : memref<3168xf32, #tpu.memory_space<vmem>>, vector<16xf32>,
    %swap3A_390 = vector.shape_cast %swap3A_389 : vector<16xf32> to vector<16xf32>
    %swap3A_391 = vector.shape_cast %mul3A_387 : vector<16xf32> to vector<16xf32>
    tpu.vector_store %arg10[%swap3A_388], %swap3A_391 {strides = array<i32>} : memref<3168xf32, #tpu.memory_space<vmem>>, vector<16xf32>,
    %get3A_392 = arith.constant 720 : index
    %get3A_393 = tpu.vector_load %arg8[%get3A_392] {strides = array<i32>} : memref<3168xf32, #tpu.memory_space<vmem>>, vector<16xf32>,
    %get3A_394 = vector.shape_cast %get3A_393 : vector<16xf32> to vector<16xf32>
    %mul3A_395 = arith.mulf %get3A_394, %div3A_19 : vector<16xf32>
    %swap3A_396 = arith.constant 720 : index
    %swap3A_397 = tpu.vector_load %arg10[%swap3A_396] {strides = array<i32>} : memref<3168xf32, #tpu.memory_space<vmem>>, vector<16xf32>,
    %swap3A_398 = vector.shape_cast %swap3A_397 : vector<16xf32> to vector<16xf32>
    %swap3A_399 = vector.shape_cast %mul3A_395 : vector<16xf32> to vector<16xf32>
    tpu.vector_store %arg10[%swap3A_396], %swap3A_399 {strides = array<i32>} : memref<3168xf32, #tpu.memory_space<vmem>>, vector<16xf32>,
    %get3A_400 = arith.constant 736 : index
    %get3A_401 = tpu.vector_load %arg8[%get3A_400] {strides = array<i32>} : memref<3168xf32, #tpu.memory_space<vmem>>, vector<16xf32>,
    %get3A_402 = vector.shape_cast %get3A_401 : vector<16xf32> to vector<16xf32>
    %mul3A_403 = arith.mulf %get3A_402, %div3A_19 : vector<16xf32>
    %swap3A_404 = arith.constant 736 : index
    %swap3A_405 = tpu.vector_load %arg10[%swap3A_404] {strides = array<i32>} : memref<3168xf32, #tpu.memory_space<vmem>>, vector<16xf32>,
    %swap3A_406 = vector.shape_cast %swap3A_405 : vector<16xf32> to vector<16xf32>
    %swap3A_407 = vector.shape_cast %mul3A_403 : vector<16xf32> to vector<16xf32>
    tpu.vector_store %arg10[%swap3A_404], %swap3A_407 {strides = array<i32>} : memref<3168xf32, #tpu.memory_space<vmem>>, vector<16xf32>,
    %get3A_408 = arith.constant 752 : index
    %get3A_409 = tpu.vector_load %arg8[%get3A_408] {strides = array<i32>} : memref<3168xf32, #tpu.memory_space<vmem>>, vector<16xf32>,
    %get3A_410 = vector.shape_cast %get3A_409 : vector<16xf32> to vector<16xf32>
    %mul3A_411 = arith.mulf %get3A_410, %div3A_19 : vector<16xf32>
    %swap3A_412 = arith.constant 752 : index
    %swap3A_413 = tpu.vector_load %arg10[%swap3A_412] {strides = array<i32>} : memref<3168xf32, #tpu.memory_space<vmem>>, vector<16xf32>,
    %swap3A_414 = vector.shape_cast %swap3A_413 : vector<16xf32> to vector<16xf32>
    %swap3A_415 = vector.shape_cast %mul3A_411 : vector<16xf32> to vector<16xf32>
    tpu.vector_store %arg10[%swap3A_412], %swap3A_415 {strides = array<i32>} : memref<3168xf32, #tpu.memory_space<vmem>>, vector<16xf32>,
    %get3A_416 = arith.constant 768 : index
    %get3A_417 = tpu.vector_load %arg8[%get3A_416] {strides = array<i32>} : memref<3168xf32, #tpu.memory_space<vmem>>, vector<16xf32>,
    %get3A_418 = vector.shape_cast %get3A_417 : vector<16xf32> to vector<16xf32>
    %mul3A_419 = arith.mulf %get3A_418, %div3A_19 : vector<16xf32>
    %swap3A_420 = arith.constant 768 : index
    %swap3A_421 = tpu.vector_load %arg10[%swap3A_420] {strides = array<i32>} : memref<3168xf32, #tpu.memory_space<vmem>>, vector<16xf32>,
    %swap3A_422 = vector.shape_cast %swap3A_421 : vector<16xf32> to vector<16xf32>
    %swap3A_423 = vector.shape_cast %mul3A_419 : vector<16xf32> to vector<16xf32>
    tpu.vector_store %arg10[%swap3A_420], %swap3A_423 {strides = array<i32>} : memref<3168xf32, #tpu.memory_space<vmem>>, vector<16xf32>,
    %get3A_424 = arith.constant 784 : index
    %get3A_425 = tpu.vector_load %arg8[%get3A_424] {strides = array<i32>} : memref<3168xf32, #tpu.memory_space<vmem>>, vector<16xf32>,
    %get3A_426 = vector.shape_cast %get3A_425 : vector<16xf32> to vector<16xf32>
    %mul3A_427 = arith.mulf %get3A_426, %div3A_19 : vector<16xf32>
    %swap3A_428 = arith.constant 784 : index
    %swap3A_429 = tpu.vector_load %arg10[%swap3A_428] {strides = array<i32>} : memref<3168xf32, #tpu.memory_space<vmem>>, vector<16xf32>,
    %swap3A_430 = vector.shape_cast %swap3A_429 : vector<16xf32> to vector<16xf32>
    %swap3A_431 = vector.shape_cast %mul3A_427 : vector<16xf32> to vector<16xf32>
    tpu.vector_store %arg10[%swap3A_428], %swap3A_431 {strides = array<i32>} : memref<3168xf32, #tpu.memory_space<vmem>>, vector<16xf32>,
    %get3A_432 = arith.constant 800 : index
    %get3A_433 = tpu.vector_load %arg8[%get3A_432] {strides = array<i32>} : memref<3168xf32, #tpu.memory_space<vmem>>, vector<16xf32>,
    %get3A_434 = vector.shape_cast %get3A_433 : vector<16xf32> to vector<16xf32>
    %mul3A_435 = arith.mulf %get3A_434, %div3A_19 : vector<16xf32>
    %swap3A_436 = arith.constant 800 : index
    %swap3A_437 = tpu.vector_load %arg10[%swap3A_436] {strides = array<i32>} : memref<3168xf32, #tpu.memory_space<vmem>>, vector<16xf32>,
    %swap3A_438 = vector.shape_cast %swap3A_437 : vector<16xf32> to vector<16xf32>
    %swap3A_439 = vector.shape_cast %mul3A_435 : vector<16xf32> to vector<16xf32>
    tpu.vector_store %arg10[%swap3A_436], %swap3A_439 {strides = array<i32>} : memref<3168xf32, #tpu.memory_space<vmem>>, vector<16xf32>,
    %get3A_440 = arith.constant 816 : index
    %get3A_441 = tpu.vector_load %arg8[%get3A_440] {strides = array<i32>} : memref<3168xf32, #tpu.memory_space<vmem>>, vector<16xf32>,
    %get3A_442 = vector.shape_cast %get3A_441 : vector<16xf32> to vector<16xf32>
    %mul3A_443 = arith.mulf %get3A_442, %div3A_19 : vector<16xf32>
    %swap3A_444 = arith.constant 816 : index
    %swap3A_445 = tpu.vector_load %arg10[%swap3A_444] {strides = array<i32>} : memref<3168xf32, #tpu.memory_space<vmem>>, vector<16xf32>,
    %swap3A_446 = vector.shape_cast %swap3A_445 : vector<16xf32> to vector<16xf32>
    %swap3A_447 = vector.shape_cast %mul3A_443 : vector<16xf32> to vector<16xf32>
    tpu.vector_store %arg10[%swap3A_444], %swap3A_447 {strides = array<i32>} : memref<3168xf32, #tpu.memory_space<vmem>>, vector<16xf32>,
    %get3A_448 = arith.constant 832 : index
    %get3A_449 = tpu.vector_load %arg8[%get3A_448] {strides = array<i32>} : memref<3168xf32, #tpu.memory_space<vmem>>, vector<16xf32>,
    %get3A_450 = vector.shape_cast %get3A_449 : vector<16xf32> to vector<16xf32>
    %mul3A_451 = arith.mulf %get3A_450, %div3A_19 : vector<16xf32>
    %swap3A_452 = arith.constant 832 : index
    %swap3A_453 = tpu.vector_load %arg10[%swap3A_452] {strides = array<i32>} : memref<3168xf32, #tpu.memory_space<vmem>>, vector<16xf32>,
    %swap3A_454 = vector.shape_cast %swap3A_453 : vector<16xf32> to vector<16xf32>
    %swap3A_455 = vector.shape_cast %mul3A_451 : vector<16xf32> to vector<16xf32>
    tpu.vector_store %arg10[%swap3A_452], %swap3A_455 {strides = array<i32>} : memref<3168xf32, #tpu.memory_space<vmem>>, vector<16xf32>,
    %get3A_456 = arith.constant 848 : index
    %get3A_457 = tpu.vector_load %arg8[%get3A_456] {strides = array<i32>} : memref<3168xf32, #tpu.memory_space<vmem>>, vector<16xf32>,
    %get3A_458 = vector.shape_cast %get3A_457 : vector<16xf32> to vector<16xf32>
    %mul3A_459 = arith.mulf %get3A_458, %div3A_19 : vector<16xf32>
    %swap3A_460 = arith.constant 848 : index
    %swap3A_461 = tpu.vector_load %arg10[%swap3A_460] {strides = array<i32>} : memref<3168xf32, #tpu.memory_space<vmem>>, vector<16xf32>,
    %swap3A_462 = vector.shape_cast %swap3A_461 : vector<16xf32> to vector<16xf32>
    %swap3A_463 = vector.shape_cast %mul3A_459 : vector<16xf32> to vector<16xf32>
    tpu.vector_store %arg10[%swap3A_460], %swap3A_463 {strides = array<i32>} : memref<3168xf32, #tpu.memory_space<vmem>>, vector<16xf32>,
    %get3A_464 = arith.constant 864 : index
    %get3A_465 = tpu.vector_load %arg8[%get3A_464] {strides = array<i32>} : memref<3168xf32, #tpu.memory_space<vmem>>, vector<16xf32>,
    %get3A_466 = vector.shape_cast %get3A_465 : vector<16xf32> to vector<16xf32>
    %mul3A_467 = arith.mulf %get3A_466, %div3A_19 : vector<16xf32>
    %swap3A_468 = arith.constant 864 : index
    %swap3A_469 = tpu.vector_load %arg10[%swap3A_468] {strides = array<i32>} : memref<3168xf32, #tpu.memory_space<vmem>>, vector<16xf32>,
    %swap3A_470 = vector.shape_cast %swap3A_469 : vector<16xf32> to vector<16xf32>
    %swap3A_471 = vector.shape_cast %mul3A_467 : vector<16xf32> to vector<16xf32>
    tpu.vector_store %arg10[%swap3A_468], %swap3A_471 {strides = array<i32>} : memref<3168xf32, #tpu.memory_space<vmem>>, vector<16xf32>,
    %get3A_472 = arith.constant 880 : index
    %get3A_473 = tpu.vector_load %arg8[%get3A_472] {strides = array<i32>} : memref<3168xf32, #tpu.memory_space<vmem>>, vector<16xf32>,
    %get3A_474 = vector.shape_cast %get3A_473 : vector<16xf32> to vector<16xf32>
    %mul3A_475 = arith.mulf %get3A_474, %div3A_19 : vector<16xf32>
    %swap3A_476 = arith.constant 880 : index
    %swap3A_477 = tpu.vector_load %arg10[%swap3A_476] {strides = array<i32>} : memref<3168xf32, #tpu.memory_space<vmem>>, vector<16xf32>,
    %swap3A_478 = vector.shape_cast %swap3A_477 : vector<16xf32> to vector<16xf32>
    %swap3A_479 = vector.shape_cast %mul3A_475 : vector<16xf32> to vector<16xf32>
    tpu.vector_store %arg10[%swap3A_476], %swap3A_479 {strides = array<i32>} : memref<3168xf32, #tpu.memory_space<vmem>>, vector<16xf32>,
    %get3A_480 = arith.constant 896 : index
    %get3A_481 = tpu.vector_load %arg8[%get3A_480] {strides = array<i32>} : memref<3168xf32, #tpu.memory_space<vmem>>, vector<16xf32>,
    %get3A_482 = vector.shape_cast %get3A_481 : vector<16xf32> to vector<16xf32>
    %mul3A_483 = arith.mulf %get3A_482, %div3A_19 : vector<16xf32>
    %swap3A_484 = arith.constant 896 : index
    %swap3A_485 = tpu.vector_load %arg10[%swap3A_484] {strides = array<i32>} : memref<3168xf32, #tpu.memory_space<vmem>>, vector<16xf32>,
    %swap3A_486 = vector.shape_cast %swap3A_485 : vector<16xf32> to vector<16xf32>
    %swap3A_487 = vector.shape_cast %mul3A_483 : vector<16xf32> to vector<16xf32>
    tpu.vector_store %arg10[%swap3A_484], %swap3A_487 {strides = array<i32>} : memref<3168xf32, #tpu.memory_space<vmem>>, vector<16xf32>,
    %get3A_488 = arith.constant 912 : index
    %get3A_489 = tpu.vector_load %arg8[%get3A_488] {strides = array<i32>} : memref<3168xf32, #tpu.memory_space<vmem>>, vector<16xf32>,
    %get3A_490 = vector.shape_cast %get3A_489 : vector<16xf32> to vector<16xf32>
    %mul3A_491 = arith.mulf %get3A_490, %div3A_19 : vector<16xf32>
    %swap3A_492 = arith.constant 912 : index
    %swap3A_493 = tpu.vector_load %arg10[%swap3A_492] {strides = array<i32>} : memref<3168xf32, #tpu.memory_space<vmem>>, vector<16xf32>,
    %swap3A_494 = vector.shape_cast %swap3A_493 : vector<16xf32> to vector<16xf32>
    %swap3A_495 = vector.shape_cast %mul3A_491 : vector<16xf32> to vector<16xf32>
    tpu.vector_store %arg10[%swap3A_492], %swap3A_495 {strides = array<i32>} : memref<3168xf32, #tpu.memory_space<vmem>>, vector<16xf32>,
    %get3A_496 = arith.constant 928 : index
    %get3A_497 = tpu.vector_load %arg8[%get3A_496] {strides = array<i32>} : memref<3168xf32, #tpu.memory_space<vmem>>, vector<16xf32>,
    %get3A_498 = vector.shape_cast %get3A_497 : vector<16xf32> to vector<16xf32>
    %mul3A_499 = arith.mulf %get3A_498, %div3A_19 : vector<16xf32>
    %swap3A_500 = arith.constant 928 : index
    %swap3A_501 = tpu.vector_load %arg10[%swap3A_500] {strides = array<i32>} : memref<3168xf32, #tpu.memory_space<vmem>>, vector<16xf32>,
    %swap3A_502 = vector.shape_cast %swap3A_501 : vector<16xf32> to vector<16xf32>
    %swap3A_503 = vector.shape_cast %mul3A_499 : vector<16xf32> to vector<16xf32>
    tpu.vector_store %arg10[%swap3A_500], %swap3A_503 {strides = array<i32>} : memref<3168xf32, #tpu.memory_space<vmem>>, vector<16xf32>,
    %get3A_504 = arith.constant 944 : index
    %get3A_505 = tpu.vector_load %arg8[%get3A_504] {strides = array<i32>} : memref<3168xf32, #tpu.memory_space<vmem>>, vector<16xf32>,
    %get3A_506 = vector.shape_cast %get3A_505 : vector<16xf32> to vector<16xf32>
    %mul3A_507 = arith.mulf %get3A_506, %div3A_19 : vector<16xf32>
    %swap3A_508 = arith.constant 944 : index
    %swap3A_509 = tpu.vector_load %arg10[%swap3A_508] {strides = array<i32>} : memref<3168xf32, #tpu.memory_space<vmem>>, vector<16xf32>,
    %swap3A_510 = vector.shape_cast %swap3A_509 : vector<16xf32> to vector<16xf32>
    %swap3A_511 = vector.shape_cast %mul3A_507 : vector<16xf32> to vector<16xf32>
    tpu.vector_store %arg10[%swap3A_508], %swap3A_511 {strides = array<i32>} : memref<3168xf32, #tpu.memory_space<vmem>>, vector<16xf32>,
    %get3A_512 = arith.constant 960 : index
    %get3A_513 = tpu.vector_load %arg8[%get3A_512] {strides = array<i32>} : memref<3168xf32, #tpu.memory_space<vmem>>, vector<16xf32>,
    %get3A_514 = vector.shape_cast %get3A_513 : vector<16xf32> to vector<16xf32>
    %mul3A_515 = arith.mulf %get3A_514, %div3A_19 : vector<16xf32>
    %swap3A_516 = arith.constant 960 : index
    %swap3A_517 = tpu.vector_load %arg10[%swap3A_516] {strides = array<i32>} : memref<3168xf32, #tpu.memory_space<vmem>>, vector<16xf32>,
    %swap3A_518 = vector.shape_cast %swap3A_517 : vector<16xf32> to vector<16xf32>
    %swap3A_519 = vector.shape_cast %mul3A_515 : vector<16xf32> to vector<16xf32>
    tpu.vector_store %arg10[%swap3A_516], %swap3A_519 {strides = array<i32>} : memref<3168xf32, #tpu.memory_space<vmem>>, vector<16xf32>,
    %get3A_520 = arith.constant 976 : index
    %get3A_521 = tpu.vector_load %arg8[%get3A_520] {strides = array<i32>} : memref<3168xf32, #tpu.memory_space<vmem>>, vector<16xf32>,
    %get3A_522 = vector.shape_cast %get3A_521 : vector<16xf32> to vector<16xf32>
    %mul3A_523 = arith.mulf %get3A_522, %div3A_19 : vector<16xf32>
    %swap3A_524 = arith.constant 976 : index
    %swap3A_525 = tpu.vector_load %arg10[%swap3A_524] {strides = array<i32>} : memref<3168xf32, #tpu.memory_space<vmem>>, vector<16xf32>,
    %swap3A_526 = vector.shape_cast %swap3A_525 : vector<16xf32> to vector<16xf32>
    %swap3A_527 = vector.shape_cast %mul3A_523 : vector<16xf32> to vector<16xf32>
    tpu.vector_store %arg10[%swap3A_524], %swap3A_527 {strides = array<i32>} : memref<3168xf32, #tpu.memory_space<vmem>>, vector<16xf32>,
    %get3A_528 = arith.constant 992 : index
    %get3A_529 = tpu.vector_load %arg8[%get3A_528] {strides = array<i32>} : memref<3168xf32, #tpu.memory_space<vmem>>, vector<16xf32>,
    %get3A_530 = vector.shape_cast %get3A_529 : vector<16xf32> to vector<16xf32>
    %mul3A_531 = arith.mulf %get3A_530, %div3A_19 : vector<16xf32>
    %swap3A_532 = arith.constant 992 : index
    %swap3A_533 = tpu.vector_load %arg10[%swap3A_532] {strides = array<i32>} : memref<3168xf32, #tpu.memory_space<vmem>>, vector<16xf32>,
    %swap3A_534 = vector.shape_cast %swap3A_533 : vector<16xf32> to vector<16xf32>
    %swap3A_535 = vector.shape_cast %mul3A_531 : vector<16xf32> to vector<16xf32>
    tpu.vector_store %arg10[%swap3A_532], %swap3A_535 {strides = array<i32>} : memref<3168xf32, #tpu.memory_space<vmem>>, vector<16xf32>,
    %get3A_536 = arith.constant 1008 : index
    %get3A_537 = tpu.vector_load %arg8[%get3A_536] {strides = array<i32>} : memref<3168xf32, #tpu.memory_space<vmem>>, vector<16xf32>,
    %get3A_538 = vector.shape_cast %get3A_537 : vector<16xf32> to vector<16xf32>
    %mul3A_539 = arith.mulf %get3A_538, %div3A_19 : vector<16xf32>
    %swap3A_540 = arith.constant 1008 : index
    %swap3A_541 = tpu.vector_load %arg10[%swap3A_540] {strides = array<i32>} : memref<3168xf32, #tpu.memory_space<vmem>>, vector<16xf32>,
    %swap3A_542 = vector.shape_cast %swap3A_541 : vector<16xf32> to vector<16xf32>
    %swap3A_543 = vector.shape_cast %mul3A_539 : vector<16xf32> to vector<16xf32>
    tpu.vector_store %arg10[%swap3A_540], %swap3A_543 {strides = array<i32>} : memref<3168xf32, #tpu.memory_space<vmem>>, vector<16xf32>,
    %get3A_544 = arith.constant 1024 : index
    %get3A_545 = tpu.vector_load %arg8[%get3A_544] {strides = array<i32>} : memref<3168xf32, #tpu.memory_space<vmem>>, vector<16xf32>,
    %get3A_546 = vector.shape_cast %get3A_545 : vector<16xf32> to vector<16xf32>
    %mul3A_547 = arith.mulf %get3A_546, %div3A_19 : vector<16xf32>
    %swap3A_548 = arith.constant 1024 : index
    %swap3A_549 = tpu.vector_load %arg10[%swap3A_548] {strides = array<i32>} : memref<3168xf32, #tpu.memory_space<vmem>>, vector<16xf32>,
    %swap3A_550 = vector.shape_cast %swap3A_549 : vector<16xf32> to vector<16xf32>
    %swap3A_551 = vector.shape_cast %mul3A_547 : vector<16xf32> to vector<16xf32>
    tpu.vector_store %arg10[%swap3A_548], %swap3A_551 {strides = array<i32>} : memref<3168xf32, #tpu.memory_space<vmem>>, vector<16xf32>,
    %get3A_552 = arith.constant 1040 : index
    %get3A_553 = tpu.vector_load %arg8[%get3A_552] {strides = array<i32>} : memref<3168xf32, #tpu.memory_space<vmem>>, vector<16xf32>,
    %get3A_554 = vector.shape_cast %get3A_553 : vector<16xf32> to vector<16xf32>
    %mul3A_555 = arith.mulf %get3A_554, %div3A_19 : vector<16xf32>
    %swap3A_556 = arith.constant 1040 : index
    %swap3A_557 = tpu.vector_load %arg10[%swap3A_556] {strides = array<i32>} : memref<3168xf32, #tpu.memory_space<vmem>>, vector<16xf32>,
    %swap3A_558 = vector.shape_cast %swap3A_557 : vector<16xf32> to vector<16xf32>
    %swap3A_559 = vector.shape_cast %mul3A_555 : vector<16xf32> to vector<16xf32>
    tpu.vector_store %arg10[%swap3A_556], %swap3A_559 {strides = array<i32>} : memref<3168xf32, #tpu.memory_space<vmem>>, vector<16xf32>,
    %not3A = arith.constant true
    %not3A_560 = arith.xori %eq3A_32, %not3A : i1
    %convert_element_type3A = arith.extui %not3A_560 : i1 to i32
    %cond3A = arith.constant 0 : i32
    %cond3A_561 = arith.cmpi ne, %convert_element_type3A, %cond3A : i32
    scf.if %cond3A_561 {
      %dma_start3A_3360 = arith.constant 0 : i32
      %dma_start3A_3361 = tpu.memref_slice %arg10[%dma_start3A_3360] : memref<3168xf32, #tpu.memory_space<vmem>> -> memref<1056xf32, #tpu.memory_space<vmem>>
      %dma_start3A_3362 = tpu.memref_slice %arg4[%multiple_of3A] : memref<33400xf32, #tpu.memory_space<hbm>> -> memref<1056xf32, #tpu.memory_space<hbm>>
      %dma_start3A_3363 = tpu.memref_slice %arg4[%multiple_of3A] : memref<33400xf32, #tpu.memory_space<hbm>> -> memref<1056xf32, #tpu.memory_space<hbm>>
      %dma_start3A_3364 = arith.constant 0 : i32
      %dma_start3A_3365 = tpu.memref_slice %arg10[%dma_start3A_3364] : memref<3168xf32, #tpu.memory_space<vmem>> -> memref<1056xf32, #tpu.memory_space<vmem>>
      tpu.enqueue_dma source(%dma_start3A_3365 : memref<1056xf32, #tpu.memory_space<vmem>>) target(%dma_start3A_3363 : memref<1056xf32, #tpu.memory_space<hbm>>) target_semaphore(%arg12 : memref<!tpu.dma_semaphore, #tpu.memory_space<semaphore_mem>>)
    } else {
    }
    %convert_element_type3A_562 = arith.extui %eq3A_32 : i1 to i32
    %cond3A_563 = arith.constant 0 : i32
    %cond3A_564 = arith.cmpi ne, %convert_element_type3A_562, %cond3A_563 : i32
    scf.if %cond3A_564 {
      %dma_start3A_3360 = arith.constant 0 : i32
      %dma_start3A_3361 = tpu.memref_slice %arg10[%dma_start3A_3360] : memref<3168xf32, #tpu.memory_space<vmem>> -> memref<664xf32, #tpu.memory_space<vmem>>
      %dma_start3A_3362 = tpu.memref_slice %arg4[%multiple_of3A] : memref<33400xf32, #tpu.memory_space<hbm>> -> memref<664xf32, #tpu.memory_space<hbm>>
      %dma_start3A_3363 = tpu.memref_slice %arg4[%multiple_of3A] : memref<33400xf32, #tpu.memory_space<hbm>> -> memref<664xf32, #tpu.memory_space<hbm>>
      %dma_start3A_3364 = arith.constant 0 : i32
      %dma_start3A_3365 = tpu.memref_slice %arg10[%dma_start3A_3364] : memref<3168xf32, #tpu.memory_space<vmem>> -> memref<664xf32, #tpu.memory_space<vmem>>
      tpu.enqueue_dma source(%dma_start3A_3365 : memref<664xf32, #tpu.memory_space<vmem>>) target(%dma_start3A_3363 : memref<664xf32, #tpu.memory_space<hbm>>) target_semaphore(%arg12 : memref<!tpu.dma_semaphore, #tpu.memory_space<semaphore_mem>>)
    } else {
    }
    %get3A_565 = arith.constant 1056 : index
    %get3A_566 = tpu.vector_load %arg8[%get3A_565] {strides = array<i32>} : memref<3168xf32, #tpu.memory_space<vmem>>, vector<16xf32>,
    %get3A_567 = vector.shape_cast %get3A_566 : vector<16xf32> to vector<16xf32>
    %mul3A_568 = arith.mulf %get3A_567, %div3A_25 : vector<16xf32>
    %swap3A_569 = arith.constant 1056 : index
    %swap3A_570 = tpu.vector_load %arg10[%swap3A_569] {strides = array<i32>} : memref<3168xf32, #tpu.memory_space<vmem>>, vector<16xf32>,
    %swap3A_571 = vector.shape_cast %swap3A_570 : vector<16xf32> to vector<16xf32>
    %swap3A_572 = vector.shape_cast %mul3A_568 : vector<16xf32> to vector<16xf32>
    tpu.vector_store %arg10[%swap3A_569], %swap3A_572 {strides = array<i32>} : memref<3168xf32, #tpu.memory_space<vmem>>, vector<16xf32>,
    %get3A_573 = arith.constant 1072 : index
    %get3A_574 = tpu.vector_load %arg8[%get3A_573] {strides = array<i32>} : memref<3168xf32, #tpu.memory_space<vmem>>, vector<16xf32>,
    %get3A_575 = vector.shape_cast %get3A_574 : vector<16xf32> to vector<16xf32>
    %mul3A_576 = arith.mulf %get3A_575, %div3A_25 : vector<16xf32>
    %swap3A_577 = arith.constant 1072 : index
    %swap3A_578 = tpu.vector_load %arg10[%swap3A_577] {strides = array<i32>} : memref<3168xf32, #tpu.memory_space<vmem>>, vector<16xf32>,
    %swap3A_579 = vector.shape_cast %swap3A_578 : vector<16xf32> to vector<16xf32>
    %swap3A_580 = vector.shape_cast %mul3A_576 : vector<16xf32> to vector<16xf32>
    tpu.vector_store %arg10[%swap3A_577], %swap3A_580 {strides = array<i32>} : memref<3168xf32, #tpu.memory_space<vmem>>, vector<16xf32>,
    %get3A_581 = arith.constant 1088 : index
    %get3A_582 = tpu.vector_load %arg8[%get3A_581] {strides = array<i32>} : memref<3168xf32, #tpu.memory_space<vmem>>, vector<16xf32>,
    %get3A_583 = vector.shape_cast %get3A_582 : vector<16xf32> to vector<16xf32>
    %mul3A_584 = arith.mulf %get3A_583, %div3A_25 : vector<16xf32>
    %swap3A_585 = arith.constant 1088 : index
    %swap3A_586 = tpu.vector_load %arg10[%swap3A_585] {strides = array<i32>} : memref<3168xf32, #tpu.memory_space<vmem>>, vector<16xf32>,
    %swap3A_587 = vector.shape_cast %swap3A_586 : vector<16xf32> to vector<16xf32>
    %swap3A_588 = vector.shape_cast %mul3A_584 : vector<16xf32> to vector<16xf32>
    tpu.vector_store %arg10[%swap3A_585], %swap3A_588 {strides = array<i32>} : memref<3168xf32, #tpu.memory_space<vmem>>, vector<16xf32>,
    %get3A_589 = arith.constant 1104 : index
    %get3A_590 = tpu.vector_load %arg8[%get3A_589] {strides = array<i32>} : memref<3168xf32, #tpu.memory_space<vmem>>, vector<16xf32>,
    %get3A_591 = vector.shape_cast %get3A_590 : vector<16xf32> to vector<16xf32>
    %mul3A_592 = arith.mulf %get3A_591, %div3A_25 : vector<16xf32>
    %swap3A_593 = arith.constant 1104 : index
    %swap3A_594 = tpu.vector_load %arg10[%swap3A_593] {strides = array<i32>} : memref<3168xf32, #tpu.memory_space<vmem>>, vector<16xf32>,
    %swap3A_595 = vector.shape_cast %swap3A_594 : vector<16xf32> to vector<16xf32>
    %swap3A_596 = vector.shape_cast %mul3A_592 : vector<16xf32> to vector<16xf32>
    tpu.vector_store %arg10[%swap3A_593], %swap3A_596 {strides = array<i32>} : memref<3168xf32, #tpu.memory_space<vmem>>, vector<16xf32>,
    %get3A_597 = arith.constant 1120 : index
    %get3A_598 = tpu.vector_load %arg8[%get3A_597] {strides = array<i32>} : memref<3168xf32, #tpu.memory_space<vmem>>, vector<16xf32>,
    %get3A_599 = vector.shape_cast %get3A_598 : vector<16xf32> to vector<16xf32>
    %mul3A_600 = arith.mulf %get3A_599, %div3A_25 : vector<16xf32>
    %swap3A_601 = arith.constant 1120 : index
    %swap3A_602 = tpu.vector_load %arg10[%swap3A_601] {strides = array<i32>} : memref<3168xf32, #tpu.memory_space<vmem>>, vector<16xf32>,
    %swap3A_603 = vector.shape_cast %swap3A_602 : vector<16xf32> to vector<16xf32>
    %swap3A_604 = vector.shape_cast %mul3A_600 : vector<16xf32> to vector<16xf32>
    tpu.vector_store %arg10[%swap3A_601], %swap3A_604 {strides = array<i32>} : memref<3168xf32, #tpu.memory_space<vmem>>, vector<16xf32>,
    %get3A_605 = arith.constant 1136 : index
    %get3A_606 = tpu.vector_load %arg8[%get3A_605] {strides = array<i32>} : memref<3168xf32, #tpu.memory_space<vmem>>, vector<16xf32>,
    %get3A_607 = vector.shape_cast %get3A_606 : vector<16xf32> to vector<16xf32>
    %mul3A_608 = arith.mulf %get3A_607, %div3A_25 : vector<16xf32>
    %swap3A_609 = arith.constant 1136 : index
    %swap3A_610 = tpu.vector_load %arg10[%swap3A_609] {strides = array<i32>} : memref<3168xf32, #tpu.memory_space<vmem>>, vector<16xf32>,
    %swap3A_611 = vector.shape_cast %swap3A_610 : vector<16xf32> to vector<16xf32>
    %swap3A_612 = vector.shape_cast %mul3A_608 : vector<16xf32> to vector<16xf32>
    tpu.vector_store %arg10[%swap3A_609], %swap3A_612 {strides = array<i32>} : memref<3168xf32, #tpu.memory_space<vmem>>, vector<16xf32>,
    %get3A_613 = arith.constant 1152 : index
    %get3A_614 = tpu.vector_load %arg8[%get3A_613] {strides = array<i32>} : memref<3168xf32, #tpu.memory_space<vmem>>, vector<16xf32>,
    %get3A_615 = vector.shape_cast %get3A_614 : vector<16xf32> to vector<16xf32>
    %mul3A_616 = arith.mulf %get3A_615, %div3A_25 : vector<16xf32>
    %swap3A_617 = arith.constant 1152 : index
    %swap3A_618 = tpu.vector_load %arg10[%swap3A_617] {strides = array<i32>} : memref<3168xf32, #tpu.memory_space<vmem>>, vector<16xf32>,
    %swap3A_619 = vector.shape_cast %swap3A_618 : vector<16xf32> to vector<16xf32>
    %swap3A_620 = vector.shape_cast %mul3A_616 : vector<16xf32> to vector<16xf32>
    tpu.vector_store %arg10[%swap3A_617], %swap3A_620 {strides = array<i32>} : memref<3168xf32, #tpu.memory_space<vmem>>, vector<16xf32>,
    %get3A_621 = arith.constant 1168 : index
    %get3A_622 = tpu.vector_load %arg8[%get3A_621] {strides = array<i32>} : memref<3168xf32, #tpu.memory_space<vmem>>, vector<16xf32>,
    %get3A_623 = vector.shape_cast %get3A_622 : vector<16xf32> to vector<16xf32>
    %mul3A_624 = arith.mulf %get3A_623, %div3A_25 : vector<16xf32>
    %swap3A_625 = arith.constant 1168 : index
    %swap3A_626 = tpu.vector_load %arg10[%swap3A_625] {strides = array<i32>} : memref<3168xf32, #tpu.memory_space<vmem>>, vector<16xf32>,
    %swap3A_627 = vector.shape_cast %swap3A_626 : vector<16xf32> to vector<16xf32>
    %swap3A_628 = vector.shape_cast %mul3A_624 : vector<16xf32> to vector<16xf32>
    tpu.vector_store %arg10[%swap3A_625], %swap3A_628 {strides = array<i32>} : memref<3168xf32, #tpu.memory_space<vmem>>, vector<16xf32>,
    %get3A_629 = arith.constant 1184 : index
    %get3A_630 = tpu.vector_load %arg8[%get3A_629] {strides = array<i32>} : memref<3168xf32, #tpu.memory_space<vmem>>, vector<16xf32>,
    %get3A_631 = vector.shape_cast %get3A_630 : vector<16xf32> to vector<16xf32>
    %mul3A_632 = arith.mulf %get3A_631, %div3A_25 : vector<16xf32>
    %swap3A_633 = arith.constant 1184 : index
    %swap3A_634 = tpu.vector_load %arg10[%swap3A_633] {strides = array<i32>} : memref<3168xf32, #tpu.memory_space<vmem>>, vector<16xf32>,
    %swap3A_635 = vector.shape_cast %swap3A_634 : vector<16xf32> to vector<16xf32>
    %swap3A_636 = vector.shape_cast %mul3A_632 : vector<16xf32> to vector<16xf32>
    tpu.vector_store %arg10[%swap3A_633], %swap3A_636 {strides = array<i32>} : memref<3168xf32, #tpu.memory_space<vmem>>, vector<16xf32>,
    %get3A_637 = arith.constant 1200 : index
    %get3A_638 = tpu.vector_load %arg8[%get3A_637] {strides = array<i32>} : memref<3168xf32, #tpu.memory_space<vmem>>, vector<16xf32>,
    %get3A_639 = vector.shape_cast %get3A_638 : vector<16xf32> to vector<16xf32>
    %mul3A_640 = arith.mulf %get3A_639, %div3A_25 : vector<16xf32>
    %swap3A_641 = arith.constant 1200 : index
    %swap3A_642 = tpu.vector_load %arg10[%swap3A_641] {strides = array<i32>} : memref<3168xf32, #tpu.memory_space<vmem>>, vector<16xf32>,
    %swap3A_643 = vector.shape_cast %swap3A_642 : vector<16xf32> to vector<16xf32>
    %swap3A_644 = vector.shape_cast %mul3A_640 : vector<16xf32> to vector<16xf32>
    tpu.vector_store %arg10[%swap3A_641], %swap3A_644 {strides = array<i32>} : memref<3168xf32, #tpu.memory_space<vmem>>, vector<16xf32>,
    %get3A_645 = arith.constant 1216 : index
    %get3A_646 = tpu.vector_load %arg8[%get3A_645] {strides = array<i32>} : memref<3168xf32, #tpu.memory_space<vmem>>, vector<16xf32>,
    %get3A_647 = vector.shape_cast %get3A_646 : vector<16xf32> to vector<16xf32>
    %mul3A_648 = arith.mulf %get3A_647, %div3A_25 : vector<16xf32>
    %swap3A_649 = arith.constant 1216 : index
    %swap3A_650 = tpu.vector_load %arg10[%swap3A_649] {strides = array<i32>} : memref<3168xf32, #tpu.memory_space<vmem>>, vector<16xf32>,
    %swap3A_651 = vector.shape_cast %swap3A_650 : vector<16xf32> to vector<16xf32>
    %swap3A_652 = vector.shape_cast %mul3A_648 : vector<16xf32> to vector<16xf32>
    tpu.vector_store %arg10[%swap3A_649], %swap3A_652 {strides = array<i32>} : memref<3168xf32, #tpu.memory_space<vmem>>, vector<16xf32>,
    %get3A_653 = arith.constant 1232 : index
    %get3A_654 = tpu.vector_load %arg8[%get3A_653] {strides = array<i32>} : memref<3168xf32, #tpu.memory_space<vmem>>, vector<16xf32>,
    %get3A_655 = vector.shape_cast %get3A_654 : vector<16xf32> to vector<16xf32>
    %mul3A_656 = arith.mulf %get3A_655, %div3A_25 : vector<16xf32>
    %swap3A_657 = arith.constant 1232 : index
    %swap3A_658 = tpu.vector_load %arg10[%swap3A_657] {strides = array<i32>} : memref<3168xf32, #tpu.memory_space<vmem>>, vector<16xf32>,
    %swap3A_659 = vector.shape_cast %swap3A_658 : vector<16xf32> to vector<16xf32>
    %swap3A_660 = vector.shape_cast %mul3A_656 : vector<16xf32> to vector<16xf32>
    tpu.vector_store %arg10[%swap3A_657], %swap3A_660 {strides = array<i32>} : memref<3168xf32, #tpu.memory_space<vmem>>, vector<16xf32>,
    %get3A_661 = arith.constant 1248 : index
    %get3A_662 = tpu.vector_load %arg8[%get3A_661] {strides = array<i32>} : memref<3168xf32, #tpu.memory_space<vmem>>, vector<16xf32>,
    %get3A_663 = vector.shape_cast %get3A_662 : vector<16xf32> to vector<16xf32>
    %mul3A_664 = arith.mulf %get3A_663, %div3A_25 : vector<16xf32>
    %swap3A_665 = arith.constant 1248 : index
    %swap3A_666 = tpu.vector_load %arg10[%swap3A_665] {strides = array<i32>} : memref<3168xf32, #tpu.memory_space<vmem>>, vector<16xf32>,
    %swap3A_667 = vector.shape_cast %swap3A_666 : vector<16xf32> to vector<16xf32>
    %swap3A_668 = vector.shape_cast %mul3A_664 : vector<16xf32> to vector<16xf32>
    tpu.vector_store %arg10[%swap3A_665], %swap3A_668 {strides = array<i32>} : memref<3168xf32, #tpu.memory_space<vmem>>, vector<16xf32>,
    %get3A_669 = arith.constant 1264 : index
    %get3A_670 = tpu.vector_load %arg8[%get3A_669] {strides = array<i32>} : memref<3168xf32, #tpu.memory_space<vmem>>, vector<16xf32>,
    %get3A_671 = vector.shape_cast %get3A_670 : vector<16xf32> to vector<16xf32>
    %mul3A_672 = arith.mulf %get3A_671, %div3A_25 : vector<16xf32>
    %swap3A_673 = arith.constant 1264 : index
    %swap3A_674 = tpu.vector_load %arg10[%swap3A_673] {strides = array<i32>} : memref<3168xf32, #tpu.memory_space<vmem>>, vector<16xf32>,
    %swap3A_675 = vector.shape_cast %swap3A_674 : vector<16xf32> to vector<16xf32>
    %swap3A_676 = vector.shape_cast %mul3A_672 : vector<16xf32> to vector<16xf32>
    tpu.vector_store %arg10[%swap3A_673], %swap3A_676 {strides = array<i32>} : memref<3168xf32, #tpu.memory_space<vmem>>, vector<16xf32>,
    %get3A_677 = arith.constant 1280 : index
    %get3A_678 = tpu.vector_load %arg8[%get3A_677] {strides = array<i32>} : memref<3168xf32, #tpu.memory_space<vmem>>, vector<16xf32>,
    %get3A_679 = vector.shape_cast %get3A_678 : vector<16xf32> to vector<16xf32>
    %mul3A_680 = arith.mulf %get3A_679, %div3A_25 : vector<16xf32>
    %swap3A_681 = arith.constant 1280 : index
    %swap3A_682 = tpu.vector_load %arg10[%swap3A_681] {strides = array<i32>} : memref<3168xf32, #tpu.memory_space<vmem>>, vector<16xf32>,
    %swap3A_683 = vector.shape_cast %swap3A_682 : vector<16xf32> to vector<16xf32>
    %swap3A_684 = vector.shape_cast %mul3A_680 : vector<16xf32> to vector<16xf32>
    tpu.vector_store %arg10[%swap3A_681], %swap3A_684 {strides = array<i32>} : memref<3168xf32, #tpu.memory_space<vmem>>, vector<16xf32>,
    %get3A_685 = arith.constant 1296 : index
    %get3A_686 = tpu.vector_load %arg8[%get3A_685] {strides = array<i32>} : memref<3168xf32, #tpu.memory_space<vmem>>, vector<16xf32>,
    %get3A_687 = vector.shape_cast %get3A_686 : vector<16xf32> to vector<16xf32>
    %mul3A_688 = arith.mulf %get3A_687, %div3A_25 : vector<16xf32>
    %swap3A_689 = arith.constant 1296 : index
    %swap3A_690 = tpu.vector_load %arg10[%swap3A_689] {strides = array<i32>} : memref<3168xf32, #tpu.memory_space<vmem>>, vector<16xf32>,
    %swap3A_691 = vector.shape_cast %swap3A_690 : vector<16xf32> to vector<16xf32>
    %swap3A_692 = vector.shape_cast %mul3A_688 : vector<16xf32> to vector<16xf32>
    tpu.vector_store %arg10[%swap3A_689], %swap3A_692 {strides = array<i32>} : memref<3168xf32, #tpu.memory_space<vmem>>, vector<16xf32>,
    %get3A_693 = arith.constant 1312 : index
    %get3A_694 = tpu.vector_load %arg8[%get3A_693] {strides = array<i32>} : memref<3168xf32, #tpu.memory_space<vmem>>, vector<16xf32>,
    %get3A_695 = vector.shape_cast %get3A_694 : vector<16xf32> to vector<16xf32>
    %mul3A_696 = arith.mulf %get3A_695, %div3A_25 : vector<16xf32>
    %swap3A_697 = arith.constant 1312 : index
    %swap3A_698 = tpu.vector_load %arg10[%swap3A_697] {strides = array<i32>} : memref<3168xf32, #tpu.memory_space<vmem>>, vector<16xf32>,
    %swap3A_699 = vector.shape_cast %swap3A_698 : vector<16xf32> to vector<16xf32>
    %swap3A_700 = vector.shape_cast %mul3A_696 : vector<16xf32> to vector<16xf32>
    tpu.vector_store %arg10[%swap3A_697], %swap3A_700 {strides = array<i32>} : memref<3168xf32, #tpu.memory_space<vmem>>, vector<16xf32>,
    %get3A_701 = arith.constant 1328 : index
    %get3A_702 = tpu.vector_load %arg8[%get3A_701] {strides = array<i32>} : memref<3168xf32, #tpu.memory_space<vmem>>, vector<16xf32>,
    %get3A_703 = vector.shape_cast %get3A_702 : vector<16xf32> to vector<16xf32>
    %mul3A_704 = arith.mulf %get3A_703, %div3A_25 : vector<16xf32>
    %swap3A_705 = arith.constant 1328 : index
    %swap3A_706 = tpu.vector_load %arg10[%swap3A_705] {strides = array<i32>} : memref<3168xf32, #tpu.memory_space<vmem>>, vector<16xf32>,
    %swap3A_707 = vector.shape_cast %swap3A_706 : vector<16xf32> to vector<16xf32>
    %swap3A_708 = vector.shape_cast %mul3A_704 : vector<16xf32> to vector<16xf32>
    tpu.vector_store %arg10[%swap3A_705], %swap3A_708 {strides = array<i32>} : memref<3168xf32, #tpu.memory_space<vmem>>, vector<16xf32>,
    %get3A_709 = arith.constant 1344 : index
    %get3A_710 = tpu.vector_load %arg8[%get3A_709] {strides = array<i32>} : memref<3168xf32, #tpu.memory_space<vmem>>, vector<16xf32>,
    %get3A_711 = vector.shape_cast %get3A_710 : vector<16xf32> to vector<16xf32>
    %mul3A_712 = arith.mulf %get3A_711, %div3A_25 : vector<16xf32>
    %swap3A_713 = arith.constant 1344 : index
    %swap3A_714 = tpu.vector_load %arg10[%swap3A_713] {strides = array<i32>} : memref<3168xf32, #tpu.memory_space<vmem>>, vector<16xf32>,
    %swap3A_715 = vector.shape_cast %swap3A_714 : vector<16xf32> to vector<16xf32>
    %swap3A_716 = vector.shape_cast %mul3A_712 : vector<16xf32> to vector<16xf32>
    tpu.vector_store %arg10[%swap3A_713], %swap3A_716 {strides = array<i32>} : memref<3168xf32, #tpu.memory_space<vmem>>, vector<16xf32>,
    %get3A_717 = arith.constant 1360 : index
    %get3A_718 = tpu.vector_load %arg8[%get3A_717] {strides = array<i32>} : memref<3168xf32, #tpu.memory_space<vmem>>, vector<16xf32>,
    %get3A_719 = vector.shape_cast %get3A_718 : vector<16xf32> to vector<16xf32>
    %mul3A_720 = arith.mulf %get3A_719, %div3A_25 : vector<16xf32>
    %swap3A_721 = arith.constant 1360 : index
    %swap3A_722 = tpu.vector_load %arg10[%swap3A_721] {strides = array<i32>} : memref<3168xf32, #tpu.memory_space<vmem>>, vector<16xf32>,
    %swap3A_723 = vector.shape_cast %swap3A_722 : vector<16xf32> to vector<16xf32>
    %swap3A_724 = vector.shape_cast %mul3A_720 : vector<16xf32> to vector<16xf32>
    tpu.vector_store %arg10[%swap3A_721], %swap3A_724 {strides = array<i32>} : memref<3168xf32, #tpu.memory_space<vmem>>, vector<16xf32>,
    %get3A_725 = arith.constant 1376 : index
    %get3A_726 = tpu.vector_load %arg8[%get3A_725] {strides = array<i32>} : memref<3168xf32, #tpu.memory_space<vmem>>, vector<16xf32>,
    %get3A_727 = vector.shape_cast %get3A_726 : vector<16xf32> to vector<16xf32>
    %mul3A_728 = arith.mulf %get3A_727, %div3A_25 : vector<16xf32>
    %swap3A_729 = arith.constant 1376 : index
    %swap3A_730 = tpu.vector_load %arg10[%swap3A_729] {strides = array<i32>} : memref<3168xf32, #tpu.memory_space<vmem>>, vector<16xf32>,
    %swap3A_731 = vector.shape_cast %swap3A_730 : vector<16xf32> to vector<16xf32>
    %swap3A_732 = vector.shape_cast %mul3A_728 : vector<16xf32> to vector<16xf32>
    tpu.vector_store %arg10[%swap3A_729], %swap3A_732 {strides = array<i32>} : memref<3168xf32, #tpu.memory_space<vmem>>, vector<16xf32>,
    %get3A_733 = arith.constant 1392 : index
    %get3A_734 = tpu.vector_load %arg8[%get3A_733] {strides = array<i32>} : memref<3168xf32, #tpu.memory_space<vmem>>, vector<16xf32>,
    %get3A_735 = vector.shape_cast %get3A_734 : vector<16xf32> to vector<16xf32>
    %mul3A_736 = arith.mulf %get3A_735, %div3A_25 : vector<16xf32>
    %swap3A_737 = arith.constant 1392 : index
    %swap3A_738 = tpu.vector_load %arg10[%swap3A_737] {strides = array<i32>} : memref<3168xf32, #tpu.memory_space<vmem>>, vector<16xf32>,
    %swap3A_739 = vector.shape_cast %swap3A_738 : vector<16xf32> to vector<16xf32>
    %swap3A_740 = vector.shape_cast %mul3A_736 : vector<16xf32> to vector<16xf32>
    tpu.vector_store %arg10[%swap3A_737], %swap3A_740 {strides = array<i32>} : memref<3168xf32, #tpu.memory_space<vmem>>, vector<16xf32>,
    %get3A_741 = arith.constant 1408 : index
    %get3A_742 = tpu.vector_load %arg8[%get3A_741] {strides = array<i32>} : memref<3168xf32, #tpu.memory_space<vmem>>, vector<16xf32>,
    %get3A_743 = vector.shape_cast %get3A_742 : vector<16xf32> to vector<16xf32>
    %mul3A_744 = arith.mulf %get3A_743, %div3A_25 : vector<16xf32>
    %swap3A_745 = arith.constant 1408 : index
    %swap3A_746 = tpu.vector_load %arg10[%swap3A_745] {strides = array<i32>} : memref<3168xf32, #tpu.memory_space<vmem>>, vector<16xf32>,
    %swap3A_747 = vector.shape_cast %swap3A_746 : vector<16xf32> to vector<16xf32>
    %swap3A_748 = vector.shape_cast %mul3A_744 : vector<16xf32> to vector<16xf32>
    tpu.vector_store %arg10[%swap3A_745], %swap3A_748 {strides = array<i32>} : memref<3168xf32, #tpu.memory_space<vmem>>, vector<16xf32>,
    %get3A_749 = arith.constant 1424 : index
    %get3A_750 = tpu.vector_load %arg8[%get3A_749] {strides = array<i32>} : memref<3168xf32, #tpu.memory_space<vmem>>, vector<16xf32>,
    %get3A_751 = vector.shape_cast %get3A_750 : vector<16xf32> to vector<16xf32>
    %mul3A_752 = arith.mulf %get3A_751, %div3A_25 : vector<16xf32>
    %swap3A_753 = arith.constant 1424 : index
    %swap3A_754 = tpu.vector_load %arg10[%swap3A_753] {strides = array<i32>} : memref<3168xf32, #tpu.memory_space<vmem>>, vector<16xf32>,
    %swap3A_755 = vector.shape_cast %swap3A_754 : vector<16xf32> to vector<16xf32>
    %swap3A_756 = vector.shape_cast %mul3A_752 : vector<16xf32> to vector<16xf32>
    tpu.vector_store %arg10[%swap3A_753], %swap3A_756 {strides = array<i32>} : memref<3168xf32, #tpu.memory_space<vmem>>, vector<16xf32>,
    %get3A_757 = arith.constant 1440 : index
    %get3A_758 = tpu.vector_load %arg8[%get3A_757] {strides = array<i32>} : memref<3168xf32, #tpu.memory_space<vmem>>, vector<16xf32>,
    %get3A_759 = vector.shape_cast %get3A_758 : vector<16xf32> to vector<16xf32>
    %mul3A_760 = arith.mulf %get3A_759, %div3A_25 : vector<16xf32>
    %swap3A_761 = arith.constant 1440 : index
    %swap3A_762 = tpu.vector_load %arg10[%swap3A_761] {strides = array<i32>} : memref<3168xf32, #tpu.memory_space<vmem>>, vector<16xf32>,
    %swap3A_763 = vector.shape_cast %swap3A_762 : vector<16xf32> to vector<16xf32>
    %swap3A_764 = vector.shape_cast %mul3A_760 : vector<16xf32> to vector<16xf32>
    tpu.vector_store %arg10[%swap3A_761], %swap3A_764 {strides = array<i32>} : memref<3168xf32, #tpu.memory_space<vmem>>, vector<16xf32>,
    %get3A_765 = arith.constant 1456 : index
    %get3A_766 = tpu.vector_load %arg8[%get3A_765] {strides = array<i32>} : memref<3168xf32, #tpu.memory_space<vmem>>, vector<16xf32>,
    %get3A_767 = vector.shape_cast %get3A_766 : vector<16xf32> to vector<16xf32>
    %mul3A_768 = arith.mulf %get3A_767, %div3A_25 : vector<16xf32>
    %swap3A_769 = arith.constant 1456 : index
    %swap3A_770 = tpu.vector_load %arg10[%swap3A_769] {strides = array<i32>} : memref<3168xf32, #tpu.memory_space<vmem>>, vector<16xf32>,
    %swap3A_771 = vector.shape_cast %swap3A_770 : vector<16xf32> to vector<16xf32>
    %swap3A_772 = vector.shape_cast %mul3A_768 : vector<16xf32> to vector<16xf32>
    tpu.vector_store %arg10[%swap3A_769], %swap3A_772 {strides = array<i32>} : memref<3168xf32, #tpu.memory_space<vmem>>, vector<16xf32>,
    %get3A_773 = arith.constant 1472 : index
    %get3A_774 = tpu.vector_load %arg8[%get3A_773] {strides = array<i32>} : memref<3168xf32, #tpu.memory_space<vmem>>, vector<16xf32>,
    %get3A_775 = vector.shape_cast %get3A_774 : vector<16xf32> to vector<16xf32>
    %mul3A_776 = arith.mulf %get3A_775, %div3A_25 : vector<16xf32>
    %swap3A_777 = arith.constant 1472 : index
    %swap3A_778 = tpu.vector_load %arg10[%swap3A_777] {strides = array<i32>} : memref<3168xf32, #tpu.memory_space<vmem>>, vector<16xf32>,
    %swap3A_779 = vector.shape_cast %swap3A_778 : vector<16xf32> to vector<16xf32>
    %swap3A_780 = vector.shape_cast %mul3A_776 : vector<16xf32> to vector<16xf32>
    tpu.vector_store %arg10[%swap3A_777], %swap3A_780 {strides = array<i32>} : memref<3168xf32, #tpu.memory_space<vmem>>, vector<16xf32>,
    %get3A_781 = arith.constant 1488 : index
    %get3A_782 = tpu.vector_load %arg8[%get3A_781] {strides = array<i32>} : memref<3168xf32, #tpu.memory_space<vmem>>, vector<16xf32>,
    %get3A_783 = vector.shape_cast %get3A_782 : vector<16xf32> to vector<16xf32>
    %mul3A_784 = arith.mulf %get3A_783, %div3A_25 : vector<16xf32>
    %swap3A_785 = arith.constant 1488 : index
    %swap3A_786 = tpu.vector_load %arg10[%swap3A_785] {strides = array<i32>} : memref<3168xf32, #tpu.memory_space<vmem>>, vector<16xf32>,
    %swap3A_787 = vector.shape_cast %swap3A_786 : vector<16xf32> to vector<16xf32>
    %swap3A_788 = vector.shape_cast %mul3A_784 : vector<16xf32> to vector<16xf32>
    tpu.vector_store %arg10[%swap3A_785], %swap3A_788 {strides = array<i32>} : memref<3168xf32, #tpu.memory_space<vmem>>, vector<16xf32>,
    %get3A_789 = arith.constant 1504 : index
    %get3A_790 = tpu.vector_load %arg8[%get3A_789] {strides = array<i32>} : memref<3168xf32, #tpu.memory_space<vmem>>, vector<16xf32>,
    %get3A_791 = vector.shape_cast %get3A_790 : vector<16xf32> to vector<16xf32>
    %mul3A_792 = arith.mulf %get3A_791, %div3A_25 : vector<16xf32>
    %swap3A_793 = arith.constant 1504 : index
    %swap3A_794 = tpu.vector_load %arg10[%swap3A_793] {strides = array<i32>} : memref<3168xf32, #tpu.memory_space<vmem>>, vector<16xf32>,
    %swap3A_795 = vector.shape_cast %swap3A_794 : vector<16xf32> to vector<16xf32>
    %swap3A_796 = vector.shape_cast %mul3A_792 : vector<16xf32> to vector<16xf32>
    tpu.vector_store %arg10[%swap3A_793], %swap3A_796 {strides = array<i32>} : memref<3168xf32, #tpu.memory_space<vmem>>, vector<16xf32>,
    %get3A_797 = arith.constant 1520 : index
    %get3A_798 = tpu.vector_load %arg8[%get3A_797] {strides = array<i32>} : memref<3168xf32, #tpu.memory_space<vmem>>, vector<16xf32>,
    %get3A_799 = vector.shape_cast %get3A_798 : vector<16xf32> to vector<16xf32>
    %mul3A_800 = arith.mulf %get3A_799, %div3A_25 : vector<16xf32>
    %swap3A_801 = arith.constant 1520 : index
    %swap3A_802 = tpu.vector_load %arg10[%swap3A_801] {strides = array<i32>} : memref<3168xf32, #tpu.memory_space<vmem>>, vector<16xf32>,
    %swap3A_803 = vector.shape_cast %swap3A_802 : vector<16xf32> to vector<16xf32>
    %swap3A_804 = vector.shape_cast %mul3A_800 : vector<16xf32> to vector<16xf32>
    tpu.vector_store %arg10[%swap3A_801], %swap3A_804 {strides = array<i32>} : memref<3168xf32, #tpu.memory_space<vmem>>, vector<16xf32>,
    %get3A_805 = arith.constant 1536 : index
    %get3A_806 = tpu.vector_load %arg8[%get3A_805] {strides = array<i32>} : memref<3168xf32, #tpu.memory_space<vmem>>, vector<16xf32>,
    %get3A_807 = vector.shape_cast %get3A_806 : vector<16xf32> to vector<16xf32>
    %mul3A_808 = arith.mulf %get3A_807, %div3A_25 : vector<16xf32>
    %swap3A_809 = arith.constant 1536 : index
    %swap3A_810 = tpu.vector_load %arg10[%swap3A_809] {strides = array<i32>} : memref<3168xf32, #tpu.memory_space<vmem>>, vector<16xf32>,
    %swap3A_811 = vector.shape_cast %swap3A_810 : vector<16xf32> to vector<16xf32>
    %swap3A_812 = vector.shape_cast %mul3A_808 : vector<16xf32> to vector<16xf32>
    tpu.vector_store %arg10[%swap3A_809], %swap3A_812 {strides = array<i32>} : memref<3168xf32, #tpu.memory_space<vmem>>, vector<16xf32>,
    %get3A_813 = arith.constant 1552 : index
    %get3A_814 = tpu.vector_load %arg8[%get3A_813] {strides = array<i32>} : memref<3168xf32, #tpu.memory_space<vmem>>, vector<16xf32>,
    %get3A_815 = vector.shape_cast %get3A_814 : vector<16xf32> to vector<16xf32>
    %mul3A_816 = arith.mulf %get3A_815, %div3A_25 : vector<16xf32>
    %swap3A_817 = arith.constant 1552 : index
    %swap3A_818 = tpu.vector_load %arg10[%swap3A_817] {strides = array<i32>} : memref<3168xf32, #tpu.memory_space<vmem>>, vector<16xf32>,
    %swap3A_819 = vector.shape_cast %swap3A_818 : vector<16xf32> to vector<16xf32>
    %swap3A_820 = vector.shape_cast %mul3A_816 : vector<16xf32> to vector<16xf32>
    tpu.vector_store %arg10[%swap3A_817], %swap3A_820 {strides = array<i32>} : memref<3168xf32, #tpu.memory_space<vmem>>, vector<16xf32>,
    %get3A_821 = arith.constant 1568 : index
    %get3A_822 = tpu.vector_load %arg8[%get3A_821] {strides = array<i32>} : memref<3168xf32, #tpu.memory_space<vmem>>, vector<16xf32>,
    %get3A_823 = vector.shape_cast %get3A_822 : vector<16xf32> to vector<16xf32>
    %mul3A_824 = arith.mulf %get3A_823, %div3A_25 : vector<16xf32>
    %swap3A_825 = arith.constant 1568 : index
    %swap3A_826 = tpu.vector_load %arg10[%swap3A_825] {strides = array<i32>} : memref<3168xf32, #tpu.memory_space<vmem>>, vector<16xf32>,
    %swap3A_827 = vector.shape_cast %swap3A_826 : vector<16xf32> to vector<16xf32>
    %swap3A_828 = vector.shape_cast %mul3A_824 : vector<16xf32> to vector<16xf32>
    tpu.vector_store %arg10[%swap3A_825], %swap3A_828 {strides = array<i32>} : memref<3168xf32, #tpu.memory_space<vmem>>, vector<16xf32>,
    %get3A_829 = arith.constant 1584 : index
    %get3A_830 = tpu.vector_load %arg8[%get3A_829] {strides = array<i32>} : memref<3168xf32, #tpu.memory_space<vmem>>, vector<16xf32>,
    %get3A_831 = vector.shape_cast %get3A_830 : vector<16xf32> to vector<16xf32>
    %mul3A_832 = arith.mulf %get3A_831, %div3A_25 : vector<16xf32>
    %swap3A_833 = arith.constant 1584 : index
    %swap3A_834 = tpu.vector_load %arg10[%swap3A_833] {strides = array<i32>} : memref<3168xf32, #tpu.memory_space<vmem>>, vector<16xf32>,
    %swap3A_835 = vector.shape_cast %swap3A_834 : vector<16xf32> to vector<16xf32>
    %swap3A_836 = vector.shape_cast %mul3A_832 : vector<16xf32> to vector<16xf32>
    tpu.vector_store %arg10[%swap3A_833], %swap3A_836 {strides = array<i32>} : memref<3168xf32, #tpu.memory_space<vmem>>, vector<16xf32>,
    %get3A_837 = arith.constant 1600 : index
    %get3A_838 = tpu.vector_load %arg8[%get3A_837] {strides = array<i32>} : memref<3168xf32, #tpu.memory_space<vmem>>, vector<16xf32>,
    %get3A_839 = vector.shape_cast %get3A_838 : vector<16xf32> to vector<16xf32>
    %mul3A_840 = arith.mulf %get3A_839, %div3A_25 : vector<16xf32>
    %swap3A_841 = arith.constant 1600 : index
    %swap3A_842 = tpu.vector_load %arg10[%swap3A_841] {strides = array<i32>} : memref<3168xf32, #tpu.memory_space<vmem>>, vector<16xf32>,
    %swap3A_843 = vector.shape_cast %swap3A_842 : vector<16xf32> to vector<16xf32>
    %swap3A_844 = vector.shape_cast %mul3A_840 : vector<16xf32> to vector<16xf32>
    tpu.vector_store %arg10[%swap3A_841], %swap3A_844 {strides = array<i32>} : memref<3168xf32, #tpu.memory_space<vmem>>, vector<16xf32>,
    %get3A_845 = arith.constant 1616 : index
    %get3A_846 = tpu.vector_load %arg8[%get3A_845] {strides = array<i32>} : memref<3168xf32, #tpu.memory_space<vmem>>, vector<16xf32>,
    %get3A_847 = vector.shape_cast %get3A_846 : vector<16xf32> to vector<16xf32>
    %mul3A_848 = arith.mulf %get3A_847, %div3A_25 : vector<16xf32>
    %swap3A_849 = arith.constant 1616 : index
    %swap3A_850 = tpu.vector_load %arg10[%swap3A_849] {strides = array<i32>} : memref<3168xf32, #tpu.memory_space<vmem>>, vector<16xf32>,
    %swap3A_851 = vector.shape_cast %swap3A_850 : vector<16xf32> to vector<16xf32>
    %swap3A_852 = vector.shape_cast %mul3A_848 : vector<16xf32> to vector<16xf32>
    tpu.vector_store %arg10[%swap3A_849], %swap3A_852 {strides = array<i32>} : memref<3168xf32, #tpu.memory_space<vmem>>, vector<16xf32>,
    %get3A_853 = arith.constant 1632 : index
    %get3A_854 = tpu.vector_load %arg8[%get3A_853] {strides = array<i32>} : memref<3168xf32, #tpu.memory_space<vmem>>, vector<16xf32>,
    %get3A_855 = vector.shape_cast %get3A_854 : vector<16xf32> to vector<16xf32>
    %mul3A_856 = arith.mulf %get3A_855, %div3A_25 : vector<16xf32>
    %swap3A_857 = arith.constant 1632 : index
    %swap3A_858 = tpu.vector_load %arg10[%swap3A_857] {strides = array<i32>} : memref<3168xf32, #tpu.memory_space<vmem>>, vector<16xf32>,
    %swap3A_859 = vector.shape_cast %swap3A_858 : vector<16xf32> to vector<16xf32>
    %swap3A_860 = vector.shape_cast %mul3A_856 : vector<16xf32> to vector<16xf32>
    tpu.vector_store %arg10[%swap3A_857], %swap3A_860 {strides = array<i32>} : memref<3168xf32, #tpu.memory_space<vmem>>, vector<16xf32>,
    %get3A_861 = arith.constant 1648 : index
    %get3A_862 = tpu.vector_load %arg8[%get3A_861] {strides = array<i32>} : memref<3168xf32, #tpu.memory_space<vmem>>, vector<16xf32>,
    %get3A_863 = vector.shape_cast %get3A_862 : vector<16xf32> to vector<16xf32>
    %mul3A_864 = arith.mulf %get3A_863, %div3A_25 : vector<16xf32>
    %swap3A_865 = arith.constant 1648 : index
    %swap3A_866 = tpu.vector_load %arg10[%swap3A_865] {strides = array<i32>} : memref<3168xf32, #tpu.memory_space<vmem>>, vector<16xf32>,
    %swap3A_867 = vector.shape_cast %swap3A_866 : vector<16xf32> to vector<16xf32>
    %swap3A_868 = vector.shape_cast %mul3A_864 : vector<16xf32> to vector<16xf32>
    tpu.vector_store %arg10[%swap3A_865], %swap3A_868 {strides = array<i32>} : memref<3168xf32, #tpu.memory_space<vmem>>, vector<16xf32>,
    %get3A_869 = arith.constant 1664 : index
    %get3A_870 = tpu.vector_load %arg8[%get3A_869] {strides = array<i32>} : memref<3168xf32, #tpu.memory_space<vmem>>, vector<16xf32>,
    %get3A_871 = vector.shape_cast %get3A_870 : vector<16xf32> to vector<16xf32>
    %mul3A_872 = arith.mulf %get3A_871, %div3A_25 : vector<16xf32>
    %swap3A_873 = arith.constant 1664 : index
    %swap3A_874 = tpu.vector_load %arg10[%swap3A_873] {strides = array<i32>} : memref<3168xf32, #tpu.memory_space<vmem>>, vector<16xf32>,
    %swap3A_875 = vector.shape_cast %swap3A_874 : vector<16xf32> to vector<16xf32>
    %swap3A_876 = vector.shape_cast %mul3A_872 : vector<16xf32> to vector<16xf32>
    tpu.vector_store %arg10[%swap3A_873], %swap3A_876 {strides = array<i32>} : memref<3168xf32, #tpu.memory_space<vmem>>, vector<16xf32>,
    %get3A_877 = arith.constant 1680 : index
    %get3A_878 = tpu.vector_load %arg8[%get3A_877] {strides = array<i32>} : memref<3168xf32, #tpu.memory_space<vmem>>, vector<16xf32>,
    %get3A_879 = vector.shape_cast %get3A_878 : vector<16xf32> to vector<16xf32>
    %mul3A_880 = arith.mulf %get3A_879, %div3A_25 : vector<16xf32>
    %swap3A_881 = arith.constant 1680 : index
    %swap3A_882 = tpu.vector_load %arg10[%swap3A_881] {strides = array<i32>} : memref<3168xf32, #tpu.memory_space<vmem>>, vector<16xf32>,
    %swap3A_883 = vector.shape_cast %swap3A_882 : vector<16xf32> to vector<16xf32>
    %swap3A_884 = vector.shape_cast %mul3A_880 : vector<16xf32> to vector<16xf32>
    tpu.vector_store %arg10[%swap3A_881], %swap3A_884 {strides = array<i32>} : memref<3168xf32, #tpu.memory_space<vmem>>, vector<16xf32>,
    %get3A_885 = arith.constant 1696 : index
    %get3A_886 = tpu.vector_load %arg8[%get3A_885] {strides = array<i32>} : memref<3168xf32, #tpu.memory_space<vmem>>, vector<16xf32>,
    %get3A_887 = vector.shape_cast %get3A_886 : vector<16xf32> to vector<16xf32>
    %mul3A_888 = arith.mulf %get3A_887, %div3A_25 : vector<16xf32>
    %swap3A_889 = arith.constant 1696 : index
    %swap3A_890 = tpu.vector_load %arg10[%swap3A_889] {strides = array<i32>} : memref<3168xf32, #tpu.memory_space<vmem>>, vector<16xf32>,
    %swap3A_891 = vector.shape_cast %swap3A_890 : vector<16xf32> to vector<16xf32>
    %swap3A_892 = vector.shape_cast %mul3A_888 : vector<16xf32> to vector<16xf32>
    tpu.vector_store %arg10[%swap3A_889], %swap3A_892 {strides = array<i32>} : memref<3168xf32, #tpu.memory_space<vmem>>, vector<16xf32>,
    %get3A_893 = arith.constant 1712 : index
    %get3A_894 = tpu.vector_load %arg8[%get3A_893] {strides = array<i32>} : memref<3168xf32, #tpu.memory_space<vmem>>, vector<16xf32>,
    %get3A_895 = vector.shape_cast %get3A_894 : vector<16xf32> to vector<16xf32>
    %mul3A_896 = arith.mulf %get3A_895, %div3A_25 : vector<16xf32>
    %swap3A_897 = arith.constant 1712 : index
    %swap3A_898 = tpu.vector_load %arg10[%swap3A_897] {strides = array<i32>} : memref<3168xf32, #tpu.memory_space<vmem>>, vector<16xf32>,
    %swap3A_899 = vector.shape_cast %swap3A_898 : vector<16xf32> to vector<16xf32>
    %swap3A_900 = vector.shape_cast %mul3A_896 : vector<16xf32> to vector<16xf32>
    tpu.vector_store %arg10[%swap3A_897], %swap3A_900 {strides = array<i32>} : memref<3168xf32, #tpu.memory_space<vmem>>, vector<16xf32>,
    %get3A_901 = arith.constant 1728 : index
    %get3A_902 = tpu.vector_load %arg8[%get3A_901] {strides = array<i32>} : memref<3168xf32, #tpu.memory_space<vmem>>, vector<16xf32>,
    %get3A_903 = vector.shape_cast %get3A_902 : vector<16xf32> to vector<16xf32>
    %mul3A_904 = arith.mulf %get3A_903, %div3A_25 : vector<16xf32>
    %swap3A_905 = arith.constant 1728 : index
    %swap3A_906 = tpu.vector_load %arg10[%swap3A_905] {strides = array<i32>} : memref<3168xf32, #tpu.memory_space<vmem>>, vector<16xf32>,
    %swap3A_907 = vector.shape_cast %swap3A_906 : vector<16xf32> to vector<16xf32>
    %swap3A_908 = vector.shape_cast %mul3A_904 : vector<16xf32> to vector<16xf32>
    tpu.vector_store %arg10[%swap3A_905], %swap3A_908 {strides = array<i32>} : memref<3168xf32, #tpu.memory_space<vmem>>, vector<16xf32>,
    %get3A_909 = arith.constant 1744 : index
    %get3A_910 = tpu.vector_load %arg8[%get3A_909] {strides = array<i32>} : memref<3168xf32, #tpu.memory_space<vmem>>, vector<16xf32>,
    %get3A_911 = vector.shape_cast %get3A_910 : vector<16xf32> to vector<16xf32>
    %mul3A_912 = arith.mulf %get3A_911, %div3A_25 : vector<16xf32>
    %swap3A_913 = arith.constant 1744 : index
    %swap3A_914 = tpu.vector_load %arg10[%swap3A_913] {strides = array<i32>} : memref<3168xf32, #tpu.memory_space<vmem>>, vector<16xf32>,
    %swap3A_915 = vector.shape_cast %swap3A_914 : vector<16xf32> to vector<16xf32>
    %swap3A_916 = vector.shape_cast %mul3A_912 : vector<16xf32> to vector<16xf32>
    tpu.vector_store %arg10[%swap3A_913], %swap3A_916 {strides = array<i32>} : memref<3168xf32, #tpu.memory_space<vmem>>, vector<16xf32>,
    %get3A_917 = arith.constant 1760 : index
    %get3A_918 = tpu.vector_load %arg8[%get3A_917] {strides = array<i32>} : memref<3168xf32, #tpu.memory_space<vmem>>, vector<16xf32>,
    %get3A_919 = vector.shape_cast %get3A_918 : vector<16xf32> to vector<16xf32>
    %mul3A_920 = arith.mulf %get3A_919, %div3A_25 : vector<16xf32>
    %swap3A_921 = arith.constant 1760 : index
    %swap3A_922 = tpu.vector_load %arg10[%swap3A_921] {strides = array<i32>} : memref<3168xf32, #tpu.memory_space<vmem>>, vector<16xf32>,
    %swap3A_923 = vector.shape_cast %swap3A_922 : vector<16xf32> to vector<16xf32>
    %swap3A_924 = vector.shape_cast %mul3A_920 : vector<16xf32> to vector<16xf32>
    tpu.vector_store %arg10[%swap3A_921], %swap3A_924 {strides = array<i32>} : memref<3168xf32, #tpu.memory_space<vmem>>, vector<16xf32>,
    %get3A_925 = arith.constant 1776 : index
    %get3A_926 = tpu.vector_load %arg8[%get3A_925] {strides = array<i32>} : memref<3168xf32, #tpu.memory_space<vmem>>, vector<16xf32>,
    %get3A_927 = vector.shape_cast %get3A_926 : vector<16xf32> to vector<16xf32>
    %mul3A_928 = arith.mulf %get3A_927, %div3A_25 : vector<16xf32>
    %swap3A_929 = arith.constant 1776 : index
    %swap3A_930 = tpu.vector_load %arg10[%swap3A_929] {strides = array<i32>} : memref<3168xf32, #tpu.memory_space<vmem>>, vector<16xf32>,
    %swap3A_931 = vector.shape_cast %swap3A_930 : vector<16xf32> to vector<16xf32>
    %swap3A_932 = vector.shape_cast %mul3A_928 : vector<16xf32> to vector<16xf32>
    tpu.vector_store %arg10[%swap3A_929], %swap3A_932 {strides = array<i32>} : memref<3168xf32, #tpu.memory_space<vmem>>, vector<16xf32>,
    %get3A_933 = arith.constant 1792 : index
    %get3A_934 = tpu.vector_load %arg8[%get3A_933] {strides = array<i32>} : memref<3168xf32, #tpu.memory_space<vmem>>, vector<16xf32>,
    %get3A_935 = vector.shape_cast %get3A_934 : vector<16xf32> to vector<16xf32>
    %mul3A_936 = arith.mulf %get3A_935, %div3A_25 : vector<16xf32>
    %swap3A_937 = arith.constant 1792 : index
    %swap3A_938 = tpu.vector_load %arg10[%swap3A_937] {strides = array<i32>} : memref<3168xf32, #tpu.memory_space<vmem>>, vector<16xf32>,
    %swap3A_939 = vector.shape_cast %swap3A_938 : vector<16xf32> to vector<16xf32>
    %swap3A_940 = vector.shape_cast %mul3A_936 : vector<16xf32> to vector<16xf32>
    tpu.vector_store %arg10[%swap3A_937], %swap3A_940 {strides = array<i32>} : memref<3168xf32, #tpu.memory_space<vmem>>, vector<16xf32>,
    %get3A_941 = arith.constant 1808 : index
    %get3A_942 = tpu.vector_load %arg8[%get3A_941] {strides = array<i32>} : memref<3168xf32, #tpu.memory_space<vmem>>, vector<16xf32>,
    %get3A_943 = vector.shape_cast %get3A_942 : vector<16xf32> to vector<16xf32>
    %mul3A_944 = arith.mulf %get3A_943, %div3A_25 : vector<16xf32>
    %swap3A_945 = arith.constant 1808 : index
    %swap3A_946 = tpu.vector_load %arg10[%swap3A_945] {strides = array<i32>} : memref<3168xf32, #tpu.memory_space<vmem>>, vector<16xf32>,
    %swap3A_947 = vector.shape_cast %swap3A_946 : vector<16xf32> to vector<16xf32>
    %swap3A_948 = vector.shape_cast %mul3A_944 : vector<16xf32> to vector<16xf32>
    tpu.vector_store %arg10[%swap3A_945], %swap3A_948 {strides = array<i32>} : memref<3168xf32, #tpu.memory_space<vmem>>, vector<16xf32>,
    %get3A_949 = arith.constant 1824 : index
    %get3A_950 = tpu.vector_load %arg8[%get3A_949] {strides = array<i32>} : memref<3168xf32, #tpu.memory_space<vmem>>, vector<16xf32>,
    %get3A_951 = vector.shape_cast %get3A_950 : vector<16xf32> to vector<16xf32>
    %mul3A_952 = arith.mulf %get3A_951, %div3A_25 : vector<16xf32>
    %swap3A_953 = arith.constant 1824 : index
    %swap3A_954 = tpu.vector_load %arg10[%swap3A_953] {strides = array<i32>} : memref<3168xf32, #tpu.memory_space<vmem>>, vector<16xf32>,
    %swap3A_955 = vector.shape_cast %swap3A_954 : vector<16xf32> to vector<16xf32>
    %swap3A_956 = vector.shape_cast %mul3A_952 : vector<16xf32> to vector<16xf32>
    tpu.vector_store %arg10[%swap3A_953], %swap3A_956 {strides = array<i32>} : memref<3168xf32, #tpu.memory_space<vmem>>, vector<16xf32>,
    %get3A_957 = arith.constant 1840 : index
    %get3A_958 = tpu.vector_load %arg8[%get3A_957] {strides = array<i32>} : memref<3168xf32, #tpu.memory_space<vmem>>, vector<16xf32>,
    %get3A_959 = vector.shape_cast %get3A_958 : vector<16xf32> to vector<16xf32>
    %mul3A_960 = arith.mulf %get3A_959, %div3A_25 : vector<16xf32>
    %swap3A_961 = arith.constant 1840 : index
    %swap3A_962 = tpu.vector_load %arg10[%swap3A_961] {strides = array<i32>} : memref<3168xf32, #tpu.memory_space<vmem>>, vector<16xf32>,
    %swap3A_963 = vector.shape_cast %swap3A_962 : vector<16xf32> to vector<16xf32>
    %swap3A_964 = vector.shape_cast %mul3A_960 : vector<16xf32> to vector<16xf32>
    tpu.vector_store %arg10[%swap3A_961], %swap3A_964 {strides = array<i32>} : memref<3168xf32, #tpu.memory_space<vmem>>, vector<16xf32>,
    %get3A_965 = arith.constant 1856 : index
    %get3A_966 = tpu.vector_load %arg8[%get3A_965] {strides = array<i32>} : memref<3168xf32, #tpu.memory_space<vmem>>, vector<16xf32>,
    %get3A_967 = vector.shape_cast %get3A_966 : vector<16xf32> to vector<16xf32>
    %mul3A_968 = arith.mulf %get3A_967, %div3A_25 : vector<16xf32>
    %swap3A_969 = arith.constant 1856 : index
    %swap3A_970 = tpu.vector_load %arg10[%swap3A_969] {strides = array<i32>} : memref<3168xf32, #tpu.memory_space<vmem>>, vector<16xf32>,
    %swap3A_971 = vector.shape_cast %swap3A_970 : vector<16xf32> to vector<16xf32>
    %swap3A_972 = vector.shape_cast %mul3A_968 : vector<16xf32> to vector<16xf32>
    tpu.vector_store %arg10[%swap3A_969], %swap3A_972 {strides = array<i32>} : memref<3168xf32, #tpu.memory_space<vmem>>, vector<16xf32>,
    %get3A_973 = arith.constant 1872 : index
    %get3A_974 = tpu.vector_load %arg8[%get3A_973] {strides = array<i32>} : memref<3168xf32, #tpu.memory_space<vmem>>, vector<16xf32>,
    %get3A_975 = vector.shape_cast %get3A_974 : vector<16xf32> to vector<16xf32>
    %mul3A_976 = arith.mulf %get3A_975, %div3A_25 : vector<16xf32>
    %swap3A_977 = arith.constant 1872 : index
    %swap3A_978 = tpu.vector_load %arg10[%swap3A_977] {strides = array<i32>} : memref<3168xf32, #tpu.memory_space<vmem>>, vector<16xf32>,
    %swap3A_979 = vector.shape_cast %swap3A_978 : vector<16xf32> to vector<16xf32>
    %swap3A_980 = vector.shape_cast %mul3A_976 : vector<16xf32> to vector<16xf32>
    tpu.vector_store %arg10[%swap3A_977], %swap3A_980 {strides = array<i32>} : memref<3168xf32, #tpu.memory_space<vmem>>, vector<16xf32>,
    %get3A_981 = arith.constant 1888 : index
    %get3A_982 = tpu.vector_load %arg8[%get3A_981] {strides = array<i32>} : memref<3168xf32, #tpu.memory_space<vmem>>, vector<16xf32>,
    %get3A_983 = vector.shape_cast %get3A_982 : vector<16xf32> to vector<16xf32>
    %mul3A_984 = arith.mulf %get3A_983, %div3A_25 : vector<16xf32>
    %swap3A_985 = arith.constant 1888 : index
    %swap3A_986 = tpu.vector_load %arg10[%swap3A_985] {strides = array<i32>} : memref<3168xf32, #tpu.memory_space<vmem>>, vector<16xf32>,
    %swap3A_987 = vector.shape_cast %swap3A_986 : vector<16xf32> to vector<16xf32>
    %swap3A_988 = vector.shape_cast %mul3A_984 : vector<16xf32> to vector<16xf32>
    tpu.vector_store %arg10[%swap3A_985], %swap3A_988 {strides = array<i32>} : memref<3168xf32, #tpu.memory_space<vmem>>, vector<16xf32>,
    %get3A_989 = arith.constant 1904 : index
    %get3A_990 = tpu.vector_load %arg8[%get3A_989] {strides = array<i32>} : memref<3168xf32, #tpu.memory_space<vmem>>, vector<16xf32>,
    %get3A_991 = vector.shape_cast %get3A_990 : vector<16xf32> to vector<16xf32>
    %mul3A_992 = arith.mulf %get3A_991, %div3A_25 : vector<16xf32>
    %swap3A_993 = arith.constant 1904 : index
    %swap3A_994 = tpu.vector_load %arg10[%swap3A_993] {strides = array<i32>} : memref<3168xf32, #tpu.memory_space<vmem>>, vector<16xf32>,
    %swap3A_995 = vector.shape_cast %swap3A_994 : vector<16xf32> to vector<16xf32>
    %swap3A_996 = vector.shape_cast %mul3A_992 : vector<16xf32> to vector<16xf32>
    tpu.vector_store %arg10[%swap3A_993], %swap3A_996 {strides = array<i32>} : memref<3168xf32, #tpu.memory_space<vmem>>, vector<16xf32>,
    %get3A_997 = arith.constant 1920 : index
    %get3A_998 = tpu.vector_load %arg8[%get3A_997] {strides = array<i32>} : memref<3168xf32, #tpu.memory_space<vmem>>, vector<16xf32>,
    %get3A_999 = vector.shape_cast %get3A_998 : vector<16xf32> to vector<16xf32>
    %mul3A_1000 = arith.mulf %get3A_999, %div3A_25 : vector<16xf32>
    %swap3A_1001 = arith.constant 1920 : index
    %swap3A_1002 = tpu.vector_load %arg10[%swap3A_1001] {strides = array<i32>} : memref<3168xf32, #tpu.memory_space<vmem>>, vector<16xf32>,
    %swap3A_1003 = vector.shape_cast %swap3A_1002 : vector<16xf32> to vector<16xf32>
    %swap3A_1004 = vector.shape_cast %mul3A_1000 : vector<16xf32> to vector<16xf32>
    tpu.vector_store %arg10[%swap3A_1001], %swap3A_1004 {strides = array<i32>} : memref<3168xf32, #tpu.memory_space<vmem>>, vector<16xf32>,
    %get3A_1005 = arith.constant 1936 : index
    %get3A_1006 = tpu.vector_load %arg8[%get3A_1005] {strides = array<i32>} : memref<3168xf32, #tpu.memory_space<vmem>>, vector<16xf32>,
    %get3A_1007 = vector.shape_cast %get3A_1006 : vector<16xf32> to vector<16xf32>
    %mul3A_1008 = arith.mulf %get3A_1007, %div3A_25 : vector<16xf32>
    %swap3A_1009 = arith.constant 1936 : index
    %swap3A_1010 = tpu.vector_load %arg10[%swap3A_1009] {strides = array<i32>} : memref<3168xf32, #tpu.memory_space<vmem>>, vector<16xf32>,
    %swap3A_1011 = vector.shape_cast %swap3A_1010 : vector<16xf32> to vector<16xf32>
    %swap3A_1012 = vector.shape_cast %mul3A_1008 : vector<16xf32> to vector<16xf32>
    tpu.vector_store %arg10[%swap3A_1009], %swap3A_1012 {strides = array<i32>} : memref<3168xf32, #tpu.memory_space<vmem>>, vector<16xf32>,
    %get3A_1013 = arith.constant 1952 : index
    %get3A_1014 = tpu.vector_load %arg8[%get3A_1013] {strides = array<i32>} : memref<3168xf32, #tpu.memory_space<vmem>>, vector<16xf32>,
    %get3A_1015 = vector.shape_cast %get3A_1014 : vector<16xf32> to vector<16xf32>
    %mul3A_1016 = arith.mulf %get3A_1015, %div3A_25 : vector<16xf32>
    %swap3A_1017 = arith.constant 1952 : index
    %swap3A_1018 = tpu.vector_load %arg10[%swap3A_1017] {strides = array<i32>} : memref<3168xf32, #tpu.memory_space<vmem>>, vector<16xf32>,
    %swap3A_1019 = vector.shape_cast %swap3A_1018 : vector<16xf32> to vector<16xf32>
    %swap3A_1020 = vector.shape_cast %mul3A_1016 : vector<16xf32> to vector<16xf32>
    tpu.vector_store %arg10[%swap3A_1017], %swap3A_1020 {strides = array<i32>} : memref<3168xf32, #tpu.memory_space<vmem>>, vector<16xf32>,
    %get3A_1021 = arith.constant 1968 : index
    %get3A_1022 = tpu.vector_load %arg8[%get3A_1021] {strides = array<i32>} : memref<3168xf32, #tpu.memory_space<vmem>>, vector<16xf32>,
    %get3A_1023 = vector.shape_cast %get3A_1022 : vector<16xf32> to vector<16xf32>
    %mul3A_1024 = arith.mulf %get3A_1023, %div3A_25 : vector<16xf32>
    %swap3A_1025 = arith.constant 1968 : index
    %swap3A_1026 = tpu.vector_load %arg10[%swap3A_1025] {strides = array<i32>} : memref<3168xf32, #tpu.memory_space<vmem>>, vector<16xf32>,
    %swap3A_1027 = vector.shape_cast %swap3A_1026 : vector<16xf32> to vector<16xf32>
    %swap3A_1028 = vector.shape_cast %mul3A_1024 : vector<16xf32> to vector<16xf32>
    tpu.vector_store %arg10[%swap3A_1025], %swap3A_1028 {strides = array<i32>} : memref<3168xf32, #tpu.memory_space<vmem>>, vector<16xf32>,
    %get3A_1029 = arith.constant 1984 : index
    %get3A_1030 = tpu.vector_load %arg8[%get3A_1029] {strides = array<i32>} : memref<3168xf32, #tpu.memory_space<vmem>>, vector<16xf32>,
    %get3A_1031 = vector.shape_cast %get3A_1030 : vector<16xf32> to vector<16xf32>
    %mul3A_1032 = arith.mulf %get3A_1031, %div3A_25 : vector<16xf32>
    %swap3A_1033 = arith.constant 1984 : index
    %swap3A_1034 = tpu.vector_load %arg10[%swap3A_1033] {strides = array<i32>} : memref<3168xf32, #tpu.memory_space<vmem>>, vector<16xf32>,
    %swap3A_1035 = vector.shape_cast %swap3A_1034 : vector<16xf32> to vector<16xf32>
    %swap3A_1036 = vector.shape_cast %mul3A_1032 : vector<16xf32> to vector<16xf32>
    tpu.vector_store %arg10[%swap3A_1033], %swap3A_1036 {strides = array<i32>} : memref<3168xf32, #tpu.memory_space<vmem>>, vector<16xf32>,
    %get3A_1037 = arith.constant 2000 : index
    %get3A_1038 = tpu.vector_load %arg8[%get3A_1037] {strides = array<i32>} : memref<3168xf32, #tpu.memory_space<vmem>>, vector<16xf32>,
    %get3A_1039 = vector.shape_cast %get3A_1038 : vector<16xf32> to vector<16xf32>
    %mul3A_1040 = arith.mulf %get3A_1039, %div3A_25 : vector<16xf32>
    %swap3A_1041 = arith.constant 2000 : index
    %swap3A_1042 = tpu.vector_load %arg10[%swap3A_1041] {strides = array<i32>} : memref<3168xf32, #tpu.memory_space<vmem>>, vector<16xf32>,
    %swap3A_1043 = vector.shape_cast %swap3A_1042 : vector<16xf32> to vector<16xf32>
    %swap3A_1044 = vector.shape_cast %mul3A_1040 : vector<16xf32> to vector<16xf32>
    tpu.vector_store %arg10[%swap3A_1041], %swap3A_1044 {strides = array<i32>} : memref<3168xf32, #tpu.memory_space<vmem>>, vector<16xf32>,
    %get3A_1045 = arith.constant 2016 : index
    %get3A_1046 = tpu.vector_load %arg8[%get3A_1045] {strides = array<i32>} : memref<3168xf32, #tpu.memory_space<vmem>>, vector<16xf32>,
    %get3A_1047 = vector.shape_cast %get3A_1046 : vector<16xf32> to vector<16xf32>
    %mul3A_1048 = arith.mulf %get3A_1047, %div3A_25 : vector<16xf32>
    %swap3A_1049 = arith.constant 2016 : index
    %swap3A_1050 = tpu.vector_load %arg10[%swap3A_1049] {strides = array<i32>} : memref<3168xf32, #tpu.memory_space<vmem>>, vector<16xf32>,
    %swap3A_1051 = vector.shape_cast %swap3A_1050 : vector<16xf32> to vector<16xf32>
    %swap3A_1052 = vector.shape_cast %mul3A_1048 : vector<16xf32> to vector<16xf32>
    tpu.vector_store %arg10[%swap3A_1049], %swap3A_1052 {strides = array<i32>} : memref<3168xf32, #tpu.memory_space<vmem>>, vector<16xf32>,
    %get3A_1053 = arith.constant 2032 : index
    %get3A_1054 = tpu.vector_load %arg8[%get3A_1053] {strides = array<i32>} : memref<3168xf32, #tpu.memory_space<vmem>>, vector<16xf32>,
    %get3A_1055 = vector.shape_cast %get3A_1054 : vector<16xf32> to vector<16xf32>
    %mul3A_1056 = arith.mulf %get3A_1055, %div3A_25 : vector<16xf32>
    %swap3A_1057 = arith.constant 2032 : index
    %swap3A_1058 = tpu.vector_load %arg10[%swap3A_1057] {strides = array<i32>} : memref<3168xf32, #tpu.memory_space<vmem>>, vector<16xf32>,
    %swap3A_1059 = vector.shape_cast %swap3A_1058 : vector<16xf32> to vector<16xf32>
    %swap3A_1060 = vector.shape_cast %mul3A_1056 : vector<16xf32> to vector<16xf32>
    tpu.vector_store %arg10[%swap3A_1057], %swap3A_1060 {strides = array<i32>} : memref<3168xf32, #tpu.memory_space<vmem>>, vector<16xf32>,
    %get3A_1061 = arith.constant 2048 : index
    %get3A_1062 = tpu.vector_load %arg8[%get3A_1061] {strides = array<i32>} : memref<3168xf32, #tpu.memory_space<vmem>>, vector<16xf32>,
    %get3A_1063 = vector.shape_cast %get3A_1062 : vector<16xf32> to vector<16xf32>
    %mul3A_1064 = arith.mulf %get3A_1063, %div3A_25 : vector<16xf32>
    %swap3A_1065 = arith.constant 2048 : index
    %swap3A_1066 = tpu.vector_load %arg10[%swap3A_1065] {strides = array<i32>} : memref<3168xf32, #tpu.memory_space<vmem>>, vector<16xf32>,
    %swap3A_1067 = vector.shape_cast %swap3A_1066 : vector<16xf32> to vector<16xf32>
    %swap3A_1068 = vector.shape_cast %mul3A_1064 : vector<16xf32> to vector<16xf32>
    tpu.vector_store %arg10[%swap3A_1065], %swap3A_1068 {strides = array<i32>} : memref<3168xf32, #tpu.memory_space<vmem>>, vector<16xf32>,
    %get3A_1069 = arith.constant 2064 : index
    %get3A_1070 = tpu.vector_load %arg8[%get3A_1069] {strides = array<i32>} : memref<3168xf32, #tpu.memory_space<vmem>>, vector<16xf32>,
    %get3A_1071 = vector.shape_cast %get3A_1070 : vector<16xf32> to vector<16xf32>
    %mul3A_1072 = arith.mulf %get3A_1071, %div3A_25 : vector<16xf32>
    %swap3A_1073 = arith.constant 2064 : index
    %swap3A_1074 = tpu.vector_load %arg10[%swap3A_1073] {strides = array<i32>} : memref<3168xf32, #tpu.memory_space<vmem>>, vector<16xf32>,
    %swap3A_1075 = vector.shape_cast %swap3A_1074 : vector<16xf32> to vector<16xf32>
    %swap3A_1076 = vector.shape_cast %mul3A_1072 : vector<16xf32> to vector<16xf32>
    tpu.vector_store %arg10[%swap3A_1073], %swap3A_1076 {strides = array<i32>} : memref<3168xf32, #tpu.memory_space<vmem>>, vector<16xf32>,
    %get3A_1077 = arith.constant 2080 : index
    %get3A_1078 = tpu.vector_load %arg8[%get3A_1077] {strides = array<i32>} : memref<3168xf32, #tpu.memory_space<vmem>>, vector<16xf32>,
    %get3A_1079 = vector.shape_cast %get3A_1078 : vector<16xf32> to vector<16xf32>
    %mul3A_1080 = arith.mulf %get3A_1079, %div3A_25 : vector<16xf32>
    %swap3A_1081 = arith.constant 2080 : index
    %swap3A_1082 = tpu.vector_load %arg10[%swap3A_1081] {strides = array<i32>} : memref<3168xf32, #tpu.memory_space<vmem>>, vector<16xf32>,
    %swap3A_1083 = vector.shape_cast %swap3A_1082 : vector<16xf32> to vector<16xf32>
    %swap3A_1084 = vector.shape_cast %mul3A_1080 : vector<16xf32> to vector<16xf32>
    tpu.vector_store %arg10[%swap3A_1081], %swap3A_1084 {strides = array<i32>} : memref<3168xf32, #tpu.memory_space<vmem>>, vector<16xf32>,
    %get3A_1085 = arith.constant 2096 : index
    %get3A_1086 = tpu.vector_load %arg8[%get3A_1085] {strides = array<i32>} : memref<3168xf32, #tpu.memory_space<vmem>>, vector<16xf32>,
    %get3A_1087 = vector.shape_cast %get3A_1086 : vector<16xf32> to vector<16xf32>
    %mul3A_1088 = arith.mulf %get3A_1087, %div3A_25 : vector<16xf32>
    %swap3A_1089 = arith.constant 2096 : index
    %swap3A_1090 = tpu.vector_load %arg10[%swap3A_1089] {strides = array<i32>} : memref<3168xf32, #tpu.memory_space<vmem>>, vector<16xf32>,
    %swap3A_1091 = vector.shape_cast %swap3A_1090 : vector<16xf32> to vector<16xf32>
    %swap3A_1092 = vector.shape_cast %mul3A_1088 : vector<16xf32> to vector<16xf32>
    tpu.vector_store %arg10[%swap3A_1089], %swap3A_1092 {strides = array<i32>} : memref<3168xf32, #tpu.memory_space<vmem>>, vector<16xf32>,
    %not3A_1093 = arith.constant true
    %not3A_1094 = arith.xori %eq3A_32, %not3A_1093 : i1
    %convert_element_type3A_1095 = arith.extui %not3A_1094 : i1 to i32
    %cond3A_1096 = arith.constant 0 : i32
    %cond3A_1097 = arith.cmpi ne, %convert_element_type3A_1095, %cond3A_1096 : i32
    scf.if %cond3A_1097 {
      %dma_start3A_3360 = arith.constant 1056 : i32
      %dma_start3A_3361 = tpu.memref_slice %arg10[%dma_start3A_3360] : memref<3168xf32, #tpu.memory_space<vmem>> -> memref<1056xf32, #tpu.memory_space<vmem>>
      %dma_start3A_3362 = tpu.memref_slice %arg5[%multiple_of3A] : memref<33400xf32, #tpu.memory_space<hbm>> -> memref<1056xf32, #tpu.memory_space<hbm>>
      %dma_start3A_3363 = tpu.memref_slice %arg5[%multiple_of3A] : memref<33400xf32, #tpu.memory_space<hbm>> -> memref<1056xf32, #tpu.memory_space<hbm>>
      %dma_start3A_3364 = arith.constant 1056 : i32
      %dma_start3A_3365 = tpu.memref_slice %arg10[%dma_start3A_3364] : memref<3168xf32, #tpu.memory_space<vmem>> -> memref<1056xf32, #tpu.memory_space<vmem>>
      tpu.enqueue_dma source(%dma_start3A_3365 : memref<1056xf32, #tpu.memory_space<vmem>>) target(%dma_start3A_3363 : memref<1056xf32, #tpu.memory_space<hbm>>) target_semaphore(%arg12 : memref<!tpu.dma_semaphore, #tpu.memory_space<semaphore_mem>>)
    } else {
    }
    %convert_element_type3A_1098 = arith.extui %eq3A_32 : i1 to i32
    %cond3A_1099 = arith.constant 0 : i32
    %cond3A_1100 = arith.cmpi ne, %convert_element_type3A_1098, %cond3A_1099 : i32
    scf.if %cond3A_1100 {
      %dma_start3A_3360 = arith.constant 1056 : i32
      %dma_start3A_3361 = tpu.memref_slice %arg10[%dma_start3A_3360] : memref<3168xf32, #tpu.memory_space<vmem>> -> memref<664xf32, #tpu.memory_space<vmem>>
      %dma_start3A_3362 = tpu.memref_slice %arg5[%multiple_of3A] : memref<33400xf32, #tpu.memory_space<hbm>> -> memref<664xf32, #tpu.memory_space<hbm>>
      %dma_start3A_3363 = tpu.memref_slice %arg5[%multiple_of3A] : memref<33400xf32, #tpu.memory_space<hbm>> -> memref<664xf32, #tpu.memory_space<hbm>>
      %dma_start3A_3364 = arith.constant 1056 : i32
      %dma_start3A_3365 = tpu.memref_slice %arg10[%dma_start3A_3364] : memref<3168xf32, #tpu.memory_space<vmem>> -> memref<664xf32, #tpu.memory_space<vmem>>
      tpu.enqueue_dma source(%dma_start3A_3365 : memref<664xf32, #tpu.memory_space<vmem>>) target(%dma_start3A_3363 : memref<664xf32, #tpu.memory_space<hbm>>) target_semaphore(%arg12 : memref<!tpu.dma_semaphore, #tpu.memory_space<semaphore_mem>>)
    } else {
    }
    %get3A_1101 = arith.constant 2112 : index
    %get3A_1102 = tpu.vector_load %arg8[%get3A_1101] {strides = array<i32>} : memref<3168xf32, #tpu.memory_space<vmem>>, vector<16xf32>,
    %get3A_1103 = vector.shape_cast %get3A_1102 : vector<16xf32> to vector<16xf32>
    %mul3A_1104 = arith.mulf %get3A_1103, %div3A_31 : vector<16xf32>
    %swap3A_1105 = arith.constant 2112 : index
    %swap3A_1106 = tpu.vector_load %arg10[%swap3A_1105] {strides = array<i32>} : memref<3168xf32, #tpu.memory_space<vmem>>, vector<16xf32>,
    %swap3A_1107 = vector.shape_cast %swap3A_1106 : vector<16xf32> to vector<16xf32>
    %swap3A_1108 = vector.shape_cast %mul3A_1104 : vector<16xf32> to vector<16xf32>
    tpu.vector_store %arg10[%swap3A_1105], %swap3A_1108 {strides = array<i32>} : memref<3168xf32, #tpu.memory_space<vmem>>, vector<16xf32>,
    %get3A_1109 = arith.constant 2128 : index
    %get3A_1110 = tpu.vector_load %arg8[%get3A_1109] {strides = array<i32>} : memref<3168xf32, #tpu.memory_space<vmem>>, vector<16xf32>,
    %get3A_1111 = vector.shape_cast %get3A_1110 : vector<16xf32> to vector<16xf32>
    %mul3A_1112 = arith.mulf %get3A_1111, %div3A_31 : vector<16xf32>
    %swap3A_1113 = arith.constant 2128 : index
    %swap3A_1114 = tpu.vector_load %arg10[%swap3A_1113] {strides = array<i32>} : memref<3168xf32, #tpu.memory_space<vmem>>, vector<16xf32>,
    %swap3A_1115 = vector.shape_cast %swap3A_1114 : vector<16xf32> to vector<16xf32>
    %swap3A_1116 = vector.shape_cast %mul3A_1112 : vector<16xf32> to vector<16xf32>
    tpu.vector_store %arg10[%swap3A_1113], %swap3A_1116 {strides = array<i32>} : memref<3168xf32, #tpu.memory_space<vmem>>, vector<16xf32>,
    %get3A_1117 = arith.constant 2144 : index
    %get3A_1118 = tpu.vector_load %arg8[%get3A_1117] {strides = array<i32>} : memref<3168xf32, #tpu.memory_space<vmem>>, vector<16xf32>,
    %get3A_1119 = vector.shape_cast %get3A_1118 : vector<16xf32> to vector<16xf32>
    %mul3A_1120 = arith.mulf %get3A_1119, %div3A_31 : vector<16xf32>
    %swap3A_1121 = arith.constant 2144 : index
    %swap3A_1122 = tpu.vector_load %arg10[%swap3A_1121] {strides = array<i32>} : memref<3168xf32, #tpu.memory_space<vmem>>, vector<16xf32>,
    %swap3A_1123 = vector.shape_cast %swap3A_1122 : vector<16xf32> to vector<16xf32>
    %swap3A_1124 = vector.shape_cast %mul3A_1120 : vector<16xf32> to vector<16xf32>
    tpu.vector_store %arg10[%swap3A_1121], %swap3A_1124 {strides = array<i32>} : memref<3168xf32, #tpu.memory_space<vmem>>, vector<16xf32>,
    %get3A_1125 = arith.constant 2160 : index
    %get3A_1126 = tpu.vector_load %arg8[%get3A_1125] {strides = array<i32>} : memref<3168xf32, #tpu.memory_space<vmem>>, vector<16xf32>,
    %get3A_1127 = vector.shape_cast %get3A_1126 : vector<16xf32> to vector<16xf32>
    %mul3A_1128 = arith.mulf %get3A_1127, %div3A_31 : vector<16xf32>
    %swap3A_1129 = arith.constant 2160 : index
    %swap3A_1130 = tpu.vector_load %arg10[%swap3A_1129] {strides = array<i32>} : memref<3168xf32, #tpu.memory_space<vmem>>, vector<16xf32>,
    %swap3A_1131 = vector.shape_cast %swap3A_1130 : vector<16xf32> to vector<16xf32>
    %swap3A_1132 = vector.shape_cast %mul3A_1128 : vector<16xf32> to vector<16xf32>
    tpu.vector_store %arg10[%swap3A_1129], %swap3A_1132 {strides = array<i32>} : memref<3168xf32, #tpu.memory_space<vmem>>, vector<16xf32>,
    %get3A_1133 = arith.constant 2176 : index
    %get3A_1134 = tpu.vector_load %arg8[%get3A_1133] {strides = array<i32>} : memref<3168xf32, #tpu.memory_space<vmem>>, vector<16xf32>,
    %get3A_1135 = vector.shape_cast %get3A_1134 : vector<16xf32> to vector<16xf32>
    %mul3A_1136 = arith.mulf %get3A_1135, %div3A_31 : vector<16xf32>
    %swap3A_1137 = arith.constant 2176 : index
    %swap3A_1138 = tpu.vector_load %arg10[%swap3A_1137] {strides = array<i32>} : memref<3168xf32, #tpu.memory_space<vmem>>, vector<16xf32>,
    %swap3A_1139 = vector.shape_cast %swap3A_1138 : vector<16xf32> to vector<16xf32>
    %swap3A_1140 = vector.shape_cast %mul3A_1136 : vector<16xf32> to vector<16xf32>
    tpu.vector_store %arg10[%swap3A_1137], %swap3A_1140 {strides = array<i32>} : memref<3168xf32, #tpu.memory_space<vmem>>, vector<16xf32>,
    %get3A_1141 = arith.constant 2192 : index
    %get3A_1142 = tpu.vector_load %arg8[%get3A_1141] {strides = array<i32>} : memref<3168xf32, #tpu.memory_space<vmem>>, vector<16xf32>,
    %get3A_1143 = vector.shape_cast %get3A_1142 : vector<16xf32> to vector<16xf32>
    %mul3A_1144 = arith.mulf %get3A_1143, %div3A_31 : vector<16xf32>
    %swap3A_1145 = arith.constant 2192 : index
    %swap3A_1146 = tpu.vector_load %arg10[%swap3A_1145] {strides = array<i32>} : memref<3168xf32, #tpu.memory_space<vmem>>, vector<16xf32>,
    %swap3A_1147 = vector.shape_cast %swap3A_1146 : vector<16xf32> to vector<16xf32>
    %swap3A_1148 = vector.shape_cast %mul3A_1144 : vector<16xf32> to vector<16xf32>
    tpu.vector_store %arg10[%swap3A_1145], %swap3A_1148 {strides = array<i32>} : memref<3168xf32, #tpu.memory_space<vmem>>, vector<16xf32>,
    %get3A_1149 = arith.constant 2208 : index
    %get3A_1150 = tpu.vector_load %arg8[%get3A_1149] {strides = array<i32>} : memref<3168xf32, #tpu.memory_space<vmem>>, vector<16xf32>,
    %get3A_1151 = vector.shape_cast %get3A_1150 : vector<16xf32> to vector<16xf32>
    %mul3A_1152 = arith.mulf %get3A_1151, %div3A_31 : vector<16xf32>
    %swap3A_1153 = arith.constant 2208 : index
    %swap3A_1154 = tpu.vector_load %arg10[%swap3A_1153] {strides = array<i32>} : memref<3168xf32, #tpu.memory_space<vmem>>, vector<16xf32>,
    %swap3A_1155 = vector.shape_cast %swap3A_1154 : vector<16xf32> to vector<16xf32>
    %swap3A_1156 = vector.shape_cast %mul3A_1152 : vector<16xf32> to vector<16xf32>
    tpu.vector_store %arg10[%swap3A_1153], %swap3A_1156 {strides = array<i32>} : memref<3168xf32, #tpu.memory_space<vmem>>, vector<16xf32>,
    %get3A_1157 = arith.constant 2224 : index
    %get3A_1158 = tpu.vector_load %arg8[%get3A_1157] {strides = array<i32>} : memref<3168xf32, #tpu.memory_space<vmem>>, vector<16xf32>,
    %get3A_1159 = vector.shape_cast %get3A_1158 : vector<16xf32> to vector<16xf32>
    %mul3A_1160 = arith.mulf %get3A_1159, %div3A_31 : vector<16xf32>
    %swap3A_1161 = arith.constant 2224 : index
    %swap3A_1162 = tpu.vector_load %arg10[%swap3A_1161] {strides = array<i32>} : memref<3168xf32, #tpu.memory_space<vmem>>, vector<16xf32>,
    %swap3A_1163 = vector.shape_cast %swap3A_1162 : vector<16xf32> to vector<16xf32>
    %swap3A_1164 = vector.shape_cast %mul3A_1160 : vector<16xf32> to vector<16xf32>
    tpu.vector_store %arg10[%swap3A_1161], %swap3A_1164 {strides = array<i32>} : memref<3168xf32, #tpu.memory_space<vmem>>, vector<16xf32>,
    %get3A_1165 = arith.constant 2240 : index
    %get3A_1166 = tpu.vector_load %arg8[%get3A_1165] {strides = array<i32>} : memref<3168xf32, #tpu.memory_space<vmem>>, vector<16xf32>,
    %get3A_1167 = vector.shape_cast %get3A_1166 : vector<16xf32> to vector<16xf32>
    %mul3A_1168 = arith.mulf %get3A_1167, %div3A_31 : vector<16xf32>
    %swap3A_1169 = arith.constant 2240 : index
    %swap3A_1170 = tpu.vector_load %arg10[%swap3A_1169] {strides = array<i32>} : memref<3168xf32, #tpu.memory_space<vmem>>, vector<16xf32>,
    %swap3A_1171 = vector.shape_cast %swap3A_1170 : vector<16xf32> to vector<16xf32>
    %swap3A_1172 = vector.shape_cast %mul3A_1168 : vector<16xf32> to vector<16xf32>
    tpu.vector_store %arg10[%swap3A_1169], %swap3A_1172 {strides = array<i32>} : memref<3168xf32, #tpu.memory_space<vmem>>, vector<16xf32>,
    %get3A_1173 = arith.constant 2256 : index
    %get3A_1174 = tpu.vector_load %arg8[%get3A_1173] {strides = array<i32>} : memref<3168xf32, #tpu.memory_space<vmem>>, vector<16xf32>,
    %get3A_1175 = vector.shape_cast %get3A_1174 : vector<16xf32> to vector<16xf32>
    %mul3A_1176 = arith.mulf %get3A_1175, %div3A_31 : vector<16xf32>
    %swap3A_1177 = arith.constant 2256 : index
    %swap3A_1178 = tpu.vector_load %arg10[%swap3A_1177] {strides = array<i32>} : memref<3168xf32, #tpu.memory_space<vmem>>, vector<16xf32>,
    %swap3A_1179 = vector.shape_cast %swap3A_1178 : vector<16xf32> to vector<16xf32>
    %swap3A_1180 = vector.shape_cast %mul3A_1176 : vector<16xf32> to vector<16xf32>
    tpu.vector_store %arg10[%swap3A_1177], %swap3A_1180 {strides = array<i32>} : memref<3168xf32, #tpu.memory_space<vmem>>, vector<16xf32>,
    %get3A_1181 = arith.constant 2272 : index
    %get3A_1182 = tpu.vector_load %arg8[%get3A_1181] {strides = array<i32>} : memref<3168xf32, #tpu.memory_space<vmem>>, vector<16xf32>,
    %get3A_1183 = vector.shape_cast %get3A_1182 : vector<16xf32> to vector<16xf32>
    %mul3A_1184 = arith.mulf %get3A_1183, %div3A_31 : vector<16xf32>
    %swap3A_1185 = arith.constant 2272 : index
    %swap3A_1186 = tpu.vector_load %arg10[%swap3A_1185] {strides = array<i32>} : memref<3168xf32, #tpu.memory_space<vmem>>, vector<16xf32>,
    %swap3A_1187 = vector.shape_cast %swap3A_1186 : vector<16xf32> to vector<16xf32>
    %swap3A_1188 = vector.shape_cast %mul3A_1184 : vector<16xf32> to vector<16xf32>
    tpu.vector_store %arg10[%swap3A_1185], %swap3A_1188 {strides = array<i32>} : memref<3168xf32, #tpu.memory_space<vmem>>, vector<16xf32>,
    %get3A_1189 = arith.constant 2288 : index
    %get3A_1190 = tpu.vector_load %arg8[%get3A_1189] {strides = array<i32>} : memref<3168xf32, #tpu.memory_space<vmem>>, vector<16xf32>,
    %get3A_1191 = vector.shape_cast %get3A_1190 : vector<16xf32> to vector<16xf32>
    %mul3A_1192 = arith.mulf %get3A_1191, %div3A_31 : vector<16xf32>
    %swap3A_1193 = arith.constant 2288 : index
    %swap3A_1194 = tpu.vector_load %arg10[%swap3A_1193] {strides = array<i32>} : memref<3168xf32, #tpu.memory_space<vmem>>, vector<16xf32>,
    %swap3A_1195 = vector.shape_cast %swap3A_1194 : vector<16xf32> to vector<16xf32>
    %swap3A_1196 = vector.shape_cast %mul3A_1192 : vector<16xf32> to vector<16xf32>
    tpu.vector_store %arg10[%swap3A_1193], %swap3A_1196 {strides = array<i32>} : memref<3168xf32, #tpu.memory_space<vmem>>, vector<16xf32>,
    %get3A_1197 = arith.constant 2304 : index
    %get3A_1198 = tpu.vector_load %arg8[%get3A_1197] {strides = array<i32>} : memref<3168xf32, #tpu.memory_space<vmem>>, vector<16xf32>,
    %get3A_1199 = vector.shape_cast %get3A_1198 : vector<16xf32> to vector<16xf32>
    %mul3A_1200 = arith.mulf %get3A_1199, %div3A_31 : vector<16xf32>
    %swap3A_1201 = arith.constant 2304 : index
    %swap3A_1202 = tpu.vector_load %arg10[%swap3A_1201] {strides = array<i32>} : memref<3168xf32, #tpu.memory_space<vmem>>, vector<16xf32>,
    %swap3A_1203 = vector.shape_cast %swap3A_1202 : vector<16xf32> to vector<16xf32>
    %swap3A_1204 = vector.shape_cast %mul3A_1200 : vector<16xf32> to vector<16xf32>
    tpu.vector_store %arg10[%swap3A_1201], %swap3A_1204 {strides = array<i32>} : memref<3168xf32, #tpu.memory_space<vmem>>, vector<16xf32>,
    %get3A_1205 = arith.constant 2320 : index
    %get3A_1206 = tpu.vector_load %arg8[%get3A_1205] {strides = array<i32>} : memref<3168xf32, #tpu.memory_space<vmem>>, vector<16xf32>,
    %get3A_1207 = vector.shape_cast %get3A_1206 : vector<16xf32> to vector<16xf32>
    %mul3A_1208 = arith.mulf %get3A_1207, %div3A_31 : vector<16xf32>
    %swap3A_1209 = arith.constant 2320 : index
    %swap3A_1210 = tpu.vector_load %arg10[%swap3A_1209] {strides = array<i32>} : memref<3168xf32, #tpu.memory_space<vmem>>, vector<16xf32>,
    %swap3A_1211 = vector.shape_cast %swap3A_1210 : vector<16xf32> to vector<16xf32>
    %swap3A_1212 = vector.shape_cast %mul3A_1208 : vector<16xf32> to vector<16xf32>
    tpu.vector_store %arg10[%swap3A_1209], %swap3A_1212 {strides = array<i32>} : memref<3168xf32, #tpu.memory_space<vmem>>, vector<16xf32>,
    %get3A_1213 = arith.constant 2336 : index
    %get3A_1214 = tpu.vector_load %arg8[%get3A_1213] {strides = array<i32>} : memref<3168xf32, #tpu.memory_space<vmem>>, vector<16xf32>,
    %get3A_1215 = vector.shape_cast %get3A_1214 : vector<16xf32> to vector<16xf32>
    %mul3A_1216 = arith.mulf %get3A_1215, %div3A_31 : vector<16xf32>
    %swap3A_1217 = arith.constant 2336 : index
    %swap3A_1218 = tpu.vector_load %arg10[%swap3A_1217] {strides = array<i32>} : memref<3168xf32, #tpu.memory_space<vmem>>, vector<16xf32>,
    %swap3A_1219 = vector.shape_cast %swap3A_1218 : vector<16xf32> to vector<16xf32>
    %swap3A_1220 = vector.shape_cast %mul3A_1216 : vector<16xf32> to vector<16xf32>
    tpu.vector_store %arg10[%swap3A_1217], %swap3A_1220 {strides = array<i32>} : memref<3168xf32, #tpu.memory_space<vmem>>, vector<16xf32>,
    %get3A_1221 = arith.constant 2352 : index
    %get3A_1222 = tpu.vector_load %arg8[%get3A_1221] {strides = array<i32>} : memref<3168xf32, #tpu.memory_space<vmem>>, vector<16xf32>,
    %get3A_1223 = vector.shape_cast %get3A_1222 : vector<16xf32> to vector<16xf32>
    %mul3A_1224 = arith.mulf %get3A_1223, %div3A_31 : vector<16xf32>
    %swap3A_1225 = arith.constant 2352 : index
    %swap3A_1226 = tpu.vector_load %arg10[%swap3A_1225] {strides = array<i32>} : memref<3168xf32, #tpu.memory_space<vmem>>, vector<16xf32>,
    %swap3A_1227 = vector.shape_cast %swap3A_1226 : vector<16xf32> to vector<16xf32>
    %swap3A_1228 = vector.shape_cast %mul3A_1224 : vector<16xf32> to vector<16xf32>
    tpu.vector_store %arg10[%swap3A_1225], %swap3A_1228 {strides = array<i32>} : memref<3168xf32, #tpu.memory_space<vmem>>, vector<16xf32>,
    %get3A_1229 = arith.constant 2368 : index
    %get3A_1230 = tpu.vector_load %arg8[%get3A_1229] {strides = array<i32>} : memref<3168xf32, #tpu.memory_space<vmem>>, vector<16xf32>,
    %get3A_1231 = vector.shape_cast %get3A_1230 : vector<16xf32> to vector<16xf32>
    %mul3A_1232 = arith.mulf %get3A_1231, %div3A_31 : vector<16xf32>
    %swap3A_1233 = arith.constant 2368 : index
    %swap3A_1234 = tpu.vector_load %arg10[%swap3A_1233] {strides = array<i32>} : memref<3168xf32, #tpu.memory_space<vmem>>, vector<16xf32>,
    %swap3A_1235 = vector.shape_cast %swap3A_1234 : vector<16xf32> to vector<16xf32>
    %swap3A_1236 = vector.shape_cast %mul3A_1232 : vector<16xf32> to vector<16xf32>
    tpu.vector_store %arg10[%swap3A_1233], %swap3A_1236 {strides = array<i32>} : memref<3168xf32, #tpu.memory_space<vmem>>, vector<16xf32>,
    %get3A_1237 = arith.constant 2384 : index
    %get3A_1238 = tpu.vector_load %arg8[%get3A_1237] {strides = array<i32>} : memref<3168xf32, #tpu.memory_space<vmem>>, vector<16xf32>,
    %get3A_1239 = vector.shape_cast %get3A_1238 : vector<16xf32> to vector<16xf32>
    %mul3A_1240 = arith.mulf %get3A_1239, %div3A_31 : vector<16xf32>
    %swap3A_1241 = arith.constant 2384 : index
    %swap3A_1242 = tpu.vector_load %arg10[%swap3A_1241] {strides = array<i32>} : memref<3168xf32, #tpu.memory_space<vmem>>, vector<16xf32>,
    %swap3A_1243 = vector.shape_cast %swap3A_1242 : vector<16xf32> to vector<16xf32>
    %swap3A_1244 = vector.shape_cast %mul3A_1240 : vector<16xf32> to vector<16xf32>
    tpu.vector_store %arg10[%swap3A_1241], %swap3A_1244 {strides = array<i32>} : memref<3168xf32, #tpu.memory_space<vmem>>, vector<16xf32>,
    %get3A_1245 = arith.constant 2400 : index
    %get3A_1246 = tpu.vector_load %arg8[%get3A_1245] {strides = array<i32>} : memref<3168xf32, #tpu.memory_space<vmem>>, vector<16xf32>,
    %get3A_1247 = vector.shape_cast %get3A_1246 : vector<16xf32> to vector<16xf32>
    %mul3A_1248 = arith.mulf %get3A_1247, %div3A_31 : vector<16xf32>
    %swap3A_1249 = arith.constant 2400 : index
    %swap3A_1250 = tpu.vector_load %arg10[%swap3A_1249] {strides = array<i32>} : memref<3168xf32, #tpu.memory_space<vmem>>, vector<16xf32>,
    %swap3A_1251 = vector.shape_cast %swap3A_1250 : vector<16xf32> to vector<16xf32>
    %swap3A_1252 = vector.shape_cast %mul3A_1248 : vector<16xf32> to vector<16xf32>
    tpu.vector_store %arg10[%swap3A_1249], %swap3A_1252 {strides = array<i32>} : memref<3168xf32, #tpu.memory_space<vmem>>, vector<16xf32>,
    %get3A_1253 = arith.constant 2416 : index
    %get3A_1254 = tpu.vector_load %arg8[%get3A_1253] {strides = array<i32>} : memref<3168xf32, #tpu.memory_space<vmem>>, vector<16xf32>,
    %get3A_1255 = vector.shape_cast %get3A_1254 : vector<16xf32> to vector<16xf32>
    %mul3A_1256 = arith.mulf %get3A_1255, %div3A_31 : vector<16xf32>
    %swap3A_1257 = arith.constant 2416 : index
    %swap3A_1258 = tpu.vector_load %arg10[%swap3A_1257] {strides = array<i32>} : memref<3168xf32, #tpu.memory_space<vmem>>, vector<16xf32>,
    %swap3A_1259 = vector.shape_cast %swap3A_1258 : vector<16xf32> to vector<16xf32>
    %swap3A_1260 = vector.shape_cast %mul3A_1256 : vector<16xf32> to vector<16xf32>
    tpu.vector_store %arg10[%swap3A_1257], %swap3A_1260 {strides = array<i32>} : memref<3168xf32, #tpu.memory_space<vmem>>, vector<16xf32>,
    %get3A_1261 = arith.constant 2432 : index
    %get3A_1262 = tpu.vector_load %arg8[%get3A_1261] {strides = array<i32>} : memref<3168xf32, #tpu.memory_space<vmem>>, vector<16xf32>,
    %get3A_1263 = vector.shape_cast %get3A_1262 : vector<16xf32> to vector<16xf32>
    %mul3A_1264 = arith.mulf %get3A_1263, %div3A_31 : vector<16xf32>
    %swap3A_1265 = arith.constant 2432 : index
    %swap3A_1266 = tpu.vector_load %arg10[%swap3A_1265] {strides = array<i32>} : memref<3168xf32, #tpu.memory_space<vmem>>, vector<16xf32>,
    %swap3A_1267 = vector.shape_cast %swap3A_1266 : vector<16xf32> to vector<16xf32>
    %swap3A_1268 = vector.shape_cast %mul3A_1264 : vector<16xf32> to vector<16xf32>
    tpu.vector_store %arg10[%swap3A_1265], %swap3A_1268 {strides = array<i32>} : memref<3168xf32, #tpu.memory_space<vmem>>, vector<16xf32>,
    %get3A_1269 = arith.constant 2448 : index
    %get3A_1270 = tpu.vector_load %arg8[%get3A_1269] {strides = array<i32>} : memref<3168xf32, #tpu.memory_space<vmem>>, vector<16xf32>,
    %get3A_1271 = vector.shape_cast %get3A_1270 : vector<16xf32> to vector<16xf32>
    %mul3A_1272 = arith.mulf %get3A_1271, %div3A_31 : vector<16xf32>
    %swap3A_1273 = arith.constant 2448 : index
    %swap3A_1274 = tpu.vector_load %arg10[%swap3A_1273] {strides = array<i32>} : memref<3168xf32, #tpu.memory_space<vmem>>, vector<16xf32>,
    %swap3A_1275 = vector.shape_cast %swap3A_1274 : vector<16xf32> to vector<16xf32>
    %swap3A_1276 = vector.shape_cast %mul3A_1272 : vector<16xf32> to vector<16xf32>
    tpu.vector_store %arg10[%swap3A_1273], %swap3A_1276 {strides = array<i32>} : memref<3168xf32, #tpu.memory_space<vmem>>, vector<16xf32>,
    %get3A_1277 = arith.constant 2464 : index
    %get3A_1278 = tpu.vector_load %arg8[%get3A_1277] {strides = array<i32>} : memref<3168xf32, #tpu.memory_space<vmem>>, vector<16xf32>,
    %get3A_1279 = vector.shape_cast %get3A_1278 : vector<16xf32> to vector<16xf32>
    %mul3A_1280 = arith.mulf %get3A_1279, %div3A_31 : vector<16xf32>
    %swap3A_1281 = arith.constant 2464 : index
    %swap3A_1282 = tpu.vector_load %arg10[%swap3A_1281] {strides = array<i32>} : memref<3168xf32, #tpu.memory_space<vmem>>, vector<16xf32>,
    %swap3A_1283 = vector.shape_cast %swap3A_1282 : vector<16xf32> to vector<16xf32>
    %swap3A_1284 = vector.shape_cast %mul3A_1280 : vector<16xf32> to vector<16xf32>
    tpu.vector_store %arg10[%swap3A_1281], %swap3A_1284 {strides = array<i32>} : memref<3168xf32, #tpu.memory_space<vmem>>, vector<16xf32>,
    %get3A_1285 = arith.constant 2480 : index
    %get3A_1286 = tpu.vector_load %arg8[%get3A_1285] {strides = array<i32>} : memref<3168xf32, #tpu.memory_space<vmem>>, vector<16xf32>,
    %get3A_1287 = vector.shape_cast %get3A_1286 : vector<16xf32> to vector<16xf32>
    %mul3A_1288 = arith.mulf %get3A_1287, %div3A_31 : vector<16xf32>
    %swap3A_1289 = arith.constant 2480 : index
    %swap3A_1290 = tpu.vector_load %arg10[%swap3A_1289] {strides = array<i32>} : memref<3168xf32, #tpu.memory_space<vmem>>, vector<16xf32>,
    %swap3A_1291 = vector.shape_cast %swap3A_1290 : vector<16xf32> to vector<16xf32>
    %swap3A_1292 = vector.shape_cast %mul3A_1288 : vector<16xf32> to vector<16xf32>
    tpu.vector_store %arg10[%swap3A_1289], %swap3A_1292 {strides = array<i32>} : memref<3168xf32, #tpu.memory_space<vmem>>, vector<16xf32>,
    %get3A_1293 = arith.constant 2496 : index
    %get3A_1294 = tpu.vector_load %arg8[%get3A_1293] {strides = array<i32>} : memref<3168xf32, #tpu.memory_space<vmem>>, vector<16xf32>,
    %get3A_1295 = vector.shape_cast %get3A_1294 : vector<16xf32> to vector<16xf32>
    %mul3A_1296 = arith.mulf %get3A_1295, %div3A_31 : vector<16xf32>
    %swap3A_1297 = arith.constant 2496 : index
    %swap3A_1298 = tpu.vector_load %arg10[%swap3A_1297] {strides = array<i32>} : memref<3168xf32, #tpu.memory_space<vmem>>, vector<16xf32>,
    %swap3A_1299 = vector.shape_cast %swap3A_1298 : vector<16xf32> to vector<16xf32>
    %swap3A_1300 = vector.shape_cast %mul3A_1296 : vector<16xf32> to vector<16xf32>
    tpu.vector_store %arg10[%swap3A_1297], %swap3A_1300 {strides = array<i32>} : memref<3168xf32, #tpu.memory_space<vmem>>, vector<16xf32>,
    %get3A_1301 = arith.constant 2512 : index
    %get3A_1302 = tpu.vector_load %arg8[%get3A_1301] {strides = array<i32>} : memref<3168xf32, #tpu.memory_space<vmem>>, vector<16xf32>,
    %get3A_1303 = vector.shape_cast %get3A_1302 : vector<16xf32> to vector<16xf32>
    %mul3A_1304 = arith.mulf %get3A_1303, %div3A_31 : vector<16xf32>
    %swap3A_1305 = arith.constant 2512 : index
    %swap3A_1306 = tpu.vector_load %arg10[%swap3A_1305] {strides = array<i32>} : memref<3168xf32, #tpu.memory_space<vmem>>, vector<16xf32>,
    %swap3A_1307 = vector.shape_cast %swap3A_1306 : vector<16xf32> to vector<16xf32>
    %swap3A_1308 = vector.shape_cast %mul3A_1304 : vector<16xf32> to vector<16xf32>
    tpu.vector_store %arg10[%swap3A_1305], %swap3A_1308 {strides = array<i32>} : memref<3168xf32, #tpu.memory_space<vmem>>, vector<16xf32>,
    %get3A_1309 = arith.constant 2528 : index
    %get3A_1310 = tpu.vector_load %arg8[%get3A_1309] {strides = array<i32>} : memref<3168xf32, #tpu.memory_space<vmem>>, vector<16xf32>,
    %get3A_1311 = vector.shape_cast %get3A_1310 : vector<16xf32> to vector<16xf32>
    %mul3A_1312 = arith.mulf %get3A_1311, %div3A_31 : vector<16xf32>
    %swap3A_1313 = arith.constant 2528 : index
    %swap3A_1314 = tpu.vector_load %arg10[%swap3A_1313] {strides = array<i32>} : memref<3168xf32, #tpu.memory_space<vmem>>, vector<16xf32>,
    %swap3A_1315 = vector.shape_cast %swap3A_1314 : vector<16xf32> to vector<16xf32>
    %swap3A_1316 = vector.shape_cast %mul3A_1312 : vector<16xf32> to vector<16xf32>
    tpu.vector_store %arg10[%swap3A_1313], %swap3A_1316 {strides = array<i32>} : memref<3168xf32, #tpu.memory_space<vmem>>, vector<16xf32>,
    %get3A_1317 = arith.constant 2544 : index
    %get3A_1318 = tpu.vector_load %arg8[%get3A_1317] {strides = array<i32>} : memref<3168xf32, #tpu.memory_space<vmem>>, vector<16xf32>,
    %get3A_1319 = vector.shape_cast %get3A_1318 : vector<16xf32> to vector<16xf32>
    %mul3A_1320 = arith.mulf %get3A_1319, %div3A_31 : vector<16xf32>
    %swap3A_1321 = arith.constant 2544 : index
    %swap3A_1322 = tpu.vector_load %arg10[%swap3A_1321] {strides = array<i32>} : memref<3168xf32, #tpu.memory_space<vmem>>, vector<16xf32>,
    %swap3A_1323 = vector.shape_cast %swap3A_1322 : vector<16xf32> to vector<16xf32>
    %swap3A_1324 = vector.shape_cast %mul3A_1320 : vector<16xf32> to vector<16xf32>
    tpu.vector_store %arg10[%swap3A_1321], %swap3A_1324 {strides = array<i32>} : memref<3168xf32, #tpu.memory_space<vmem>>, vector<16xf32>,
    %get3A_1325 = arith.constant 2560 : index
    %get3A_1326 = tpu.vector_load %arg8[%get3A_1325] {strides = array<i32>} : memref<3168xf32, #tpu.memory_space<vmem>>, vector<16xf32>,
    %get3A_1327 = vector.shape_cast %get3A_1326 : vector<16xf32> to vector<16xf32>
    %mul3A_1328 = arith.mulf %get3A_1327, %div3A_31 : vector<16xf32>
    %swap3A_1329 = arith.constant 2560 : index
    %swap3A_1330 = tpu.vector_load %arg10[%swap3A_1329] {strides = array<i32>} : memref<3168xf32, #tpu.memory_space<vmem>>, vector<16xf32>,
    %swap3A_1331 = vector.shape_cast %swap3A_1330 : vector<16xf32> to vector<16xf32>
    %swap3A_1332 = vector.shape_cast %mul3A_1328 : vector<16xf32> to vector<16xf32>
    tpu.vector_store %arg10[%swap3A_1329], %swap3A_1332 {strides = array<i32>} : memref<3168xf32, #tpu.memory_space<vmem>>, vector<16xf32>,
    %get3A_1333 = arith.constant 2576 : index
    %get3A_1334 = tpu.vector_load %arg8[%get3A_1333] {strides = array<i32>} : memref<3168xf32, #tpu.memory_space<vmem>>, vector<16xf32>,
    %get3A_1335 = vector.shape_cast %get3A_1334 : vector<16xf32> to vector<16xf32>
    %mul3A_1336 = arith.mulf %get3A_1335, %div3A_31 : vector<16xf32>
    %swap3A_1337 = arith.constant 2576 : index
    %swap3A_1338 = tpu.vector_load %arg10[%swap3A_1337] {strides = array<i32>} : memref<3168xf32, #tpu.memory_space<vmem>>, vector<16xf32>,
    %swap3A_1339 = vector.shape_cast %swap3A_1338 : vector<16xf32> to vector<16xf32>
    %swap3A_1340 = vector.shape_cast %mul3A_1336 : vector<16xf32> to vector<16xf32>
    tpu.vector_store %arg10[%swap3A_1337], %swap3A_1340 {strides = array<i32>} : memref<3168xf32, #tpu.memory_space<vmem>>, vector<16xf32>,
    %get3A_1341 = arith.constant 2592 : index
    %get3A_1342 = tpu.vector_load %arg8[%get3A_1341] {strides = array<i32>} : memref<3168xf32, #tpu.memory_space<vmem>>, vector<16xf32>,
    %get3A_1343 = vector.shape_cast %get3A_1342 : vector<16xf32> to vector<16xf32>
    %mul3A_1344 = arith.mulf %get3A_1343, %div3A_31 : vector<16xf32>
    %swap3A_1345 = arith.constant 2592 : index
    %swap3A_1346 = tpu.vector_load %arg10[%swap3A_1345] {strides = array<i32>} : memref<3168xf32, #tpu.memory_space<vmem>>, vector<16xf32>,
    %swap3A_1347 = vector.shape_cast %swap3A_1346 : vector<16xf32> to vector<16xf32>
    %swap3A_1348 = vector.shape_cast %mul3A_1344 : vector<16xf32> to vector<16xf32>
    tpu.vector_store %arg10[%swap3A_1345], %swap3A_1348 {strides = array<i32>} : memref<3168xf32, #tpu.memory_space<vmem>>, vector<16xf32>,
    %get3A_1349 = arith.constant 2608 : index
    %get3A_1350 = tpu.vector_load %arg8[%get3A_1349] {strides = array<i32>} : memref<3168xf32, #tpu.memory_space<vmem>>, vector<16xf32>,
    %get3A_1351 = vector.shape_cast %get3A_1350 : vector<16xf32> to vector<16xf32>
    %mul3A_1352 = arith.mulf %get3A_1351, %div3A_31 : vector<16xf32>
    %swap3A_1353 = arith.constant 2608 : index
    %swap3A_1354 = tpu.vector_load %arg10[%swap3A_1353] {strides = array<i32>} : memref<3168xf32, #tpu.memory_space<vmem>>, vector<16xf32>,
    %swap3A_1355 = vector.shape_cast %swap3A_1354 : vector<16xf32> to vector<16xf32>
    %swap3A_1356 = vector.shape_cast %mul3A_1352 : vector<16xf32> to vector<16xf32>
    tpu.vector_store %arg10[%swap3A_1353], %swap3A_1356 {strides = array<i32>} : memref<3168xf32, #tpu.memory_space<vmem>>, vector<16xf32>,
    %get3A_1357 = arith.constant 2624 : index
    %get3A_1358 = tpu.vector_load %arg8[%get3A_1357] {strides = array<i32>} : memref<3168xf32, #tpu.memory_space<vmem>>, vector<16xf32>,
    %get3A_1359 = vector.shape_cast %get3A_1358 : vector<16xf32> to vector<16xf32>
    %mul3A_1360 = arith.mulf %get3A_1359, %div3A_31 : vector<16xf32>
    %swap3A_1361 = arith.constant 2624 : index
    %swap3A_1362 = tpu.vector_load %arg10[%swap3A_1361] {strides = array<i32>} : memref<3168xf32, #tpu.memory_space<vmem>>, vector<16xf32>,
    %swap3A_1363 = vector.shape_cast %swap3A_1362 : vector<16xf32> to vector<16xf32>
    %swap3A_1364 = vector.shape_cast %mul3A_1360 : vector<16xf32> to vector<16xf32>
    tpu.vector_store %arg10[%swap3A_1361], %swap3A_1364 {strides = array<i32>} : memref<3168xf32, #tpu.memory_space<vmem>>, vector<16xf32>,
    %get3A_1365 = arith.constant 2640 : index
    %get3A_1366 = tpu.vector_load %arg8[%get3A_1365] {strides = array<i32>} : memref<3168xf32, #tpu.memory_space<vmem>>, vector<16xf32>,
    %get3A_1367 = vector.shape_cast %get3A_1366 : vector<16xf32> to vector<16xf32>
    %mul3A_1368 = arith.mulf %get3A_1367, %div3A_31 : vector<16xf32>
    %swap3A_1369 = arith.constant 2640 : index
    %swap3A_1370 = tpu.vector_load %arg10[%swap3A_1369] {strides = array<i32>} : memref<3168xf32, #tpu.memory_space<vmem>>, vector<16xf32>,
    %swap3A_1371 = vector.shape_cast %swap3A_1370 : vector<16xf32> to vector<16xf32>
    %swap3A_1372 = vector.shape_cast %mul3A_1368 : vector<16xf32> to vector<16xf32>
    tpu.vector_store %arg10[%swap3A_1369], %swap3A_1372 {strides = array<i32>} : memref<3168xf32, #tpu.memory_space<vmem>>, vector<16xf32>,
    %get3A_1373 = arith.constant 2656 : index
    %get3A_1374 = tpu.vector_load %arg8[%get3A_1373] {strides = array<i32>} : memref<3168xf32, #tpu.memory_space<vmem>>, vector<16xf32>,
    %get3A_1375 = vector.shape_cast %get3A_1374 : vector<16xf32> to vector<16xf32>
    %mul3A_1376 = arith.mulf %get3A_1375, %div3A_31 : vector<16xf32>
    %swap3A_1377 = arith.constant 2656 : index
    %swap3A_1378 = tpu.vector_load %arg10[%swap3A_1377] {strides = array<i32>} : memref<3168xf32, #tpu.memory_space<vmem>>, vector<16xf32>,
    %swap3A_1379 = vector.shape_cast %swap3A_1378 : vector<16xf32> to vector<16xf32>
    %swap3A_1380 = vector.shape_cast %mul3A_1376 : vector<16xf32> to vector<16xf32>
    tpu.vector_store %arg10[%swap3A_1377], %swap3A_1380 {strides = array<i32>} : memref<3168xf32, #tpu.memory_space<vmem>>, vector<16xf32>,
    %get3A_1381 = arith.constant 2672 : index
    %get3A_1382 = tpu.vector_load %arg8[%get3A_1381] {strides = array<i32>} : memref<3168xf32, #tpu.memory_space<vmem>>, vector<16xf32>,
    %get3A_1383 = vector.shape_cast %get3A_1382 : vector<16xf32> to vector<16xf32>
    %mul3A_1384 = arith.mulf %get3A_1383, %div3A_31 : vector<16xf32>
    %swap3A_1385 = arith.constant 2672 : index
    %swap3A_1386 = tpu.vector_load %arg10[%swap3A_1385] {strides = array<i32>} : memref<3168xf32, #tpu.memory_space<vmem>>, vector<16xf32>,
    %swap3A_1387 = vector.shape_cast %swap3A_1386 : vector<16xf32> to vector<16xf32>
    %swap3A_1388 = vector.shape_cast %mul3A_1384 : vector<16xf32> to vector<16xf32>
    tpu.vector_store %arg10[%swap3A_1385], %swap3A_1388 {strides = array<i32>} : memref<3168xf32, #tpu.memory_space<vmem>>, vector<16xf32>,
    %get3A_1389 = arith.constant 2688 : index
    %get3A_1390 = tpu.vector_load %arg8[%get3A_1389] {strides = array<i32>} : memref<3168xf32, #tpu.memory_space<vmem>>, vector<16xf32>,
    %get3A_1391 = vector.shape_cast %get3A_1390 : vector<16xf32> to vector<16xf32>
    %mul3A_1392 = arith.mulf %get3A_1391, %div3A_31 : vector<16xf32>
    %swap3A_1393 = arith.constant 2688 : index
    %swap3A_1394 = tpu.vector_load %arg10[%swap3A_1393] {strides = array<i32>} : memref<3168xf32, #tpu.memory_space<vmem>>, vector<16xf32>,
    %swap3A_1395 = vector.shape_cast %swap3A_1394 : vector<16xf32> to vector<16xf32>
    %swap3A_1396 = vector.shape_cast %mul3A_1392 : vector<16xf32> to vector<16xf32>
    tpu.vector_store %arg10[%swap3A_1393], %swap3A_1396 {strides = array<i32>} : memref<3168xf32, #tpu.memory_space<vmem>>, vector<16xf32>,
    %get3A_1397 = arith.constant 2704 : index
    %get3A_1398 = tpu.vector_load %arg8[%get3A_1397] {strides = array<i32>} : memref<3168xf32, #tpu.memory_space<vmem>>, vector<16xf32>,
    %get3A_1399 = vector.shape_cast %get3A_1398 : vector<16xf32> to vector<16xf32>
    %mul3A_1400 = arith.mulf %get3A_1399, %div3A_31 : vector<16xf32>
    %swap3A_1401 = arith.constant 2704 : index
    %swap3A_1402 = tpu.vector_load %arg10[%swap3A_1401] {strides = array<i32>} : memref<3168xf32, #tpu.memory_space<vmem>>, vector<16xf32>,
    %swap3A_1403 = vector.shape_cast %swap3A_1402 : vector<16xf32> to vector<16xf32>
    %swap3A_1404 = vector.shape_cast %mul3A_1400 : vector<16xf32> to vector<16xf32>
    tpu.vector_store %arg10[%swap3A_1401], %swap3A_1404 {strides = array<i32>} : memref<3168xf32, #tpu.memory_space<vmem>>, vector<16xf32>,
    %get3A_1405 = arith.constant 2720 : index
    %get3A_1406 = tpu.vector_load %arg8[%get3A_1405] {strides = array<i32>} : memref<3168xf32, #tpu.memory_space<vmem>>, vector<16xf32>,
    %get3A_1407 = vector.shape_cast %get3A_1406 : vector<16xf32> to vector<16xf32>
    %mul3A_1408 = arith.mulf %get3A_1407, %div3A_31 : vector<16xf32>
    %swap3A_1409 = arith.constant 2720 : index
    %swap3A_1410 = tpu.vector_load %arg10[%swap3A_1409] {strides = array<i32>} : memref<3168xf32, #tpu.memory_space<vmem>>, vector<16xf32>,
    %swap3A_1411 = vector.shape_cast %swap3A_1410 : vector<16xf32> to vector<16xf32>
    %swap3A_1412 = vector.shape_cast %mul3A_1408 : vector<16xf32> to vector<16xf32>
    tpu.vector_store %arg10[%swap3A_1409], %swap3A_1412 {strides = array<i32>} : memref<3168xf32, #tpu.memory_space<vmem>>, vector<16xf32>,
    %get3A_1413 = arith.constant 2736 : index
    %get3A_1414 = tpu.vector_load %arg8[%get3A_1413] {strides = array<i32>} : memref<3168xf32, #tpu.memory_space<vmem>>, vector<16xf32>,
    %get3A_1415 = vector.shape_cast %get3A_1414 : vector<16xf32> to vector<16xf32>
    %mul3A_1416 = arith.mulf %get3A_1415, %div3A_31 : vector<16xf32>
    %swap3A_1417 = arith.constant 2736 : index
    %swap3A_1418 = tpu.vector_load %arg10[%swap3A_1417] {strides = array<i32>} : memref<3168xf32, #tpu.memory_space<vmem>>, vector<16xf32>,
    %swap3A_1419 = vector.shape_cast %swap3A_1418 : vector<16xf32> to vector<16xf32>
    %swap3A_1420 = vector.shape_cast %mul3A_1416 : vector<16xf32> to vector<16xf32>
    tpu.vector_store %arg10[%swap3A_1417], %swap3A_1420 {strides = array<i32>} : memref<3168xf32, #tpu.memory_space<vmem>>, vector<16xf32>,
    %get3A_1421 = arith.constant 2752 : index
    %get3A_1422 = tpu.vector_load %arg8[%get3A_1421] {strides = array<i32>} : memref<3168xf32, #tpu.memory_space<vmem>>, vector<16xf32>,
    %get3A_1423 = vector.shape_cast %get3A_1422 : vector<16xf32> to vector<16xf32>
    %mul3A_1424 = arith.mulf %get3A_1423, %div3A_31 : vector<16xf32>
    %swap3A_1425 = arith.constant 2752 : index
    %swap3A_1426 = tpu.vector_load %arg10[%swap3A_1425] {strides = array<i32>} : memref<3168xf32, #tpu.memory_space<vmem>>, vector<16xf32>,
    %swap3A_1427 = vector.shape_cast %swap3A_1426 : vector<16xf32> to vector<16xf32>
    %swap3A_1428 = vector.shape_cast %mul3A_1424 : vector<16xf32> to vector<16xf32>
    tpu.vector_store %arg10[%swap3A_1425], %swap3A_1428 {strides = array<i32>} : memref<3168xf32, #tpu.memory_space<vmem>>, vector<16xf32>,
    %get3A_1429 = arith.constant 2768 : index
    %get3A_1430 = tpu.vector_load %arg8[%get3A_1429] {strides = array<i32>} : memref<3168xf32, #tpu.memory_space<vmem>>, vector<16xf32>,
    %get3A_1431 = vector.shape_cast %get3A_1430 : vector<16xf32> to vector<16xf32>
    %mul3A_1432 = arith.mulf %get3A_1431, %div3A_31 : vector<16xf32>
    %swap3A_1433 = arith.constant 2768 : index
    %swap3A_1434 = tpu.vector_load %arg10[%swap3A_1433] {strides = array<i32>} : memref<3168xf32, #tpu.memory_space<vmem>>, vector<16xf32>,
    %swap3A_1435 = vector.shape_cast %swap3A_1434 : vector<16xf32> to vector<16xf32>
    %swap3A_1436 = vector.shape_cast %mul3A_1432 : vector<16xf32> to vector<16xf32>
    tpu.vector_store %arg10[%swap3A_1433], %swap3A_1436 {strides = array<i32>} : memref<3168xf32, #tpu.memory_space<vmem>>, vector<16xf32>,
    %get3A_1437 = arith.constant 2784 : index
    %get3A_1438 = tpu.vector_load %arg8[%get3A_1437] {strides = array<i32>} : memref<3168xf32, #tpu.memory_space<vmem>>, vector<16xf32>,
    %get3A_1439 = vector.shape_cast %get3A_1438 : vector<16xf32> to vector<16xf32>
    %mul3A_1440 = arith.mulf %get3A_1439, %div3A_31 : vector<16xf32>
    %swap3A_1441 = arith.constant 2784 : index
    %swap3A_1442 = tpu.vector_load %arg10[%swap3A_1441] {strides = array<i32>} : memref<3168xf32, #tpu.memory_space<vmem>>, vector<16xf32>,
    %swap3A_1443 = vector.shape_cast %swap3A_1442 : vector<16xf32> to vector<16xf32>
    %swap3A_1444 = vector.shape_cast %mul3A_1440 : vector<16xf32> to vector<16xf32>
    tpu.vector_store %arg10[%swap3A_1441], %swap3A_1444 {strides = array<i32>} : memref<3168xf32, #tpu.memory_space<vmem>>, vector<16xf32>,
    %get3A_1445 = arith.constant 2800 : index
    %get3A_1446 = tpu.vector_load %arg8[%get3A_1445] {strides = array<i32>} : memref<3168xf32, #tpu.memory_space<vmem>>, vector<16xf32>,
    %get3A_1447 = vector.shape_cast %get3A_1446 : vector<16xf32> to vector<16xf32>
    %mul3A_1448 = arith.mulf %get3A_1447, %div3A_31 : vector<16xf32>
    %swap3A_1449 = arith.constant 2800 : index
    %swap3A_1450 = tpu.vector_load %arg10[%swap3A_1449] {strides = array<i32>} : memref<3168xf32, #tpu.memory_space<vmem>>, vector<16xf32>,
    %swap3A_1451 = vector.shape_cast %swap3A_1450 : vector<16xf32> to vector<16xf32>
    %swap3A_1452 = vector.shape_cast %mul3A_1448 : vector<16xf32> to vector<16xf32>
    tpu.vector_store %arg10[%swap3A_1449], %swap3A_1452 {strides = array<i32>} : memref<3168xf32, #tpu.memory_space<vmem>>, vector<16xf32>,
    %get3A_1453 = arith.constant 2816 : index
    %get3A_1454 = tpu.vector_load %arg8[%get3A_1453] {strides = array<i32>} : memref<3168xf32, #tpu.memory_space<vmem>>, vector<16xf32>,
    %get3A_1455 = vector.shape_cast %get3A_1454 : vector<16xf32> to vector<16xf32>
    %mul3A_1456 = arith.mulf %get3A_1455, %div3A_31 : vector<16xf32>
    %swap3A_1457 = arith.constant 2816 : index
    %swap3A_1458 = tpu.vector_load %arg10[%swap3A_1457] {strides = array<i32>} : memref<3168xf32, #tpu.memory_space<vmem>>, vector<16xf32>,
    %swap3A_1459 = vector.shape_cast %swap3A_1458 : vector<16xf32> to vector<16xf32>
    %swap3A_1460 = vector.shape_cast %mul3A_1456 : vector<16xf32> to vector<16xf32>
    tpu.vector_store %arg10[%swap3A_1457], %swap3A_1460 {strides = array<i32>} : memref<3168xf32, #tpu.memory_space<vmem>>, vector<16xf32>,
    %get3A_1461 = arith.constant 2832 : index
    %get3A_1462 = tpu.vector_load %arg8[%get3A_1461] {strides = array<i32>} : memref<3168xf32, #tpu.memory_space<vmem>>, vector<16xf32>,
    %get3A_1463 = vector.shape_cast %get3A_1462 : vector<16xf32> to vector<16xf32>
    %mul3A_1464 = arith.mulf %get3A_1463, %div3A_31 : vector<16xf32>
    %swap3A_1465 = arith.constant 2832 : index
    %swap3A_1466 = tpu.vector_load %arg10[%swap3A_1465] {strides = array<i32>} : memref<3168xf32, #tpu.memory_space<vmem>>, vector<16xf32>,
    %swap3A_1467 = vector.shape_cast %swap3A_1466 : vector<16xf32> to vector<16xf32>
    %swap3A_1468 = vector.shape_cast %mul3A_1464 : vector<16xf32> to vector<16xf32>
    tpu.vector_store %arg10[%swap3A_1465], %swap3A_1468 {strides = array<i32>} : memref<3168xf32, #tpu.memory_space<vmem>>, vector<16xf32>,
    %get3A_1469 = arith.constant 2848 : index
    %get3A_1470 = tpu.vector_load %arg8[%get3A_1469] {strides = array<i32>} : memref<3168xf32, #tpu.memory_space<vmem>>, vector<16xf32>,
    %get3A_1471 = vector.shape_cast %get3A_1470 : vector<16xf32> to vector<16xf32>
    %mul3A_1472 = arith.mulf %get3A_1471, %div3A_31 : vector<16xf32>
    %swap3A_1473 = arith.constant 2848 : index
    %swap3A_1474 = tpu.vector_load %arg10[%swap3A_1473] {strides = array<i32>} : memref<3168xf32, #tpu.memory_space<vmem>>, vector<16xf32>,
    %swap3A_1475 = vector.shape_cast %swap3A_1474 : vector<16xf32> to vector<16xf32>
    %swap3A_1476 = vector.shape_cast %mul3A_1472 : vector<16xf32> to vector<16xf32>
    tpu.vector_store %arg10[%swap3A_1473], %swap3A_1476 {strides = array<i32>} : memref<3168xf32, #tpu.memory_space<vmem>>, vector<16xf32>,
    %get3A_1477 = arith.constant 2864 : index
    %get3A_1478 = tpu.vector_load %arg8[%get3A_1477] {strides = array<i32>} : memref<3168xf32, #tpu.memory_space<vmem>>, vector<16xf32>,
    %get3A_1479 = vector.shape_cast %get3A_1478 : vector<16xf32> to vector<16xf32>
    %mul3A_1480 = arith.mulf %get3A_1479, %div3A_31 : vector<16xf32>
    %swap3A_1481 = arith.constant 2864 : index
    %swap3A_1482 = tpu.vector_load %arg10[%swap3A_1481] {strides = array<i32>} : memref<3168xf32, #tpu.memory_space<vmem>>, vector<16xf32>,
    %swap3A_1483 = vector.shape_cast %swap3A_1482 : vector<16xf32> to vector<16xf32>
    %swap3A_1484 = vector.shape_cast %mul3A_1480 : vector<16xf32> to vector<16xf32>
    tpu.vector_store %arg10[%swap3A_1481], %swap3A_1484 {strides = array<i32>} : memref<3168xf32, #tpu.memory_space<vmem>>, vector<16xf32>,
    %get3A_1485 = arith.constant 2880 : index
    %get3A_1486 = tpu.vector_load %arg8[%get3A_1485] {strides = array<i32>} : memref<3168xf32, #tpu.memory_space<vmem>>, vector<16xf32>,
    %get3A_1487 = vector.shape_cast %get3A_1486 : vector<16xf32> to vector<16xf32>
    %mul3A_1488 = arith.mulf %get3A_1487, %div3A_31 : vector<16xf32>
    %swap3A_1489 = arith.constant 2880 : index
    %swap3A_1490 = tpu.vector_load %arg10[%swap3A_1489] {strides = array<i32>} : memref<3168xf32, #tpu.memory_space<vmem>>, vector<16xf32>,
    %swap3A_1491 = vector.shape_cast %swap3A_1490 : vector<16xf32> to vector<16xf32>
    %swap3A_1492 = vector.shape_cast %mul3A_1488 : vector<16xf32> to vector<16xf32>
    tpu.vector_store %arg10[%swap3A_1489], %swap3A_1492 {strides = array<i32>} : memref<3168xf32, #tpu.memory_space<vmem>>, vector<16xf32>,
    %get3A_1493 = arith.constant 2896 : index
    %get3A_1494 = tpu.vector_load %arg8[%get3A_1493] {strides = array<i32>} : memref<3168xf32, #tpu.memory_space<vmem>>, vector<16xf32>,
    %get3A_1495 = vector.shape_cast %get3A_1494 : vector<16xf32> to vector<16xf32>
    %mul3A_1496 = arith.mulf %get3A_1495, %div3A_31 : vector<16xf32>
    %swap3A_1497 = arith.constant 2896 : index
    %swap3A_1498 = tpu.vector_load %arg10[%swap3A_1497] {strides = array<i32>} : memref<3168xf32, #tpu.memory_space<vmem>>, vector<16xf32>,
    %swap3A_1499 = vector.shape_cast %swap3A_1498 : vector<16xf32> to vector<16xf32>
    %swap3A_1500 = vector.shape_cast %mul3A_1496 : vector<16xf32> to vector<16xf32>
    tpu.vector_store %arg10[%swap3A_1497], %swap3A_1500 {strides = array<i32>} : memref<3168xf32, #tpu.memory_space<vmem>>, vector<16xf32>,
    %get3A_1501 = arith.constant 2912 : index
    %get3A_1502 = tpu.vector_load %arg8[%get3A_1501] {strides = array<i32>} : memref<3168xf32, #tpu.memory_space<vmem>>, vector<16xf32>,
    %get3A_1503 = vector.shape_cast %get3A_1502 : vector<16xf32> to vector<16xf32>
    %mul3A_1504 = arith.mulf %get3A_1503, %div3A_31 : vector<16xf32>
    %swap3A_1505 = arith.constant 2912 : index
    %swap3A_1506 = tpu.vector_load %arg10[%swap3A_1505] {strides = array<i32>} : memref<3168xf32, #tpu.memory_space<vmem>>, vector<16xf32>,
    %swap3A_1507 = vector.shape_cast %swap3A_1506 : vector<16xf32> to vector<16xf32>
    %swap3A_1508 = vector.shape_cast %mul3A_1504 : vector<16xf32> to vector<16xf32>
    tpu.vector_store %arg10[%swap3A_1505], %swap3A_1508 {strides = array<i32>} : memref<3168xf32, #tpu.memory_space<vmem>>, vector<16xf32>,
    %get3A_1509 = arith.constant 2928 : index
    %get3A_1510 = tpu.vector_load %arg8[%get3A_1509] {strides = array<i32>} : memref<3168xf32, #tpu.memory_space<vmem>>, vector<16xf32>,
    %get3A_1511 = vector.shape_cast %get3A_1510 : vector<16xf32> to vector<16xf32>
    %mul3A_1512 = arith.mulf %get3A_1511, %div3A_31 : vector<16xf32>
    %swap3A_1513 = arith.constant 2928 : index
    %swap3A_1514 = tpu.vector_load %arg10[%swap3A_1513] {strides = array<i32>} : memref<3168xf32, #tpu.memory_space<vmem>>, vector<16xf32>,
    %swap3A_1515 = vector.shape_cast %swap3A_1514 : vector<16xf32> to vector<16xf32>
    %swap3A_1516 = vector.shape_cast %mul3A_1512 : vector<16xf32> to vector<16xf32>
    tpu.vector_store %arg10[%swap3A_1513], %swap3A_1516 {strides = array<i32>} : memref<3168xf32, #tpu.memory_space<vmem>>, vector<16xf32>,
    %get3A_1517 = arith.constant 2944 : index
    %get3A_1518 = tpu.vector_load %arg8[%get3A_1517] {strides = array<i32>} : memref<3168xf32, #tpu.memory_space<vmem>>, vector<16xf32>,
    %get3A_1519 = vector.shape_cast %get3A_1518 : vector<16xf32> to vector<16xf32>
    %mul3A_1520 = arith.mulf %get3A_1519, %div3A_31 : vector<16xf32>
    %swap3A_1521 = arith.constant 2944 : index
    %swap3A_1522 = tpu.vector_load %arg10[%swap3A_1521] {strides = array<i32>} : memref<3168xf32, #tpu.memory_space<vmem>>, vector<16xf32>,
    %swap3A_1523 = vector.shape_cast %swap3A_1522 : vector<16xf32> to vector<16xf32>
    %swap3A_1524 = vector.shape_cast %mul3A_1520 : vector<16xf32> to vector<16xf32>
    tpu.vector_store %arg10[%swap3A_1521], %swap3A_1524 {strides = array<i32>} : memref<3168xf32, #tpu.memory_space<vmem>>, vector<16xf32>,
    %get3A_1525 = arith.constant 2960 : index
    %get3A_1526 = tpu.vector_load %arg8[%get3A_1525] {strides = array<i32>} : memref<3168xf32, #tpu.memory_space<vmem>>, vector<16xf32>,
    %get3A_1527 = vector.shape_cast %get3A_1526 : vector<16xf32> to vector<16xf32>
    %mul3A_1528 = arith.mulf %get3A_1527, %div3A_31 : vector<16xf32>
    %swap3A_1529 = arith.constant 2960 : index
    %swap3A_1530 = tpu.vector_load %arg10[%swap3A_1529] {strides = array<i32>} : memref<3168xf32, #tpu.memory_space<vmem>>, vector<16xf32>,
    %swap3A_1531 = vector.shape_cast %swap3A_1530 : vector<16xf32> to vector<16xf32>
    %swap3A_1532 = vector.shape_cast %mul3A_1528 : vector<16xf32> to vector<16xf32>
    tpu.vector_store %arg10[%swap3A_1529], %swap3A_1532 {strides = array<i32>} : memref<3168xf32, #tpu.memory_space<vmem>>, vector<16xf32>,
    %get3A_1533 = arith.constant 2976 : index
    %get3A_1534 = tpu.vector_load %arg8[%get3A_1533] {strides = array<i32>} : memref<3168xf32, #tpu.memory_space<vmem>>, vector<16xf32>,
    %get3A_1535 = vector.shape_cast %get3A_1534 : vector<16xf32> to vector<16xf32>
    %mul3A_1536 = arith.mulf %get3A_1535, %div3A_31 : vector<16xf32>
    %swap3A_1537 = arith.constant 2976 : index
    %swap3A_1538 = tpu.vector_load %arg10[%swap3A_1537] {strides = array<i32>} : memref<3168xf32, #tpu.memory_space<vmem>>, vector<16xf32>,
    %swap3A_1539 = vector.shape_cast %swap3A_1538 : vector<16xf32> to vector<16xf32>
    %swap3A_1540 = vector.shape_cast %mul3A_1536 : vector<16xf32> to vector<16xf32>
    tpu.vector_store %arg10[%swap3A_1537], %swap3A_1540 {strides = array<i32>} : memref<3168xf32, #tpu.memory_space<vmem>>, vector<16xf32>,
    %get3A_1541 = arith.constant 2992 : index
    %get3A_1542 = tpu.vector_load %arg8[%get3A_1541] {strides = array<i32>} : memref<3168xf32, #tpu.memory_space<vmem>>, vector<16xf32>,
    %get3A_1543 = vector.shape_cast %get3A_1542 : vector<16xf32> to vector<16xf32>
    %mul3A_1544 = arith.mulf %get3A_1543, %div3A_31 : vector<16xf32>
    %swap3A_1545 = arith.constant 2992 : index
    %swap3A_1546 = tpu.vector_load %arg10[%swap3A_1545] {strides = array<i32>} : memref<3168xf32, #tpu.memory_space<vmem>>, vector<16xf32>,
    %swap3A_1547 = vector.shape_cast %swap3A_1546 : vector<16xf32> to vector<16xf32>
    %swap3A_1548 = vector.shape_cast %mul3A_1544 : vector<16xf32> to vector<16xf32>
    tpu.vector_store %arg10[%swap3A_1545], %swap3A_1548 {strides = array<i32>} : memref<3168xf32, #tpu.memory_space<vmem>>, vector<16xf32>,
    %get3A_1549 = arith.constant 3008 : index
    %get3A_1550 = tpu.vector_load %arg8[%get3A_1549] {strides = array<i32>} : memref<3168xf32, #tpu.memory_space<vmem>>, vector<16xf32>,
    %get3A_1551 = vector.shape_cast %get3A_1550 : vector<16xf32> to vector<16xf32>
    %mul3A_1552 = arith.mulf %get3A_1551, %div3A_31 : vector<16xf32>
    %swap3A_1553 = arith.constant 3008 : index
    %swap3A_1554 = tpu.vector_load %arg10[%swap3A_1553] {strides = array<i32>} : memref<3168xf32, #tpu.memory_space<vmem>>, vector<16xf32>,
    %swap3A_1555 = vector.shape_cast %swap3A_1554 : vector<16xf32> to vector<16xf32>
    %swap3A_1556 = vector.shape_cast %mul3A_1552 : vector<16xf32> to vector<16xf32>
    tpu.vector_store %arg10[%swap3A_1553], %swap3A_1556 {strides = array<i32>} : memref<3168xf32, #tpu.memory_space<vmem>>, vector<16xf32>,
    %get3A_1557 = arith.constant 3024 : index
    %get3A_1558 = tpu.vector_load %arg8[%get3A_1557] {strides = array<i32>} : memref<3168xf32, #tpu.memory_space<vmem>>, vector<16xf32>,
    %get3A_1559 = vector.shape_cast %get3A_1558 : vector<16xf32> to vector<16xf32>
    %mul3A_1560 = arith.mulf %get3A_1559, %div3A_31 : vector<16xf32>
    %swap3A_1561 = arith.constant 3024 : index
    %swap3A_1562 = tpu.vector_load %arg10[%swap3A_1561] {strides = array<i32>} : memref<3168xf32, #tpu.memory_space<vmem>>, vector<16xf32>,
    %swap3A_1563 = vector.shape_cast %swap3A_1562 : vector<16xf32> to vector<16xf32>
    %swap3A_1564 = vector.shape_cast %mul3A_1560 : vector<16xf32> to vector<16xf32>
    tpu.vector_store %arg10[%swap3A_1561], %swap3A_1564 {strides = array<i32>} : memref<3168xf32, #tpu.memory_space<vmem>>, vector<16xf32>,
    %get3A_1565 = arith.constant 3040 : index
    %get3A_1566 = tpu.vector_load %arg8[%get3A_1565] {strides = array<i32>} : memref<3168xf32, #tpu.memory_space<vmem>>, vector<16xf32>,
    %get3A_1567 = vector.shape_cast %get3A_1566 : vector<16xf32> to vector<16xf32>
    %mul3A_1568 = arith.mulf %get3A_1567, %div3A_31 : vector<16xf32>
    %swap3A_1569 = arith.constant 3040 : index
    %swap3A_1570 = tpu.vector_load %arg10[%swap3A_1569] {strides = array<i32>} : memref<3168xf32, #tpu.memory_space<vmem>>, vector<16xf32>,
    %swap3A_1571 = vector.shape_cast %swap3A_1570 : vector<16xf32> to vector<16xf32>
    %swap3A_1572 = vector.shape_cast %mul3A_1568 : vector<16xf32> to vector<16xf32>
    tpu.vector_store %arg10[%swap3A_1569], %swap3A_1572 {strides = array<i32>} : memref<3168xf32, #tpu.memory_space<vmem>>, vector<16xf32>,
    %get3A_1573 = arith.constant 3056 : index
    %get3A_1574 = tpu.vector_load %arg8[%get3A_1573] {strides = array<i32>} : memref<3168xf32, #tpu.memory_space<vmem>>, vector<16xf32>,
    %get3A_1575 = vector.shape_cast %get3A_1574 : vector<16xf32> to vector<16xf32>
    %mul3A_1576 = arith.mulf %get3A_1575, %div3A_31 : vector<16xf32>
    %swap3A_1577 = arith.constant 3056 : index
    %swap3A_1578 = tpu.vector_load %arg10[%swap3A_1577] {strides = array<i32>} : memref<3168xf32, #tpu.memory_space<vmem>>, vector<16xf32>,
    %swap3A_1579 = vector.shape_cast %swap3A_1578 : vector<16xf32> to vector<16xf32>
    %swap3A_1580 = vector.shape_cast %mul3A_1576 : vector<16xf32> to vector<16xf32>
    tpu.vector_store %arg10[%swap3A_1577], %swap3A_1580 {strides = array<i32>} : memref<3168xf32, #tpu.memory_space<vmem>>, vector<16xf32>,
    %get3A_1581 = arith.constant 3072 : index
    %get3A_1582 = tpu.vector_load %arg8[%get3A_1581] {strides = array<i32>} : memref<3168xf32, #tpu.memory_space<vmem>>, vector<16xf32>,
    %get3A_1583 = vector.shape_cast %get3A_1582 : vector<16xf32> to vector<16xf32>
    %mul3A_1584 = arith.mulf %get3A_1583, %div3A_31 : vector<16xf32>
    %swap3A_1585 = arith.constant 3072 : index
    %swap3A_1586 = tpu.vector_load %arg10[%swap3A_1585] {strides = array<i32>} : memref<3168xf32, #tpu.memory_space<vmem>>, vector<16xf32>,
    %swap3A_1587 = vector.shape_cast %swap3A_1586 : vector<16xf32> to vector<16xf32>
    %swap3A_1588 = vector.shape_cast %mul3A_1584 : vector<16xf32> to vector<16xf32>
    tpu.vector_store %arg10[%swap3A_1585], %swap3A_1588 {strides = array<i32>} : memref<3168xf32, #tpu.memory_space<vmem>>, vector<16xf32>,
    %get3A_1589 = arith.constant 3088 : index
    %get3A_1590 = tpu.vector_load %arg8[%get3A_1589] {strides = array<i32>} : memref<3168xf32, #tpu.memory_space<vmem>>, vector<16xf32>,
    %get3A_1591 = vector.shape_cast %get3A_1590 : vector<16xf32> to vector<16xf32>
    %mul3A_1592 = arith.mulf %get3A_1591, %div3A_31 : vector<16xf32>
    %swap3A_1593 = arith.constant 3088 : index
    %swap3A_1594 = tpu.vector_load %arg10[%swap3A_1593] {strides = array<i32>} : memref<3168xf32, #tpu.memory_space<vmem>>, vector<16xf32>,
    %swap3A_1595 = vector.shape_cast %swap3A_1594 : vector<16xf32> to vector<16xf32>
    %swap3A_1596 = vector.shape_cast %mul3A_1592 : vector<16xf32> to vector<16xf32>
    tpu.vector_store %arg10[%swap3A_1593], %swap3A_1596 {strides = array<i32>} : memref<3168xf32, #tpu.memory_space<vmem>>, vector<16xf32>,
    %get3A_1597 = arith.constant 3104 : index
    %get3A_1598 = tpu.vector_load %arg8[%get3A_1597] {strides = array<i32>} : memref<3168xf32, #tpu.memory_space<vmem>>, vector<16xf32>,
    %get3A_1599 = vector.shape_cast %get3A_1598 : vector<16xf32> to vector<16xf32>
    %mul3A_1600 = arith.mulf %get3A_1599, %div3A_31 : vector<16xf32>
    %swap3A_1601 = arith.constant 3104 : index
    %swap3A_1602 = tpu.vector_load %arg10[%swap3A_1601] {strides = array<i32>} : memref<3168xf32, #tpu.memory_space<vmem>>, vector<16xf32>,
    %swap3A_1603 = vector.shape_cast %swap3A_1602 : vector<16xf32> to vector<16xf32>
    %swap3A_1604 = vector.shape_cast %mul3A_1600 : vector<16xf32> to vector<16xf32>
    tpu.vector_store %arg10[%swap3A_1601], %swap3A_1604 {strides = array<i32>} : memref<3168xf32, #tpu.memory_space<vmem>>, vector<16xf32>,
    %get3A_1605 = arith.constant 3120 : index
    %get3A_1606 = tpu.vector_load %arg8[%get3A_1605] {strides = array<i32>} : memref<3168xf32, #tpu.memory_space<vmem>>, vector<16xf32>,
    %get3A_1607 = vector.shape_cast %get3A_1606 : vector<16xf32> to vector<16xf32>
    %mul3A_1608 = arith.mulf %get3A_1607, %div3A_31 : vector<16xf32>
    %swap3A_1609 = arith.constant 3120 : index
    %swap3A_1610 = tpu.vector_load %arg10[%swap3A_1609] {strides = array<i32>} : memref<3168xf32, #tpu.memory_space<vmem>>, vector<16xf32>,
    %swap3A_1611 = vector.shape_cast %swap3A_1610 : vector<16xf32> to vector<16xf32>
    %swap3A_1612 = vector.shape_cast %mul3A_1608 : vector<16xf32> to vector<16xf32>
    tpu.vector_store %arg10[%swap3A_1609], %swap3A_1612 {strides = array<i32>} : memref<3168xf32, #tpu.memory_space<vmem>>, vector<16xf32>,
    %get3A_1613 = arith.constant 3136 : index
    %get3A_1614 = tpu.vector_load %arg8[%get3A_1613] {strides = array<i32>} : memref<3168xf32, #tpu.memory_space<vmem>>, vector<16xf32>,
    %get3A_1615 = vector.shape_cast %get3A_1614 : vector<16xf32> to vector<16xf32>
    %mul3A_1616 = arith.mulf %get3A_1615, %div3A_31 : vector<16xf32>
    %swap3A_1617 = arith.constant 3136 : index
    %swap3A_1618 = tpu.vector_load %arg10[%swap3A_1617] {strides = array<i32>} : memref<3168xf32, #tpu.memory_space<vmem>>, vector<16xf32>,
    %swap3A_1619 = vector.shape_cast %swap3A_1618 : vector<16xf32> to vector<16xf32>
    %swap3A_1620 = vector.shape_cast %mul3A_1616 : vector<16xf32> to vector<16xf32>
    tpu.vector_store %arg10[%swap3A_1617], %swap3A_1620 {strides = array<i32>} : memref<3168xf32, #tpu.memory_space<vmem>>, vector<16xf32>,
    %get3A_1621 = arith.constant 3152 : index
    %get3A_1622 = tpu.vector_load %arg8[%get3A_1621] {strides = array<i32>} : memref<3168xf32, #tpu.memory_space<vmem>>, vector<16xf32>,
    %get3A_1623 = vector.shape_cast %get3A_1622 : vector<16xf32> to vector<16xf32>
    %mul3A_1624 = arith.mulf %get3A_1623, %div3A_31 : vector<16xf32>
    %swap3A_1625 = arith.constant 3152 : index
    %swap3A_1626 = tpu.vector_load %arg10[%swap3A_1625] {strides = array<i32>} : memref<3168xf32, #tpu.memory_space<vmem>>, vector<16xf32>,
    %swap3A_1627 = vector.shape_cast %swap3A_1626 : vector<16xf32> to vector<16xf32>
    %swap3A_1628 = vector.shape_cast %mul3A_1624 : vector<16xf32> to vector<16xf32>
    tpu.vector_store %arg10[%swap3A_1625], %swap3A_1628 {strides = array<i32>} : memref<3168xf32, #tpu.memory_space<vmem>>, vector<16xf32>,
    %not3A_1629 = arith.constant true
    %not3A_1630 = arith.xori %eq3A_32, %not3A_1629 : i1
    %convert_element_type3A_1631 = arith.extui %not3A_1630 : i1 to i32
    %cond3A_1632 = arith.constant 0 : i32
    %cond3A_1633 = arith.cmpi ne, %convert_element_type3A_1631, %cond3A_1632 : i32
    scf.if %cond3A_1633 {
      %dma_start3A_3360 = arith.constant 2112 : i32
      %dma_start3A_3361 = tpu.memref_slice %arg10[%dma_start3A_3360] : memref<3168xf32, #tpu.memory_space<vmem>> -> memref<1056xf32, #tpu.memory_space<vmem>>
      %dma_start3A_3362 = tpu.memref_slice %arg6[%multiple_of3A] : memref<33400xf32, #tpu.memory_space<hbm>> -> memref<1056xf32, #tpu.memory_space<hbm>>
      %dma_start3A_3363 = tpu.memref_slice %arg6[%multiple_of3A] : memref<33400xf32, #tpu.memory_space<hbm>> -> memref<1056xf32, #tpu.memory_space<hbm>>
      %dma_start3A_3364 = arith.constant 2112 : i32
      %dma_start3A_3365 = tpu.memref_slice %arg10[%dma_start3A_3364] : memref<3168xf32, #tpu.memory_space<vmem>> -> memref<1056xf32, #tpu.memory_space<vmem>>
      tpu.enqueue_dma source(%dma_start3A_3365 : memref<1056xf32, #tpu.memory_space<vmem>>) target(%dma_start3A_3363 : memref<1056xf32, #tpu.memory_space<hbm>>) target_semaphore(%arg12 : memref<!tpu.dma_semaphore, #tpu.memory_space<semaphore_mem>>)
    } else {
    }
    %convert_element_type3A_1634 = arith.extui %eq3A_32 : i1 to i32
    %cond3A_1635 = arith.constant 0 : i32
    %cond3A_1636 = arith.cmpi ne, %convert_element_type3A_1634, %cond3A_1635 : i32
    scf.if %cond3A_1636 {
      %dma_start3A_3360 = arith.constant 2112 : i32
      %dma_start3A_3361 = tpu.memref_slice %arg10[%dma_start3A_3360] : memref<3168xf32, #tpu.memory_space<vmem>> -> memref<664xf32, #tpu.memory_space<vmem>>
      %dma_start3A_3362 = tpu.memref_slice %arg6[%multiple_of3A] : memref<33400xf32, #tpu.memory_space<hbm>> -> memref<664xf32, #tpu.memory_space<hbm>>
      %dma_start3A_3363 = tpu.memref_slice %arg6[%multiple_of3A] : memref<33400xf32, #tpu.memory_space<hbm>> -> memref<664xf32, #tpu.memory_space<hbm>>
      %dma_start3A_3364 = arith.constant 2112 : i32
      %dma_start3A_3365 = tpu.memref_slice %arg10[%dma_start3A_3364] : memref<3168xf32, #tpu.memory_space<vmem>> -> memref<664xf32, #tpu.memory_space<vmem>>
      tpu.enqueue_dma source(%dma_start3A_3365 : memref<664xf32, #tpu.memory_space<vmem>>) target(%dma_start3A_3363 : memref<664xf32, #tpu.memory_space<hbm>>) target_semaphore(%arg12 : memref<!tpu.dma_semaphore, #tpu.memory_space<semaphore_mem>>)
    } else {
    }
    %get3A_1637 = arith.constant 0 : index
    %get3A_1638 = tpu.vector_load %arg10[%get3A_1637] {strides = array<i32>} : memref<3168xf32, #tpu.memory_space<vmem>>, vector<16xf32>,
    %get3A_1639 = vector.shape_cast %get3A_1638 : vector<16xf32> to vector<16xf32>
    %get3A_1640 = arith.constant 1056 : index
    %get3A_1641 = tpu.vector_load %arg10[%get3A_1640] {strides = array<i32>} : memref<3168xf32, #tpu.memory_space<vmem>>, vector<16xf32>,
    %get3A_1642 = vector.shape_cast %get3A_1641 : vector<16xf32> to vector<16xf32>
    %get3A_1643 = arith.constant 2112 : index
    %get3A_1644 = tpu.vector_load %arg10[%get3A_1643] {strides = array<i32>} : memref<3168xf32, #tpu.memory_space<vmem>>, vector<16xf32>,
    %get3A_1645 = vector.shape_cast %get3A_1644 : vector<16xf32> to vector<16xf32>
    %mul3A_1646 = arith.mulf %get3A_1639, %get3A_1639 : vector<16xf32>
    %mul3A_1647 = arith.mulf %get3A_1642, %get3A_1642 : vector<16xf32>
    %add3A_1648 = arith.addf %mul3A_1646, %mul3A_1647 : vector<16xf32>
    %mul3A_1649 = arith.mulf %get3A_1645, %get3A_1645 : vector<16xf32>
    %add3A_1650 = arith.addf %add3A_1648, %mul3A_1649 : vector<16xf32>
    %mul3A_1651 = arith.constant -1.250000e+01 : f32
    %mul3A_1652 = vector.broadcast %mul3A_1651 : f32 to vector<16xf32>
    %mul3A_1653 = arith.mulf %mul3A_1652, %add3A_1650 : vector<16xf32>
    %exp3A = math.exp %mul3A_1653 : vector<16xf32>
    %mul3A_1654 = arith.constant 6.28318548 : f32
    %mul3A_1655 = vector.broadcast %mul3A_1654 : f32 to vector<16xf32>
    %mul3A_1656 = arith.mulf %mul3A_1655, %exp3A : vector<16xf32>
    %div3A_1657 = arith.divf %mul3A_1656, %add3A_1650 : vector<16xf32>
    %swap3A_1658 = arith.constant 0 : index
    %swap3A_1659 = tpu.vector_load %arg11[%swap3A_1658] {strides = array<i32>} : memref<1056xf32, #tpu.memory_space<vmem>>, vector<16xf32>,
    %swap3A_1660 = vector.shape_cast %swap3A_1659 : vector<16xf32> to vector<16xf32>
    %swap3A_1661 = vector.shape_cast %div3A_1657 : vector<16xf32> to vector<16xf32>
    tpu.vector_store %arg11[%swap3A_1658], %swap3A_1661 {strides = array<i32>} : memref<1056xf32, #tpu.memory_space<vmem>>, vector<16xf32>,
    %get3A_1662 = arith.constant 16 : index
    %get3A_1663 = tpu.vector_load %arg10[%get3A_1662] {strides = array<i32>} : memref<3168xf32, #tpu.memory_space<vmem>>, vector<16xf32>,
    %get3A_1664 = vector.shape_cast %get3A_1663 : vector<16xf32> to vector<16xf32>
    %get3A_1665 = arith.constant 1072 : index
    %get3A_1666 = tpu.vector_load %arg10[%get3A_1665] {strides = array<i32>} : memref<3168xf32, #tpu.memory_space<vmem>>, vector<16xf32>,
    %get3A_1667 = vector.shape_cast %get3A_1666 : vector<16xf32> to vector<16xf32>
    %get3A_1668 = arith.constant 2128 : index
    %get3A_1669 = tpu.vector_load %arg10[%get3A_1668] {strides = array<i32>} : memref<3168xf32, #tpu.memory_space<vmem>>, vector<16xf32>,
    %get3A_1670 = vector.shape_cast %get3A_1669 : vector<16xf32> to vector<16xf32>
    %mul3A_1671 = arith.mulf %get3A_1664, %get3A_1664 : vector<16xf32>
    %mul3A_1672 = arith.mulf %get3A_1667, %get3A_1667 : vector<16xf32>
    %add3A_1673 = arith.addf %mul3A_1671, %mul3A_1672 : vector<16xf32>
    %mul3A_1674 = arith.mulf %get3A_1670, %get3A_1670 : vector<16xf32>
    %add3A_1675 = arith.addf %add3A_1673, %mul3A_1674 : vector<16xf32>
    %mul3A_1676 = arith.constant -1.250000e+01 : f32
    %mul3A_1677 = vector.broadcast %mul3A_1676 : f32 to vector<16xf32>
    %mul3A_1678 = arith.mulf %mul3A_1677, %add3A_1675 : vector<16xf32>
    %exp3A_1679 = math.exp %mul3A_1678 : vector<16xf32>
    %mul3A_1680 = arith.constant 6.28318548 : f32
    %mul3A_1681 = vector.broadcast %mul3A_1680 : f32 to vector<16xf32>
    %mul3A_1682 = arith.mulf %mul3A_1681, %exp3A_1679 : vector<16xf32>
    %div3A_1683 = arith.divf %mul3A_1682, %add3A_1675 : vector<16xf32>
    %swap3A_1684 = arith.constant 16 : index
    %swap3A_1685 = tpu.vector_load %arg11[%swap3A_1684] {strides = array<i32>} : memref<1056xf32, #tpu.memory_space<vmem>>, vector<16xf32>,
    %swap3A_1686 = vector.shape_cast %swap3A_1685 : vector<16xf32> to vector<16xf32>
    %swap3A_1687 = vector.shape_cast %div3A_1683 : vector<16xf32> to vector<16xf32>
    tpu.vector_store %arg11[%swap3A_1684], %swap3A_1687 {strides = array<i32>} : memref<1056xf32, #tpu.memory_space<vmem>>, vector<16xf32>,
    %get3A_1688 = arith.constant 32 : index
    %get3A_1689 = tpu.vector_load %arg10[%get3A_1688] {strides = array<i32>} : memref<3168xf32, #tpu.memory_space<vmem>>, vector<16xf32>,
    %get3A_1690 = vector.shape_cast %get3A_1689 : vector<16xf32> to vector<16xf32>
    %get3A_1691 = arith.constant 1088 : index
    %get3A_1692 = tpu.vector_load %arg10[%get3A_1691] {strides = array<i32>} : memref<3168xf32, #tpu.memory_space<vmem>>, vector<16xf32>,
    %get3A_1693 = vector.shape_cast %get3A_1692 : vector<16xf32> to vector<16xf32>
    %get3A_1694 = arith.constant 2144 : index
    %get3A_1695 = tpu.vector_load %arg10[%get3A_1694] {strides = array<i32>} : memref<3168xf32, #tpu.memory_space<vmem>>, vector<16xf32>,
    %get3A_1696 = vector.shape_cast %get3A_1695 : vector<16xf32> to vector<16xf32>
    %mul3A_1697 = arith.mulf %get3A_1690, %get3A_1690 : vector<16xf32>
    %mul3A_1698 = arith.mulf %get3A_1693, %get3A_1693 : vector<16xf32>
    %add3A_1699 = arith.addf %mul3A_1697, %mul3A_1698 : vector<16xf32>
    %mul3A_1700 = arith.mulf %get3A_1696, %get3A_1696 : vector<16xf32>
    %add3A_1701 = arith.addf %add3A_1699, %mul3A_1700 : vector<16xf32>
    %mul3A_1702 = arith.constant -1.250000e+01 : f32
    %mul3A_1703 = vector.broadcast %mul3A_1702 : f32 to vector<16xf32>
    %mul3A_1704 = arith.mulf %mul3A_1703, %add3A_1701 : vector<16xf32>
    %exp3A_1705 = math.exp %mul3A_1704 : vector<16xf32>
    %mul3A_1706 = arith.constant 6.28318548 : f32
    %mul3A_1707 = vector.broadcast %mul3A_1706 : f32 to vector<16xf32>
    %mul3A_1708 = arith.mulf %mul3A_1707, %exp3A_1705 : vector<16xf32>
    %div3A_1709 = arith.divf %mul3A_1708, %add3A_1701 : vector<16xf32>
    %swap3A_1710 = arith.constant 32 : index
    %swap3A_1711 = tpu.vector_load %arg11[%swap3A_1710] {strides = array<i32>} : memref<1056xf32, #tpu.memory_space<vmem>>, vector<16xf32>,
    %swap3A_1712 = vector.shape_cast %swap3A_1711 : vector<16xf32> to vector<16xf32>
    %swap3A_1713 = vector.shape_cast %div3A_1709 : vector<16xf32> to vector<16xf32>
    tpu.vector_store %arg11[%swap3A_1710], %swap3A_1713 {strides = array<i32>} : memref<1056xf32, #tpu.memory_space<vmem>>, vector<16xf32>,
    %get3A_1714 = arith.constant 48 : index
    %get3A_1715 = tpu.vector_load %arg10[%get3A_1714] {strides = array<i32>} : memref<3168xf32, #tpu.memory_space<vmem>>, vector<16xf32>,
    %get3A_1716 = vector.shape_cast %get3A_1715 : vector<16xf32> to vector<16xf32>
    %get3A_1717 = arith.constant 1104 : index
    %get3A_1718 = tpu.vector_load %arg10[%get3A_1717] {strides = array<i32>} : memref<3168xf32, #tpu.memory_space<vmem>>, vector<16xf32>,
    %get3A_1719 = vector.shape_cast %get3A_1718 : vector<16xf32> to vector<16xf32>
    %get3A_1720 = arith.constant 2160 : index
    %get3A_1721 = tpu.vector_load %arg10[%get3A_1720] {strides = array<i32>} : memref<3168xf32, #tpu.memory_space<vmem>>, vector<16xf32>,
    %get3A_1722 = vector.shape_cast %get3A_1721 : vector<16xf32> to vector<16xf32>
    %mul3A_1723 = arith.mulf %get3A_1716, %get3A_1716 : vector<16xf32>
    %mul3A_1724 = arith.mulf %get3A_1719, %get3A_1719 : vector<16xf32>
    %add3A_1725 = arith.addf %mul3A_1723, %mul3A_1724 : vector<16xf32>
    %mul3A_1726 = arith.mulf %get3A_1722, %get3A_1722 : vector<16xf32>
    %add3A_1727 = arith.addf %add3A_1725, %mul3A_1726 : vector<16xf32>
    %mul3A_1728 = arith.constant -1.250000e+01 : f32
    %mul3A_1729 = vector.broadcast %mul3A_1728 : f32 to vector<16xf32>
    %mul3A_1730 = arith.mulf %mul3A_1729, %add3A_1727 : vector<16xf32>
    %exp3A_1731 = math.exp %mul3A_1730 : vector<16xf32>
    %mul3A_1732 = arith.constant 6.28318548 : f32
    %mul3A_1733 = vector.broadcast %mul3A_1732 : f32 to vector<16xf32>
    %mul3A_1734 = arith.mulf %mul3A_1733, %exp3A_1731 : vector<16xf32>
    %div3A_1735 = arith.divf %mul3A_1734, %add3A_1727 : vector<16xf32>
    %swap3A_1736 = arith.constant 48 : index
    %swap3A_1737 = tpu.vector_load %arg11[%swap3A_1736] {strides = array<i32>} : memref<1056xf32, #tpu.memory_space<vmem>>, vector<16xf32>,
    %swap3A_1738 = vector.shape_cast %swap3A_1737 : vector<16xf32> to vector<16xf32>
    %swap3A_1739 = vector.shape_cast %div3A_1735 : vector<16xf32> to vector<16xf32>
    tpu.vector_store %arg11[%swap3A_1736], %swap3A_1739 {strides = array<i32>} : memref<1056xf32, #tpu.memory_space<vmem>>, vector<16xf32>,
    %get3A_1740 = arith.constant 64 : index
    %get3A_1741 = tpu.vector_load %arg10[%get3A_1740] {strides = array<i32>} : memref<3168xf32, #tpu.memory_space<vmem>>, vector<16xf32>,
    %get3A_1742 = vector.shape_cast %get3A_1741 : vector<16xf32> to vector<16xf32>
    %get3A_1743 = arith.constant 1120 : index
    %get3A_1744 = tpu.vector_load %arg10[%get3A_1743] {strides = array<i32>} : memref<3168xf32, #tpu.memory_space<vmem>>, vector<16xf32>,
    %get3A_1745 = vector.shape_cast %get3A_1744 : vector<16xf32> to vector<16xf32>
    %get3A_1746 = arith.constant 2176 : index
    %get3A_1747 = tpu.vector_load %arg10[%get3A_1746] {strides = array<i32>} : memref<3168xf32, #tpu.memory_space<vmem>>, vector<16xf32>,
    %get3A_1748 = vector.shape_cast %get3A_1747 : vector<16xf32> to vector<16xf32>
    %mul3A_1749 = arith.mulf %get3A_1742, %get3A_1742 : vector<16xf32>
    %mul3A_1750 = arith.mulf %get3A_1745, %get3A_1745 : vector<16xf32>
    %add3A_1751 = arith.addf %mul3A_1749, %mul3A_1750 : vector<16xf32>
    %mul3A_1752 = arith.mulf %get3A_1748, %get3A_1748 : vector<16xf32>
    %add3A_1753 = arith.addf %add3A_1751, %mul3A_1752 : vector<16xf32>
    %mul3A_1754 = arith.constant -1.250000e+01 : f32
    %mul3A_1755 = vector.broadcast %mul3A_1754 : f32 to vector<16xf32>
    %mul3A_1756 = arith.mulf %mul3A_1755, %add3A_1753 : vector<16xf32>
    %exp3A_1757 = math.exp %mul3A_1756 : vector<16xf32>
    %mul3A_1758 = arith.constant 6.28318548 : f32
    %mul3A_1759 = vector.broadcast %mul3A_1758 : f32 to vector<16xf32>
    %mul3A_1760 = arith.mulf %mul3A_1759, %exp3A_1757 : vector<16xf32>
    %div3A_1761 = arith.divf %mul3A_1760, %add3A_1753 : vector<16xf32>
    %swap3A_1762 = arith.constant 64 : index
    %swap3A_1763 = tpu.vector_load %arg11[%swap3A_1762] {strides = array<i32>} : memref<1056xf32, #tpu.memory_space<vmem>>, vector<16xf32>,
    %swap3A_1764 = vector.shape_cast %swap3A_1763 : vector<16xf32> to vector<16xf32>
    %swap3A_1765 = vector.shape_cast %div3A_1761 : vector<16xf32> to vector<16xf32>
    tpu.vector_store %arg11[%swap3A_1762], %swap3A_1765 {strides = array<i32>} : memref<1056xf32, #tpu.memory_space<vmem>>, vector<16xf32>,
    %get3A_1766 = arith.constant 80 : index
    %get3A_1767 = tpu.vector_load %arg10[%get3A_1766] {strides = array<i32>} : memref<3168xf32, #tpu.memory_space<vmem>>, vector<16xf32>,
    %get3A_1768 = vector.shape_cast %get3A_1767 : vector<16xf32> to vector<16xf32>
    %get3A_1769 = arith.constant 1136 : index
    %get3A_1770 = tpu.vector_load %arg10[%get3A_1769] {strides = array<i32>} : memref<3168xf32, #tpu.memory_space<vmem>>, vector<16xf32>,
    %get3A_1771 = vector.shape_cast %get3A_1770 : vector<16xf32> to vector<16xf32>
    %get3A_1772 = arith.constant 2192 : index
    %get3A_1773 = tpu.vector_load %arg10[%get3A_1772] {strides = array<i32>} : memref<3168xf32, #tpu.memory_space<vmem>>, vector<16xf32>,
    %get3A_1774 = vector.shape_cast %get3A_1773 : vector<16xf32> to vector<16xf32>
    %mul3A_1775 = arith.mulf %get3A_1768, %get3A_1768 : vector<16xf32>
    %mul3A_1776 = arith.mulf %get3A_1771, %get3A_1771 : vector<16xf32>
    %add3A_1777 = arith.addf %mul3A_1775, %mul3A_1776 : vector<16xf32>
    %mul3A_1778 = arith.mulf %get3A_1774, %get3A_1774 : vector<16xf32>
    %add3A_1779 = arith.addf %add3A_1777, %mul3A_1778 : vector<16xf32>
    %mul3A_1780 = arith.constant -1.250000e+01 : f32
    %mul3A_1781 = vector.broadcast %mul3A_1780 : f32 to vector<16xf32>
    %mul3A_1782 = arith.mulf %mul3A_1781, %add3A_1779 : vector<16xf32>
    %exp3A_1783 = math.exp %mul3A_1782 : vector<16xf32>
    %mul3A_1784 = arith.constant 6.28318548 : f32
    %mul3A_1785 = vector.broadcast %mul3A_1784 : f32 to vector<16xf32>
    %mul3A_1786 = arith.mulf %mul3A_1785, %exp3A_1783 : vector<16xf32>
    %div3A_1787 = arith.divf %mul3A_1786, %add3A_1779 : vector<16xf32>
    %swap3A_1788 = arith.constant 80 : index
    %swap3A_1789 = tpu.vector_load %arg11[%swap3A_1788] {strides = array<i32>} : memref<1056xf32, #tpu.memory_space<vmem>>, vector<16xf32>,
    %swap3A_1790 = vector.shape_cast %swap3A_1789 : vector<16xf32> to vector<16xf32>
    %swap3A_1791 = vector.shape_cast %div3A_1787 : vector<16xf32> to vector<16xf32>
    tpu.vector_store %arg11[%swap3A_1788], %swap3A_1791 {strides = array<i32>} : memref<1056xf32, #tpu.memory_space<vmem>>, vector<16xf32>,
    %get3A_1792 = arith.constant 96 : index
    %get3A_1793 = tpu.vector_load %arg10[%get3A_1792] {strides = array<i32>} : memref<3168xf32, #tpu.memory_space<vmem>>, vector<16xf32>,
    %get3A_1794 = vector.shape_cast %get3A_1793 : vector<16xf32> to vector<16xf32>
    %get3A_1795 = arith.constant 1152 : index
    %get3A_1796 = tpu.vector_load %arg10[%get3A_1795] {strides = array<i32>} : memref<3168xf32, #tpu.memory_space<vmem>>, vector<16xf32>,
    %get3A_1797 = vector.shape_cast %get3A_1796 : vector<16xf32> to vector<16xf32>
    %get3A_1798 = arith.constant 2208 : index
    %get3A_1799 = tpu.vector_load %arg10[%get3A_1798] {strides = array<i32>} : memref<3168xf32, #tpu.memory_space<vmem>>, vector<16xf32>,
    %get3A_1800 = vector.shape_cast %get3A_1799 : vector<16xf32> to vector<16xf32>
    %mul3A_1801 = arith.mulf %get3A_1794, %get3A_1794 : vector<16xf32>
    %mul3A_1802 = arith.mulf %get3A_1797, %get3A_1797 : vector<16xf32>
    %add3A_1803 = arith.addf %mul3A_1801, %mul3A_1802 : vector<16xf32>
    %mul3A_1804 = arith.mulf %get3A_1800, %get3A_1800 : vector<16xf32>
    %add3A_1805 = arith.addf %add3A_1803, %mul3A_1804 : vector<16xf32>
    %mul3A_1806 = arith.constant -1.250000e+01 : f32
    %mul3A_1807 = vector.broadcast %mul3A_1806 : f32 to vector<16xf32>
    %mul3A_1808 = arith.mulf %mul3A_1807, %add3A_1805 : vector<16xf32>
    %exp3A_1809 = math.exp %mul3A_1808 : vector<16xf32>
    %mul3A_1810 = arith.constant 6.28318548 : f32
    %mul3A_1811 = vector.broadcast %mul3A_1810 : f32 to vector<16xf32>
    %mul3A_1812 = arith.mulf %mul3A_1811, %exp3A_1809 : vector<16xf32>
    %div3A_1813 = arith.divf %mul3A_1812, %add3A_1805 : vector<16xf32>
    %swap3A_1814 = arith.constant 96 : index
    %swap3A_1815 = tpu.vector_load %arg11[%swap3A_1814] {strides = array<i32>} : memref<1056xf32, #tpu.memory_space<vmem>>, vector<16xf32>,
    %swap3A_1816 = vector.shape_cast %swap3A_1815 : vector<16xf32> to vector<16xf32>
    %swap3A_1817 = vector.shape_cast %div3A_1813 : vector<16xf32> to vector<16xf32>
    tpu.vector_store %arg11[%swap3A_1814], %swap3A_1817 {strides = array<i32>} : memref<1056xf32, #tpu.memory_space<vmem>>, vector<16xf32>,
    %get3A_1818 = arith.constant 112 : index
    %get3A_1819 = tpu.vector_load %arg10[%get3A_1818] {strides = array<i32>} : memref<3168xf32, #tpu.memory_space<vmem>>, vector<16xf32>,
    %get3A_1820 = vector.shape_cast %get3A_1819 : vector<16xf32> to vector<16xf32>
    %get3A_1821 = arith.constant 1168 : index
    %get3A_1822 = tpu.vector_load %arg10[%get3A_1821] {strides = array<i32>} : memref<3168xf32, #tpu.memory_space<vmem>>, vector<16xf32>,
    %get3A_1823 = vector.shape_cast %get3A_1822 : vector<16xf32> to vector<16xf32>
    %get3A_1824 = arith.constant 2224 : index
    %get3A_1825 = tpu.vector_load %arg10[%get3A_1824] {strides = array<i32>} : memref<3168xf32, #tpu.memory_space<vmem>>, vector<16xf32>,
    %get3A_1826 = vector.shape_cast %get3A_1825 : vector<16xf32> to vector<16xf32>
    %mul3A_1827 = arith.mulf %get3A_1820, %get3A_1820 : vector<16xf32>
    %mul3A_1828 = arith.mulf %get3A_1823, %get3A_1823 : vector<16xf32>
    %add3A_1829 = arith.addf %mul3A_1827, %mul3A_1828 : vector<16xf32>
    %mul3A_1830 = arith.mulf %get3A_1826, %get3A_1826 : vector<16xf32>
    %add3A_1831 = arith.addf %add3A_1829, %mul3A_1830 : vector<16xf32>
    %mul3A_1832 = arith.constant -1.250000e+01 : f32
    %mul3A_1833 = vector.broadcast %mul3A_1832 : f32 to vector<16xf32>
    %mul3A_1834 = arith.mulf %mul3A_1833, %add3A_1831 : vector<16xf32>
    %exp3A_1835 = math.exp %mul3A_1834 : vector<16xf32>
    %mul3A_1836 = arith.constant 6.28318548 : f32
    %mul3A_1837 = vector.broadcast %mul3A_1836 : f32 to vector<16xf32>
    %mul3A_1838 = arith.mulf %mul3A_1837, %exp3A_1835 : vector<16xf32>
    %div3A_1839 = arith.divf %mul3A_1838, %add3A_1831 : vector<16xf32>
    %swap3A_1840 = arith.constant 112 : index
    %swap3A_1841 = tpu.vector_load %arg11[%swap3A_1840] {strides = array<i32>} : memref<1056xf32, #tpu.memory_space<vmem>>, vector<16xf32>,
    %swap3A_1842 = vector.shape_cast %swap3A_1841 : vector<16xf32> to vector<16xf32>
    %swap3A_1843 = vector.shape_cast %div3A_1839 : vector<16xf32> to vector<16xf32>
    tpu.vector_store %arg11[%swap3A_1840], %swap3A_1843 {strides = array<i32>} : memref<1056xf32, #tpu.memory_space<vmem>>, vector<16xf32>,
    %get3A_1844 = arith.constant 128 : index
    %get3A_1845 = tpu.vector_load %arg10[%get3A_1844] {strides = array<i32>} : memref<3168xf32, #tpu.memory_space<vmem>>, vector<16xf32>,
    %get3A_1846 = vector.shape_cast %get3A_1845 : vector<16xf32> to vector<16xf32>
    %get3A_1847 = arith.constant 1184 : index
    %get3A_1848 = tpu.vector_load %arg10[%get3A_1847] {strides = array<i32>} : memref<3168xf32, #tpu.memory_space<vmem>>, vector<16xf32>,
    %get3A_1849 = vector.shape_cast %get3A_1848 : vector<16xf32> to vector<16xf32>
    %get3A_1850 = arith.constant 2240 : index
    %get3A_1851 = tpu.vector_load %arg10[%get3A_1850] {strides = array<i32>} : memref<3168xf32, #tpu.memory_space<vmem>>, vector<16xf32>,
    %get3A_1852 = vector.shape_cast %get3A_1851 : vector<16xf32> to vector<16xf32>
    %mul3A_1853 = arith.mulf %get3A_1846, %get3A_1846 : vector<16xf32>
    %mul3A_1854 = arith.mulf %get3A_1849, %get3A_1849 : vector<16xf32>
    %add3A_1855 = arith.addf %mul3A_1853, %mul3A_1854 : vector<16xf32>
    %mul3A_1856 = arith.mulf %get3A_1852, %get3A_1852 : vector<16xf32>
    %add3A_1857 = arith.addf %add3A_1855, %mul3A_1856 : vector<16xf32>
    %mul3A_1858 = arith.constant -1.250000e+01 : f32
    %mul3A_1859 = vector.broadcast %mul3A_1858 : f32 to vector<16xf32>
    %mul3A_1860 = arith.mulf %mul3A_1859, %add3A_1857 : vector<16xf32>
    %exp3A_1861 = math.exp %mul3A_1860 : vector<16xf32>
    %mul3A_1862 = arith.constant 6.28318548 : f32
    %mul3A_1863 = vector.broadcast %mul3A_1862 : f32 to vector<16xf32>
    %mul3A_1864 = arith.mulf %mul3A_1863, %exp3A_1861 : vector<16xf32>
    %div3A_1865 = arith.divf %mul3A_1864, %add3A_1857 : vector<16xf32>
    %swap3A_1866 = arith.constant 128 : index
    %swap3A_1867 = tpu.vector_load %arg11[%swap3A_1866] {strides = array<i32>} : memref<1056xf32, #tpu.memory_space<vmem>>, vector<16xf32>,
    %swap3A_1868 = vector.shape_cast %swap3A_1867 : vector<16xf32> to vector<16xf32>
    %swap3A_1869 = vector.shape_cast %div3A_1865 : vector<16xf32> to vector<16xf32>
    tpu.vector_store %arg11[%swap3A_1866], %swap3A_1869 {strides = array<i32>} : memref<1056xf32, #tpu.memory_space<vmem>>, vector<16xf32>,
    %get3A_1870 = arith.constant 144 : index
    %get3A_1871 = tpu.vector_load %arg10[%get3A_1870] {strides = array<i32>} : memref<3168xf32, #tpu.memory_space<vmem>>, vector<16xf32>,
    %get3A_1872 = vector.shape_cast %get3A_1871 : vector<16xf32> to vector<16xf32>
    %get3A_1873 = arith.constant 1200 : index
    %get3A_1874 = tpu.vector_load %arg10[%get3A_1873] {strides = array<i32>} : memref<3168xf32, #tpu.memory_space<vmem>>, vector<16xf32>,
    %get3A_1875 = vector.shape_cast %get3A_1874 : vector<16xf32> to vector<16xf32>
    %get3A_1876 = arith.constant 2256 : index
    %get3A_1877 = tpu.vector_load %arg10[%get3A_1876] {strides = array<i32>} : memref<3168xf32, #tpu.memory_space<vmem>>, vector<16xf32>,
    %get3A_1878 = vector.shape_cast %get3A_1877 : vector<16xf32> to vector<16xf32>
    %mul3A_1879 = arith.mulf %get3A_1872, %get3A_1872 : vector<16xf32>
    %mul3A_1880 = arith.mulf %get3A_1875, %get3A_1875 : vector<16xf32>
    %add3A_1881 = arith.addf %mul3A_1879, %mul3A_1880 : vector<16xf32>
    %mul3A_1882 = arith.mulf %get3A_1878, %get3A_1878 : vector<16xf32>
    %add3A_1883 = arith.addf %add3A_1881, %mul3A_1882 : vector<16xf32>
    %mul3A_1884 = arith.constant -1.250000e+01 : f32
    %mul3A_1885 = vector.broadcast %mul3A_1884 : f32 to vector<16xf32>
    %mul3A_1886 = arith.mulf %mul3A_1885, %add3A_1883 : vector<16xf32>
    %exp3A_1887 = math.exp %mul3A_1886 : vector<16xf32>
    %mul3A_1888 = arith.constant 6.28318548 : f32
    %mul3A_1889 = vector.broadcast %mul3A_1888 : f32 to vector<16xf32>
    %mul3A_1890 = arith.mulf %mul3A_1889, %exp3A_1887 : vector<16xf32>
    %div3A_1891 = arith.divf %mul3A_1890, %add3A_1883 : vector<16xf32>
    %swap3A_1892 = arith.constant 144 : index
    %swap3A_1893 = tpu.vector_load %arg11[%swap3A_1892] {strides = array<i32>} : memref<1056xf32, #tpu.memory_space<vmem>>, vector<16xf32>,
    %swap3A_1894 = vector.shape_cast %swap3A_1893 : vector<16xf32> to vector<16xf32>
    %swap3A_1895 = vector.shape_cast %div3A_1891 : vector<16xf32> to vector<16xf32>
    tpu.vector_store %arg11[%swap3A_1892], %swap3A_1895 {strides = array<i32>} : memref<1056xf32, #tpu.memory_space<vmem>>, vector<16xf32>,
    %get3A_1896 = arith.constant 160 : index
    %get3A_1897 = tpu.vector_load %arg10[%get3A_1896] {strides = array<i32>} : memref<3168xf32, #tpu.memory_space<vmem>>, vector<16xf32>,
    %get3A_1898 = vector.shape_cast %get3A_1897 : vector<16xf32> to vector<16xf32>
    %get3A_1899 = arith.constant 1216 : index
    %get3A_1900 = tpu.vector_load %arg10[%get3A_1899] {strides = array<i32>} : memref<3168xf32, #tpu.memory_space<vmem>>, vector<16xf32>,
    %get3A_1901 = vector.shape_cast %get3A_1900 : vector<16xf32> to vector<16xf32>
    %get3A_1902 = arith.constant 2272 : index
    %get3A_1903 = tpu.vector_load %arg10[%get3A_1902] {strides = array<i32>} : memref<3168xf32, #tpu.memory_space<vmem>>, vector<16xf32>,
    %get3A_1904 = vector.shape_cast %get3A_1903 : vector<16xf32> to vector<16xf32>
    %mul3A_1905 = arith.mulf %get3A_1898, %get3A_1898 : vector<16xf32>
    %mul3A_1906 = arith.mulf %get3A_1901, %get3A_1901 : vector<16xf32>
    %add3A_1907 = arith.addf %mul3A_1905, %mul3A_1906 : vector<16xf32>
    %mul3A_1908 = arith.mulf %get3A_1904, %get3A_1904 : vector<16xf32>
    %add3A_1909 = arith.addf %add3A_1907, %mul3A_1908 : vector<16xf32>
    %mul3A_1910 = arith.constant -1.250000e+01 : f32
    %mul3A_1911 = vector.broadcast %mul3A_1910 : f32 to vector<16xf32>
    %mul3A_1912 = arith.mulf %mul3A_1911, %add3A_1909 : vector<16xf32>
    %exp3A_1913 = math.exp %mul3A_1912 : vector<16xf32>
    %mul3A_1914 = arith.constant 6.28318548 : f32
    %mul3A_1915 = vector.broadcast %mul3A_1914 : f32 to vector<16xf32>
    %mul3A_1916 = arith.mulf %mul3A_1915, %exp3A_1913 : vector<16xf32>
    %div3A_1917 = arith.divf %mul3A_1916, %add3A_1909 : vector<16xf32>
    %swap3A_1918 = arith.constant 160 : index
    %swap3A_1919 = tpu.vector_load %arg11[%swap3A_1918] {strides = array<i32>} : memref<1056xf32, #tpu.memory_space<vmem>>, vector<16xf32>,
    %swap3A_1920 = vector.shape_cast %swap3A_1919 : vector<16xf32> to vector<16xf32>
    %swap3A_1921 = vector.shape_cast %div3A_1917 : vector<16xf32> to vector<16xf32>
    tpu.vector_store %arg11[%swap3A_1918], %swap3A_1921 {strides = array<i32>} : memref<1056xf32, #tpu.memory_space<vmem>>, vector<16xf32>,
    %get3A_1922 = arith.constant 176 : index
    %get3A_1923 = tpu.vector_load %arg10[%get3A_1922] {strides = array<i32>} : memref<3168xf32, #tpu.memory_space<vmem>>, vector<16xf32>,
    %get3A_1924 = vector.shape_cast %get3A_1923 : vector<16xf32> to vector<16xf32>
    %get3A_1925 = arith.constant 1232 : index
    %get3A_1926 = tpu.vector_load %arg10[%get3A_1925] {strides = array<i32>} : memref<3168xf32, #tpu.memory_space<vmem>>, vector<16xf32>,
    %get3A_1927 = vector.shape_cast %get3A_1926 : vector<16xf32> to vector<16xf32>
    %get3A_1928 = arith.constant 2288 : index
    %get3A_1929 = tpu.vector_load %arg10[%get3A_1928] {strides = array<i32>} : memref<3168xf32, #tpu.memory_space<vmem>>, vector<16xf32>,
    %get3A_1930 = vector.shape_cast %get3A_1929 : vector<16xf32> to vector<16xf32>
    %mul3A_1931 = arith.mulf %get3A_1924, %get3A_1924 : vector<16xf32>
    %mul3A_1932 = arith.mulf %get3A_1927, %get3A_1927 : vector<16xf32>
    %add3A_1933 = arith.addf %mul3A_1931, %mul3A_1932 : vector<16xf32>
    %mul3A_1934 = arith.mulf %get3A_1930, %get3A_1930 : vector<16xf32>
    %add3A_1935 = arith.addf %add3A_1933, %mul3A_1934 : vector<16xf32>
    %mul3A_1936 = arith.constant -1.250000e+01 : f32
    %mul3A_1937 = vector.broadcast %mul3A_1936 : f32 to vector<16xf32>
    %mul3A_1938 = arith.mulf %mul3A_1937, %add3A_1935 : vector<16xf32>
    %exp3A_1939 = math.exp %mul3A_1938 : vector<16xf32>
    %mul3A_1940 = arith.constant 6.28318548 : f32
    %mul3A_1941 = vector.broadcast %mul3A_1940 : f32 to vector<16xf32>
    %mul3A_1942 = arith.mulf %mul3A_1941, %exp3A_1939 : vector<16xf32>
    %div3A_1943 = arith.divf %mul3A_1942, %add3A_1935 : vector<16xf32>
    %swap3A_1944 = arith.constant 176 : index
    %swap3A_1945 = tpu.vector_load %arg11[%swap3A_1944] {strides = array<i32>} : memref<1056xf32, #tpu.memory_space<vmem>>, vector<16xf32>,
    %swap3A_1946 = vector.shape_cast %swap3A_1945 : vector<16xf32> to vector<16xf32>
    %swap3A_1947 = vector.shape_cast %div3A_1943 : vector<16xf32> to vector<16xf32>
    tpu.vector_store %arg11[%swap3A_1944], %swap3A_1947 {strides = array<i32>} : memref<1056xf32, #tpu.memory_space<vmem>>, vector<16xf32>,
    %get3A_1948 = arith.constant 192 : index
    %get3A_1949 = tpu.vector_load %arg10[%get3A_1948] {strides = array<i32>} : memref<3168xf32, #tpu.memory_space<vmem>>, vector<16xf32>,
    %get3A_1950 = vector.shape_cast %get3A_1949 : vector<16xf32> to vector<16xf32>
    %get3A_1951 = arith.constant 1248 : index
    %get3A_1952 = tpu.vector_load %arg10[%get3A_1951] {strides = array<i32>} : memref<3168xf32, #tpu.memory_space<vmem>>, vector<16xf32>,
    %get3A_1953 = vector.shape_cast %get3A_1952 : vector<16xf32> to vector<16xf32>
    %get3A_1954 = arith.constant 2304 : index
    %get3A_1955 = tpu.vector_load %arg10[%get3A_1954] {strides = array<i32>} : memref<3168xf32, #tpu.memory_space<vmem>>, vector<16xf32>,
    %get3A_1956 = vector.shape_cast %get3A_1955 : vector<16xf32> to vector<16xf32>
    %mul3A_1957 = arith.mulf %get3A_1950, %get3A_1950 : vector<16xf32>
    %mul3A_1958 = arith.mulf %get3A_1953, %get3A_1953 : vector<16xf32>
    %add3A_1959 = arith.addf %mul3A_1957, %mul3A_1958 : vector<16xf32>
    %mul3A_1960 = arith.mulf %get3A_1956, %get3A_1956 : vector<16xf32>
    %add3A_1961 = arith.addf %add3A_1959, %mul3A_1960 : vector<16xf32>
    %mul3A_1962 = arith.constant -1.250000e+01 : f32
    %mul3A_1963 = vector.broadcast %mul3A_1962 : f32 to vector<16xf32>
    %mul3A_1964 = arith.mulf %mul3A_1963, %add3A_1961 : vector<16xf32>
    %exp3A_1965 = math.exp %mul3A_1964 : vector<16xf32>
    %mul3A_1966 = arith.constant 6.28318548 : f32
    %mul3A_1967 = vector.broadcast %mul3A_1966 : f32 to vector<16xf32>
    %mul3A_1968 = arith.mulf %mul3A_1967, %exp3A_1965 : vector<16xf32>
    %div3A_1969 = arith.divf %mul3A_1968, %add3A_1961 : vector<16xf32>
    %swap3A_1970 = arith.constant 192 : index
    %swap3A_1971 = tpu.vector_load %arg11[%swap3A_1970] {strides = array<i32>} : memref<1056xf32, #tpu.memory_space<vmem>>, vector<16xf32>,
    %swap3A_1972 = vector.shape_cast %swap3A_1971 : vector<16xf32> to vector<16xf32>
    %swap3A_1973 = vector.shape_cast %div3A_1969 : vector<16xf32> to vector<16xf32>
    tpu.vector_store %arg11[%swap3A_1970], %swap3A_1973 {strides = array<i32>} : memref<1056xf32, #tpu.memory_space<vmem>>, vector<16xf32>,
    %get3A_1974 = arith.constant 208 : index
    %get3A_1975 = tpu.vector_load %arg10[%get3A_1974] {strides = array<i32>} : memref<3168xf32, #tpu.memory_space<vmem>>, vector<16xf32>,
    %get3A_1976 = vector.shape_cast %get3A_1975 : vector<16xf32> to vector<16xf32>
    %get3A_1977 = arith.constant 1264 : index
    %get3A_1978 = tpu.vector_load %arg10[%get3A_1977] {strides = array<i32>} : memref<3168xf32, #tpu.memory_space<vmem>>, vector<16xf32>,
    %get3A_1979 = vector.shape_cast %get3A_1978 : vector<16xf32> to vector<16xf32>
    %get3A_1980 = arith.constant 2320 : index
    %get3A_1981 = tpu.vector_load %arg10[%get3A_1980] {strides = array<i32>} : memref<3168xf32, #tpu.memory_space<vmem>>, vector<16xf32>,
    %get3A_1982 = vector.shape_cast %get3A_1981 : vector<16xf32> to vector<16xf32>
    %mul3A_1983 = arith.mulf %get3A_1976, %get3A_1976 : vector<16xf32>
    %mul3A_1984 = arith.mulf %get3A_1979, %get3A_1979 : vector<16xf32>
    %add3A_1985 = arith.addf %mul3A_1983, %mul3A_1984 : vector<16xf32>
    %mul3A_1986 = arith.mulf %get3A_1982, %get3A_1982 : vector<16xf32>
    %add3A_1987 = arith.addf %add3A_1985, %mul3A_1986 : vector<16xf32>
    %mul3A_1988 = arith.constant -1.250000e+01 : f32
    %mul3A_1989 = vector.broadcast %mul3A_1988 : f32 to vector<16xf32>
    %mul3A_1990 = arith.mulf %mul3A_1989, %add3A_1987 : vector<16xf32>
    %exp3A_1991 = math.exp %mul3A_1990 : vector<16xf32>
    %mul3A_1992 = arith.constant 6.28318548 : f32
    %mul3A_1993 = vector.broadcast %mul3A_1992 : f32 to vector<16xf32>
    %mul3A_1994 = arith.mulf %mul3A_1993, %exp3A_1991 : vector<16xf32>
    %div3A_1995 = arith.divf %mul3A_1994, %add3A_1987 : vector<16xf32>
    %swap3A_1996 = arith.constant 208 : index
    %swap3A_1997 = tpu.vector_load %arg11[%swap3A_1996] {strides = array<i32>} : memref<1056xf32, #tpu.memory_space<vmem>>, vector<16xf32>,
    %swap3A_1998 = vector.shape_cast %swap3A_1997 : vector<16xf32> to vector<16xf32>
    %swap3A_1999 = vector.shape_cast %div3A_1995 : vector<16xf32> to vector<16xf32>
    tpu.vector_store %arg11[%swap3A_1996], %swap3A_1999 {strides = array<i32>} : memref<1056xf32, #tpu.memory_space<vmem>>, vector<16xf32>,
    %get3A_2000 = arith.constant 224 : index
    %get3A_2001 = tpu.vector_load %arg10[%get3A_2000] {strides = array<i32>} : memref<3168xf32, #tpu.memory_space<vmem>>, vector<16xf32>,
    %get3A_2002 = vector.shape_cast %get3A_2001 : vector<16xf32> to vector<16xf32>
    %get3A_2003 = arith.constant 1280 : index
    %get3A_2004 = tpu.vector_load %arg10[%get3A_2003] {strides = array<i32>} : memref<3168xf32, #tpu.memory_space<vmem>>, vector<16xf32>,
    %get3A_2005 = vector.shape_cast %get3A_2004 : vector<16xf32> to vector<16xf32>
    %get3A_2006 = arith.constant 2336 : index
    %get3A_2007 = tpu.vector_load %arg10[%get3A_2006] {strides = array<i32>} : memref<3168xf32, #tpu.memory_space<vmem>>, vector<16xf32>,
    %get3A_2008 = vector.shape_cast %get3A_2007 : vector<16xf32> to vector<16xf32>
    %mul3A_2009 = arith.mulf %get3A_2002, %get3A_2002 : vector<16xf32>
    %mul3A_2010 = arith.mulf %get3A_2005, %get3A_2005 : vector<16xf32>
    %add3A_2011 = arith.addf %mul3A_2009, %mul3A_2010 : vector<16xf32>
    %mul3A_2012 = arith.mulf %get3A_2008, %get3A_2008 : vector<16xf32>
    %add3A_2013 = arith.addf %add3A_2011, %mul3A_2012 : vector<16xf32>
    %mul3A_2014 = arith.constant -1.250000e+01 : f32
    %mul3A_2015 = vector.broadcast %mul3A_2014 : f32 to vector<16xf32>
    %mul3A_2016 = arith.mulf %mul3A_2015, %add3A_2013 : vector<16xf32>
    %exp3A_2017 = math.exp %mul3A_2016 : vector<16xf32>
    %mul3A_2018 = arith.constant 6.28318548 : f32
    %mul3A_2019 = vector.broadcast %mul3A_2018 : f32 to vector<16xf32>
    %mul3A_2020 = arith.mulf %mul3A_2019, %exp3A_2017 : vector<16xf32>
    %div3A_2021 = arith.divf %mul3A_2020, %add3A_2013 : vector<16xf32>
    %swap3A_2022 = arith.constant 224 : index
    %swap3A_2023 = tpu.vector_load %arg11[%swap3A_2022] {strides = array<i32>} : memref<1056xf32, #tpu.memory_space<vmem>>, vector<16xf32>,
    %swap3A_2024 = vector.shape_cast %swap3A_2023 : vector<16xf32> to vector<16xf32>
    %swap3A_2025 = vector.shape_cast %div3A_2021 : vector<16xf32> to vector<16xf32>
    tpu.vector_store %arg11[%swap3A_2022], %swap3A_2025 {strides = array<i32>} : memref<1056xf32, #tpu.memory_space<vmem>>, vector<16xf32>,
    %get3A_2026 = arith.constant 240 : index
    %get3A_2027 = tpu.vector_load %arg10[%get3A_2026] {strides = array<i32>} : memref<3168xf32, #tpu.memory_space<vmem>>, vector<16xf32>,
    %get3A_2028 = vector.shape_cast %get3A_2027 : vector<16xf32> to vector<16xf32>
    %get3A_2029 = arith.constant 1296 : index
    %get3A_2030 = tpu.vector_load %arg10[%get3A_2029] {strides = array<i32>} : memref<3168xf32, #tpu.memory_space<vmem>>, vector<16xf32>,
    %get3A_2031 = vector.shape_cast %get3A_2030 : vector<16xf32> to vector<16xf32>
    %get3A_2032 = arith.constant 2352 : index
    %get3A_2033 = tpu.vector_load %arg10[%get3A_2032] {strides = array<i32>} : memref<3168xf32, #tpu.memory_space<vmem>>, vector<16xf32>,
    %get3A_2034 = vector.shape_cast %get3A_2033 : vector<16xf32> to vector<16xf32>
    %mul3A_2035 = arith.mulf %get3A_2028, %get3A_2028 : vector<16xf32>
    %mul3A_2036 = arith.mulf %get3A_2031, %get3A_2031 : vector<16xf32>
    %add3A_2037 = arith.addf %mul3A_2035, %mul3A_2036 : vector<16xf32>
    %mul3A_2038 = arith.mulf %get3A_2034, %get3A_2034 : vector<16xf32>
    %add3A_2039 = arith.addf %add3A_2037, %mul3A_2038 : vector<16xf32>
    %mul3A_2040 = arith.constant -1.250000e+01 : f32
    %mul3A_2041 = vector.broadcast %mul3A_2040 : f32 to vector<16xf32>
    %mul3A_2042 = arith.mulf %mul3A_2041, %add3A_2039 : vector<16xf32>
    %exp3A_2043 = math.exp %mul3A_2042 : vector<16xf32>
    %mul3A_2044 = arith.constant 6.28318548 : f32
    %mul3A_2045 = vector.broadcast %mul3A_2044 : f32 to vector<16xf32>
    %mul3A_2046 = arith.mulf %mul3A_2045, %exp3A_2043 : vector<16xf32>
    %div3A_2047 = arith.divf %mul3A_2046, %add3A_2039 : vector<16xf32>
    %swap3A_2048 = arith.constant 240 : index
    %swap3A_2049 = tpu.vector_load %arg11[%swap3A_2048] {strides = array<i32>} : memref<1056xf32, #tpu.memory_space<vmem>>, vector<16xf32>,
    %swap3A_2050 = vector.shape_cast %swap3A_2049 : vector<16xf32> to vector<16xf32>
    %swap3A_2051 = vector.shape_cast %div3A_2047 : vector<16xf32> to vector<16xf32>
    tpu.vector_store %arg11[%swap3A_2048], %swap3A_2051 {strides = array<i32>} : memref<1056xf32, #tpu.memory_space<vmem>>, vector<16xf32>,
    %get3A_2052 = arith.constant 256 : index
    %get3A_2053 = tpu.vector_load %arg10[%get3A_2052] {strides = array<i32>} : memref<3168xf32, #tpu.memory_space<vmem>>, vector<16xf32>,
    %get3A_2054 = vector.shape_cast %get3A_2053 : vector<16xf32> to vector<16xf32>
    %get3A_2055 = arith.constant 1312 : index
    %get3A_2056 = tpu.vector_load %arg10[%get3A_2055] {strides = array<i32>} : memref<3168xf32, #tpu.memory_space<vmem>>, vector<16xf32>,
    %get3A_2057 = vector.shape_cast %get3A_2056 : vector<16xf32> to vector<16xf32>
    %get3A_2058 = arith.constant 2368 : index
    %get3A_2059 = tpu.vector_load %arg10[%get3A_2058] {strides = array<i32>} : memref<3168xf32, #tpu.memory_space<vmem>>, vector<16xf32>,
    %get3A_2060 = vector.shape_cast %get3A_2059 : vector<16xf32> to vector<16xf32>
    %mul3A_2061 = arith.mulf %get3A_2054, %get3A_2054 : vector<16xf32>
    %mul3A_2062 = arith.mulf %get3A_2057, %get3A_2057 : vector<16xf32>
    %add3A_2063 = arith.addf %mul3A_2061, %mul3A_2062 : vector<16xf32>
    %mul3A_2064 = arith.mulf %get3A_2060, %get3A_2060 : vector<16xf32>
    %add3A_2065 = arith.addf %add3A_2063, %mul3A_2064 : vector<16xf32>
    %mul3A_2066 = arith.constant -1.250000e+01 : f32
    %mul3A_2067 = vector.broadcast %mul3A_2066 : f32 to vector<16xf32>
    %mul3A_2068 = arith.mulf %mul3A_2067, %add3A_2065 : vector<16xf32>
    %exp3A_2069 = math.exp %mul3A_2068 : vector<16xf32>
    %mul3A_2070 = arith.constant 6.28318548 : f32
    %mul3A_2071 = vector.broadcast %mul3A_2070 : f32 to vector<16xf32>
    %mul3A_2072 = arith.mulf %mul3A_2071, %exp3A_2069 : vector<16xf32>
    %div3A_2073 = arith.divf %mul3A_2072, %add3A_2065 : vector<16xf32>
    %swap3A_2074 = arith.constant 256 : index
    %swap3A_2075 = tpu.vector_load %arg11[%swap3A_2074] {strides = array<i32>} : memref<1056xf32, #tpu.memory_space<vmem>>, vector<16xf32>,
    %swap3A_2076 = vector.shape_cast %swap3A_2075 : vector<16xf32> to vector<16xf32>
    %swap3A_2077 = vector.shape_cast %div3A_2073 : vector<16xf32> to vector<16xf32>
    tpu.vector_store %arg11[%swap3A_2074], %swap3A_2077 {strides = array<i32>} : memref<1056xf32, #tpu.memory_space<vmem>>, vector<16xf32>,
    %get3A_2078 = arith.constant 272 : index
    %get3A_2079 = tpu.vector_load %arg10[%get3A_2078] {strides = array<i32>} : memref<3168xf32, #tpu.memory_space<vmem>>, vector<16xf32>,
    %get3A_2080 = vector.shape_cast %get3A_2079 : vector<16xf32> to vector<16xf32>
    %get3A_2081 = arith.constant 1328 : index
    %get3A_2082 = tpu.vector_load %arg10[%get3A_2081] {strides = array<i32>} : memref<3168xf32, #tpu.memory_space<vmem>>, vector<16xf32>,
    %get3A_2083 = vector.shape_cast %get3A_2082 : vector<16xf32> to vector<16xf32>
    %get3A_2084 = arith.constant 2384 : index
    %get3A_2085 = tpu.vector_load %arg10[%get3A_2084] {strides = array<i32>} : memref<3168xf32, #tpu.memory_space<vmem>>, vector<16xf32>,
    %get3A_2086 = vector.shape_cast %get3A_2085 : vector<16xf32> to vector<16xf32>
    %mul3A_2087 = arith.mulf %get3A_2080, %get3A_2080 : vector<16xf32>
    %mul3A_2088 = arith.mulf %get3A_2083, %get3A_2083 : vector<16xf32>
    %add3A_2089 = arith.addf %mul3A_2087, %mul3A_2088 : vector<16xf32>
    %mul3A_2090 = arith.mulf %get3A_2086, %get3A_2086 : vector<16xf32>
    %add3A_2091 = arith.addf %add3A_2089, %mul3A_2090 : vector<16xf32>
    %mul3A_2092 = arith.constant -1.250000e+01 : f32
    %mul3A_2093 = vector.broadcast %mul3A_2092 : f32 to vector<16xf32>
    %mul3A_2094 = arith.mulf %mul3A_2093, %add3A_2091 : vector<16xf32>
    %exp3A_2095 = math.exp %mul3A_2094 : vector<16xf32>
    %mul3A_2096 = arith.constant 6.28318548 : f32
    %mul3A_2097 = vector.broadcast %mul3A_2096 : f32 to vector<16xf32>
    %mul3A_2098 = arith.mulf %mul3A_2097, %exp3A_2095 : vector<16xf32>
    %div3A_2099 = arith.divf %mul3A_2098, %add3A_2091 : vector<16xf32>
    %swap3A_2100 = arith.constant 272 : index
    %swap3A_2101 = tpu.vector_load %arg11[%swap3A_2100] {strides = array<i32>} : memref<1056xf32, #tpu.memory_space<vmem>>, vector<16xf32>,
    %swap3A_2102 = vector.shape_cast %swap3A_2101 : vector<16xf32> to vector<16xf32>
    %swap3A_2103 = vector.shape_cast %div3A_2099 : vector<16xf32> to vector<16xf32>
    tpu.vector_store %arg11[%swap3A_2100], %swap3A_2103 {strides = array<i32>} : memref<1056xf32, #tpu.memory_space<vmem>>, vector<16xf32>,
    %get3A_2104 = arith.constant 288 : index
    %get3A_2105 = tpu.vector_load %arg10[%get3A_2104] {strides = array<i32>} : memref<3168xf32, #tpu.memory_space<vmem>>, vector<16xf32>,
    %get3A_2106 = vector.shape_cast %get3A_2105 : vector<16xf32> to vector<16xf32>
    %get3A_2107 = arith.constant 1344 : index
    %get3A_2108 = tpu.vector_load %arg10[%get3A_2107] {strides = array<i32>} : memref<3168xf32, #tpu.memory_space<vmem>>, vector<16xf32>,
    %get3A_2109 = vector.shape_cast %get3A_2108 : vector<16xf32> to vector<16xf32>
    %get3A_2110 = arith.constant 2400 : index
    %get3A_2111 = tpu.vector_load %arg10[%get3A_2110] {strides = array<i32>} : memref<3168xf32, #tpu.memory_space<vmem>>, vector<16xf32>,
    %get3A_2112 = vector.shape_cast %get3A_2111 : vector<16xf32> to vector<16xf32>
    %mul3A_2113 = arith.mulf %get3A_2106, %get3A_2106 : vector<16xf32>
    %mul3A_2114 = arith.mulf %get3A_2109, %get3A_2109 : vector<16xf32>
    %add3A_2115 = arith.addf %mul3A_2113, %mul3A_2114 : vector<16xf32>
    %mul3A_2116 = arith.mulf %get3A_2112, %get3A_2112 : vector<16xf32>
    %add3A_2117 = arith.addf %add3A_2115, %mul3A_2116 : vector<16xf32>
    %mul3A_2118 = arith.constant -1.250000e+01 : f32
    %mul3A_2119 = vector.broadcast %mul3A_2118 : f32 to vector<16xf32>
    %mul3A_2120 = arith.mulf %mul3A_2119, %add3A_2117 : vector<16xf32>
    %exp3A_2121 = math.exp %mul3A_2120 : vector<16xf32>
    %mul3A_2122 = arith.constant 6.28318548 : f32
    %mul3A_2123 = vector.broadcast %mul3A_2122 : f32 to vector<16xf32>
    %mul3A_2124 = arith.mulf %mul3A_2123, %exp3A_2121 : vector<16xf32>
    %div3A_2125 = arith.divf %mul3A_2124, %add3A_2117 : vector<16xf32>
    %swap3A_2126 = arith.constant 288 : index
    %swap3A_2127 = tpu.vector_load %arg11[%swap3A_2126] {strides = array<i32>} : memref<1056xf32, #tpu.memory_space<vmem>>, vector<16xf32>,
    %swap3A_2128 = vector.shape_cast %swap3A_2127 : vector<16xf32> to vector<16xf32>
    %swap3A_2129 = vector.shape_cast %div3A_2125 : vector<16xf32> to vector<16xf32>
    tpu.vector_store %arg11[%swap3A_2126], %swap3A_2129 {strides = array<i32>} : memref<1056xf32, #tpu.memory_space<vmem>>, vector<16xf32>,
    %get3A_2130 = arith.constant 304 : index
    %get3A_2131 = tpu.vector_load %arg10[%get3A_2130] {strides = array<i32>} : memref<3168xf32, #tpu.memory_space<vmem>>, vector<16xf32>,
    %get3A_2132 = vector.shape_cast %get3A_2131 : vector<16xf32> to vector<16xf32>
    %get3A_2133 = arith.constant 1360 : index
    %get3A_2134 = tpu.vector_load %arg10[%get3A_2133] {strides = array<i32>} : memref<3168xf32, #tpu.memory_space<vmem>>, vector<16xf32>,
    %get3A_2135 = vector.shape_cast %get3A_2134 : vector<16xf32> to vector<16xf32>
    %get3A_2136 = arith.constant 2416 : index
    %get3A_2137 = tpu.vector_load %arg10[%get3A_2136] {strides = array<i32>} : memref<3168xf32, #tpu.memory_space<vmem>>, vector<16xf32>,
    %get3A_2138 = vector.shape_cast %get3A_2137 : vector<16xf32> to vector<16xf32>
    %mul3A_2139 = arith.mulf %get3A_2132, %get3A_2132 : vector<16xf32>
    %mul3A_2140 = arith.mulf %get3A_2135, %get3A_2135 : vector<16xf32>
    %add3A_2141 = arith.addf %mul3A_2139, %mul3A_2140 : vector<16xf32>
    %mul3A_2142 = arith.mulf %get3A_2138, %get3A_2138 : vector<16xf32>
    %add3A_2143 = arith.addf %add3A_2141, %mul3A_2142 : vector<16xf32>
    %mul3A_2144 = arith.constant -1.250000e+01 : f32
    %mul3A_2145 = vector.broadcast %mul3A_2144 : f32 to vector<16xf32>
    %mul3A_2146 = arith.mulf %mul3A_2145, %add3A_2143 : vector<16xf32>
    %exp3A_2147 = math.exp %mul3A_2146 : vector<16xf32>
    %mul3A_2148 = arith.constant 6.28318548 : f32
    %mul3A_2149 = vector.broadcast %mul3A_2148 : f32 to vector<16xf32>
    %mul3A_2150 = arith.mulf %mul3A_2149, %exp3A_2147 : vector<16xf32>
    %div3A_2151 = arith.divf %mul3A_2150, %add3A_2143 : vector<16xf32>
    %swap3A_2152 = arith.constant 304 : index
    %swap3A_2153 = tpu.vector_load %arg11[%swap3A_2152] {strides = array<i32>} : memref<1056xf32, #tpu.memory_space<vmem>>, vector<16xf32>,
    %swap3A_2154 = vector.shape_cast %swap3A_2153 : vector<16xf32> to vector<16xf32>
    %swap3A_2155 = vector.shape_cast %div3A_2151 : vector<16xf32> to vector<16xf32>
    tpu.vector_store %arg11[%swap3A_2152], %swap3A_2155 {strides = array<i32>} : memref<1056xf32, #tpu.memory_space<vmem>>, vector<16xf32>,
    %get3A_2156 = arith.constant 320 : index
    %get3A_2157 = tpu.vector_load %arg10[%get3A_2156] {strides = array<i32>} : memref<3168xf32, #tpu.memory_space<vmem>>, vector<16xf32>,
    %get3A_2158 = vector.shape_cast %get3A_2157 : vector<16xf32> to vector<16xf32>
    %get3A_2159 = arith.constant 1376 : index
    %get3A_2160 = tpu.vector_load %arg10[%get3A_2159] {strides = array<i32>} : memref<3168xf32, #tpu.memory_space<vmem>>, vector<16xf32>,
    %get3A_2161 = vector.shape_cast %get3A_2160 : vector<16xf32> to vector<16xf32>
    %get3A_2162 = arith.constant 2432 : index
    %get3A_2163 = tpu.vector_load %arg10[%get3A_2162] {strides = array<i32>} : memref<3168xf32, #tpu.memory_space<vmem>>, vector<16xf32>,
    %get3A_2164 = vector.shape_cast %get3A_2163 : vector<16xf32> to vector<16xf32>
    %mul3A_2165 = arith.mulf %get3A_2158, %get3A_2158 : vector<16xf32>
    %mul3A_2166 = arith.mulf %get3A_2161, %get3A_2161 : vector<16xf32>
    %add3A_2167 = arith.addf %mul3A_2165, %mul3A_2166 : vector<16xf32>
    %mul3A_2168 = arith.mulf %get3A_2164, %get3A_2164 : vector<16xf32>
    %add3A_2169 = arith.addf %add3A_2167, %mul3A_2168 : vector<16xf32>
    %mul3A_2170 = arith.constant -1.250000e+01 : f32
    %mul3A_2171 = vector.broadcast %mul3A_2170 : f32 to vector<16xf32>
    %mul3A_2172 = arith.mulf %mul3A_2171, %add3A_2169 : vector<16xf32>
    %exp3A_2173 = math.exp %mul3A_2172 : vector<16xf32>
    %mul3A_2174 = arith.constant 6.28318548 : f32
    %mul3A_2175 = vector.broadcast %mul3A_2174 : f32 to vector<16xf32>
    %mul3A_2176 = arith.mulf %mul3A_2175, %exp3A_2173 : vector<16xf32>
    %div3A_2177 = arith.divf %mul3A_2176, %add3A_2169 : vector<16xf32>
    %swap3A_2178 = arith.constant 320 : index
    %swap3A_2179 = tpu.vector_load %arg11[%swap3A_2178] {strides = array<i32>} : memref<1056xf32, #tpu.memory_space<vmem>>, vector<16xf32>,
    %swap3A_2180 = vector.shape_cast %swap3A_2179 : vector<16xf32> to vector<16xf32>
    %swap3A_2181 = vector.shape_cast %div3A_2177 : vector<16xf32> to vector<16xf32>
    tpu.vector_store %arg11[%swap3A_2178], %swap3A_2181 {strides = array<i32>} : memref<1056xf32, #tpu.memory_space<vmem>>, vector<16xf32>,
    %get3A_2182 = arith.constant 336 : index
    %get3A_2183 = tpu.vector_load %arg10[%get3A_2182] {strides = array<i32>} : memref<3168xf32, #tpu.memory_space<vmem>>, vector<16xf32>,
    %get3A_2184 = vector.shape_cast %get3A_2183 : vector<16xf32> to vector<16xf32>
    %get3A_2185 = arith.constant 1392 : index
    %get3A_2186 = tpu.vector_load %arg10[%get3A_2185] {strides = array<i32>} : memref<3168xf32, #tpu.memory_space<vmem>>, vector<16xf32>,
    %get3A_2187 = vector.shape_cast %get3A_2186 : vector<16xf32> to vector<16xf32>
    %get3A_2188 = arith.constant 2448 : index
    %get3A_2189 = tpu.vector_load %arg10[%get3A_2188] {strides = array<i32>} : memref<3168xf32, #tpu.memory_space<vmem>>, vector<16xf32>,
    %get3A_2190 = vector.shape_cast %get3A_2189 : vector<16xf32> to vector<16xf32>
    %mul3A_2191 = arith.mulf %get3A_2184, %get3A_2184 : vector<16xf32>
    %mul3A_2192 = arith.mulf %get3A_2187, %get3A_2187 : vector<16xf32>
    %add3A_2193 = arith.addf %mul3A_2191, %mul3A_2192 : vector<16xf32>
    %mul3A_2194 = arith.mulf %get3A_2190, %get3A_2190 : vector<16xf32>
    %add3A_2195 = arith.addf %add3A_2193, %mul3A_2194 : vector<16xf32>
    %mul3A_2196 = arith.constant -1.250000e+01 : f32
    %mul3A_2197 = vector.broadcast %mul3A_2196 : f32 to vector<16xf32>
    %mul3A_2198 = arith.mulf %mul3A_2197, %add3A_2195 : vector<16xf32>
    %exp3A_2199 = math.exp %mul3A_2198 : vector<16xf32>
    %mul3A_2200 = arith.constant 6.28318548 : f32
    %mul3A_2201 = vector.broadcast %mul3A_2200 : f32 to vector<16xf32>
    %mul3A_2202 = arith.mulf %mul3A_2201, %exp3A_2199 : vector<16xf32>
    %div3A_2203 = arith.divf %mul3A_2202, %add3A_2195 : vector<16xf32>
    %swap3A_2204 = arith.constant 336 : index
    %swap3A_2205 = tpu.vector_load %arg11[%swap3A_2204] {strides = array<i32>} : memref<1056xf32, #tpu.memory_space<vmem>>, vector<16xf32>,
    %swap3A_2206 = vector.shape_cast %swap3A_2205 : vector<16xf32> to vector<16xf32>
    %swap3A_2207 = vector.shape_cast %div3A_2203 : vector<16xf32> to vector<16xf32>
    tpu.vector_store %arg11[%swap3A_2204], %swap3A_2207 {strides = array<i32>} : memref<1056xf32, #tpu.memory_space<vmem>>, vector<16xf32>,
    %get3A_2208 = arith.constant 352 : index
    %get3A_2209 = tpu.vector_load %arg10[%get3A_2208] {strides = array<i32>} : memref<3168xf32, #tpu.memory_space<vmem>>, vector<16xf32>,
    %get3A_2210 = vector.shape_cast %get3A_2209 : vector<16xf32> to vector<16xf32>
    %get3A_2211 = arith.constant 1408 : index
    %get3A_2212 = tpu.vector_load %arg10[%get3A_2211] {strides = array<i32>} : memref<3168xf32, #tpu.memory_space<vmem>>, vector<16xf32>,
    %get3A_2213 = vector.shape_cast %get3A_2212 : vector<16xf32> to vector<16xf32>
    %get3A_2214 = arith.constant 2464 : index
    %get3A_2215 = tpu.vector_load %arg10[%get3A_2214] {strides = array<i32>} : memref<3168xf32, #tpu.memory_space<vmem>>, vector<16xf32>,
    %get3A_2216 = vector.shape_cast %get3A_2215 : vector<16xf32> to vector<16xf32>
    %mul3A_2217 = arith.mulf %get3A_2210, %get3A_2210 : vector<16xf32>
    %mul3A_2218 = arith.mulf %get3A_2213, %get3A_2213 : vector<16xf32>
    %add3A_2219 = arith.addf %mul3A_2217, %mul3A_2218 : vector<16xf32>
    %mul3A_2220 = arith.mulf %get3A_2216, %get3A_2216 : vector<16xf32>
    %add3A_2221 = arith.addf %add3A_2219, %mul3A_2220 : vector<16xf32>
    %mul3A_2222 = arith.constant -1.250000e+01 : f32
    %mul3A_2223 = vector.broadcast %mul3A_2222 : f32 to vector<16xf32>
    %mul3A_2224 = arith.mulf %mul3A_2223, %add3A_2221 : vector<16xf32>
    %exp3A_2225 = math.exp %mul3A_2224 : vector<16xf32>
    %mul3A_2226 = arith.constant 6.28318548 : f32
    %mul3A_2227 = vector.broadcast %mul3A_2226 : f32 to vector<16xf32>
    %mul3A_2228 = arith.mulf %mul3A_2227, %exp3A_2225 : vector<16xf32>
    %div3A_2229 = arith.divf %mul3A_2228, %add3A_2221 : vector<16xf32>
    %swap3A_2230 = arith.constant 352 : index
    %swap3A_2231 = tpu.vector_load %arg11[%swap3A_2230] {strides = array<i32>} : memref<1056xf32, #tpu.memory_space<vmem>>, vector<16xf32>,
    %swap3A_2232 = vector.shape_cast %swap3A_2231 : vector<16xf32> to vector<16xf32>
    %swap3A_2233 = vector.shape_cast %div3A_2229 : vector<16xf32> to vector<16xf32>
    tpu.vector_store %arg11[%swap3A_2230], %swap3A_2233 {strides = array<i32>} : memref<1056xf32, #tpu.memory_space<vmem>>, vector<16xf32>,
    %get3A_2234 = arith.constant 368 : index
    %get3A_2235 = tpu.vector_load %arg10[%get3A_2234] {strides = array<i32>} : memref<3168xf32, #tpu.memory_space<vmem>>, vector<16xf32>,
    %get3A_2236 = vector.shape_cast %get3A_2235 : vector<16xf32> to vector<16xf32>
    %get3A_2237 = arith.constant 1424 : index
    %get3A_2238 = tpu.vector_load %arg10[%get3A_2237] {strides = array<i32>} : memref<3168xf32, #tpu.memory_space<vmem>>, vector<16xf32>,
    %get3A_2239 = vector.shape_cast %get3A_2238 : vector<16xf32> to vector<16xf32>
    %get3A_2240 = arith.constant 2480 : index
    %get3A_2241 = tpu.vector_load %arg10[%get3A_2240] {strides = array<i32>} : memref<3168xf32, #tpu.memory_space<vmem>>, vector<16xf32>,
    %get3A_2242 = vector.shape_cast %get3A_2241 : vector<16xf32> to vector<16xf32>
    %mul3A_2243 = arith.mulf %get3A_2236, %get3A_2236 : vector<16xf32>
    %mul3A_2244 = arith.mulf %get3A_2239, %get3A_2239 : vector<16xf32>
    %add3A_2245 = arith.addf %mul3A_2243, %mul3A_2244 : vector<16xf32>
    %mul3A_2246 = arith.mulf %get3A_2242, %get3A_2242 : vector<16xf32>
    %add3A_2247 = arith.addf %add3A_2245, %mul3A_2246 : vector<16xf32>
    %mul3A_2248 = arith.constant -1.250000e+01 : f32
    %mul3A_2249 = vector.broadcast %mul3A_2248 : f32 to vector<16xf32>
    %mul3A_2250 = arith.mulf %mul3A_2249, %add3A_2247 : vector<16xf32>
    %exp3A_2251 = math.exp %mul3A_2250 : vector<16xf32>
    %mul3A_2252 = arith.constant 6.28318548 : f32
    %mul3A_2253 = vector.broadcast %mul3A_2252 : f32 to vector<16xf32>
    %mul3A_2254 = arith.mulf %mul3A_2253, %exp3A_2251 : vector<16xf32>
    %div3A_2255 = arith.divf %mul3A_2254, %add3A_2247 : vector<16xf32>
    %swap3A_2256 = arith.constant 368 : index
    %swap3A_2257 = tpu.vector_load %arg11[%swap3A_2256] {strides = array<i32>} : memref<1056xf32, #tpu.memory_space<vmem>>, vector<16xf32>,
    %swap3A_2258 = vector.shape_cast %swap3A_2257 : vector<16xf32> to vector<16xf32>
    %swap3A_2259 = vector.shape_cast %div3A_2255 : vector<16xf32> to vector<16xf32>
    tpu.vector_store %arg11[%swap3A_2256], %swap3A_2259 {strides = array<i32>} : memref<1056xf32, #tpu.memory_space<vmem>>, vector<16xf32>,
    %get3A_2260 = arith.constant 384 : index
    %get3A_2261 = tpu.vector_load %arg10[%get3A_2260] {strides = array<i32>} : memref<3168xf32, #tpu.memory_space<vmem>>, vector<16xf32>,
    %get3A_2262 = vector.shape_cast %get3A_2261 : vector<16xf32> to vector<16xf32>
    %get3A_2263 = arith.constant 1440 : index
    %get3A_2264 = tpu.vector_load %arg10[%get3A_2263] {strides = array<i32>} : memref<3168xf32, #tpu.memory_space<vmem>>, vector<16xf32>,
    %get3A_2265 = vector.shape_cast %get3A_2264 : vector<16xf32> to vector<16xf32>
    %get3A_2266 = arith.constant 2496 : index
    %get3A_2267 = tpu.vector_load %arg10[%get3A_2266] {strides = array<i32>} : memref<3168xf32, #tpu.memory_space<vmem>>, vector<16xf32>,
    %get3A_2268 = vector.shape_cast %get3A_2267 : vector<16xf32> to vector<16xf32>
    %mul3A_2269 = arith.mulf %get3A_2262, %get3A_2262 : vector<16xf32>
    %mul3A_2270 = arith.mulf %get3A_2265, %get3A_2265 : vector<16xf32>
    %add3A_2271 = arith.addf %mul3A_2269, %mul3A_2270 : vector<16xf32>
    %mul3A_2272 = arith.mulf %get3A_2268, %get3A_2268 : vector<16xf32>
    %add3A_2273 = arith.addf %add3A_2271, %mul3A_2272 : vector<16xf32>
    %mul3A_2274 = arith.constant -1.250000e+01 : f32
    %mul3A_2275 = vector.broadcast %mul3A_2274 : f32 to vector<16xf32>
    %mul3A_2276 = arith.mulf %mul3A_2275, %add3A_2273 : vector<16xf32>
    %exp3A_2277 = math.exp %mul3A_2276 : vector<16xf32>
    %mul3A_2278 = arith.constant 6.28318548 : f32
    %mul3A_2279 = vector.broadcast %mul3A_2278 : f32 to vector<16xf32>
    %mul3A_2280 = arith.mulf %mul3A_2279, %exp3A_2277 : vector<16xf32>
    %div3A_2281 = arith.divf %mul3A_2280, %add3A_2273 : vector<16xf32>
    %swap3A_2282 = arith.constant 384 : index
    %swap3A_2283 = tpu.vector_load %arg11[%swap3A_2282] {strides = array<i32>} : memref<1056xf32, #tpu.memory_space<vmem>>, vector<16xf32>,
    %swap3A_2284 = vector.shape_cast %swap3A_2283 : vector<16xf32> to vector<16xf32>
    %swap3A_2285 = vector.shape_cast %div3A_2281 : vector<16xf32> to vector<16xf32>
    tpu.vector_store %arg11[%swap3A_2282], %swap3A_2285 {strides = array<i32>} : memref<1056xf32, #tpu.memory_space<vmem>>, vector<16xf32>,
    %get3A_2286 = arith.constant 400 : index
    %get3A_2287 = tpu.vector_load %arg10[%get3A_2286] {strides = array<i32>} : memref<3168xf32, #tpu.memory_space<vmem>>, vector<16xf32>,
    %get3A_2288 = vector.shape_cast %get3A_2287 : vector<16xf32> to vector<16xf32>
    %get3A_2289 = arith.constant 1456 : index
    %get3A_2290 = tpu.vector_load %arg10[%get3A_2289] {strides = array<i32>} : memref<3168xf32, #tpu.memory_space<vmem>>, vector<16xf32>,
    %get3A_2291 = vector.shape_cast %get3A_2290 : vector<16xf32> to vector<16xf32>
    %get3A_2292 = arith.constant 2512 : index
    %get3A_2293 = tpu.vector_load %arg10[%get3A_2292] {strides = array<i32>} : memref<3168xf32, #tpu.memory_space<vmem>>, vector<16xf32>,
    %get3A_2294 = vector.shape_cast %get3A_2293 : vector<16xf32> to vector<16xf32>
    %mul3A_2295 = arith.mulf %get3A_2288, %get3A_2288 : vector<16xf32>
    %mul3A_2296 = arith.mulf %get3A_2291, %get3A_2291 : vector<16xf32>
    %add3A_2297 = arith.addf %mul3A_2295, %mul3A_2296 : vector<16xf32>
    %mul3A_2298 = arith.mulf %get3A_2294, %get3A_2294 : vector<16xf32>
    %add3A_2299 = arith.addf %add3A_2297, %mul3A_2298 : vector<16xf32>
    %mul3A_2300 = arith.constant -1.250000e+01 : f32
    %mul3A_2301 = vector.broadcast %mul3A_2300 : f32 to vector<16xf32>
    %mul3A_2302 = arith.mulf %mul3A_2301, %add3A_2299 : vector<16xf32>
    %exp3A_2303 = math.exp %mul3A_2302 : vector<16xf32>
    %mul3A_2304 = arith.constant 6.28318548 : f32
    %mul3A_2305 = vector.broadcast %mul3A_2304 : f32 to vector<16xf32>
    %mul3A_2306 = arith.mulf %mul3A_2305, %exp3A_2303 : vector<16xf32>
    %div3A_2307 = arith.divf %mul3A_2306, %add3A_2299 : vector<16xf32>
    %swap3A_2308 = arith.constant 400 : index
    %swap3A_2309 = tpu.vector_load %arg11[%swap3A_2308] {strides = array<i32>} : memref<1056xf32, #tpu.memory_space<vmem>>, vector<16xf32>,
    %swap3A_2310 = vector.shape_cast %swap3A_2309 : vector<16xf32> to vector<16xf32>
    %swap3A_2311 = vector.shape_cast %div3A_2307 : vector<16xf32> to vector<16xf32>
    tpu.vector_store %arg11[%swap3A_2308], %swap3A_2311 {strides = array<i32>} : memref<1056xf32, #tpu.memory_space<vmem>>, vector<16xf32>,
    %get3A_2312 = arith.constant 416 : index
    %get3A_2313 = tpu.vector_load %arg10[%get3A_2312] {strides = array<i32>} : memref<3168xf32, #tpu.memory_space<vmem>>, vector<16xf32>,
    %get3A_2314 = vector.shape_cast %get3A_2313 : vector<16xf32> to vector<16xf32>
    %get3A_2315 = arith.constant 1472 : index
    %get3A_2316 = tpu.vector_load %arg10[%get3A_2315] {strides = array<i32>} : memref<3168xf32, #tpu.memory_space<vmem>>, vector<16xf32>,
    %get3A_2317 = vector.shape_cast %get3A_2316 : vector<16xf32> to vector<16xf32>
    %get3A_2318 = arith.constant 2528 : index
    %get3A_2319 = tpu.vector_load %arg10[%get3A_2318] {strides = array<i32>} : memref<3168xf32, #tpu.memory_space<vmem>>, vector<16xf32>,
    %get3A_2320 = vector.shape_cast %get3A_2319 : vector<16xf32> to vector<16xf32>
    %mul3A_2321 = arith.mulf %get3A_2314, %get3A_2314 : vector<16xf32>
    %mul3A_2322 = arith.mulf %get3A_2317, %get3A_2317 : vector<16xf32>
    %add3A_2323 = arith.addf %mul3A_2321, %mul3A_2322 : vector<16xf32>
    %mul3A_2324 = arith.mulf %get3A_2320, %get3A_2320 : vector<16xf32>
    %add3A_2325 = arith.addf %add3A_2323, %mul3A_2324 : vector<16xf32>
    %mul3A_2326 = arith.constant -1.250000e+01 : f32
    %mul3A_2327 = vector.broadcast %mul3A_2326 : f32 to vector<16xf32>
    %mul3A_2328 = arith.mulf %mul3A_2327, %add3A_2325 : vector<16xf32>
    %exp3A_2329 = math.exp %mul3A_2328 : vector<16xf32>
    %mul3A_2330 = arith.constant 6.28318548 : f32
    %mul3A_2331 = vector.broadcast %mul3A_2330 : f32 to vector<16xf32>
    %mul3A_2332 = arith.mulf %mul3A_2331, %exp3A_2329 : vector<16xf32>
    %div3A_2333 = arith.divf %mul3A_2332, %add3A_2325 : vector<16xf32>
    %swap3A_2334 = arith.constant 416 : index
    %swap3A_2335 = tpu.vector_load %arg11[%swap3A_2334] {strides = array<i32>} : memref<1056xf32, #tpu.memory_space<vmem>>, vector<16xf32>,
    %swap3A_2336 = vector.shape_cast %swap3A_2335 : vector<16xf32> to vector<16xf32>
    %swap3A_2337 = vector.shape_cast %div3A_2333 : vector<16xf32> to vector<16xf32>
    tpu.vector_store %arg11[%swap3A_2334], %swap3A_2337 {strides = array<i32>} : memref<1056xf32, #tpu.memory_space<vmem>>, vector<16xf32>,
    %get3A_2338 = arith.constant 432 : index
    %get3A_2339 = tpu.vector_load %arg10[%get3A_2338] {strides = array<i32>} : memref<3168xf32, #tpu.memory_space<vmem>>, vector<16xf32>,
    %get3A_2340 = vector.shape_cast %get3A_2339 : vector<16xf32> to vector<16xf32>
    %get3A_2341 = arith.constant 1488 : index
    %get3A_2342 = tpu.vector_load %arg10[%get3A_2341] {strides = array<i32>} : memref<3168xf32, #tpu.memory_space<vmem>>, vector<16xf32>,
    %get3A_2343 = vector.shape_cast %get3A_2342 : vector<16xf32> to vector<16xf32>
    %get3A_2344 = arith.constant 2544 : index
    %get3A_2345 = tpu.vector_load %arg10[%get3A_2344] {strides = array<i32>} : memref<3168xf32, #tpu.memory_space<vmem>>, vector<16xf32>,
    %get3A_2346 = vector.shape_cast %get3A_2345 : vector<16xf32> to vector<16xf32>
    %mul3A_2347 = arith.mulf %get3A_2340, %get3A_2340 : vector<16xf32>
    %mul3A_2348 = arith.mulf %get3A_2343, %get3A_2343 : vector<16xf32>
    %add3A_2349 = arith.addf %mul3A_2347, %mul3A_2348 : vector<16xf32>
    %mul3A_2350 = arith.mulf %get3A_2346, %get3A_2346 : vector<16xf32>
    %add3A_2351 = arith.addf %add3A_2349, %mul3A_2350 : vector<16xf32>
    %mul3A_2352 = arith.constant -1.250000e+01 : f32
    %mul3A_2353 = vector.broadcast %mul3A_2352 : f32 to vector<16xf32>
    %mul3A_2354 = arith.mulf %mul3A_2353, %add3A_2351 : vector<16xf32>
    %exp3A_2355 = math.exp %mul3A_2354 : vector<16xf32>
    %mul3A_2356 = arith.constant 6.28318548 : f32
    %mul3A_2357 = vector.broadcast %mul3A_2356 : f32 to vector<16xf32>
    %mul3A_2358 = arith.mulf %mul3A_2357, %exp3A_2355 : vector<16xf32>
    %div3A_2359 = arith.divf %mul3A_2358, %add3A_2351 : vector<16xf32>
    %swap3A_2360 = arith.constant 432 : index
    %swap3A_2361 = tpu.vector_load %arg11[%swap3A_2360] {strides = array<i32>} : memref<1056xf32, #tpu.memory_space<vmem>>, vector<16xf32>,
    %swap3A_2362 = vector.shape_cast %swap3A_2361 : vector<16xf32> to vector<16xf32>
    %swap3A_2363 = vector.shape_cast %div3A_2359 : vector<16xf32> to vector<16xf32>
    tpu.vector_store %arg11[%swap3A_2360], %swap3A_2363 {strides = array<i32>} : memref<1056xf32, #tpu.memory_space<vmem>>, vector<16xf32>,
    %get3A_2364 = arith.constant 448 : index
    %get3A_2365 = tpu.vector_load %arg10[%get3A_2364] {strides = array<i32>} : memref<3168xf32, #tpu.memory_space<vmem>>, vector<16xf32>,
    %get3A_2366 = vector.shape_cast %get3A_2365 : vector<16xf32> to vector<16xf32>
    %get3A_2367 = arith.constant 1504 : index
    %get3A_2368 = tpu.vector_load %arg10[%get3A_2367] {strides = array<i32>} : memref<3168xf32, #tpu.memory_space<vmem>>, vector<16xf32>,
    %get3A_2369 = vector.shape_cast %get3A_2368 : vector<16xf32> to vector<16xf32>
    %get3A_2370 = arith.constant 2560 : index
    %get3A_2371 = tpu.vector_load %arg10[%get3A_2370] {strides = array<i32>} : memref<3168xf32, #tpu.memory_space<vmem>>, vector<16xf32>,
    %get3A_2372 = vector.shape_cast %get3A_2371 : vector<16xf32> to vector<16xf32>
    %mul3A_2373 = arith.mulf %get3A_2366, %get3A_2366 : vector<16xf32>
    %mul3A_2374 = arith.mulf %get3A_2369, %get3A_2369 : vector<16xf32>
    %add3A_2375 = arith.addf %mul3A_2373, %mul3A_2374 : vector<16xf32>
    %mul3A_2376 = arith.mulf %get3A_2372, %get3A_2372 : vector<16xf32>
    %add3A_2377 = arith.addf %add3A_2375, %mul3A_2376 : vector<16xf32>
    %mul3A_2378 = arith.constant -1.250000e+01 : f32
    %mul3A_2379 = vector.broadcast %mul3A_2378 : f32 to vector<16xf32>
    %mul3A_2380 = arith.mulf %mul3A_2379, %add3A_2377 : vector<16xf32>
    %exp3A_2381 = math.exp %mul3A_2380 : vector<16xf32>
    %mul3A_2382 = arith.constant 6.28318548 : f32
    %mul3A_2383 = vector.broadcast %mul3A_2382 : f32 to vector<16xf32>
    %mul3A_2384 = arith.mulf %mul3A_2383, %exp3A_2381 : vector<16xf32>
    %div3A_2385 = arith.divf %mul3A_2384, %add3A_2377 : vector<16xf32>
    %swap3A_2386 = arith.constant 448 : index
    %swap3A_2387 = tpu.vector_load %arg11[%swap3A_2386] {strides = array<i32>} : memref<1056xf32, #tpu.memory_space<vmem>>, vector<16xf32>,
    %swap3A_2388 = vector.shape_cast %swap3A_2387 : vector<16xf32> to vector<16xf32>
    %swap3A_2389 = vector.shape_cast %div3A_2385 : vector<16xf32> to vector<16xf32>
    tpu.vector_store %arg11[%swap3A_2386], %swap3A_2389 {strides = array<i32>} : memref<1056xf32, #tpu.memory_space<vmem>>, vector<16xf32>,
    %get3A_2390 = arith.constant 464 : index
    %get3A_2391 = tpu.vector_load %arg10[%get3A_2390] {strides = array<i32>} : memref<3168xf32, #tpu.memory_space<vmem>>, vector<16xf32>,
    %get3A_2392 = vector.shape_cast %get3A_2391 : vector<16xf32> to vector<16xf32>
    %get3A_2393 = arith.constant 1520 : index
    %get3A_2394 = tpu.vector_load %arg10[%get3A_2393] {strides = array<i32>} : memref<3168xf32, #tpu.memory_space<vmem>>, vector<16xf32>,
    %get3A_2395 = vector.shape_cast %get3A_2394 : vector<16xf32> to vector<16xf32>
    %get3A_2396 = arith.constant 2576 : index
    %get3A_2397 = tpu.vector_load %arg10[%get3A_2396] {strides = array<i32>} : memref<3168xf32, #tpu.memory_space<vmem>>, vector<16xf32>,
    %get3A_2398 = vector.shape_cast %get3A_2397 : vector<16xf32> to vector<16xf32>
    %mul3A_2399 = arith.mulf %get3A_2392, %get3A_2392 : vector<16xf32>
    %mul3A_2400 = arith.mulf %get3A_2395, %get3A_2395 : vector<16xf32>
    %add3A_2401 = arith.addf %mul3A_2399, %mul3A_2400 : vector<16xf32>
    %mul3A_2402 = arith.mulf %get3A_2398, %get3A_2398 : vector<16xf32>
    %add3A_2403 = arith.addf %add3A_2401, %mul3A_2402 : vector<16xf32>
    %mul3A_2404 = arith.constant -1.250000e+01 : f32
    %mul3A_2405 = vector.broadcast %mul3A_2404 : f32 to vector<16xf32>
    %mul3A_2406 = arith.mulf %mul3A_2405, %add3A_2403 : vector<16xf32>
    %exp3A_2407 = math.exp %mul3A_2406 : vector<16xf32>
    %mul3A_2408 = arith.constant 6.28318548 : f32
    %mul3A_2409 = vector.broadcast %mul3A_2408 : f32 to vector<16xf32>
    %mul3A_2410 = arith.mulf %mul3A_2409, %exp3A_2407 : vector<16xf32>
    %div3A_2411 = arith.divf %mul3A_2410, %add3A_2403 : vector<16xf32>
    %swap3A_2412 = arith.constant 464 : index
    %swap3A_2413 = tpu.vector_load %arg11[%swap3A_2412] {strides = array<i32>} : memref<1056xf32, #tpu.memory_space<vmem>>, vector<16xf32>,
    %swap3A_2414 = vector.shape_cast %swap3A_2413 : vector<16xf32> to vector<16xf32>
    %swap3A_2415 = vector.shape_cast %div3A_2411 : vector<16xf32> to vector<16xf32>
    tpu.vector_store %arg11[%swap3A_2412], %swap3A_2415 {strides = array<i32>} : memref<1056xf32, #tpu.memory_space<vmem>>, vector<16xf32>,
    %get3A_2416 = arith.constant 480 : index
    %get3A_2417 = tpu.vector_load %arg10[%get3A_2416] {strides = array<i32>} : memref<3168xf32, #tpu.memory_space<vmem>>, vector<16xf32>,
    %get3A_2418 = vector.shape_cast %get3A_2417 : vector<16xf32> to vector<16xf32>
    %get3A_2419 = arith.constant 1536 : index
    %get3A_2420 = tpu.vector_load %arg10[%get3A_2419] {strides = array<i32>} : memref<3168xf32, #tpu.memory_space<vmem>>, vector<16xf32>,
    %get3A_2421 = vector.shape_cast %get3A_2420 : vector<16xf32> to vector<16xf32>
    %get3A_2422 = arith.constant 2592 : index
    %get3A_2423 = tpu.vector_load %arg10[%get3A_2422] {strides = array<i32>} : memref<3168xf32, #tpu.memory_space<vmem>>, vector<16xf32>,
    %get3A_2424 = vector.shape_cast %get3A_2423 : vector<16xf32> to vector<16xf32>
    %mul3A_2425 = arith.mulf %get3A_2418, %get3A_2418 : vector<16xf32>
    %mul3A_2426 = arith.mulf %get3A_2421, %get3A_2421 : vector<16xf32>
    %add3A_2427 = arith.addf %mul3A_2425, %mul3A_2426 : vector<16xf32>
    %mul3A_2428 = arith.mulf %get3A_2424, %get3A_2424 : vector<16xf32>
    %add3A_2429 = arith.addf %add3A_2427, %mul3A_2428 : vector<16xf32>
    %mul3A_2430 = arith.constant -1.250000e+01 : f32
    %mul3A_2431 = vector.broadcast %mul3A_2430 : f32 to vector<16xf32>
    %mul3A_2432 = arith.mulf %mul3A_2431, %add3A_2429 : vector<16xf32>
    %exp3A_2433 = math.exp %mul3A_2432 : vector<16xf32>
    %mul3A_2434 = arith.constant 6.28318548 : f32
    %mul3A_2435 = vector.broadcast %mul3A_2434 : f32 to vector<16xf32>
    %mul3A_2436 = arith.mulf %mul3A_2435, %exp3A_2433 : vector<16xf32>
    %div3A_2437 = arith.divf %mul3A_2436, %add3A_2429 : vector<16xf32>
    %swap3A_2438 = arith.constant 480 : index
    %swap3A_2439 = tpu.vector_load %arg11[%swap3A_2438] {strides = array<i32>} : memref<1056xf32, #tpu.memory_space<vmem>>, vector<16xf32>,
    %swap3A_2440 = vector.shape_cast %swap3A_2439 : vector<16xf32> to vector<16xf32>
    %swap3A_2441 = vector.shape_cast %div3A_2437 : vector<16xf32> to vector<16xf32>
    tpu.vector_store %arg11[%swap3A_2438], %swap3A_2441 {strides = array<i32>} : memref<1056xf32, #tpu.memory_space<vmem>>, vector<16xf32>,
    %get3A_2442 = arith.constant 496 : index
    %get3A_2443 = tpu.vector_load %arg10[%get3A_2442] {strides = array<i32>} : memref<3168xf32, #tpu.memory_space<vmem>>, vector<16xf32>,
    %get3A_2444 = vector.shape_cast %get3A_2443 : vector<16xf32> to vector<16xf32>
    %get3A_2445 = arith.constant 1552 : index
    %get3A_2446 = tpu.vector_load %arg10[%get3A_2445] {strides = array<i32>} : memref<3168xf32, #tpu.memory_space<vmem>>, vector<16xf32>,
    %get3A_2447 = vector.shape_cast %get3A_2446 : vector<16xf32> to vector<16xf32>
    %get3A_2448 = arith.constant 2608 : index
    %get3A_2449 = tpu.vector_load %arg10[%get3A_2448] {strides = array<i32>} : memref<3168xf32, #tpu.memory_space<vmem>>, vector<16xf32>,
    %get3A_2450 = vector.shape_cast %get3A_2449 : vector<16xf32> to vector<16xf32>
    %mul3A_2451 = arith.mulf %get3A_2444, %get3A_2444 : vector<16xf32>
    %mul3A_2452 = arith.mulf %get3A_2447, %get3A_2447 : vector<16xf32>
    %add3A_2453 = arith.addf %mul3A_2451, %mul3A_2452 : vector<16xf32>
    %mul3A_2454 = arith.mulf %get3A_2450, %get3A_2450 : vector<16xf32>
    %add3A_2455 = arith.addf %add3A_2453, %mul3A_2454 : vector<16xf32>
    %mul3A_2456 = arith.constant -1.250000e+01 : f32
    %mul3A_2457 = vector.broadcast %mul3A_2456 : f32 to vector<16xf32>
    %mul3A_2458 = arith.mulf %mul3A_2457, %add3A_2455 : vector<16xf32>
    %exp3A_2459 = math.exp %mul3A_2458 : vector<16xf32>
    %mul3A_2460 = arith.constant 6.28318548 : f32
    %mul3A_2461 = vector.broadcast %mul3A_2460 : f32 to vector<16xf32>
    %mul3A_2462 = arith.mulf %mul3A_2461, %exp3A_2459 : vector<16xf32>
    %div3A_2463 = arith.divf %mul3A_2462, %add3A_2455 : vector<16xf32>
    %swap3A_2464 = arith.constant 496 : index
    %swap3A_2465 = tpu.vector_load %arg11[%swap3A_2464] {strides = array<i32>} : memref<1056xf32, #tpu.memory_space<vmem>>, vector<16xf32>,
    %swap3A_2466 = vector.shape_cast %swap3A_2465 : vector<16xf32> to vector<16xf32>
    %swap3A_2467 = vector.shape_cast %div3A_2463 : vector<16xf32> to vector<16xf32>
    tpu.vector_store %arg11[%swap3A_2464], %swap3A_2467 {strides = array<i32>} : memref<1056xf32, #tpu.memory_space<vmem>>, vector<16xf32>,
    %get3A_2468 = arith.constant 512 : index
    %get3A_2469 = tpu.vector_load %arg10[%get3A_2468] {strides = array<i32>} : memref<3168xf32, #tpu.memory_space<vmem>>, vector<16xf32>,
    %get3A_2470 = vector.shape_cast %get3A_2469 : vector<16xf32> to vector<16xf32>
    %get3A_2471 = arith.constant 1568 : index
    %get3A_2472 = tpu.vector_load %arg10[%get3A_2471] {strides = array<i32>} : memref<3168xf32, #tpu.memory_space<vmem>>, vector<16xf32>,
    %get3A_2473 = vector.shape_cast %get3A_2472 : vector<16xf32> to vector<16xf32>
    %get3A_2474 = arith.constant 2624 : index
    %get3A_2475 = tpu.vector_load %arg10[%get3A_2474] {strides = array<i32>} : memref<3168xf32, #tpu.memory_space<vmem>>, vector<16xf32>,
    %get3A_2476 = vector.shape_cast %get3A_2475 : vector<16xf32> to vector<16xf32>
    %mul3A_2477 = arith.mulf %get3A_2470, %get3A_2470 : vector<16xf32>
    %mul3A_2478 = arith.mulf %get3A_2473, %get3A_2473 : vector<16xf32>
    %add3A_2479 = arith.addf %mul3A_2477, %mul3A_2478 : vector<16xf32>
    %mul3A_2480 = arith.mulf %get3A_2476, %get3A_2476 : vector<16xf32>
    %add3A_2481 = arith.addf %add3A_2479, %mul3A_2480 : vector<16xf32>
    %mul3A_2482 = arith.constant -1.250000e+01 : f32
    %mul3A_2483 = vector.broadcast %mul3A_2482 : f32 to vector<16xf32>
    %mul3A_2484 = arith.mulf %mul3A_2483, %add3A_2481 : vector<16xf32>
    %exp3A_2485 = math.exp %mul3A_2484 : vector<16xf32>
    %mul3A_2486 = arith.constant 6.28318548 : f32
    %mul3A_2487 = vector.broadcast %mul3A_2486 : f32 to vector<16xf32>
    %mul3A_2488 = arith.mulf %mul3A_2487, %exp3A_2485 : vector<16xf32>
    %div3A_2489 = arith.divf %mul3A_2488, %add3A_2481 : vector<16xf32>
    %swap3A_2490 = arith.constant 512 : index
    %swap3A_2491 = tpu.vector_load %arg11[%swap3A_2490] {strides = array<i32>} : memref<1056xf32, #tpu.memory_space<vmem>>, vector<16xf32>,
    %swap3A_2492 = vector.shape_cast %swap3A_2491 : vector<16xf32> to vector<16xf32>
    %swap3A_2493 = vector.shape_cast %div3A_2489 : vector<16xf32> to vector<16xf32>
    tpu.vector_store %arg11[%swap3A_2490], %swap3A_2493 {strides = array<i32>} : memref<1056xf32, #tpu.memory_space<vmem>>, vector<16xf32>,
    %get3A_2494 = arith.constant 528 : index
    %get3A_2495 = tpu.vector_load %arg10[%get3A_2494] {strides = array<i32>} : memref<3168xf32, #tpu.memory_space<vmem>>, vector<16xf32>,
    %get3A_2496 = vector.shape_cast %get3A_2495 : vector<16xf32> to vector<16xf32>
    %get3A_2497 = arith.constant 1584 : index
    %get3A_2498 = tpu.vector_load %arg10[%get3A_2497] {strides = array<i32>} : memref<3168xf32, #tpu.memory_space<vmem>>, vector<16xf32>,
    %get3A_2499 = vector.shape_cast %get3A_2498 : vector<16xf32> to vector<16xf32>
    %get3A_2500 = arith.constant 2640 : index
    %get3A_2501 = tpu.vector_load %arg10[%get3A_2500] {strides = array<i32>} : memref<3168xf32, #tpu.memory_space<vmem>>, vector<16xf32>,
    %get3A_2502 = vector.shape_cast %get3A_2501 : vector<16xf32> to vector<16xf32>
    %mul3A_2503 = arith.mulf %get3A_2496, %get3A_2496 : vector<16xf32>
    %mul3A_2504 = arith.mulf %get3A_2499, %get3A_2499 : vector<16xf32>
    %add3A_2505 = arith.addf %mul3A_2503, %mul3A_2504 : vector<16xf32>
    %mul3A_2506 = arith.mulf %get3A_2502, %get3A_2502 : vector<16xf32>
    %add3A_2507 = arith.addf %add3A_2505, %mul3A_2506 : vector<16xf32>
    %mul3A_2508 = arith.constant -1.250000e+01 : f32
    %mul3A_2509 = vector.broadcast %mul3A_2508 : f32 to vector<16xf32>
    %mul3A_2510 = arith.mulf %mul3A_2509, %add3A_2507 : vector<16xf32>
    %exp3A_2511 = math.exp %mul3A_2510 : vector<16xf32>
    %mul3A_2512 = arith.constant 6.28318548 : f32
    %mul3A_2513 = vector.broadcast %mul3A_2512 : f32 to vector<16xf32>
    %mul3A_2514 = arith.mulf %mul3A_2513, %exp3A_2511 : vector<16xf32>
    %div3A_2515 = arith.divf %mul3A_2514, %add3A_2507 : vector<16xf32>
    %swap3A_2516 = arith.constant 528 : index
    %swap3A_2517 = tpu.vector_load %arg11[%swap3A_2516] {strides = array<i32>} : memref<1056xf32, #tpu.memory_space<vmem>>, vector<16xf32>,
    %swap3A_2518 = vector.shape_cast %swap3A_2517 : vector<16xf32> to vector<16xf32>
    %swap3A_2519 = vector.shape_cast %div3A_2515 : vector<16xf32> to vector<16xf32>
    tpu.vector_store %arg11[%swap3A_2516], %swap3A_2519 {strides = array<i32>} : memref<1056xf32, #tpu.memory_space<vmem>>, vector<16xf32>,
    %get3A_2520 = arith.constant 544 : index
    %get3A_2521 = tpu.vector_load %arg10[%get3A_2520] {strides = array<i32>} : memref<3168xf32, #tpu.memory_space<vmem>>, vector<16xf32>,
    %get3A_2522 = vector.shape_cast %get3A_2521 : vector<16xf32> to vector<16xf32>
    %get3A_2523 = arith.constant 1600 : index
    %get3A_2524 = tpu.vector_load %arg10[%get3A_2523] {strides = array<i32>} : memref<3168xf32, #tpu.memory_space<vmem>>, vector<16xf32>,
    %get3A_2525 = vector.shape_cast %get3A_2524 : vector<16xf32> to vector<16xf32>
    %get3A_2526 = arith.constant 2656 : index
    %get3A_2527 = tpu.vector_load %arg10[%get3A_2526] {strides = array<i32>} : memref<3168xf32, #tpu.memory_space<vmem>>, vector<16xf32>,
    %get3A_2528 = vector.shape_cast %get3A_2527 : vector<16xf32> to vector<16xf32>
    %mul3A_2529 = arith.mulf %get3A_2522, %get3A_2522 : vector<16xf32>
    %mul3A_2530 = arith.mulf %get3A_2525, %get3A_2525 : vector<16xf32>
    %add3A_2531 = arith.addf %mul3A_2529, %mul3A_2530 : vector<16xf32>
    %mul3A_2532 = arith.mulf %get3A_2528, %get3A_2528 : vector<16xf32>
    %add3A_2533 = arith.addf %add3A_2531, %mul3A_2532 : vector<16xf32>
    %mul3A_2534 = arith.constant -1.250000e+01 : f32
    %mul3A_2535 = vector.broadcast %mul3A_2534 : f32 to vector<16xf32>
    %mul3A_2536 = arith.mulf %mul3A_2535, %add3A_2533 : vector<16xf32>
    %exp3A_2537 = math.exp %mul3A_2536 : vector<16xf32>
    %mul3A_2538 = arith.constant 6.28318548 : f32
    %mul3A_2539 = vector.broadcast %mul3A_2538 : f32 to vector<16xf32>
    %mul3A_2540 = arith.mulf %mul3A_2539, %exp3A_2537 : vector<16xf32>
    %div3A_2541 = arith.divf %mul3A_2540, %add3A_2533 : vector<16xf32>
    %swap3A_2542 = arith.constant 544 : index
    %swap3A_2543 = tpu.vector_load %arg11[%swap3A_2542] {strides = array<i32>} : memref<1056xf32, #tpu.memory_space<vmem>>, vector<16xf32>,
    %swap3A_2544 = vector.shape_cast %swap3A_2543 : vector<16xf32> to vector<16xf32>
    %swap3A_2545 = vector.shape_cast %div3A_2541 : vector<16xf32> to vector<16xf32>
    tpu.vector_store %arg11[%swap3A_2542], %swap3A_2545 {strides = array<i32>} : memref<1056xf32, #tpu.memory_space<vmem>>, vector<16xf32>,
    %get3A_2546 = arith.constant 560 : index
    %get3A_2547 = tpu.vector_load %arg10[%get3A_2546] {strides = array<i32>} : memref<3168xf32, #tpu.memory_space<vmem>>, vector<16xf32>,
    %get3A_2548 = vector.shape_cast %get3A_2547 : vector<16xf32> to vector<16xf32>
    %get3A_2549 = arith.constant 1616 : index
    %get3A_2550 = tpu.vector_load %arg10[%get3A_2549] {strides = array<i32>} : memref<3168xf32, #tpu.memory_space<vmem>>, vector<16xf32>,
    %get3A_2551 = vector.shape_cast %get3A_2550 : vector<16xf32> to vector<16xf32>
    %get3A_2552 = arith.constant 2672 : index
    %get3A_2553 = tpu.vector_load %arg10[%get3A_2552] {strides = array<i32>} : memref<3168xf32, #tpu.memory_space<vmem>>, vector<16xf32>,
    %get3A_2554 = vector.shape_cast %get3A_2553 : vector<16xf32> to vector<16xf32>
    %mul3A_2555 = arith.mulf %get3A_2548, %get3A_2548 : vector<16xf32>
    %mul3A_2556 = arith.mulf %get3A_2551, %get3A_2551 : vector<16xf32>
    %add3A_2557 = arith.addf %mul3A_2555, %mul3A_2556 : vector<16xf32>
    %mul3A_2558 = arith.mulf %get3A_2554, %get3A_2554 : vector<16xf32>
    %add3A_2559 = arith.addf %add3A_2557, %mul3A_2558 : vector<16xf32>
    %mul3A_2560 = arith.constant -1.250000e+01 : f32
    %mul3A_2561 = vector.broadcast %mul3A_2560 : f32 to vector<16xf32>
    %mul3A_2562 = arith.mulf %mul3A_2561, %add3A_2559 : vector<16xf32>
    %exp3A_2563 = math.exp %mul3A_2562 : vector<16xf32>
    %mul3A_2564 = arith.constant 6.28318548 : f32
    %mul3A_2565 = vector.broadcast %mul3A_2564 : f32 to vector<16xf32>
    %mul3A_2566 = arith.mulf %mul3A_2565, %exp3A_2563 : vector<16xf32>
    %div3A_2567 = arith.divf %mul3A_2566, %add3A_2559 : vector<16xf32>
    %swap3A_2568 = arith.constant 560 : index
    %swap3A_2569 = tpu.vector_load %arg11[%swap3A_2568] {strides = array<i32>} : memref<1056xf32, #tpu.memory_space<vmem>>, vector<16xf32>,
    %swap3A_2570 = vector.shape_cast %swap3A_2569 : vector<16xf32> to vector<16xf32>
    %swap3A_2571 = vector.shape_cast %div3A_2567 : vector<16xf32> to vector<16xf32>
    tpu.vector_store %arg11[%swap3A_2568], %swap3A_2571 {strides = array<i32>} : memref<1056xf32, #tpu.memory_space<vmem>>, vector<16xf32>,
    %get3A_2572 = arith.constant 576 : index
    %get3A_2573 = tpu.vector_load %arg10[%get3A_2572] {strides = array<i32>} : memref<3168xf32, #tpu.memory_space<vmem>>, vector<16xf32>,
    %get3A_2574 = vector.shape_cast %get3A_2573 : vector<16xf32> to vector<16xf32>
    %get3A_2575 = arith.constant 1632 : index
    %get3A_2576 = tpu.vector_load %arg10[%get3A_2575] {strides = array<i32>} : memref<3168xf32, #tpu.memory_space<vmem>>, vector<16xf32>,
    %get3A_2577 = vector.shape_cast %get3A_2576 : vector<16xf32> to vector<16xf32>
    %get3A_2578 = arith.constant 2688 : index
    %get3A_2579 = tpu.vector_load %arg10[%get3A_2578] {strides = array<i32>} : memref<3168xf32, #tpu.memory_space<vmem>>, vector<16xf32>,
    %get3A_2580 = vector.shape_cast %get3A_2579 : vector<16xf32> to vector<16xf32>
    %mul3A_2581 = arith.mulf %get3A_2574, %get3A_2574 : vector<16xf32>
    %mul3A_2582 = arith.mulf %get3A_2577, %get3A_2577 : vector<16xf32>
    %add3A_2583 = arith.addf %mul3A_2581, %mul3A_2582 : vector<16xf32>
    %mul3A_2584 = arith.mulf %get3A_2580, %get3A_2580 : vector<16xf32>
    %add3A_2585 = arith.addf %add3A_2583, %mul3A_2584 : vector<16xf32>
    %mul3A_2586 = arith.constant -1.250000e+01 : f32
    %mul3A_2587 = vector.broadcast %mul3A_2586 : f32 to vector<16xf32>
    %mul3A_2588 = arith.mulf %mul3A_2587, %add3A_2585 : vector<16xf32>
    %exp3A_2589 = math.exp %mul3A_2588 : vector<16xf32>
    %mul3A_2590 = arith.constant 6.28318548 : f32
    %mul3A_2591 = vector.broadcast %mul3A_2590 : f32 to vector<16xf32>
    %mul3A_2592 = arith.mulf %mul3A_2591, %exp3A_2589 : vector<16xf32>
    %div3A_2593 = arith.divf %mul3A_2592, %add3A_2585 : vector<16xf32>
    %swap3A_2594 = arith.constant 576 : index
    %swap3A_2595 = tpu.vector_load %arg11[%swap3A_2594] {strides = array<i32>} : memref<1056xf32, #tpu.memory_space<vmem>>, vector<16xf32>,
    %swap3A_2596 = vector.shape_cast %swap3A_2595 : vector<16xf32> to vector<16xf32>
    %swap3A_2597 = vector.shape_cast %div3A_2593 : vector<16xf32> to vector<16xf32>
    tpu.vector_store %arg11[%swap3A_2594], %swap3A_2597 {strides = array<i32>} : memref<1056xf32, #tpu.memory_space<vmem>>, vector<16xf32>,
    %get3A_2598 = arith.constant 592 : index
    %get3A_2599 = tpu.vector_load %arg10[%get3A_2598] {strides = array<i32>} : memref<3168xf32, #tpu.memory_space<vmem>>, vector<16xf32>,
    %get3A_2600 = vector.shape_cast %get3A_2599 : vector<16xf32> to vector<16xf32>
    %get3A_2601 = arith.constant 1648 : index
    %get3A_2602 = tpu.vector_load %arg10[%get3A_2601] {strides = array<i32>} : memref<3168xf32, #tpu.memory_space<vmem>>, vector<16xf32>,
    %get3A_2603 = vector.shape_cast %get3A_2602 : vector<16xf32> to vector<16xf32>
    %get3A_2604 = arith.constant 2704 : index
    %get3A_2605 = tpu.vector_load %arg10[%get3A_2604] {strides = array<i32>} : memref<3168xf32, #tpu.memory_space<vmem>>, vector<16xf32>,
    %get3A_2606 = vector.shape_cast %get3A_2605 : vector<16xf32> to vector<16xf32>
    %mul3A_2607 = arith.mulf %get3A_2600, %get3A_2600 : vector<16xf32>
    %mul3A_2608 = arith.mulf %get3A_2603, %get3A_2603 : vector<16xf32>
    %add3A_2609 = arith.addf %mul3A_2607, %mul3A_2608 : vector<16xf32>
    %mul3A_2610 = arith.mulf %get3A_2606, %get3A_2606 : vector<16xf32>
    %add3A_2611 = arith.addf %add3A_2609, %mul3A_2610 : vector<16xf32>
    %mul3A_2612 = arith.constant -1.250000e+01 : f32
    %mul3A_2613 = vector.broadcast %mul3A_2612 : f32 to vector<16xf32>
    %mul3A_2614 = arith.mulf %mul3A_2613, %add3A_2611 : vector<16xf32>
    %exp3A_2615 = math.exp %mul3A_2614 : vector<16xf32>
    %mul3A_2616 = arith.constant 6.28318548 : f32
    %mul3A_2617 = vector.broadcast %mul3A_2616 : f32 to vector<16xf32>
    %mul3A_2618 = arith.mulf %mul3A_2617, %exp3A_2615 : vector<16xf32>
    %div3A_2619 = arith.divf %mul3A_2618, %add3A_2611 : vector<16xf32>
    %swap3A_2620 = arith.constant 592 : index
    %swap3A_2621 = tpu.vector_load %arg11[%swap3A_2620] {strides = array<i32>} : memref<1056xf32, #tpu.memory_space<vmem>>, vector<16xf32>,
    %swap3A_2622 = vector.shape_cast %swap3A_2621 : vector<16xf32> to vector<16xf32>
    %swap3A_2623 = vector.shape_cast %div3A_2619 : vector<16xf32> to vector<16xf32>
    tpu.vector_store %arg11[%swap3A_2620], %swap3A_2623 {strides = array<i32>} : memref<1056xf32, #tpu.memory_space<vmem>>, vector<16xf32>,
    %get3A_2624 = arith.constant 608 : index
    %get3A_2625 = tpu.vector_load %arg10[%get3A_2624] {strides = array<i32>} : memref<3168xf32, #tpu.memory_space<vmem>>, vector<16xf32>,
    %get3A_2626 = vector.shape_cast %get3A_2625 : vector<16xf32> to vector<16xf32>
    %get3A_2627 = arith.constant 1664 : index
    %get3A_2628 = tpu.vector_load %arg10[%get3A_2627] {strides = array<i32>} : memref<3168xf32, #tpu.memory_space<vmem>>, vector<16xf32>,
    %get3A_2629 = vector.shape_cast %get3A_2628 : vector<16xf32> to vector<16xf32>
    %get3A_2630 = arith.constant 2720 : index
    %get3A_2631 = tpu.vector_load %arg10[%get3A_2630] {strides = array<i32>} : memref<3168xf32, #tpu.memory_space<vmem>>, vector<16xf32>,
    %get3A_2632 = vector.shape_cast %get3A_2631 : vector<16xf32> to vector<16xf32>
    %mul3A_2633 = arith.mulf %get3A_2626, %get3A_2626 : vector<16xf32>
    %mul3A_2634 = arith.mulf %get3A_2629, %get3A_2629 : vector<16xf32>
    %add3A_2635 = arith.addf %mul3A_2633, %mul3A_2634 : vector<16xf32>
    %mul3A_2636 = arith.mulf %get3A_2632, %get3A_2632 : vector<16xf32>
    %add3A_2637 = arith.addf %add3A_2635, %mul3A_2636 : vector<16xf32>
    %mul3A_2638 = arith.constant -1.250000e+01 : f32
    %mul3A_2639 = vector.broadcast %mul3A_2638 : f32 to vector<16xf32>
    %mul3A_2640 = arith.mulf %mul3A_2639, %add3A_2637 : vector<16xf32>
    %exp3A_2641 = math.exp %mul3A_2640 : vector<16xf32>
    %mul3A_2642 = arith.constant 6.28318548 : f32
    %mul3A_2643 = vector.broadcast %mul3A_2642 : f32 to vector<16xf32>
    %mul3A_2644 = arith.mulf %mul3A_2643, %exp3A_2641 : vector<16xf32>
    %div3A_2645 = arith.divf %mul3A_2644, %add3A_2637 : vector<16xf32>
    %swap3A_2646 = arith.constant 608 : index
    %swap3A_2647 = tpu.vector_load %arg11[%swap3A_2646] {strides = array<i32>} : memref<1056xf32, #tpu.memory_space<vmem>>, vector<16xf32>,
    %swap3A_2648 = vector.shape_cast %swap3A_2647 : vector<16xf32> to vector<16xf32>
    %swap3A_2649 = vector.shape_cast %div3A_2645 : vector<16xf32> to vector<16xf32>
    tpu.vector_store %arg11[%swap3A_2646], %swap3A_2649 {strides = array<i32>} : memref<1056xf32, #tpu.memory_space<vmem>>, vector<16xf32>,
    %get3A_2650 = arith.constant 624 : index
    %get3A_2651 = tpu.vector_load %arg10[%get3A_2650] {strides = array<i32>} : memref<3168xf32, #tpu.memory_space<vmem>>, vector<16xf32>,
    %get3A_2652 = vector.shape_cast %get3A_2651 : vector<16xf32> to vector<16xf32>
    %get3A_2653 = arith.constant 1680 : index
    %get3A_2654 = tpu.vector_load %arg10[%get3A_2653] {strides = array<i32>} : memref<3168xf32, #tpu.memory_space<vmem>>, vector<16xf32>,
    %get3A_2655 = vector.shape_cast %get3A_2654 : vector<16xf32> to vector<16xf32>
    %get3A_2656 = arith.constant 2736 : index
    %get3A_2657 = tpu.vector_load %arg10[%get3A_2656] {strides = array<i32>} : memref<3168xf32, #tpu.memory_space<vmem>>, vector<16xf32>,
    %get3A_2658 = vector.shape_cast %get3A_2657 : vector<16xf32> to vector<16xf32>
    %mul3A_2659 = arith.mulf %get3A_2652, %get3A_2652 : vector<16xf32>
    %mul3A_2660 = arith.mulf %get3A_2655, %get3A_2655 : vector<16xf32>
    %add3A_2661 = arith.addf %mul3A_2659, %mul3A_2660 : vector<16xf32>
    %mul3A_2662 = arith.mulf %get3A_2658, %get3A_2658 : vector<16xf32>
    %add3A_2663 = arith.addf %add3A_2661, %mul3A_2662 : vector<16xf32>
    %mul3A_2664 = arith.constant -1.250000e+01 : f32
    %mul3A_2665 = vector.broadcast %mul3A_2664 : f32 to vector<16xf32>
    %mul3A_2666 = arith.mulf %mul3A_2665, %add3A_2663 : vector<16xf32>
    %exp3A_2667 = math.exp %mul3A_2666 : vector<16xf32>
    %mul3A_2668 = arith.constant 6.28318548 : f32
    %mul3A_2669 = vector.broadcast %mul3A_2668 : f32 to vector<16xf32>
    %mul3A_2670 = arith.mulf %mul3A_2669, %exp3A_2667 : vector<16xf32>
    %div3A_2671 = arith.divf %mul3A_2670, %add3A_2663 : vector<16xf32>
    %swap3A_2672 = arith.constant 624 : index
    %swap3A_2673 = tpu.vector_load %arg11[%swap3A_2672] {strides = array<i32>} : memref<1056xf32, #tpu.memory_space<vmem>>, vector<16xf32>,
    %swap3A_2674 = vector.shape_cast %swap3A_2673 : vector<16xf32> to vector<16xf32>
    %swap3A_2675 = vector.shape_cast %div3A_2671 : vector<16xf32> to vector<16xf32>
    tpu.vector_store %arg11[%swap3A_2672], %swap3A_2675 {strides = array<i32>} : memref<1056xf32, #tpu.memory_space<vmem>>, vector<16xf32>,
    %get3A_2676 = arith.constant 640 : index
    %get3A_2677 = tpu.vector_load %arg10[%get3A_2676] {strides = array<i32>} : memref<3168xf32, #tpu.memory_space<vmem>>, vector<16xf32>,
    %get3A_2678 = vector.shape_cast %get3A_2677 : vector<16xf32> to vector<16xf32>
    %get3A_2679 = arith.constant 1696 : index
    %get3A_2680 = tpu.vector_load %arg10[%get3A_2679] {strides = array<i32>} : memref<3168xf32, #tpu.memory_space<vmem>>, vector<16xf32>,
    %get3A_2681 = vector.shape_cast %get3A_2680 : vector<16xf32> to vector<16xf32>
    %get3A_2682 = arith.constant 2752 : index
    %get3A_2683 = tpu.vector_load %arg10[%get3A_2682] {strides = array<i32>} : memref<3168xf32, #tpu.memory_space<vmem>>, vector<16xf32>,
    %get3A_2684 = vector.shape_cast %get3A_2683 : vector<16xf32> to vector<16xf32>
    %mul3A_2685 = arith.mulf %get3A_2678, %get3A_2678 : vector<16xf32>
    %mul3A_2686 = arith.mulf %get3A_2681, %get3A_2681 : vector<16xf32>
    %add3A_2687 = arith.addf %mul3A_2685, %mul3A_2686 : vector<16xf32>
    %mul3A_2688 = arith.mulf %get3A_2684, %get3A_2684 : vector<16xf32>
    %add3A_2689 = arith.addf %add3A_2687, %mul3A_2688 : vector<16xf32>
    %mul3A_2690 = arith.constant -1.250000e+01 : f32
    %mul3A_2691 = vector.broadcast %mul3A_2690 : f32 to vector<16xf32>
    %mul3A_2692 = arith.mulf %mul3A_2691, %add3A_2689 : vector<16xf32>
    %exp3A_2693 = math.exp %mul3A_2692 : vector<16xf32>
    %mul3A_2694 = arith.constant 6.28318548 : f32
    %mul3A_2695 = vector.broadcast %mul3A_2694 : f32 to vector<16xf32>
    %mul3A_2696 = arith.mulf %mul3A_2695, %exp3A_2693 : vector<16xf32>
    %div3A_2697 = arith.divf %mul3A_2696, %add3A_2689 : vector<16xf32>
    %swap3A_2698 = arith.constant 640 : index
    %swap3A_2699 = tpu.vector_load %arg11[%swap3A_2698] {strides = array<i32>} : memref<1056xf32, #tpu.memory_space<vmem>>, vector<16xf32>,
    %swap3A_2700 = vector.shape_cast %swap3A_2699 : vector<16xf32> to vector<16xf32>
    %swap3A_2701 = vector.shape_cast %div3A_2697 : vector<16xf32> to vector<16xf32>
    tpu.vector_store %arg11[%swap3A_2698], %swap3A_2701 {strides = array<i32>} : memref<1056xf32, #tpu.memory_space<vmem>>, vector<16xf32>,
    %get3A_2702 = arith.constant 656 : index
    %get3A_2703 = tpu.vector_load %arg10[%get3A_2702] {strides = array<i32>} : memref<3168xf32, #tpu.memory_space<vmem>>, vector<16xf32>,
    %get3A_2704 = vector.shape_cast %get3A_2703 : vector<16xf32> to vector<16xf32>
    %get3A_2705 = arith.constant 1712 : index
    %get3A_2706 = tpu.vector_load %arg10[%get3A_2705] {strides = array<i32>} : memref<3168xf32, #tpu.memory_space<vmem>>, vector<16xf32>,
    %get3A_2707 = vector.shape_cast %get3A_2706 : vector<16xf32> to vector<16xf32>
    %get3A_2708 = arith.constant 2768 : index
    %get3A_2709 = tpu.vector_load %arg10[%get3A_2708] {strides = array<i32>} : memref<3168xf32, #tpu.memory_space<vmem>>, vector<16xf32>,
    %get3A_2710 = vector.shape_cast %get3A_2709 : vector<16xf32> to vector<16xf32>
    %mul3A_2711 = arith.mulf %get3A_2704, %get3A_2704 : vector<16xf32>
    %mul3A_2712 = arith.mulf %get3A_2707, %get3A_2707 : vector<16xf32>
    %add3A_2713 = arith.addf %mul3A_2711, %mul3A_2712 : vector<16xf32>
    %mul3A_2714 = arith.mulf %get3A_2710, %get3A_2710 : vector<16xf32>
    %add3A_2715 = arith.addf %add3A_2713, %mul3A_2714 : vector<16xf32>
    %mul3A_2716 = arith.constant -1.250000e+01 : f32
    %mul3A_2717 = vector.broadcast %mul3A_2716 : f32 to vector<16xf32>
    %mul3A_2718 = arith.mulf %mul3A_2717, %add3A_2715 : vector<16xf32>
    %exp3A_2719 = math.exp %mul3A_2718 : vector<16xf32>
    %mul3A_2720 = arith.constant 6.28318548 : f32
    %mul3A_2721 = vector.broadcast %mul3A_2720 : f32 to vector<16xf32>
    %mul3A_2722 = arith.mulf %mul3A_2721, %exp3A_2719 : vector<16xf32>
    %div3A_2723 = arith.divf %mul3A_2722, %add3A_2715 : vector<16xf32>
    %swap3A_2724 = arith.constant 656 : index
    %swap3A_2725 = tpu.vector_load %arg11[%swap3A_2724] {strides = array<i32>} : memref<1056xf32, #tpu.memory_space<vmem>>, vector<16xf32>,
    %swap3A_2726 = vector.shape_cast %swap3A_2725 : vector<16xf32> to vector<16xf32>
    %swap3A_2727 = vector.shape_cast %div3A_2723 : vector<16xf32> to vector<16xf32>
    tpu.vector_store %arg11[%swap3A_2724], %swap3A_2727 {strides = array<i32>} : memref<1056xf32, #tpu.memory_space<vmem>>, vector<16xf32>,
    %get3A_2728 = arith.constant 672 : index
    %get3A_2729 = tpu.vector_load %arg10[%get3A_2728] {strides = array<i32>} : memref<3168xf32, #tpu.memory_space<vmem>>, vector<16xf32>,
    %get3A_2730 = vector.shape_cast %get3A_2729 : vector<16xf32> to vector<16xf32>
    %get3A_2731 = arith.constant 1728 : index
    %get3A_2732 = tpu.vector_load %arg10[%get3A_2731] {strides = array<i32>} : memref<3168xf32, #tpu.memory_space<vmem>>, vector<16xf32>,
    %get3A_2733 = vector.shape_cast %get3A_2732 : vector<16xf32> to vector<16xf32>
    %get3A_2734 = arith.constant 2784 : index
    %get3A_2735 = tpu.vector_load %arg10[%get3A_2734] {strides = array<i32>} : memref<3168xf32, #tpu.memory_space<vmem>>, vector<16xf32>,
    %get3A_2736 = vector.shape_cast %get3A_2735 : vector<16xf32> to vector<16xf32>
    %mul3A_2737 = arith.mulf %get3A_2730, %get3A_2730 : vector<16xf32>
    %mul3A_2738 = arith.mulf %get3A_2733, %get3A_2733 : vector<16xf32>
    %add3A_2739 = arith.addf %mul3A_2737, %mul3A_2738 : vector<16xf32>
    %mul3A_2740 = arith.mulf %get3A_2736, %get3A_2736 : vector<16xf32>
    %add3A_2741 = arith.addf %add3A_2739, %mul3A_2740 : vector<16xf32>
    %mul3A_2742 = arith.constant -1.250000e+01 : f32
    %mul3A_2743 = vector.broadcast %mul3A_2742 : f32 to vector<16xf32>
    %mul3A_2744 = arith.mulf %mul3A_2743, %add3A_2741 : vector<16xf32>
    %exp3A_2745 = math.exp %mul3A_2744 : vector<16xf32>
    %mul3A_2746 = arith.constant 6.28318548 : f32
    %mul3A_2747 = vector.broadcast %mul3A_2746 : f32 to vector<16xf32>
    %mul3A_2748 = arith.mulf %mul3A_2747, %exp3A_2745 : vector<16xf32>
    %div3A_2749 = arith.divf %mul3A_2748, %add3A_2741 : vector<16xf32>
    %swap3A_2750 = arith.constant 672 : index
    %swap3A_2751 = tpu.vector_load %arg11[%swap3A_2750] {strides = array<i32>} : memref<1056xf32, #tpu.memory_space<vmem>>, vector<16xf32>,
    %swap3A_2752 = vector.shape_cast %swap3A_2751 : vector<16xf32> to vector<16xf32>
    %swap3A_2753 = vector.shape_cast %div3A_2749 : vector<16xf32> to vector<16xf32>
    tpu.vector_store %arg11[%swap3A_2750], %swap3A_2753 {strides = array<i32>} : memref<1056xf32, #tpu.memory_space<vmem>>, vector<16xf32>,
    %get3A_2754 = arith.constant 688 : index
    %get3A_2755 = tpu.vector_load %arg10[%get3A_2754] {strides = array<i32>} : memref<3168xf32, #tpu.memory_space<vmem>>, vector<16xf32>,
    %get3A_2756 = vector.shape_cast %get3A_2755 : vector<16xf32> to vector<16xf32>
    %get3A_2757 = arith.constant 1744 : index
    %get3A_2758 = tpu.vector_load %arg10[%get3A_2757] {strides = array<i32>} : memref<3168xf32, #tpu.memory_space<vmem>>, vector<16xf32>,
    %get3A_2759 = vector.shape_cast %get3A_2758 : vector<16xf32> to vector<16xf32>
    %get3A_2760 = arith.constant 2800 : index
    %get3A_2761 = tpu.vector_load %arg10[%get3A_2760] {strides = array<i32>} : memref<3168xf32, #tpu.memory_space<vmem>>, vector<16xf32>,
    %get3A_2762 = vector.shape_cast %get3A_2761 : vector<16xf32> to vector<16xf32>
    %mul3A_2763 = arith.mulf %get3A_2756, %get3A_2756 : vector<16xf32>
    %mul3A_2764 = arith.mulf %get3A_2759, %get3A_2759 : vector<16xf32>
    %add3A_2765 = arith.addf %mul3A_2763, %mul3A_2764 : vector<16xf32>
    %mul3A_2766 = arith.mulf %get3A_2762, %get3A_2762 : vector<16xf32>
    %add3A_2767 = arith.addf %add3A_2765, %mul3A_2766 : vector<16xf32>
    %mul3A_2768 = arith.constant -1.250000e+01 : f32
    %mul3A_2769 = vector.broadcast %mul3A_2768 : f32 to vector<16xf32>
    %mul3A_2770 = arith.mulf %mul3A_2769, %add3A_2767 : vector<16xf32>
    %exp3A_2771 = math.exp %mul3A_2770 : vector<16xf32>
    %mul3A_2772 = arith.constant 6.28318548 : f32
    %mul3A_2773 = vector.broadcast %mul3A_2772 : f32 to vector<16xf32>
    %mul3A_2774 = arith.mulf %mul3A_2773, %exp3A_2771 : vector<16xf32>
    %div3A_2775 = arith.divf %mul3A_2774, %add3A_2767 : vector<16xf32>
    %swap3A_2776 = arith.constant 688 : index
    %swap3A_2777 = tpu.vector_load %arg11[%swap3A_2776] {strides = array<i32>} : memref<1056xf32, #tpu.memory_space<vmem>>, vector<16xf32>,
    %swap3A_2778 = vector.shape_cast %swap3A_2777 : vector<16xf32> to vector<16xf32>
    %swap3A_2779 = vector.shape_cast %div3A_2775 : vector<16xf32> to vector<16xf32>
    tpu.vector_store %arg11[%swap3A_2776], %swap3A_2779 {strides = array<i32>} : memref<1056xf32, #tpu.memory_space<vmem>>, vector<16xf32>,
    %get3A_2780 = arith.constant 704 : index
    %get3A_2781 = tpu.vector_load %arg10[%get3A_2780] {strides = array<i32>} : memref<3168xf32, #tpu.memory_space<vmem>>, vector<16xf32>,
    %get3A_2782 = vector.shape_cast %get3A_2781 : vector<16xf32> to vector<16xf32>
    %get3A_2783 = arith.constant 1760 : index
    %get3A_2784 = tpu.vector_load %arg10[%get3A_2783] {strides = array<i32>} : memref<3168xf32, #tpu.memory_space<vmem>>, vector<16xf32>,
    %get3A_2785 = vector.shape_cast %get3A_2784 : vector<16xf32> to vector<16xf32>
    %get3A_2786 = arith.constant 2816 : index
    %get3A_2787 = tpu.vector_load %arg10[%get3A_2786] {strides = array<i32>} : memref<3168xf32, #tpu.memory_space<vmem>>, vector<16xf32>,
    %get3A_2788 = vector.shape_cast %get3A_2787 : vector<16xf32> to vector<16xf32>
    %mul3A_2789 = arith.mulf %get3A_2782, %get3A_2782 : vector<16xf32>
    %mul3A_2790 = arith.mulf %get3A_2785, %get3A_2785 : vector<16xf32>
    %add3A_2791 = arith.addf %mul3A_2789, %mul3A_2790 : vector<16xf32>
    %mul3A_2792 = arith.mulf %get3A_2788, %get3A_2788 : vector<16xf32>
    %add3A_2793 = arith.addf %add3A_2791, %mul3A_2792 : vector<16xf32>
    %mul3A_2794 = arith.constant -1.250000e+01 : f32
    %mul3A_2795 = vector.broadcast %mul3A_2794 : f32 to vector<16xf32>
    %mul3A_2796 = arith.mulf %mul3A_2795, %add3A_2793 : vector<16xf32>
    %exp3A_2797 = math.exp %mul3A_2796 : vector<16xf32>
    %mul3A_2798 = arith.constant 6.28318548 : f32
    %mul3A_2799 = vector.broadcast %mul3A_2798 : f32 to vector<16xf32>
    %mul3A_2800 = arith.mulf %mul3A_2799, %exp3A_2797 : vector<16xf32>
    %div3A_2801 = arith.divf %mul3A_2800, %add3A_2793 : vector<16xf32>
    %swap3A_2802 = arith.constant 704 : index
    %swap3A_2803 = tpu.vector_load %arg11[%swap3A_2802] {strides = array<i32>} : memref<1056xf32, #tpu.memory_space<vmem>>, vector<16xf32>,
    %swap3A_2804 = vector.shape_cast %swap3A_2803 : vector<16xf32> to vector<16xf32>
    %swap3A_2805 = vector.shape_cast %div3A_2801 : vector<16xf32> to vector<16xf32>
    tpu.vector_store %arg11[%swap3A_2802], %swap3A_2805 {strides = array<i32>} : memref<1056xf32, #tpu.memory_space<vmem>>, vector<16xf32>,
    %get3A_2806 = arith.constant 720 : index
    %get3A_2807 = tpu.vector_load %arg10[%get3A_2806] {strides = array<i32>} : memref<3168xf32, #tpu.memory_space<vmem>>, vector<16xf32>,
    %get3A_2808 = vector.shape_cast %get3A_2807 : vector<16xf32> to vector<16xf32>
    %get3A_2809 = arith.constant 1776 : index
    %get3A_2810 = tpu.vector_load %arg10[%get3A_2809] {strides = array<i32>} : memref<3168xf32, #tpu.memory_space<vmem>>, vector<16xf32>,
    %get3A_2811 = vector.shape_cast %get3A_2810 : vector<16xf32> to vector<16xf32>
    %get3A_2812 = arith.constant 2832 : index
    %get3A_2813 = tpu.vector_load %arg10[%get3A_2812] {strides = array<i32>} : memref<3168xf32, #tpu.memory_space<vmem>>, vector<16xf32>,
    %get3A_2814 = vector.shape_cast %get3A_2813 : vector<16xf32> to vector<16xf32>
    %mul3A_2815 = arith.mulf %get3A_2808, %get3A_2808 : vector<16xf32>
    %mul3A_2816 = arith.mulf %get3A_2811, %get3A_2811 : vector<16xf32>
    %add3A_2817 = arith.addf %mul3A_2815, %mul3A_2816 : vector<16xf32>
    %mul3A_2818 = arith.mulf %get3A_2814, %get3A_2814 : vector<16xf32>
    %add3A_2819 = arith.addf %add3A_2817, %mul3A_2818 : vector<16xf32>
    %mul3A_2820 = arith.constant -1.250000e+01 : f32
    %mul3A_2821 = vector.broadcast %mul3A_2820 : f32 to vector<16xf32>
    %mul3A_2822 = arith.mulf %mul3A_2821, %add3A_2819 : vector<16xf32>
    %exp3A_2823 = math.exp %mul3A_2822 : vector<16xf32>
    %mul3A_2824 = arith.constant 6.28318548 : f32
    %mul3A_2825 = vector.broadcast %mul3A_2824 : f32 to vector<16xf32>
    %mul3A_2826 = arith.mulf %mul3A_2825, %exp3A_2823 : vector<16xf32>
    %div3A_2827 = arith.divf %mul3A_2826, %add3A_2819 : vector<16xf32>
    %swap3A_2828 = arith.constant 720 : index
    %swap3A_2829 = tpu.vector_load %arg11[%swap3A_2828] {strides = array<i32>} : memref<1056xf32, #tpu.memory_space<vmem>>, vector<16xf32>,
    %swap3A_2830 = vector.shape_cast %swap3A_2829 : vector<16xf32> to vector<16xf32>
    %swap3A_2831 = vector.shape_cast %div3A_2827 : vector<16xf32> to vector<16xf32>
    tpu.vector_store %arg11[%swap3A_2828], %swap3A_2831 {strides = array<i32>} : memref<1056xf32, #tpu.memory_space<vmem>>, vector<16xf32>,
    %get3A_2832 = arith.constant 736 : index
    %get3A_2833 = tpu.vector_load %arg10[%get3A_2832] {strides = array<i32>} : memref<3168xf32, #tpu.memory_space<vmem>>, vector<16xf32>,
    %get3A_2834 = vector.shape_cast %get3A_2833 : vector<16xf32> to vector<16xf32>
    %get3A_2835 = arith.constant 1792 : index
    %get3A_2836 = tpu.vector_load %arg10[%get3A_2835] {strides = array<i32>} : memref<3168xf32, #tpu.memory_space<vmem>>, vector<16xf32>,
    %get3A_2837 = vector.shape_cast %get3A_2836 : vector<16xf32> to vector<16xf32>
    %get3A_2838 = arith.constant 2848 : index
    %get3A_2839 = tpu.vector_load %arg10[%get3A_2838] {strides = array<i32>} : memref<3168xf32, #tpu.memory_space<vmem>>, vector<16xf32>,
    %get3A_2840 = vector.shape_cast %get3A_2839 : vector<16xf32> to vector<16xf32>
    %mul3A_2841 = arith.mulf %get3A_2834, %get3A_2834 : vector<16xf32>
    %mul3A_2842 = arith.mulf %get3A_2837, %get3A_2837 : vector<16xf32>
    %add3A_2843 = arith.addf %mul3A_2841, %mul3A_2842 : vector<16xf32>
    %mul3A_2844 = arith.mulf %get3A_2840, %get3A_2840 : vector<16xf32>
    %add3A_2845 = arith.addf %add3A_2843, %mul3A_2844 : vector<16xf32>
    %mul3A_2846 = arith.constant -1.250000e+01 : f32
    %mul3A_2847 = vector.broadcast %mul3A_2846 : f32 to vector<16xf32>
    %mul3A_2848 = arith.mulf %mul3A_2847, %add3A_2845 : vector<16xf32>
    %exp3A_2849 = math.exp %mul3A_2848 : vector<16xf32>
    %mul3A_2850 = arith.constant 6.28318548 : f32
    %mul3A_2851 = vector.broadcast %mul3A_2850 : f32 to vector<16xf32>
    %mul3A_2852 = arith.mulf %mul3A_2851, %exp3A_2849 : vector<16xf32>
    %div3A_2853 = arith.divf %mul3A_2852, %add3A_2845 : vector<16xf32>
    %swap3A_2854 = arith.constant 736 : index
    %swap3A_2855 = tpu.vector_load %arg11[%swap3A_2854] {strides = array<i32>} : memref<1056xf32, #tpu.memory_space<vmem>>, vector<16xf32>,
    %swap3A_2856 = vector.shape_cast %swap3A_2855 : vector<16xf32> to vector<16xf32>
    %swap3A_2857 = vector.shape_cast %div3A_2853 : vector<16xf32> to vector<16xf32>
    tpu.vector_store %arg11[%swap3A_2854], %swap3A_2857 {strides = array<i32>} : memref<1056xf32, #tpu.memory_space<vmem>>, vector<16xf32>,
    %get3A_2858 = arith.constant 752 : index
    %get3A_2859 = tpu.vector_load %arg10[%get3A_2858] {strides = array<i32>} : memref<3168xf32, #tpu.memory_space<vmem>>, vector<16xf32>,
    %get3A_2860 = vector.shape_cast %get3A_2859 : vector<16xf32> to vector<16xf32>
    %get3A_2861 = arith.constant 1808 : index
    %get3A_2862 = tpu.vector_load %arg10[%get3A_2861] {strides = array<i32>} : memref<3168xf32, #tpu.memory_space<vmem>>, vector<16xf32>,
    %get3A_2863 = vector.shape_cast %get3A_2862 : vector<16xf32> to vector<16xf32>
    %get3A_2864 = arith.constant 2864 : index
    %get3A_2865 = tpu.vector_load %arg10[%get3A_2864] {strides = array<i32>} : memref<3168xf32, #tpu.memory_space<vmem>>, vector<16xf32>,
    %get3A_2866 = vector.shape_cast %get3A_2865 : vector<16xf32> to vector<16xf32>
    %mul3A_2867 = arith.mulf %get3A_2860, %get3A_2860 : vector<16xf32>
    %mul3A_2868 = arith.mulf %get3A_2863, %get3A_2863 : vector<16xf32>
    %add3A_2869 = arith.addf %mul3A_2867, %mul3A_2868 : vector<16xf32>
    %mul3A_2870 = arith.mulf %get3A_2866, %get3A_2866 : vector<16xf32>
    %add3A_2871 = arith.addf %add3A_2869, %mul3A_2870 : vector<16xf32>
    %mul3A_2872 = arith.constant -1.250000e+01 : f32
    %mul3A_2873 = vector.broadcast %mul3A_2872 : f32 to vector<16xf32>
    %mul3A_2874 = arith.mulf %mul3A_2873, %add3A_2871 : vector<16xf32>
    %exp3A_2875 = math.exp %mul3A_2874 : vector<16xf32>
    %mul3A_2876 = arith.constant 6.28318548 : f32
    %mul3A_2877 = vector.broadcast %mul3A_2876 : f32 to vector<16xf32>
    %mul3A_2878 = arith.mulf %mul3A_2877, %exp3A_2875 : vector<16xf32>
    %div3A_2879 = arith.divf %mul3A_2878, %add3A_2871 : vector<16xf32>
    %swap3A_2880 = arith.constant 752 : index
    %swap3A_2881 = tpu.vector_load %arg11[%swap3A_2880] {strides = array<i32>} : memref<1056xf32, #tpu.memory_space<vmem>>, vector<16xf32>,
    %swap3A_2882 = vector.shape_cast %swap3A_2881 : vector<16xf32> to vector<16xf32>
    %swap3A_2883 = vector.shape_cast %div3A_2879 : vector<16xf32> to vector<16xf32>
    tpu.vector_store %arg11[%swap3A_2880], %swap3A_2883 {strides = array<i32>} : memref<1056xf32, #tpu.memory_space<vmem>>, vector<16xf32>,
    %get3A_2884 = arith.constant 768 : index
    %get3A_2885 = tpu.vector_load %arg10[%get3A_2884] {strides = array<i32>} : memref<3168xf32, #tpu.memory_space<vmem>>, vector<16xf32>,
    %get3A_2886 = vector.shape_cast %get3A_2885 : vector<16xf32> to vector<16xf32>
    %get3A_2887 = arith.constant 1824 : index
    %get3A_2888 = tpu.vector_load %arg10[%get3A_2887] {strides = array<i32>} : memref<3168xf32, #tpu.memory_space<vmem>>, vector<16xf32>,
    %get3A_2889 = vector.shape_cast %get3A_2888 : vector<16xf32> to vector<16xf32>
    %get3A_2890 = arith.constant 2880 : index
    %get3A_2891 = tpu.vector_load %arg10[%get3A_2890] {strides = array<i32>} : memref<3168xf32, #tpu.memory_space<vmem>>, vector<16xf32>,
    %get3A_2892 = vector.shape_cast %get3A_2891 : vector<16xf32> to vector<16xf32>
    %mul3A_2893 = arith.mulf %get3A_2886, %get3A_2886 : vector<16xf32>
    %mul3A_2894 = arith.mulf %get3A_2889, %get3A_2889 : vector<16xf32>
    %add3A_2895 = arith.addf %mul3A_2893, %mul3A_2894 : vector<16xf32>
    %mul3A_2896 = arith.mulf %get3A_2892, %get3A_2892 : vector<16xf32>
    %add3A_2897 = arith.addf %add3A_2895, %mul3A_2896 : vector<16xf32>
    %mul3A_2898 = arith.constant -1.250000e+01 : f32
    %mul3A_2899 = vector.broadcast %mul3A_2898 : f32 to vector<16xf32>
    %mul3A_2900 = arith.mulf %mul3A_2899, %add3A_2897 : vector<16xf32>
    %exp3A_2901 = math.exp %mul3A_2900 : vector<16xf32>
    %mul3A_2902 = arith.constant 6.28318548 : f32
    %mul3A_2903 = vector.broadcast %mul3A_2902 : f32 to vector<16xf32>
    %mul3A_2904 = arith.mulf %mul3A_2903, %exp3A_2901 : vector<16xf32>
    %div3A_2905 = arith.divf %mul3A_2904, %add3A_2897 : vector<16xf32>
    %swap3A_2906 = arith.constant 768 : index
    %swap3A_2907 = tpu.vector_load %arg11[%swap3A_2906] {strides = array<i32>} : memref<1056xf32, #tpu.memory_space<vmem>>, vector<16xf32>,
    %swap3A_2908 = vector.shape_cast %swap3A_2907 : vector<16xf32> to vector<16xf32>
    %swap3A_2909 = vector.shape_cast %div3A_2905 : vector<16xf32> to vector<16xf32>
    tpu.vector_store %arg11[%swap3A_2906], %swap3A_2909 {strides = array<i32>} : memref<1056xf32, #tpu.memory_space<vmem>>, vector<16xf32>,
    %get3A_2910 = arith.constant 784 : index
    %get3A_2911 = tpu.vector_load %arg10[%get3A_2910] {strides = array<i32>} : memref<3168xf32, #tpu.memory_space<vmem>>, vector<16xf32>,
    %get3A_2912 = vector.shape_cast %get3A_2911 : vector<16xf32> to vector<16xf32>
    %get3A_2913 = arith.constant 1840 : index
    %get3A_2914 = tpu.vector_load %arg10[%get3A_2913] {strides = array<i32>} : memref<3168xf32, #tpu.memory_space<vmem>>, vector<16xf32>,
    %get3A_2915 = vector.shape_cast %get3A_2914 : vector<16xf32> to vector<16xf32>
    %get3A_2916 = arith.constant 2896 : index
    %get3A_2917 = tpu.vector_load %arg10[%get3A_2916] {strides = array<i32>} : memref<3168xf32, #tpu.memory_space<vmem>>, vector<16xf32>,
    %get3A_2918 = vector.shape_cast %get3A_2917 : vector<16xf32> to vector<16xf32>
    %mul3A_2919 = arith.mulf %get3A_2912, %get3A_2912 : vector<16xf32>
    %mul3A_2920 = arith.mulf %get3A_2915, %get3A_2915 : vector<16xf32>
    %add3A_2921 = arith.addf %mul3A_2919, %mul3A_2920 : vector<16xf32>
    %mul3A_2922 = arith.mulf %get3A_2918, %get3A_2918 : vector<16xf32>
    %add3A_2923 = arith.addf %add3A_2921, %mul3A_2922 : vector<16xf32>
    %mul3A_2924 = arith.constant -1.250000e+01 : f32
    %mul3A_2925 = vector.broadcast %mul3A_2924 : f32 to vector<16xf32>
    %mul3A_2926 = arith.mulf %mul3A_2925, %add3A_2923 : vector<16xf32>
    %exp3A_2927 = math.exp %mul3A_2926 : vector<16xf32>
    %mul3A_2928 = arith.constant 6.28318548 : f32
    %mul3A_2929 = vector.broadcast %mul3A_2928 : f32 to vector<16xf32>
    %mul3A_2930 = arith.mulf %mul3A_2929, %exp3A_2927 : vector<16xf32>
    %div3A_2931 = arith.divf %mul3A_2930, %add3A_2923 : vector<16xf32>
    %swap3A_2932 = arith.constant 784 : index
    %swap3A_2933 = tpu.vector_load %arg11[%swap3A_2932] {strides = array<i32>} : memref<1056xf32, #tpu.memory_space<vmem>>, vector<16xf32>,
    %swap3A_2934 = vector.shape_cast %swap3A_2933 : vector<16xf32> to vector<16xf32>
    %swap3A_2935 = vector.shape_cast %div3A_2931 : vector<16xf32> to vector<16xf32>
    tpu.vector_store %arg11[%swap3A_2932], %swap3A_2935 {strides = array<i32>} : memref<1056xf32, #tpu.memory_space<vmem>>, vector<16xf32>,
    %get3A_2936 = arith.constant 800 : index
    %get3A_2937 = tpu.vector_load %arg10[%get3A_2936] {strides = array<i32>} : memref<3168xf32, #tpu.memory_space<vmem>>, vector<16xf32>,
    %get3A_2938 = vector.shape_cast %get3A_2937 : vector<16xf32> to vector<16xf32>
    %get3A_2939 = arith.constant 1856 : index
    %get3A_2940 = tpu.vector_load %arg10[%get3A_2939] {strides = array<i32>} : memref<3168xf32, #tpu.memory_space<vmem>>, vector<16xf32>,
    %get3A_2941 = vector.shape_cast %get3A_2940 : vector<16xf32> to vector<16xf32>
    %get3A_2942 = arith.constant 2912 : index
    %get3A_2943 = tpu.vector_load %arg10[%get3A_2942] {strides = array<i32>} : memref<3168xf32, #tpu.memory_space<vmem>>, vector<16xf32>,
    %get3A_2944 = vector.shape_cast %get3A_2943 : vector<16xf32> to vector<16xf32>
    %mul3A_2945 = arith.mulf %get3A_2938, %get3A_2938 : vector<16xf32>
    %mul3A_2946 = arith.mulf %get3A_2941, %get3A_2941 : vector<16xf32>
    %add3A_2947 = arith.addf %mul3A_2945, %mul3A_2946 : vector<16xf32>
    %mul3A_2948 = arith.mulf %get3A_2944, %get3A_2944 : vector<16xf32>
    %add3A_2949 = arith.addf %add3A_2947, %mul3A_2948 : vector<16xf32>
    %mul3A_2950 = arith.constant -1.250000e+01 : f32
    %mul3A_2951 = vector.broadcast %mul3A_2950 : f32 to vector<16xf32>
    %mul3A_2952 = arith.mulf %mul3A_2951, %add3A_2949 : vector<16xf32>
    %exp3A_2953 = math.exp %mul3A_2952 : vector<16xf32>
    %mul3A_2954 = arith.constant 6.28318548 : f32
    %mul3A_2955 = vector.broadcast %mul3A_2954 : f32 to vector<16xf32>
    %mul3A_2956 = arith.mulf %mul3A_2955, %exp3A_2953 : vector<16xf32>
    %div3A_2957 = arith.divf %mul3A_2956, %add3A_2949 : vector<16xf32>
    %swap3A_2958 = arith.constant 800 : index
    %swap3A_2959 = tpu.vector_load %arg11[%swap3A_2958] {strides = array<i32>} : memref<1056xf32, #tpu.memory_space<vmem>>, vector<16xf32>,
    %swap3A_2960 = vector.shape_cast %swap3A_2959 : vector<16xf32> to vector<16xf32>
    %swap3A_2961 = vector.shape_cast %div3A_2957 : vector<16xf32> to vector<16xf32>
    tpu.vector_store %arg11[%swap3A_2958], %swap3A_2961 {strides = array<i32>} : memref<1056xf32, #tpu.memory_space<vmem>>, vector<16xf32>,
    %get3A_2962 = arith.constant 816 : index
    %get3A_2963 = tpu.vector_load %arg10[%get3A_2962] {strides = array<i32>} : memref<3168xf32, #tpu.memory_space<vmem>>, vector<16xf32>,
    %get3A_2964 = vector.shape_cast %get3A_2963 : vector<16xf32> to vector<16xf32>
    %get3A_2965 = arith.constant 1872 : index
    %get3A_2966 = tpu.vector_load %arg10[%get3A_2965] {strides = array<i32>} : memref<3168xf32, #tpu.memory_space<vmem>>, vector<16xf32>,
    %get3A_2967 = vector.shape_cast %get3A_2966 : vector<16xf32> to vector<16xf32>
    %get3A_2968 = arith.constant 2928 : index
    %get3A_2969 = tpu.vector_load %arg10[%get3A_2968] {strides = array<i32>} : memref<3168xf32, #tpu.memory_space<vmem>>, vector<16xf32>,
    %get3A_2970 = vector.shape_cast %get3A_2969 : vector<16xf32> to vector<16xf32>
    %mul3A_2971 = arith.mulf %get3A_2964, %get3A_2964 : vector<16xf32>
    %mul3A_2972 = arith.mulf %get3A_2967, %get3A_2967 : vector<16xf32>
    %add3A_2973 = arith.addf %mul3A_2971, %mul3A_2972 : vector<16xf32>
    %mul3A_2974 = arith.mulf %get3A_2970, %get3A_2970 : vector<16xf32>
    %add3A_2975 = arith.addf %add3A_2973, %mul3A_2974 : vector<16xf32>
    %mul3A_2976 = arith.constant -1.250000e+01 : f32
    %mul3A_2977 = vector.broadcast %mul3A_2976 : f32 to vector<16xf32>
    %mul3A_2978 = arith.mulf %mul3A_2977, %add3A_2975 : vector<16xf32>
    %exp3A_2979 = math.exp %mul3A_2978 : vector<16xf32>
    %mul3A_2980 = arith.constant 6.28318548 : f32
    %mul3A_2981 = vector.broadcast %mul3A_2980 : f32 to vector<16xf32>
    %mul3A_2982 = arith.mulf %mul3A_2981, %exp3A_2979 : vector<16xf32>
    %div3A_2983 = arith.divf %mul3A_2982, %add3A_2975 : vector<16xf32>
    %swap3A_2984 = arith.constant 816 : index
    %swap3A_2985 = tpu.vector_load %arg11[%swap3A_2984] {strides = array<i32>} : memref<1056xf32, #tpu.memory_space<vmem>>, vector<16xf32>,
    %swap3A_2986 = vector.shape_cast %swap3A_2985 : vector<16xf32> to vector<16xf32>
    %swap3A_2987 = vector.shape_cast %div3A_2983 : vector<16xf32> to vector<16xf32>
    tpu.vector_store %arg11[%swap3A_2984], %swap3A_2987 {strides = array<i32>} : memref<1056xf32, #tpu.memory_space<vmem>>, vector<16xf32>,
    %get3A_2988 = arith.constant 832 : index
    %get3A_2989 = tpu.vector_load %arg10[%get3A_2988] {strides = array<i32>} : memref<3168xf32, #tpu.memory_space<vmem>>, vector<16xf32>,
    %get3A_2990 = vector.shape_cast %get3A_2989 : vector<16xf32> to vector<16xf32>
    %get3A_2991 = arith.constant 1888 : index
    %get3A_2992 = tpu.vector_load %arg10[%get3A_2991] {strides = array<i32>} : memref<3168xf32, #tpu.memory_space<vmem>>, vector<16xf32>,
    %get3A_2993 = vector.shape_cast %get3A_2992 : vector<16xf32> to vector<16xf32>
    %get3A_2994 = arith.constant 2944 : index
    %get3A_2995 = tpu.vector_load %arg10[%get3A_2994] {strides = array<i32>} : memref<3168xf32, #tpu.memory_space<vmem>>, vector<16xf32>,
    %get3A_2996 = vector.shape_cast %get3A_2995 : vector<16xf32> to vector<16xf32>
    %mul3A_2997 = arith.mulf %get3A_2990, %get3A_2990 : vector<16xf32>
    %mul3A_2998 = arith.mulf %get3A_2993, %get3A_2993 : vector<16xf32>
    %add3A_2999 = arith.addf %mul3A_2997, %mul3A_2998 : vector<16xf32>
    %mul3A_3000 = arith.mulf %get3A_2996, %get3A_2996 : vector<16xf32>
    %add3A_3001 = arith.addf %add3A_2999, %mul3A_3000 : vector<16xf32>
    %mul3A_3002 = arith.constant -1.250000e+01 : f32
    %mul3A_3003 = vector.broadcast %mul3A_3002 : f32 to vector<16xf32>
    %mul3A_3004 = arith.mulf %mul3A_3003, %add3A_3001 : vector<16xf32>
    %exp3A_3005 = math.exp %mul3A_3004 : vector<16xf32>
    %mul3A_3006 = arith.constant 6.28318548 : f32
    %mul3A_3007 = vector.broadcast %mul3A_3006 : f32 to vector<16xf32>
    %mul3A_3008 = arith.mulf %mul3A_3007, %exp3A_3005 : vector<16xf32>
    %div3A_3009 = arith.divf %mul3A_3008, %add3A_3001 : vector<16xf32>
    %swap3A_3010 = arith.constant 832 : index
    %swap3A_3011 = tpu.vector_load %arg11[%swap3A_3010] {strides = array<i32>} : memref<1056xf32, #tpu.memory_space<vmem>>, vector<16xf32>,
    %swap3A_3012 = vector.shape_cast %swap3A_3011 : vector<16xf32> to vector<16xf32>
    %swap3A_3013 = vector.shape_cast %div3A_3009 : vector<16xf32> to vector<16xf32>
    tpu.vector_store %arg11[%swap3A_3010], %swap3A_3013 {strides = array<i32>} : memref<1056xf32, #tpu.memory_space<vmem>>, vector<16xf32>,
    %get3A_3014 = arith.constant 848 : index
    %get3A_3015 = tpu.vector_load %arg10[%get3A_3014] {strides = array<i32>} : memref<3168xf32, #tpu.memory_space<vmem>>, vector<16xf32>,
    %get3A_3016 = vector.shape_cast %get3A_3015 : vector<16xf32> to vector<16xf32>
    %get3A_3017 = arith.constant 1904 : index
    %get3A_3018 = tpu.vector_load %arg10[%get3A_3017] {strides = array<i32>} : memref<3168xf32, #tpu.memory_space<vmem>>, vector<16xf32>,
    %get3A_3019 = vector.shape_cast %get3A_3018 : vector<16xf32> to vector<16xf32>
    %get3A_3020 = arith.constant 2960 : index
    %get3A_3021 = tpu.vector_load %arg10[%get3A_3020] {strides = array<i32>} : memref<3168xf32, #tpu.memory_space<vmem>>, vector<16xf32>,
    %get3A_3022 = vector.shape_cast %get3A_3021 : vector<16xf32> to vector<16xf32>
    %mul3A_3023 = arith.mulf %get3A_3016, %get3A_3016 : vector<16xf32>
    %mul3A_3024 = arith.mulf %get3A_3019, %get3A_3019 : vector<16xf32>
    %add3A_3025 = arith.addf %mul3A_3023, %mul3A_3024 : vector<16xf32>
    %mul3A_3026 = arith.mulf %get3A_3022, %get3A_3022 : vector<16xf32>
    %add3A_3027 = arith.addf %add3A_3025, %mul3A_3026 : vector<16xf32>
    %mul3A_3028 = arith.constant -1.250000e+01 : f32
    %mul3A_3029 = vector.broadcast %mul3A_3028 : f32 to vector<16xf32>
    %mul3A_3030 = arith.mulf %mul3A_3029, %add3A_3027 : vector<16xf32>
    %exp3A_3031 = math.exp %mul3A_3030 : vector<16xf32>
    %mul3A_3032 = arith.constant 6.28318548 : f32
    %mul3A_3033 = vector.broadcast %mul3A_3032 : f32 to vector<16xf32>
    %mul3A_3034 = arith.mulf %mul3A_3033, %exp3A_3031 : vector<16xf32>
    %div3A_3035 = arith.divf %mul3A_3034, %add3A_3027 : vector<16xf32>
    %swap3A_3036 = arith.constant 848 : index
    %swap3A_3037 = tpu.vector_load %arg11[%swap3A_3036] {strides = array<i32>} : memref<1056xf32, #tpu.memory_space<vmem>>, vector<16xf32>,
    %swap3A_3038 = vector.shape_cast %swap3A_3037 : vector<16xf32> to vector<16xf32>
    %swap3A_3039 = vector.shape_cast %div3A_3035 : vector<16xf32> to vector<16xf32>
    tpu.vector_store %arg11[%swap3A_3036], %swap3A_3039 {strides = array<i32>} : memref<1056xf32, #tpu.memory_space<vmem>>, vector<16xf32>,
    %get3A_3040 = arith.constant 864 : index
    %get3A_3041 = tpu.vector_load %arg10[%get3A_3040] {strides = array<i32>} : memref<3168xf32, #tpu.memory_space<vmem>>, vector<16xf32>,
    %get3A_3042 = vector.shape_cast %get3A_3041 : vector<16xf32> to vector<16xf32>
    %get3A_3043 = arith.constant 1920 : index
    %get3A_3044 = tpu.vector_load %arg10[%get3A_3043] {strides = array<i32>} : memref<3168xf32, #tpu.memory_space<vmem>>, vector<16xf32>,
    %get3A_3045 = vector.shape_cast %get3A_3044 : vector<16xf32> to vector<16xf32>
    %get3A_3046 = arith.constant 2976 : index
    %get3A_3047 = tpu.vector_load %arg10[%get3A_3046] {strides = array<i32>} : memref<3168xf32, #tpu.memory_space<vmem>>, vector<16xf32>,
    %get3A_3048 = vector.shape_cast %get3A_3047 : vector<16xf32> to vector<16xf32>
    %mul3A_3049 = arith.mulf %get3A_3042, %get3A_3042 : vector<16xf32>
    %mul3A_3050 = arith.mulf %get3A_3045, %get3A_3045 : vector<16xf32>
    %add3A_3051 = arith.addf %mul3A_3049, %mul3A_3050 : vector<16xf32>
    %mul3A_3052 = arith.mulf %get3A_3048, %get3A_3048 : vector<16xf32>
    %add3A_3053 = arith.addf %add3A_3051, %mul3A_3052 : vector<16xf32>
    %mul3A_3054 = arith.constant -1.250000e+01 : f32
    %mul3A_3055 = vector.broadcast %mul3A_3054 : f32 to vector<16xf32>
    %mul3A_3056 = arith.mulf %mul3A_3055, %add3A_3053 : vector<16xf32>
    %exp3A_3057 = math.exp %mul3A_3056 : vector<16xf32>
    %mul3A_3058 = arith.constant 6.28318548 : f32
    %mul3A_3059 = vector.broadcast %mul3A_3058 : f32 to vector<16xf32>
    %mul3A_3060 = arith.mulf %mul3A_3059, %exp3A_3057 : vector<16xf32>
    %div3A_3061 = arith.divf %mul3A_3060, %add3A_3053 : vector<16xf32>
    %swap3A_3062 = arith.constant 864 : index
    %swap3A_3063 = tpu.vector_load %arg11[%swap3A_3062] {strides = array<i32>} : memref<1056xf32, #tpu.memory_space<vmem>>, vector<16xf32>,
    %swap3A_3064 = vector.shape_cast %swap3A_3063 : vector<16xf32> to vector<16xf32>
    %swap3A_3065 = vector.shape_cast %div3A_3061 : vector<16xf32> to vector<16xf32>
    tpu.vector_store %arg11[%swap3A_3062], %swap3A_3065 {strides = array<i32>} : memref<1056xf32, #tpu.memory_space<vmem>>, vector<16xf32>,
    %get3A_3066 = arith.constant 880 : index
    %get3A_3067 = tpu.vector_load %arg10[%get3A_3066] {strides = array<i32>} : memref<3168xf32, #tpu.memory_space<vmem>>, vector<16xf32>,
    %get3A_3068 = vector.shape_cast %get3A_3067 : vector<16xf32> to vector<16xf32>
    %get3A_3069 = arith.constant 1936 : index
    %get3A_3070 = tpu.vector_load %arg10[%get3A_3069] {strides = array<i32>} : memref<3168xf32, #tpu.memory_space<vmem>>, vector<16xf32>,
    %get3A_3071 = vector.shape_cast %get3A_3070 : vector<16xf32> to vector<16xf32>
    %get3A_3072 = arith.constant 2992 : index
    %get3A_3073 = tpu.vector_load %arg10[%get3A_3072] {strides = array<i32>} : memref<3168xf32, #tpu.memory_space<vmem>>, vector<16xf32>,
    %get3A_3074 = vector.shape_cast %get3A_3073 : vector<16xf32> to vector<16xf32>
    %mul3A_3075 = arith.mulf %get3A_3068, %get3A_3068 : vector<16xf32>
    %mul3A_3076 = arith.mulf %get3A_3071, %get3A_3071 : vector<16xf32>
    %add3A_3077 = arith.addf %mul3A_3075, %mul3A_3076 : vector<16xf32>
    %mul3A_3078 = arith.mulf %get3A_3074, %get3A_3074 : vector<16xf32>
    %add3A_3079 = arith.addf %add3A_3077, %mul3A_3078 : vector<16xf32>
    %mul3A_3080 = arith.constant -1.250000e+01 : f32
    %mul3A_3081 = vector.broadcast %mul3A_3080 : f32 to vector<16xf32>
    %mul3A_3082 = arith.mulf %mul3A_3081, %add3A_3079 : vector<16xf32>
    %exp3A_3083 = math.exp %mul3A_3082 : vector<16xf32>
    %mul3A_3084 = arith.constant 6.28318548 : f32
    %mul3A_3085 = vector.broadcast %mul3A_3084 : f32 to vector<16xf32>
    %mul3A_3086 = arith.mulf %mul3A_3085, %exp3A_3083 : vector<16xf32>
    %div3A_3087 = arith.divf %mul3A_3086, %add3A_3079 : vector<16xf32>
    %swap3A_3088 = arith.constant 880 : index
    %swap3A_3089 = tpu.vector_load %arg11[%swap3A_3088] {strides = array<i32>} : memref<1056xf32, #tpu.memory_space<vmem>>, vector<16xf32>,
    %swap3A_3090 = vector.shape_cast %swap3A_3089 : vector<16xf32> to vector<16xf32>
    %swap3A_3091 = vector.shape_cast %div3A_3087 : vector<16xf32> to vector<16xf32>
    tpu.vector_store %arg11[%swap3A_3088], %swap3A_3091 {strides = array<i32>} : memref<1056xf32, #tpu.memory_space<vmem>>, vector<16xf32>,
    %get3A_3092 = arith.constant 896 : index
    %get3A_3093 = tpu.vector_load %arg10[%get3A_3092] {strides = array<i32>} : memref<3168xf32, #tpu.memory_space<vmem>>, vector<16xf32>,
    %get3A_3094 = vector.shape_cast %get3A_3093 : vector<16xf32> to vector<16xf32>
    %get3A_3095 = arith.constant 1952 : index
    %get3A_3096 = tpu.vector_load %arg10[%get3A_3095] {strides = array<i32>} : memref<3168xf32, #tpu.memory_space<vmem>>, vector<16xf32>,
    %get3A_3097 = vector.shape_cast %get3A_3096 : vector<16xf32> to vector<16xf32>
    %get3A_3098 = arith.constant 3008 : index
    %get3A_3099 = tpu.vector_load %arg10[%get3A_3098] {strides = array<i32>} : memref<3168xf32, #tpu.memory_space<vmem>>, vector<16xf32>,
    %get3A_3100 = vector.shape_cast %get3A_3099 : vector<16xf32> to vector<16xf32>
    %mul3A_3101 = arith.mulf %get3A_3094, %get3A_3094 : vector<16xf32>
    %mul3A_3102 = arith.mulf %get3A_3097, %get3A_3097 : vector<16xf32>
    %add3A_3103 = arith.addf %mul3A_3101, %mul3A_3102 : vector<16xf32>
    %mul3A_3104 = arith.mulf %get3A_3100, %get3A_3100 : vector<16xf32>
    %add3A_3105 = arith.addf %add3A_3103, %mul3A_3104 : vector<16xf32>
    %mul3A_3106 = arith.constant -1.250000e+01 : f32
    %mul3A_3107 = vector.broadcast %mul3A_3106 : f32 to vector<16xf32>
    %mul3A_3108 = arith.mulf %mul3A_3107, %add3A_3105 : vector<16xf32>
    %exp3A_3109 = math.exp %mul3A_3108 : vector<16xf32>
    %mul3A_3110 = arith.constant 6.28318548 : f32
    %mul3A_3111 = vector.broadcast %mul3A_3110 : f32 to vector<16xf32>
    %mul3A_3112 = arith.mulf %mul3A_3111, %exp3A_3109 : vector<16xf32>
    %div3A_3113 = arith.divf %mul3A_3112, %add3A_3105 : vector<16xf32>
    %swap3A_3114 = arith.constant 896 : index
    %swap3A_3115 = tpu.vector_load %arg11[%swap3A_3114] {strides = array<i32>} : memref<1056xf32, #tpu.memory_space<vmem>>, vector<16xf32>,
    %swap3A_3116 = vector.shape_cast %swap3A_3115 : vector<16xf32> to vector<16xf32>
    %swap3A_3117 = vector.shape_cast %div3A_3113 : vector<16xf32> to vector<16xf32>
    tpu.vector_store %arg11[%swap3A_3114], %swap3A_3117 {strides = array<i32>} : memref<1056xf32, #tpu.memory_space<vmem>>, vector<16xf32>,
    %get3A_3118 = arith.constant 912 : index
    %get3A_3119 = tpu.vector_load %arg10[%get3A_3118] {strides = array<i32>} : memref<3168xf32, #tpu.memory_space<vmem>>, vector<16xf32>,
    %get3A_3120 = vector.shape_cast %get3A_3119 : vector<16xf32> to vector<16xf32>
    %get3A_3121 = arith.constant 1968 : index
    %get3A_3122 = tpu.vector_load %arg10[%get3A_3121] {strides = array<i32>} : memref<3168xf32, #tpu.memory_space<vmem>>, vector<16xf32>,
    %get3A_3123 = vector.shape_cast %get3A_3122 : vector<16xf32> to vector<16xf32>
    %get3A_3124 = arith.constant 3024 : index
    %get3A_3125 = tpu.vector_load %arg10[%get3A_3124] {strides = array<i32>} : memref<3168xf32, #tpu.memory_space<vmem>>, vector<16xf32>,
    %get3A_3126 = vector.shape_cast %get3A_3125 : vector<16xf32> to vector<16xf32>
    %mul3A_3127 = arith.mulf %get3A_3120, %get3A_3120 : vector<16xf32>
    %mul3A_3128 = arith.mulf %get3A_3123, %get3A_3123 : vector<16xf32>
    %add3A_3129 = arith.addf %mul3A_3127, %mul3A_3128 : vector<16xf32>
    %mul3A_3130 = arith.mulf %get3A_3126, %get3A_3126 : vector<16xf32>
    %add3A_3131 = arith.addf %add3A_3129, %mul3A_3130 : vector<16xf32>
    %mul3A_3132 = arith.constant -1.250000e+01 : f32
    %mul3A_3133 = vector.broadcast %mul3A_3132 : f32 to vector<16xf32>
    %mul3A_3134 = arith.mulf %mul3A_3133, %add3A_3131 : vector<16xf32>
    %exp3A_3135 = math.exp %mul3A_3134 : vector<16xf32>
    %mul3A_3136 = arith.constant 6.28318548 : f32
    %mul3A_3137 = vector.broadcast %mul3A_3136 : f32 to vector<16xf32>
    %mul3A_3138 = arith.mulf %mul3A_3137, %exp3A_3135 : vector<16xf32>
    %div3A_3139 = arith.divf %mul3A_3138, %add3A_3131 : vector<16xf32>
    %swap3A_3140 = arith.constant 912 : index
    %swap3A_3141 = tpu.vector_load %arg11[%swap3A_3140] {strides = array<i32>} : memref<1056xf32, #tpu.memory_space<vmem>>, vector<16xf32>,
    %swap3A_3142 = vector.shape_cast %swap3A_3141 : vector<16xf32> to vector<16xf32>
    %swap3A_3143 = vector.shape_cast %div3A_3139 : vector<16xf32> to vector<16xf32>
    tpu.vector_store %arg11[%swap3A_3140], %swap3A_3143 {strides = array<i32>} : memref<1056xf32, #tpu.memory_space<vmem>>, vector<16xf32>,
    %get3A_3144 = arith.constant 928 : index
    %get3A_3145 = tpu.vector_load %arg10[%get3A_3144] {strides = array<i32>} : memref<3168xf32, #tpu.memory_space<vmem>>, vector<16xf32>,
    %get3A_3146 = vector.shape_cast %get3A_3145 : vector<16xf32> to vector<16xf32>
    %get3A_3147 = arith.constant 1984 : index
    %get3A_3148 = tpu.vector_load %arg10[%get3A_3147] {strides = array<i32>} : memref<3168xf32, #tpu.memory_space<vmem>>, vector<16xf32>,
    %get3A_3149 = vector.shape_cast %get3A_3148 : vector<16xf32> to vector<16xf32>
    %get3A_3150 = arith.constant 3040 : index
    %get3A_3151 = tpu.vector_load %arg10[%get3A_3150] {strides = array<i32>} : memref<3168xf32, #tpu.memory_space<vmem>>, vector<16xf32>,
    %get3A_3152 = vector.shape_cast %get3A_3151 : vector<16xf32> to vector<16xf32>
    %mul3A_3153 = arith.mulf %get3A_3146, %get3A_3146 : vector<16xf32>
    %mul3A_3154 = arith.mulf %get3A_3149, %get3A_3149 : vector<16xf32>
    %add3A_3155 = arith.addf %mul3A_3153, %mul3A_3154 : vector<16xf32>
    %mul3A_3156 = arith.mulf %get3A_3152, %get3A_3152 : vector<16xf32>
    %add3A_3157 = arith.addf %add3A_3155, %mul3A_3156 : vector<16xf32>
    %mul3A_3158 = arith.constant -1.250000e+01 : f32
    %mul3A_3159 = vector.broadcast %mul3A_3158 : f32 to vector<16xf32>
    %mul3A_3160 = arith.mulf %mul3A_3159, %add3A_3157 : vector<16xf32>
    %exp3A_3161 = math.exp %mul3A_3160 : vector<16xf32>
    %mul3A_3162 = arith.constant 6.28318548 : f32
    %mul3A_3163 = vector.broadcast %mul3A_3162 : f32 to vector<16xf32>
    %mul3A_3164 = arith.mulf %mul3A_3163, %exp3A_3161 : vector<16xf32>
    %div3A_3165 = arith.divf %mul3A_3164, %add3A_3157 : vector<16xf32>
    %swap3A_3166 = arith.constant 928 : index
    %swap3A_3167 = tpu.vector_load %arg11[%swap3A_3166] {strides = array<i32>} : memref<1056xf32, #tpu.memory_space<vmem>>, vector<16xf32>,
    %swap3A_3168 = vector.shape_cast %swap3A_3167 : vector<16xf32> to vector<16xf32>
    %swap3A_3169 = vector.shape_cast %div3A_3165 : vector<16xf32> to vector<16xf32>
    tpu.vector_store %arg11[%swap3A_3166], %swap3A_3169 {strides = array<i32>} : memref<1056xf32, #tpu.memory_space<vmem>>, vector<16xf32>,
    %get3A_3170 = arith.constant 944 : index
    %get3A_3171 = tpu.vector_load %arg10[%get3A_3170] {strides = array<i32>} : memref<3168xf32, #tpu.memory_space<vmem>>, vector<16xf32>,
    %get3A_3172 = vector.shape_cast %get3A_3171 : vector<16xf32> to vector<16xf32>
    %get3A_3173 = arith.constant 2000 : index
    %get3A_3174 = tpu.vector_load %arg10[%get3A_3173] {strides = array<i32>} : memref<3168xf32, #tpu.memory_space<vmem>>, vector<16xf32>,
    %get3A_3175 = vector.shape_cast %get3A_3174 : vector<16xf32> to vector<16xf32>
    %get3A_3176 = arith.constant 3056 : index
    %get3A_3177 = tpu.vector_load %arg10[%get3A_3176] {strides = array<i32>} : memref<3168xf32, #tpu.memory_space<vmem>>, vector<16xf32>,
    %get3A_3178 = vector.shape_cast %get3A_3177 : vector<16xf32> to vector<16xf32>
    %mul3A_3179 = arith.mulf %get3A_3172, %get3A_3172 : vector<16xf32>
    %mul3A_3180 = arith.mulf %get3A_3175, %get3A_3175 : vector<16xf32>
    %add3A_3181 = arith.addf %mul3A_3179, %mul3A_3180 : vector<16xf32>
    %mul3A_3182 = arith.mulf %get3A_3178, %get3A_3178 : vector<16xf32>
    %add3A_3183 = arith.addf %add3A_3181, %mul3A_3182 : vector<16xf32>
    %mul3A_3184 = arith.constant -1.250000e+01 : f32
    %mul3A_3185 = vector.broadcast %mul3A_3184 : f32 to vector<16xf32>
    %mul3A_3186 = arith.mulf %mul3A_3185, %add3A_3183 : vector<16xf32>
    %exp3A_3187 = math.exp %mul3A_3186 : vector<16xf32>
    %mul3A_3188 = arith.constant 6.28318548 : f32
    %mul3A_3189 = vector.broadcast %mul3A_3188 : f32 to vector<16xf32>
    %mul3A_3190 = arith.mulf %mul3A_3189, %exp3A_3187 : vector<16xf32>
    %div3A_3191 = arith.divf %mul3A_3190, %add3A_3183 : vector<16xf32>
    %swap3A_3192 = arith.constant 944 : index
    %swap3A_3193 = tpu.vector_load %arg11[%swap3A_3192] {strides = array<i32>} : memref<1056xf32, #tpu.memory_space<vmem>>, vector<16xf32>,
    %swap3A_3194 = vector.shape_cast %swap3A_3193 : vector<16xf32> to vector<16xf32>
    %swap3A_3195 = vector.shape_cast %div3A_3191 : vector<16xf32> to vector<16xf32>
    tpu.vector_store %arg11[%swap3A_3192], %swap3A_3195 {strides = array<i32>} : memref<1056xf32, #tpu.memory_space<vmem>>, vector<16xf32>,
    %get3A_3196 = arith.constant 960 : index
    %get3A_3197 = tpu.vector_load %arg10[%get3A_3196] {strides = array<i32>} : memref<3168xf32, #tpu.memory_space<vmem>>, vector<16xf32>,
    %get3A_3198 = vector.shape_cast %get3A_3197 : vector<16xf32> to vector<16xf32>
    %get3A_3199 = arith.constant 2016 : index
    %get3A_3200 = tpu.vector_load %arg10[%get3A_3199] {strides = array<i32>} : memref<3168xf32, #tpu.memory_space<vmem>>, vector<16xf32>,
    %get3A_3201 = vector.shape_cast %get3A_3200 : vector<16xf32> to vector<16xf32>
    %get3A_3202 = arith.constant 3072 : index
    %get3A_3203 = tpu.vector_load %arg10[%get3A_3202] {strides = array<i32>} : memref<3168xf32, #tpu.memory_space<vmem>>, vector<16xf32>,
    %get3A_3204 = vector.shape_cast %get3A_3203 : vector<16xf32> to vector<16xf32>
    %mul3A_3205 = arith.mulf %get3A_3198, %get3A_3198 : vector<16xf32>
    %mul3A_3206 = arith.mulf %get3A_3201, %get3A_3201 : vector<16xf32>
    %add3A_3207 = arith.addf %mul3A_3205, %mul3A_3206 : vector<16xf32>
    %mul3A_3208 = arith.mulf %get3A_3204, %get3A_3204 : vector<16xf32>
    %add3A_3209 = arith.addf %add3A_3207, %mul3A_3208 : vector<16xf32>
    %mul3A_3210 = arith.constant -1.250000e+01 : f32
    %mul3A_3211 = vector.broadcast %mul3A_3210 : f32 to vector<16xf32>
    %mul3A_3212 = arith.mulf %mul3A_3211, %add3A_3209 : vector<16xf32>
    %exp3A_3213 = math.exp %mul3A_3212 : vector<16xf32>
    %mul3A_3214 = arith.constant 6.28318548 : f32
    %mul3A_3215 = vector.broadcast %mul3A_3214 : f32 to vector<16xf32>
    %mul3A_3216 = arith.mulf %mul3A_3215, %exp3A_3213 : vector<16xf32>
    %div3A_3217 = arith.divf %mul3A_3216, %add3A_3209 : vector<16xf32>
    %swap3A_3218 = arith.constant 960 : index
    %swap3A_3219 = tpu.vector_load %arg11[%swap3A_3218] {strides = array<i32>} : memref<1056xf32, #tpu.memory_space<vmem>>, vector<16xf32>,
    %swap3A_3220 = vector.shape_cast %swap3A_3219 : vector<16xf32> to vector<16xf32>
    %swap3A_3221 = vector.shape_cast %div3A_3217 : vector<16xf32> to vector<16xf32>
    tpu.vector_store %arg11[%swap3A_3218], %swap3A_3221 {strides = array<i32>} : memref<1056xf32, #tpu.memory_space<vmem>>, vector<16xf32>,
    %get3A_3222 = arith.constant 976 : index
    %get3A_3223 = tpu.vector_load %arg10[%get3A_3222] {strides = array<i32>} : memref<3168xf32, #tpu.memory_space<vmem>>, vector<16xf32>,
    %get3A_3224 = vector.shape_cast %get3A_3223 : vector<16xf32> to vector<16xf32>
    %get3A_3225 = arith.constant 2032 : index
    %get3A_3226 = tpu.vector_load %arg10[%get3A_3225] {strides = array<i32>} : memref<3168xf32, #tpu.memory_space<vmem>>, vector<16xf32>,
    %get3A_3227 = vector.shape_cast %get3A_3226 : vector<16xf32> to vector<16xf32>
    %get3A_3228 = arith.constant 3088 : index
    %get3A_3229 = tpu.vector_load %arg10[%get3A_3228] {strides = array<i32>} : memref<3168xf32, #tpu.memory_space<vmem>>, vector<16xf32>,
    %get3A_3230 = vector.shape_cast %get3A_3229 : vector<16xf32> to vector<16xf32>
    %mul3A_3231 = arith.mulf %get3A_3224, %get3A_3224 : vector<16xf32>
    %mul3A_3232 = arith.mulf %get3A_3227, %get3A_3227 : vector<16xf32>
    %add3A_3233 = arith.addf %mul3A_3231, %mul3A_3232 : vector<16xf32>
    %mul3A_3234 = arith.mulf %get3A_3230, %get3A_3230 : vector<16xf32>
    %add3A_3235 = arith.addf %add3A_3233, %mul3A_3234 : vector<16xf32>
    %mul3A_3236 = arith.constant -1.250000e+01 : f32
    %mul3A_3237 = vector.broadcast %mul3A_3236 : f32 to vector<16xf32>
    %mul3A_3238 = arith.mulf %mul3A_3237, %add3A_3235 : vector<16xf32>
    %exp3A_3239 = math.exp %mul3A_3238 : vector<16xf32>
    %mul3A_3240 = arith.constant 6.28318548 : f32
    %mul3A_3241 = vector.broadcast %mul3A_3240 : f32 to vector<16xf32>
    %mul3A_3242 = arith.mulf %mul3A_3241, %exp3A_3239 : vector<16xf32>
    %div3A_3243 = arith.divf %mul3A_3242, %add3A_3235 : vector<16xf32>
    %swap3A_3244 = arith.constant 976 : index
    %swap3A_3245 = tpu.vector_load %arg11[%swap3A_3244] {strides = array<i32>} : memref<1056xf32, #tpu.memory_space<vmem>>, vector<16xf32>,
    %swap3A_3246 = vector.shape_cast %swap3A_3245 : vector<16xf32> to vector<16xf32>
    %swap3A_3247 = vector.shape_cast %div3A_3243 : vector<16xf32> to vector<16xf32>
    tpu.vector_store %arg11[%swap3A_3244], %swap3A_3247 {strides = array<i32>} : memref<1056xf32, #tpu.memory_space<vmem>>, vector<16xf32>,
    %get3A_3248 = arith.constant 992 : index
    %get3A_3249 = tpu.vector_load %arg10[%get3A_3248] {strides = array<i32>} : memref<3168xf32, #tpu.memory_space<vmem>>, vector<16xf32>,
    %get3A_3250 = vector.shape_cast %get3A_3249 : vector<16xf32> to vector<16xf32>
    %get3A_3251 = arith.constant 2048 : index
    %get3A_3252 = tpu.vector_load %arg10[%get3A_3251] {strides = array<i32>} : memref<3168xf32, #tpu.memory_space<vmem>>, vector<16xf32>,
    %get3A_3253 = vector.shape_cast %get3A_3252 : vector<16xf32> to vector<16xf32>
    %get3A_3254 = arith.constant 3104 : index
    %get3A_3255 = tpu.vector_load %arg10[%get3A_3254] {strides = array<i32>} : memref<3168xf32, #tpu.memory_space<vmem>>, vector<16xf32>,
    %get3A_3256 = vector.shape_cast %get3A_3255 : vector<16xf32> to vector<16xf32>
    %mul3A_3257 = arith.mulf %get3A_3250, %get3A_3250 : vector<16xf32>
    %mul3A_3258 = arith.mulf %get3A_3253, %get3A_3253 : vector<16xf32>
    %add3A_3259 = arith.addf %mul3A_3257, %mul3A_3258 : vector<16xf32>
    %mul3A_3260 = arith.mulf %get3A_3256, %get3A_3256 : vector<16xf32>
    %add3A_3261 = arith.addf %add3A_3259, %mul3A_3260 : vector<16xf32>
    %mul3A_3262 = arith.constant -1.250000e+01 : f32
    %mul3A_3263 = vector.broadcast %mul3A_3262 : f32 to vector<16xf32>
    %mul3A_3264 = arith.mulf %mul3A_3263, %add3A_3261 : vector<16xf32>
    %exp3A_3265 = math.exp %mul3A_3264 : vector<16xf32>
    %mul3A_3266 = arith.constant 6.28318548 : f32
    %mul3A_3267 = vector.broadcast %mul3A_3266 : f32 to vector<16xf32>
    %mul3A_3268 = arith.mulf %mul3A_3267, %exp3A_3265 : vector<16xf32>
    %div3A_3269 = arith.divf %mul3A_3268, %add3A_3261 : vector<16xf32>
    %swap3A_3270 = arith.constant 992 : index
    %swap3A_3271 = tpu.vector_load %arg11[%swap3A_3270] {strides = array<i32>} : memref<1056xf32, #tpu.memory_space<vmem>>, vector<16xf32>,
    %swap3A_3272 = vector.shape_cast %swap3A_3271 : vector<16xf32> to vector<16xf32>
    %swap3A_3273 = vector.shape_cast %div3A_3269 : vector<16xf32> to vector<16xf32>
    tpu.vector_store %arg11[%swap3A_3270], %swap3A_3273 {strides = array<i32>} : memref<1056xf32, #tpu.memory_space<vmem>>, vector<16xf32>,
    %get3A_3274 = arith.constant 1008 : index
    %get3A_3275 = tpu.vector_load %arg10[%get3A_3274] {strides = array<i32>} : memref<3168xf32, #tpu.memory_space<vmem>>, vector<16xf32>,
    %get3A_3276 = vector.shape_cast %get3A_3275 : vector<16xf32> to vector<16xf32>
    %get3A_3277 = arith.constant 2064 : index
    %get3A_3278 = tpu.vector_load %arg10[%get3A_3277] {strides = array<i32>} : memref<3168xf32, #tpu.memory_space<vmem>>, vector<16xf32>,
    %get3A_3279 = vector.shape_cast %get3A_3278 : vector<16xf32> to vector<16xf32>
    %get3A_3280 = arith.constant 3120 : index
    %get3A_3281 = tpu.vector_load %arg10[%get3A_3280] {strides = array<i32>} : memref<3168xf32, #tpu.memory_space<vmem>>, vector<16xf32>,
    %get3A_3282 = vector.shape_cast %get3A_3281 : vector<16xf32> to vector<16xf32>
    %mul3A_3283 = arith.mulf %get3A_3276, %get3A_3276 : vector<16xf32>
    %mul3A_3284 = arith.mulf %get3A_3279, %get3A_3279 : vector<16xf32>
    %add3A_3285 = arith.addf %mul3A_3283, %mul3A_3284 : vector<16xf32>
    %mul3A_3286 = arith.mulf %get3A_3282, %get3A_3282 : vector<16xf32>
    %add3A_3287 = arith.addf %add3A_3285, %mul3A_3286 : vector<16xf32>
    %mul3A_3288 = arith.constant -1.250000e+01 : f32
    %mul3A_3289 = vector.broadcast %mul3A_3288 : f32 to vector<16xf32>
    %mul3A_3290 = arith.mulf %mul3A_3289, %add3A_3287 : vector<16xf32>
    %exp3A_3291 = math.exp %mul3A_3290 : vector<16xf32>
    %mul3A_3292 = arith.constant 6.28318548 : f32
    %mul3A_3293 = vector.broadcast %mul3A_3292 : f32 to vector<16xf32>
    %mul3A_3294 = arith.mulf %mul3A_3293, %exp3A_3291 : vector<16xf32>
    %div3A_3295 = arith.divf %mul3A_3294, %add3A_3287 : vector<16xf32>
    %swap3A_3296 = arith.constant 1008 : index
    %swap3A_3297 = tpu.vector_load %arg11[%swap3A_3296] {strides = array<i32>} : memref<1056xf32, #tpu.memory_space<vmem>>, vector<16xf32>,
    %swap3A_3298 = vector.shape_cast %swap3A_3297 : vector<16xf32> to vector<16xf32>
    %swap3A_3299 = vector.shape_cast %div3A_3295 : vector<16xf32> to vector<16xf32>
    tpu.vector_store %arg11[%swap3A_3296], %swap3A_3299 {strides = array<i32>} : memref<1056xf32, #tpu.memory_space<vmem>>, vector<16xf32>,
    %get3A_3300 = arith.constant 1024 : index
    %get3A_3301 = tpu.vector_load %arg10[%get3A_3300] {strides = array<i32>} : memref<3168xf32, #tpu.memory_space<vmem>>, vector<16xf32>,
    %get3A_3302 = vector.shape_cast %get3A_3301 : vector<16xf32> to vector<16xf32>
    %get3A_3303 = arith.constant 2080 : index
    %get3A_3304 = tpu.vector_load %arg10[%get3A_3303] {strides = array<i32>} : memref<3168xf32, #tpu.memory_space<vmem>>, vector<16xf32>,
    %get3A_3305 = vector.shape_cast %get3A_3304 : vector<16xf32> to vector<16xf32>
    %get3A_3306 = arith.constant 3136 : index
    %get3A_3307 = tpu.vector_load %arg10[%get3A_3306] {strides = array<i32>} : memref<3168xf32, #tpu.memory_space<vmem>>, vector<16xf32>,
    %get3A_3308 = vector.shape_cast %get3A_3307 : vector<16xf32> to vector<16xf32>
    %mul3A_3309 = arith.mulf %get3A_3302, %get3A_3302 : vector<16xf32>
    %mul3A_3310 = arith.mulf %get3A_3305, %get3A_3305 : vector<16xf32>
    %add3A_3311 = arith.addf %mul3A_3309, %mul3A_3310 : vector<16xf32>
    %mul3A_3312 = arith.mulf %get3A_3308, %get3A_3308 : vector<16xf32>
    %add3A_3313 = arith.addf %add3A_3311, %mul3A_3312 : vector<16xf32>
    %mul3A_3314 = arith.constant -1.250000e+01 : f32
    %mul3A_3315 = vector.broadcast %mul3A_3314 : f32 to vector<16xf32>
    %mul3A_3316 = arith.mulf %mul3A_3315, %add3A_3313 : vector<16xf32>
    %exp3A_3317 = math.exp %mul3A_3316 : vector<16xf32>
    %mul3A_3318 = arith.constant 6.28318548 : f32
    %mul3A_3319 = vector.broadcast %mul3A_3318 : f32 to vector<16xf32>
    %mul3A_3320 = arith.mulf %mul3A_3319, %exp3A_3317 : vector<16xf32>
    %div3A_3321 = arith.divf %mul3A_3320, %add3A_3313 : vector<16xf32>
    %swap3A_3322 = arith.constant 1024 : index
    %swap3A_3323 = tpu.vector_load %arg11[%swap3A_3322] {strides = array<i32>} : memref<1056xf32, #tpu.memory_space<vmem>>, vector<16xf32>,
    %swap3A_3324 = vector.shape_cast %swap3A_3323 : vector<16xf32> to vector<16xf32>
    %swap3A_3325 = vector.shape_cast %div3A_3321 : vector<16xf32> to vector<16xf32>
    tpu.vector_store %arg11[%swap3A_3322], %swap3A_3325 {strides = array<i32>} : memref<1056xf32, #tpu.memory_space<vmem>>, vector<16xf32>,
    %get3A_3326 = arith.constant 1040 : index
    %get3A_3327 = tpu.vector_load %arg10[%get3A_3326] {strides = array<i32>} : memref<3168xf32, #tpu.memory_space<vmem>>, vector<16xf32>,
    %get3A_3328 = vector.shape_cast %get3A_3327 : vector<16xf32> to vector<16xf32>
    %get3A_3329 = arith.constant 2096 : index
    %get3A_3330 = tpu.vector_load %arg10[%get3A_3329] {strides = array<i32>} : memref<3168xf32, #tpu.memory_space<vmem>>, vector<16xf32>,
    %get3A_3331 = vector.shape_cast %get3A_3330 : vector<16xf32> to vector<16xf32>
    %get3A_3332 = arith.constant 3152 : index
    %get3A_3333 = tpu.vector_load %arg10[%get3A_3332] {strides = array<i32>} : memref<3168xf32, #tpu.memory_space<vmem>>, vector<16xf32>,
    %get3A_3334 = vector.shape_cast %get3A_3333 : vector<16xf32> to vector<16xf32>
    %mul3A_3335 = arith.mulf %get3A_3328, %get3A_3328 : vector<16xf32>
    %mul3A_3336 = arith.mulf %get3A_3331, %get3A_3331 : vector<16xf32>
    %add3A_3337 = arith.addf %mul3A_3335, %mul3A_3336 : vector<16xf32>
    %mul3A_3338 = arith.mulf %get3A_3334, %get3A_3334 : vector<16xf32>
    %add3A_3339 = arith.addf %add3A_3337, %mul3A_3338 : vector<16xf32>
    %mul3A_3340 = arith.constant -1.250000e+01 : f32
    %mul3A_3341 = vector.broadcast %mul3A_3340 : f32 to vector<16xf32>
    %mul3A_3342 = arith.mulf %mul3A_3341, %add3A_3339 : vector<16xf32>
    %exp3A_3343 = math.exp %mul3A_3342 : vector<16xf32>
    %mul3A_3344 = arith.constant 6.28318548 : f32
    %mul3A_3345 = vector.broadcast %mul3A_3344 : f32 to vector<16xf32>
    %mul3A_3346 = arith.mulf %mul3A_3345, %exp3A_3343 : vector<16xf32>
    %div3A_3347 = arith.divf %mul3A_3346, %add3A_3339 : vector<16xf32>
    %swap3A_3348 = arith.constant 1040 : index
    %swap3A_3349 = tpu.vector_load %arg11[%swap3A_3348] {strides = array<i32>} : memref<1056xf32, #tpu.memory_space<vmem>>, vector<16xf32>,
    %swap3A_3350 = vector.shape_cast %swap3A_3349 : vector<16xf32> to vector<16xf32>
    %swap3A_3351 = vector.shape_cast %div3A_3347 : vector<16xf32> to vector<16xf32>
    tpu.vector_store %arg11[%swap3A_3348], %swap3A_3351 {strides = array<i32>} : memref<1056xf32, #tpu.memory_space<vmem>>, vector<16xf32>,
    %not3A_3352 = arith.constant true
    %not3A_3353 = arith.xori %eq3A_32, %not3A_3352 : i1
    %convert_element_type3A_3354 = arith.extui %not3A_3353 : i1 to i32
    %cond3A_3355 = arith.constant 0 : i32
    %cond3A_3356 = arith.cmpi ne, %convert_element_type3A_3354, %cond3A_3355 : i32
    scf.if %cond3A_3356 {
      %dma_start3A_3360 = arith.constant 0 : i32
      %dma_start3A_3361 = tpu.memref_slice %arg11[%dma_start3A_3360] : memref<1056xf32, #tpu.memory_space<vmem>> -> memref<1056xf32, #tpu.memory_space<vmem>>
      %dma_start3A_3362 = tpu.memref_slice %arg7[%multiple_of3A] : memref<33400xf32, #tpu.memory_space<hbm>> -> memref<1056xf32, #tpu.memory_space<hbm>>
      %dma_start3A_3363 = tpu.memref_slice %arg7[%multiple_of3A] : memref<33400xf32, #tpu.memory_space<hbm>> -> memref<1056xf32, #tpu.memory_space<hbm>>
      %dma_start3A_3364 = arith.constant 0 : i32
      %dma_start3A_3365 = tpu.memref_slice %arg11[%dma_start3A_3364] : memref<1056xf32, #tpu.memory_space<vmem>> -> memref<1056xf32, #tpu.memory_space<vmem>>
      tpu.enqueue_dma source(%dma_start3A_3365 : memref<1056xf32, #tpu.memory_space<vmem>>) target(%dma_start3A_3363 : memref<1056xf32, #tpu.memory_space<hbm>>) target_semaphore(%arg12 : memref<!tpu.dma_semaphore, #tpu.memory_space<semaphore_mem>>)
      %dma_wait3A_3366 = arith.constant 0 : i32
      %dma_wait3A_3367 = tpu.memref_slice %arg10[%dma_wait3A_3366] : memref<3168xf32, #tpu.memory_space<vmem>> -> memref<1056xf32, #tpu.memory_space<vmem>>
      %dma_wait3A_3368 = tpu.memref_slice %arg4[%multiple_of3A] : memref<33400xf32, #tpu.memory_space<hbm>> -> memref<1056xf32, #tpu.memory_space<hbm>>
      %dma_wait3A_3369 = tpu.memref_slice %arg4[%multiple_of3A] : memref<33400xf32, #tpu.memory_space<hbm>> -> memref<1056xf32, #tpu.memory_space<hbm>>
      %dma_wait3A_3370 = arith.constant 0 : i32
      %dma_wait3A_3371 = tpu.memref_slice %arg10[%dma_wait3A_3370] : memref<3168xf32, #tpu.memory_space<vmem>> -> memref<1056xf32, #tpu.memory_space<vmem>>
      tpu.wait_dma2 semaphore(%arg12 : memref<!tpu.dma_semaphore, #tpu.memory_space<semaphore_mem>>) src(%dma_wait3A_3371 : memref<1056xf32, #tpu.memory_space<vmem>>) dst(%dma_wait3A_3369 : memref<1056xf32, #tpu.memory_space<hbm>>)
      %dma_wait3A_3372 = arith.constant 1056 : i32
      %dma_wait3A_3373 = tpu.memref_slice %arg10[%dma_wait3A_3372] : memref<3168xf32, #tpu.memory_space<vmem>> -> memref<1056xf32, #tpu.memory_space<vmem>>
      %dma_wait3A_3374 = tpu.memref_slice %arg5[%multiple_of3A] : memref<33400xf32, #tpu.memory_space<hbm>> -> memref<1056xf32, #tpu.memory_space<hbm>>
      %dma_wait3A_3375 = tpu.memref_slice %arg5[%multiple_of3A] : memref<33400xf32, #tpu.memory_space<hbm>> -> memref<1056xf32, #tpu.memory_space<hbm>>
      %dma_wait3A_3376 = arith.constant 1056 : i32
      %dma_wait3A_3377 = tpu.memref_slice %arg10[%dma_wait3A_3376] : memref<3168xf32, #tpu.memory_space<vmem>> -> memref<1056xf32, #tpu.memory_space<vmem>>
      tpu.wait_dma2 semaphore(%arg12 : memref<!tpu.dma_semaphore, #tpu.memory_space<semaphore_mem>>) src(%dma_wait3A_3377 : memref<1056xf32, #tpu.memory_space<vmem>>) dst(%dma_wait3A_3375 : memref<1056xf32, #tpu.memory_space<hbm>>)
      %dma_wait3A_3378 = arith.constant 2112 : i32
      %dma_wait3A_3379 = tpu.memref_slice %arg10[%dma_wait3A_3378] : memref<3168xf32, #tpu.memory_space<vmem>> -> memref<1056xf32, #tpu.memory_space<vmem>>
      %dma_wait3A_3380 = tpu.memref_slice %arg6[%multiple_of3A] : memref<33400xf32, #tpu.memory_space<hbm>> -> memref<1056xf32, #tpu.memory_space<hbm>>
      %dma_wait3A_3381 = tpu.memref_slice %arg6[%multiple_of3A] : memref<33400xf32, #tpu.memory_space<hbm>> -> memref<1056xf32, #tpu.memory_space<hbm>>
      %dma_wait3A_3382 = arith.constant 2112 : i32
      %dma_wait3A_3383 = tpu.memref_slice %arg10[%dma_wait3A_3382] : memref<3168xf32, #tpu.memory_space<vmem>> -> memref<1056xf32, #tpu.memory_space<vmem>>
      tpu.wait_dma2 semaphore(%arg12 : memref<!tpu.dma_semaphore, #tpu.memory_space<semaphore_mem>>) src(%dma_wait3A_3383 : memref<1056xf32, #tpu.memory_space<vmem>>) dst(%dma_wait3A_3381 : memref<1056xf32, #tpu.memory_space<hbm>>)
      %dma_wait3A_3384 = arith.constant 0 : i32
      %dma_wait3A_3385 = tpu.memref_slice %arg11[%dma_wait3A_3384] : memref<1056xf32, #tpu.memory_space<vmem>> -> memref<1056xf32, #tpu.memory_space<vmem>>
      %dma_wait3A_3386 = tpu.memref_slice %arg7[%multiple_of3A] : memref<33400xf32, #tpu.memory_space<hbm>> -> memref<1056xf32, #tpu.memory_space<hbm>>
      %dma_wait3A_3387 = tpu.memref_slice %arg7[%multiple_of3A] : memref<33400xf32, #tpu.memory_space<hbm>> -> memref<1056xf32, #tpu.memory_space<hbm>>
      %dma_wait3A_3388 = arith.constant 0 : i32
      %dma_wait3A_3389 = tpu.memref_slice %arg11[%dma_wait3A_3388] : memref<1056xf32, #tpu.memory_space<vmem>> -> memref<1056xf32, #tpu.memory_space<vmem>>
      tpu.wait_dma2 semaphore(%arg12 : memref<!tpu.dma_semaphore, #tpu.memory_space<semaphore_mem>>) src(%dma_wait3A_3389 : memref<1056xf32, #tpu.memory_space<vmem>>) dst(%dma_wait3A_3387 : memref<1056xf32, #tpu.memory_space<hbm>>)
    } else {
    }
    %convert_element_type3A_3357 = arith.extui %eq3A_32 : i1 to i32
    %cond3A_3358 = arith.constant 0 : i32
    %cond3A_3359 = arith.cmpi ne, %convert_element_type3A_3357, %cond3A_3358 : i32
    scf.if %cond3A_3359 {
      %dma_start3A_3360 = arith.constant 0 : i32
      %dma_start3A_3361 = tpu.memref_slice %arg11[%dma_start3A_3360] : memref<1056xf32, #tpu.memory_space<vmem>> -> memref<664xf32, #tpu.memory_space<vmem>>
      %dma_start3A_3362 = tpu.memref_slice %arg7[%multiple_of3A] : memref<33400xf32, #tpu.memory_space<hbm>> -> memref<664xf32, #tpu.memory_space<hbm>>
      %dma_start3A_3363 = tpu.memref_slice %arg7[%multiple_of3A] : memref<33400xf32, #tpu.memory_space<hbm>> -> memref<664xf32, #tpu.memory_space<hbm>>
      %dma_start3A_3364 = arith.constant 0 : i32
      %dma_start3A_3365 = tpu.memref_slice %arg11[%dma_start3A_3364] : memref<1056xf32, #tpu.memory_space<vmem>> -> memref<664xf32, #tpu.memory_space<vmem>>
      tpu.enqueue_dma source(%dma_start3A_3365 : memref<664xf32, #tpu.memory_space<vmem>>) target(%dma_start3A_3363 : memref<664xf32, #tpu.memory_space<hbm>>) target_semaphore(%arg12 : memref<!tpu.dma_semaphore, #tpu.memory_space<semaphore_mem>>)
      %dma_wait3A_3366 = arith.constant 0 : i32
      %dma_wait3A_3367 = tpu.memref_slice %arg10[%dma_wait3A_3366] : memref<3168xf32, #tpu.memory_space<vmem>> -> memref<664xf32, #tpu.memory_space<vmem>>
      %dma_wait3A_3368 = tpu.memref_slice %arg4[%multiple_of3A] : memref<33400xf32, #tpu.memory_space<hbm>> -> memref<664xf32, #tpu.memory_space<hbm>>
      %dma_wait3A_3369 = tpu.memref_slice %arg4[%multiple_of3A] : memref<33400xf32, #tpu.memory_space<hbm>> -> memref<664xf32, #tpu.memory_space<hbm>>
      %dma_wait3A_3370 = arith.constant 0 : i32
      %dma_wait3A_3371 = tpu.memref_slice %arg10[%dma_wait3A_3370] : memref<3168xf32, #tpu.memory_space<vmem>> -> memref<664xf32, #tpu.memory_space<vmem>>
      tpu.wait_dma2 semaphore(%arg12 : memref<!tpu.dma_semaphore, #tpu.memory_space<semaphore_mem>>) src(%dma_wait3A_3371 : memref<664xf32, #tpu.memory_space<vmem>>) dst(%dma_wait3A_3369 : memref<664xf32, #tpu.memory_space<hbm>>)
      %dma_wait3A_3372 = arith.constant 1056 : i32
      %dma_wait3A_3373 = tpu.memref_slice %arg10[%dma_wait3A_3372] : memref<3168xf32, #tpu.memory_space<vmem>> -> memref<664xf32, #tpu.memory_space<vmem>>
      %dma_wait3A_3374 = tpu.memref_slice %arg5[%multiple_of3A] : memref<33400xf32, #tpu.memory_space<hbm>> -> memref<664xf32, #tpu.memory_space<hbm>>
      %dma_wait3A_3375 = tpu.memref_slice %arg5[%multiple_of3A] : memref<33400xf32, #tpu.memory_space<hbm>> -> memref<664xf32, #tpu.memory_space<hbm>>
      %dma_wait3A_3376 = arith.constant 1056 : i32
      %dma_wait3A_3377 = tpu.memref_slice %arg10[%dma_wait3A_3376] : memref<3168xf32, #tpu.memory_space<vmem>> -> memref<664xf32, #tpu.memory_space<vmem>>
      tpu.wait_dma2 semaphore(%arg12 : memref<!tpu.dma_semaphore, #tpu.memory_space<semaphore_mem>>) src(%dma_wait3A_3377 : memref<664xf32, #tpu.memory_space<vmem>>) dst(%dma_wait3A_3375 : memref<664xf32, #tpu.memory_space<hbm>>)
      %dma_wait3A_3378 = arith.constant 2112 : i32
      %dma_wait3A_3379 = tpu.memref_slice %arg10[%dma_wait3A_3378] : memref<3168xf32, #tpu.memory_space<vmem>> -> memref<664xf32, #tpu.memory_space<vmem>>
      %dma_wait3A_3380 = tpu.memref_slice %arg6[%multiple_of3A] : memref<33400xf32, #tpu.memory_space<hbm>> -> memref<664xf32, #tpu.memory_space<hbm>>
      %dma_wait3A_3381 = tpu.memref_slice %arg6[%multiple_of3A] : memref<33400xf32, #tpu.memory_space<hbm>> -> memref<664xf32, #tpu.memory_space<hbm>>
      %dma_wait3A_3382 = arith.constant 2112 : i32
      %dma_wait3A_3383 = tpu.memref_slice %arg10[%dma_wait3A_3382] : memref<3168xf32, #tpu.memory_space<vmem>> -> memref<664xf32, #tpu.memory_space<vmem>>
      tpu.wait_dma2 semaphore(%arg12 : memref<!tpu.dma_semaphore, #tpu.memory_space<semaphore_mem>>) src(%dma_wait3A_3383 : memref<664xf32, #tpu.memory_space<vmem>>) dst(%dma_wait3A_3381 : memref<664xf32, #tpu.memory_space<hbm>>)
      %dma_wait3A_3384 = arith.constant 0 : i32
      %dma_wait3A_3385 = tpu.memref_slice %arg11[%dma_wait3A_3384] : memref<1056xf32, #tpu.memory_space<vmem>> -> memref<664xf32, #tpu.memory_space<vmem>>
      %dma_wait3A_3386 = tpu.memref_slice %arg7[%multiple_of3A] : memref<33400xf32, #tpu.memory_space<hbm>> -> memref<664xf32, #tpu.memory_space<hbm>>
      %dma_wait3A_3387 = tpu.memref_slice %arg7[%multiple_of3A] : memref<33400xf32, #tpu.memory_space<hbm>> -> memref<664xf32, #tpu.memory_space<hbm>>
      %dma_wait3A_3388 = arith.constant 0 : i32
      %dma_wait3A_3389 = tpu.memref_slice %arg11[%dma_wait3A_3388] : memref<1056xf32, #tpu.memory_space<vmem>> -> memref<664xf32, #tpu.memory_space<vmem>>
      tpu.wait_dma2 semaphore(%arg12 : memref<!tpu.dma_semaphore, #tpu.memory_space<semaphore_mem>>) src(%dma_wait3A_3389 : memref<664xf32, #tpu.memory_space<vmem>>) dst(%dma_wait3A_3387 : memref<664xf32, #tpu.memory_space<hbm>>)
    } else {
    }
    return
  }
}

</mosaic_0001>

<sc_bundles>
// kernel: kernel.3.cloned.1.call-start
scs
__scs_entry_jumppad:
0x0: {  	(pc) =	sbr.rel $0x88, $3  }
0x1: {  	(tag) =	ssettag $0x0;
	lr =	simm.s32 $0x1  }
0x2: {  	[smem:$0x3FA0] =	sst lr;
	_ =	strace $0xD0000000  }
0x3: {  	_ = 	snop  }
0x4: {  	_ = 	snop  }
0x5: {  	_ = 	snop  }
0x6: {  	_ = 	snop  }
0x7: {  	_ = 	snop  }
__scs_overlays_trampoline_lowered:
0x8: {  	[smem:$0x3FAF] =	sst s0  }
0x9: {  	[smem:$0x3FB0] =	sst s1  }
0xa: {  	[smem:$0x3FB1] =	sst s2  }
0xb: {  	[smem:$0x3FB2] =	sst s3  }
0xc: {  	[smem:$0x3FB3] =	sst s4  }
0xd: {  	[smem:$0x3FB4] =	sst s5  }
0xe: {  	[smem:$0x3FB5] =	sst s6  }
0xf: {  	[smem:$0x3FB6] =	sst s7  }
0x10: {  	[smem:$0x3FB7] =	sst s8  }
0x11: {  	[smem:$0x3FB8] =	sst s9;
	s0 =	simm.s32 @!p0 $0x0  }
0x12: {  	s1 =	sld [smem:$0x3F9E];
	s0 =	simm.s32 @p0 $0x1  }
0x13: {  	[smem:$0x3FB9] =	sst s0;
	s0 =	simm.s32 @!p1 $0x0  }
0x14: {  	s2 =	sld [smem:$0x3F9D];
	s0 =	simm.s32 @p1 $0x1  }
0x15: {  	[smem:$0x3FBA] =	sst s0;
	s0 =	simm.s32 @!p2 $0x0  }
0x16: {  	s3 =	sld [smem:$0x3FDB];
	s0 =	simm.s32 @p2 $0x1  }
0x17: {  	s4 =	simm.s32 $0x1BF5;
	[smem:$0x3FBC] =	sst s0  }
0x18: {  	s0 =	sld [smem:$0x3F9F];
	_ =	swait.ge [sflag:s4], $0x0  }
0x19: {  	s7 =	sld [smem:$0x3FA0]  }
0x1a: {  	s8 =	sadd.s32 $0xFFFFE003, lr  }
0x1b: {  	s9 =	sadd.s32 $0xFFFFFEF7, lr;
	s5 =	simm.s32 $0xFFFFFFFF;
	p2 =	slt.u32 s8, $0xFFFFF086  }
0x1c: {  	p1 =	slt.u32 s9, $0xF7A;
	s5 =	simm.s32 @!p2 $0x0  }
0x1d: {  	s5 =	simm.s32 @p1 $0x1;
	p0 =	seq.s32 s7, s2  }
0x1e: {  	s7 =	smul.u32 @!p0 $0xF7A, s2;
	p2 =	seq.s32 @!p0 s5, $0x0  }
0x1f: {  	s9 =	smul.u32 $0xF7A, s1;
	s8 =	simm.s32 @!p0 $0x1BF5;
	p2 =	por !p2, p0  }
0x20: {  	[sflag:s8] =	ssyncset.s32 @!p0 $0xFFFFF086;
	s6 =	sadd.s32 @!p0 s3, s7;
	s7 =	simm.s32 @!p0 $0x108  }
0x21: {  	s3 =	sadd.s32 s3, s9;
	s6 =	sadd.s32 @!p0 $0x88, s6;
	s7 =	simm.s32 @p2 $0x1082  }
0x22: {  	[simem:s7], [sflag:s8] =	dma.local @!p0 [hbm:s6], $0xF7A  }
0x23: {  	s9 =	sor.u32 $0xD0000000, s2;
	s6 =	simm.s32 $0x108;
	_ =	swait.ge @!p0 [sflag:s8], $0x0  }
0x24: {  	s3 =	sadd.s32 $0x88, s3;
	s6 =	simm.s32 @!p1 $0x1082;
	[sflag:s4] =	ssyncset.s32 $0xFFFFF086  }
0x25: {  	[simem:s6], [sflag:s4] =	dma.local [hbm:s3], $0xF7A  }
0x26: {  	[smem:$0x3FA0] =	sst s1;
	(tag) =	ssettag s2;
	_ =	strace s9  }
0x27: {  	s1 =	sld [smem:$0x3FB0]  }
0x28: {  	s2 =	sld [smem:$0x3FB1]  }
0x29: {  	s4 =	sld [smem:$0x3FB3]  }
0x2a: {  	p0 =	seq.s32 s5, $0x0;
	s5 =	sld [smem:$0x3FB4]  }
0x2b: {  	s6 =	sld [smem:$0x3FB5]  }
0x2c: {  	s7 =	sld [smem:$0x3FB6]  }
0x2d: {  	s3 =	simm.s32 $0x108;
	s8 =	sld [smem:$0x3FB7]  }
0x2e: {  	s3 =	simm.s32 @!p0 $0x1082;
	s9 =	sld [smem:$0x3FB8]  }
0x2f: {  	lr =	sadd.s32 s0, s3;
	s0 =	sld [smem:$0x3FAF]  }
0x30: {  	s3 =	sld [smem:$0x3FB2]  }
0x31: {  	[smem:$0x3FBB] =	sst s10  }
0x32: {  	s10 =	sld [smem:$0x3FB9];
	_ =	sdelay $0x3  }
0x33: {  	p0 =	seq.s32 s10, $0x1;
	s10 =	sld [smem:$0x3FBB];
	_ =	sdelay $0x3  }
0x34: {  	[smem:$0x3FBB] =	sst s10  }
0x35: {  	s10 =	sld [smem:$0x3FBA];
	_ =	sdelay $0x3  }
0x36: {  	p1 =	seq.s32 s10, $0x1;
	s10 =	sld [smem:$0x3FBB];
	_ =	sdelay $0x3  }
0x37: {  	[smem:$0x3FBB] =	sst s10  }
0x38: {  	s10 =	sld [smem:$0x3FBC]  }
0x39: {  	_ = 	snop;
	(pc) =	sbr.ind lr, $3  }
0x3a: {  	_ = 	snop  }
0x3b: {  	_ = 	snop  }
0x3c: {  	p2 =	seq.s32 s10, $0x1;
	s10 =	sld [smem:$0x3FBB]  }
0x3d: {  	_ =	shalt  }
0x3e: {  	_ =	shalt  }
0x3f: {  	_ =	shalt  }
0x40: {  	_ =	shalt  }
0x41: {  	_ =	shalt  }
0x42: {  	_ =	shalt  }
0x43: {  	_ =	shalt  }
0x44: {  	_ =	shalt  }
0x45: {  	_ =	shalt  }
0x46: {  	_ =	shalt  }
0x47: {  	_ =	shalt  }
0x48: {  	_ =	shalt  }
0x49: {  	_ =	shalt  }
0x4a: {  	_ =	shalt  }
0x4b: {  	_ =	shalt  }
0x4c: {  	_ =	shalt  }
0x4d: {  	_ =	shalt  }
0x4e: {  	_ =	shalt  }
0x4f: {  	_ =	shalt  }
0x50: {  	_ =	shalt  }
0x51: {  	_ =	shalt  }
0x52: {  	_ =	shalt  }
0x53: {  	_ =	shalt  }
0x54: {  	_ =	shalt  }
0x55: {  	_ =	shalt  }
0x56: {  	_ =	shalt  }
0x57: {  	_ =	shalt  }
0x58: {  	_ =	shalt  }
0x59: {  	_ =	shalt  }
0x5a: {  	_ =	shalt  }
0x5b: {  	_ =	shalt  }
0x5c: {  	_ =	shalt  }
0x5d: {  	_ =	shalt  }
0x5e: {  	_ =	shalt  }
0x5f: {  	_ =	shalt  }
0x60: {  	_ =	shalt  }
0x61: {  	_ =	shalt  }
0x62: {  	_ =	shalt  }
0x63: {  	_ =	shalt  }
0x64: {  	_ =	shalt  }
0x65: {  	_ =	shalt  }
0x66: {  	_ =	shalt  }
0x67: {  	_ =	shalt  }
0x68: {  	_ =	shalt  }
0x69: {  	_ =	shalt  }
0x6a: {  	_ =	shalt  }
0x6b: {  	_ =	shalt  }
0x6c: {  	_ =	shalt  }
0x6d: {  	_ =	shalt  }
0x6e: {  	_ =	shalt  }
0x6f: {  	_ =	shalt  }
0x70: {  	_ =	shalt  }
0x71: {  	_ =	shalt  }
0x72: {  	_ =	shalt  }
0x73: {  	_ =	shalt  }
0x74: {  	_ =	shalt  }
0x75: {  	_ =	shalt  }
0x76: {  	_ =	shalt  }
0x77: {  	_ =	shalt  }
0x78: {  	_ =	shalt  }
0x79: {  	_ =	shalt  }
0x7a: {  	_ =	shalt  }
0x7b: {  	_ =	shalt  }
0x7c: {  	_ =	shalt  }
0x7d: {  	_ =	shalt  }
0x7e: {  	_ =	shalt  }
0x7f: {  	_ =	shalt  }
0x80: {  	_ =	shalt  }
0x81: {  	_ =	shalt  }
0x82: {  	_ =	shalt  }
0x83: {  	_ =	shalt  }
0x84: {  	_ =	shalt  }
0x85: {  	_ =	shalt  }
0x86: {  	_ =	shalt  }
0x87: {  	_ =	shalt  }
.Lfunc_end0:
.L_simem_size_0:
called_computation_lowered:
.L_overlay_start_0:
0x88: {  	s2 =	sld [smem:$0x3FD9]  }
0x89: {  	s3 =	sld [smem:$0x3FFE];
	_ =	sdelay $0x1  }
0x8a: {  	s1 =	srdreg.scid  }
0x8b: {  	s0 =	sand.u32 $0x1, s1  }
0x8c: {  	s14 =	sshll.u32 s0, $0xA;
	s2 =	sadd.s32 s3, s2  }
0x8d: {  	s2 =	sadd.s32 s2, s14  }
0x8e: {  	[smem:$0x3FC7] =	sst s2  }
0x8f: {  	_ = 	snop  }
0x90: {  	s2 =	sld [smem:$0x3FD0];
	_ =	sdelay $0x2  }
0x91: {  	s4 =	simm.s32 $0xA;
	s5 =	simm.s32 $0x10;
	s15 =	sld [smem:$0x3FC9]  }
0x92: {  	[smem:s5], [sflag:s4] =	dma.local [hbm:s2], $0x1  }
0x93: {  	_ =	swait.eq [sflag:s4], $0x1  }
0x94: {  	[sflag:s4] =	ssyncset.done $0x0  }
0x95: {  	s16 =	sld [smem:$0x10];
	[sflag:s4] =	ssyncadd.s32 $0xFFFFFFFF  }
0x96: {  	s17 =	sld [smem:$0x11];
	(tm) =	ssettm $0x1  }
0x97: {  	s18 =	sld [smem:$0x3FFB];
	_ =	sdelay $0x3  }
0x98: {  	_ =	strace s18  }
0x99: {  	s5 =	sld [smem:$0x3FFC];
	_ =	sdelay $0x3  }
0x9a: {  	_ =	strace s5  }
0x9b: {  	s5 =	sld [smem:$0x3FFD];
	_ =	sdelay $0x3  }
0x9c: {  	_ =	strace s5  }
0x9d: {  	_ =	strace $0x8FFFFFFF  }
0x9e: {  	s19 =	sld [smem:$0x3FDB];
	_ =	sdelay $0x1  }
0x9f: {  	s6 =	simm.s32 $_scs_section_size  }
0xa0: {  	s7 =	simm.s32 $_size__tile_overlayer_lowered;
	s8 =	simm.s32 $_tile_overlayer_lowered  }
0xa1: {  	s22 =	simm.s32 $0x1BFF;
	s21 =	sshll.u32 s8, $0x1;
	s5 =	sadd.s32 s6, s19  }
0xa2: {  	s9 =	simm.s32 $0x0;
	s20 =	sshll.u32 s7, $0x1;
	s7 =	sadd.s32 s21, s5  }
0xa3: {  	[timem:s9], [sflag:s22] =	dma.local [hbm:s7], s20  }
0xa4: {  	_ =	swait.ge [sflag:s22], s20  }
0xa5: {  	s6 =	ssub.s32 $0x0, s20;
	[sflag:s22] =	ssyncset.done $0x0  }
0xa6: {  	[sflag:s22] =	ssyncadd.s32 s6;
	_ =	sdelay $0x1  }
0xa7: {  	s23 =	simm.s32 $0x1B8B  }
0xa8: {  	_ =	swait.ge [sflag:s23], $0x1  }
0xa9: {  	[sflag:s23] =	ssyncset.done $0x0  }
0xaa: {  	s25 =	simm.s32 $0x1B8E;
	s24 =	sld [smem:$0x3FFE];
	[sflag:s23] =	ssyncadd.s32 $0xFFFFFFFF  }
0xab: {  	s26 =	simm.s32 $execute0_lowered;
	[smem:$0x3FD2] =	sst s25  }
0xac: {  	s7 =	sshll.u32 s26, $0x1;
	_ =	strace $0x80000046;
	[dreg:$0x1] =	wrdreg $0xFFFFFFFF  }
0xad: {  	s28 =	simm.s32 $_size_execute0_lowered;
	s5 =	sadd.s32 s5, s7;
	[dreg:$0x0] =	wrdreg $0x0  }
0xae: {  	s7 =	sshll.u32 s28, $0x1;
	[dreg:$0x2] =	wrdreg s5  }
0xaf: {  	[dreg:$0x3] =	wrdreg s7  }
0xb0: {  	[dreg:$0x4] =	wrdreg $0xC0  }
0xb1: {  	_ =	task [dreg:s9], $0x5FFFF  }
0xb2: {  	[dreg:$0x1] =	wrdreg $0xFFFFFFFF  }
0xb3: {  	[dreg:$0x0] =	wrdreg $0x60  }
0xb4: {  	[dreg:$0x2] =	wrdreg s16  }
0xb5: {  	[dreg:$0x3] =	wrdreg s15  }
0xb6: {  	[dreg:$0x4] =	wrdreg s24  }
0xb7: {  	[dreg:$0x5] =	wrdreg s17  }
0xb8: {  	[dreg:$0x6] =	wrdreg $0x9  }
0xb9: {  	_ =	task.clear_ibuf [dreg:s9], $0x7FFFF;
	_ =	strace $0x90000046  }
0xba: {  	s29 =	simm.s32 $0x9;
	_ =	strace $0x80000048  }
0xbb: {  	_ =	swait.ge [sflag:s29], $0x1  }
0xbc: {  	[sflag:s29] =	ssyncadd.s32 $0xFFFFFFFF  }
0xbd: {  	_ =	strace $0x90000048  }
0xbe: {  	_ =	sfence  }
0xbf: {  	s30 =	sld [smem:$0x0];
	_ =	sdelay $0x2  }
0xc0: {  	s31 =	sshll.u32 s1, $0xD;
	s1 =	sshrl.u32 s1, $0x2  }
0xc1: {  	s3 =	sand.u32 $0x4000, s31;
	s1 =	sadd.s32 s1, s30  }
0xc2: {  	s0 =	sor.u32 s3, s0;
	s1 =	sshll.u32 s1, $0x11  }
0xc3: {  	s0 =	sor.u32 s1, s0  }
0xc4: {  	s0 =	sadd.s32 $0x8F2B, s0  }
0xc5: {  	[sflag:s0] =	ssyncadd.remote.s32 $0x1  }
0xc6: {  	_ =	sfence.sel $0xFFFF  }
0xc7: {  	[dreg:$0x0] =	wrdreg $0xFFFFFFFF;
	(pc) =	sbr.abs _section_cstart, $3  }
0xc8: {  	[dreg:$0x1] =	wrdreg $0xFFFFFFFF  }
0xc9: {  	_ =	task.clear_ibuf [dreg:s9], $0x2FFFF;
	_ =	strace $0x9FFFFFFF  }
0xca: {  	(tm) =	ssettm $0x7FFFFFFF  }
0xcb: {  	_ =	shalt  }
tec
execute0_lowered:
.L_overlay_start_1:
0x0: {  	(tag) =	ssettag $0x1  }
0x1: {  	s4 =	rddreg [dreg:$0x0]  }
0x2: {  	s1 =	rddreg [dreg:$0x1];
	s2 =	srdreg.scid  }
0x3: {  	s0 =	stileid.u32;
	s10 =	rddreg [dreg:$0x2]  }
0x4: {  	s12 =	rddreg [dreg:$0x3];
	s3 =	simm.s32 $0x0;
	s15 =	simm.s32 $0x1  }
0x5: {  	s5 =	sand.u32 $0x1, s2;
	s31 =	sshll.u32 s0, $0x1;
	s2 =	rddreg [dreg:$0x4]  }
0x6: {  	[smem:$0x7FF] =	sst s3;
	s8 =	sadd.s32 $0x2DFC, s10;
	s14 =	sor.u32 s5, s31  }
0x7: {  	s5 =	ssub.s32 $0x2, s5;
	_ =	strace $0x80000047;
	s11 =	smul.u32 $0x84, s14  }
0x8: {  	s6 =	smul.u32 $0x18C, s14;
	s7 =	sshrl.u32 s5, $0x1;
	p0 =	seq.s32 s14, $0x1F  }
0x9: {  	s14 =	simm.s32 $0xC80;
	s13 =	ssub.s32 s5, s7;
	s9 =	sadd.s32 s11, s10  }
0xa: {  	s4 =	sadd.s32 s4, s6;
	s6 =	sadd.s32 $0x1BFC, s10;
	s10 =	sadd.s32 $0x3FFC, s10  }
0xb: {  	s11 =	sadd.s32 s12, s11;
	s12 =	sadd.s32 $0xFFC, s12;
	s13 =	smax.u32 s13, $0x1  }
0xc: {  	s5 =	sadd.s32 $0xC00, s9;
	s7 =	sadd.s32 $0x1E00, s9;
	s9 =	sadd.s32 $0x3000, s9  }
.LBB2_1:
0xd: {  	[tilespmem:s3], [sflag:$0x1] =	stream.linear.gather [hbm4b:s4+s3], $0xC60, $0x38;
	[tilespmem:$0x1E00] =	vst v63  }
0xe: {  	_ = 	snop  }
0xf: {  	[tilespmem:s14], [sflag:$0x1] =	stream.linear.gather [hbm4b:s1+s3], $0x3, $0x38;
	[tilespmem:$0x1E00] =	vst v63  }
0x10: {  	_ =	swait.ge [sflag:s15], $0x3  }
0x11: {  	[sflag:s15] =	ssyncset.done $0x0  }
0x12: {  	[sflag:s15] =	ssyncadd.s32 $0xFFFFFFFD  }
0x13: {  	_ =	swait.ge [sflag:s15], $0xC60  }
0x14: {  	[sflag:s15] =	ssyncset.done $0x0  }
0x15: {  	[sflag:s15] =	ssyncadd.s32 $0xFFFFF3A0  }
0x16: {  	v0 =	vld [tilespmem:$0xC80];
	_ =	sdelay $0x4  }
0x17: {  	v1 =	vbroadcast v0, $0x0;
	_ =	sdelay $0x1  }
0x18: {  	(erf) = vrcp.f32 v1;
	_ =	sdelay $0x6  }
0x19: {  	v2 =	vld [tilespmem:$0x0]  }
0x1a: {  	v3 =	vld [tilespmem:$0x10]  }
0x1b: {  	v4 =	vld [tilespmem:$0x20];
	v1 =	vpop (erf)  }
0x1c: {  	v5 =	vld [tilespmem:$0x30];
	v1 =	vmul.f32 $6.283185480e+00, v1  }
0x1d: {  	v6 =	vld [tilespmem:$0x40]  }
0x1e: {  	v7 =	vld [tilespmem:$0x50];
	v2 =	vmul.f32 v1, v2  }
0x1f: {  	v8 =	vld [tilespmem:$0x60];
	v3 =	vmul.f32 v1, v3  }
0x20: {  	v53 =	vld [tilespmem:$0x70];
	v52 =	vmul.f32 v4, v1;
	[tilespmem:$0xD00] =	vst v2  }
0x21: {  	v55 =	vld [tilespmem:$0x80];
	v54 =	vmul.f32 v5, v1;
	[tilespmem:$0xD10] =	vst v3  }
0x22: {  	v57 =	vld [tilespmem:$0x90];
	v56 =	vmul.f32 v6, v1;
	[tilespmem:$0xD20] =	vst v52  }
0x23: {  	v59 =	vld [tilespmem:$0xA0];
	v58 =	vmul.f32 v7, v1;
	[tilespmem:$0xD30] =	vst v54  }
0x24: {  	v61 =	vld [tilespmem:$0xB0];
	v60 =	vmul.f32 v8, v1;
	[tilespmem:$0xD40] =	vst v56  }
0x25: {  	v63 =	vld [tilespmem:$0xC0];
	v62 =	vmul.f32 v53, v1;
	[tilespmem:$0xD50] =	vst v58  }
0x26: {  	v13 =	vld [tilespmem:$0xD0];
	v12 =	vmul.f32 v55, v1;
	[tilespmem:$0xD60] =	vst v60  }
0x27: {  	v15 =	vld [tilespmem:$0xE0];
	v14 =	vmul.f32 v57, v1;
	[tilespmem:$0xD70] =	vst v62  }
0x28: {  	v17 =	vld [tilespmem:$0xF0];
	v16 =	vmul.f32 v59, v1;
	[tilespmem:$0xD80] =	vst v12  }
0x29: {  	v19 =	vld [tilespmem:$0x100];
	v18 =	vmul.f32 v61, v1;
	[tilespmem:$0xD90] =	vst v14  }
0x2a: {  	v21 =	vld [tilespmem:$0x110];
	v20 =	vmul.f32 v63, v1;
	[tilespmem:$0xDA0] =	vst v16  }
0x2b: {  	v23 =	vld [tilespmem:$0x120];
	v22 =	vmul.f32 v13, v1;
	[tilespmem:$0xDB0] =	vst v18  }
0x2c: {  	v25 =	vld [tilespmem:$0x130];
	v24 =	vmul.f32 v15, v1;
	[tilespmem:$0xDC0] =	vst v20  }
0x2d: {  	v27 =	vld [tilespmem:$0x140];
	v26 =	vmul.f32 v17, v1;
	[tilespmem:$0xDD0] =	vst v22  }
0x2e: {  	v29 =	vld [tilespmem:$0x150];
	v28 =	vmul.f32 v19, v1;
	[tilespmem:$0xDE0] =	vst v24  }
0x2f: {  	v31 =	vld [tilespmem:$0x160];
	v30 =	vmul.f32 v21, v1;
	[tilespmem:$0xDF0] =	vst v26  }
0x30: {  	v33 =	vld [tilespmem:$0x170];
	v32 =	vmul.f32 v23, v1;
	[tilespmem:$0xE00] =	vst v28  }
0x31: {  	v35 =	vld [tilespmem:$0x180];
	v34 =	vmul.f32 v25, v1;
	[tilespmem:$0xE10] =	vst v30  }
0x32: {  	v37 =	vld [tilespmem:$0x190];
	v36 =	vmul.f32 v27, v1;
	[tilespmem:$0xE20] =	vst v32  }
0x33: {  	v39 =	vld [tilespmem:$0x1A0];
	v38 =	vmul.f32 v29, v1;
	[tilespmem:$0xE30] =	vst v34  }
0x34: {  	v41 =	vld [tilespmem:$0x1B0];
	v40 =	vmul.f32 v31, v1;
	[tilespmem:$0xE40] =	vst v36  }
0x35: {  	v43 =	vld [tilespmem:$0x1C0];
	v42 =	vmul.f32 v33, v1;
	[tilespmem:$0xE50] =	vst v38  }
0x36: {  	v45 =	vld [tilespmem:$0x1D0];
	v44 =	vmul.f32 v35, v1;
	[tilespmem:$0xE60] =	vst v40  }
0x37: {  	v47 =	vld [tilespmem:$0x1E0];
	v46 =	vmul.f32 v37, v1;
	[tilespmem:$0xE70] =	vst v42  }
0x38: {  	v49 =	vld [tilespmem:$0x1F0];
	v48 =	vmul.f32 v39, v1;
	[tilespmem:$0xE80] =	vst v44  }
0x39: {  	v51 =	vld [tilespmem:$0x200];
	v50 =	vmul.f32 v41, v1;
	[tilespmem:$0xE90] =	vst v46  }
0x3a: {  	v53 =	vld [tilespmem:$0x210];
	[tilespmem:$0xEA0] =	vst v48;
	v52 =	vmul.f32 v43, v1  }
0x3b: {  	v55 =	vld [tilespmem:$0x220];
	[tilespmem:$0xEB0] =	vst v50;
	v54 =	vmul.f32 v45, v1  }
0x3c: {  	v57 =	vld [tilespmem:$0x230];
	v56 =	vmul.f32 v47, v1;
	[tilespmem:$0xEC0] =	vst v52  }
0x3d: {  	v59 =	vld [tilespmem:$0x240];
	v58 =	vmul.f32 v49, v1;
	[tilespmem:$0xED0] =	vst v54  }
0x3e: {  	v61 =	vld [tilespmem:$0x250];
	v60 =	vmul.f32 v51, v1;
	[tilespmem:$0xEE0] =	vst v56  }
0x3f: {  	v63 =	vld [tilespmem:$0x260];
	[tilespmem:$0xEF0] =	vst v58;
	v62 =	vmul.f32 v53, v1  }
0x40: {  	v12 =	vld [tilespmem:$0x270];
	[tilespmem:$0xF00] =	vst v60;
	v11 =	vmul.f32 v55, v1  }
0x41: {  	v14 =	vld [tilespmem:$0x280];
	v13 =	vmul.f32 v57, v1;
	[tilespmem:$0xF10] =	vst v62  }
0x42: {  	v16 =	vld [tilespmem:$0x290];
	v15 =	vmul.f32 v59, v1;
	[tilespmem:$0xF20] =	vst v11  }
0x43: {  	v18 =	vld [tilespmem:$0x2A0];
	v17 =	vmul.f32 v61, v1;
	[tilespmem:$0xF30] =	vst v13  }
0x44: {  	v20 =	vld [tilespmem:$0x2B0];
	v19 =	vmul.f32 v63, v1;
	[tilespmem:$0xF40] =	vst v15  }
0x45: {  	v22 =	vld [tilespmem:$0x2C0];
	[tilespmem:$0xF50] =	vst v17;
	v21 =	vmul.f32 v12, v1  }
0x46: {  	v24 =	vld [tilespmem:$0x2D0];
	[tilespmem:$0xF60] =	vst v19;
	v23 =	vmul.f32 v14, v1  }
0x47: {  	v26 =	vld [tilespmem:$0x2E0];
	v25 =	vmul.f32 v16, v1;
	[tilespmem:$0xF70] =	vst v21  }
0x48: {  	v28 =	vld [tilespmem:$0x2F0];
	v27 =	vmul.f32 v18, v1;
	[tilespmem:$0xF80] =	vst v23  }
0x49: {  	v30 =	vld [tilespmem:$0x300];
	v29 =	vmul.f32 v20, v1;
	[tilespmem:$0xF90] =	vst v25  }
0x4a: {  	v32 =	vld [tilespmem:$0x310];
	v31 =	vmul.f32 v22, v1;
	[tilespmem:$0xFA0] =	vst v27  }
0x4b: {  	v34 =	vld [tilespmem:$0x320];
	v33 =	vmul.f32 v24, v1;
	[tilespmem:$0xFB0] =	vst v29  }
0x4c: {  	v36 =	vld [tilespmem:$0x330];
	v35 =	vmul.f32 v26, v1;
	[tilespmem:$0xFC0] =	vst v31  }
0x4d: {  	v38 =	vld [tilespmem:$0x340];
	v37 =	vmul.f32 v28, v1;
	[tilespmem:$0xFD0] =	vst v33  }
0x4e: {  	v40 =	vld [tilespmem:$0x350];
	v39 =	vmul.f32 v30, v1;
	[tilespmem:$0xFE0] =	vst v35  }
0x4f: {  	v42 =	vld [tilespmem:$0x360];
	v41 =	vmul.f32 v32, v1;
	[tilespmem:$0xFF0] =	vst v37  }
0x50: {  	v44 =	vld [tilespmem:$0x370];
	v43 =	vmul.f32 v34, v1;
	[tilespmem:$0x1000] =	vst v39  }
0x51: {  	v46 =	vld [tilespmem:$0x380];
	v45 =	vmul.f32 v36, v1;
	[tilespmem:$0x1010] =	vst v41  }
0x52: {  	v48 =	vld [tilespmem:$0x390];
	v47 =	vmul.f32 v38, v1;
	[tilespmem:$0x1020] =	vst v43  }
0x53: {  	v50 =	vld [tilespmem:$0x3A0];
	v49 =	vmul.f32 v40, v1;
	[tilespmem:$0x1030] =	vst v45  }
0x54: {  	v52 =	vld [tilespmem:$0x3B0];
	v51 =	vmul.f32 v42, v1;
	[tilespmem:$0x1040] =	vst v47  }
0x55: {  	v54 =	vld [tilespmem:$0x3C0];
	v53 =	vmul.f32 v44, v1;
	[tilespmem:$0x1050] =	vst v49  }
0x56: {  	v56 =	vld [tilespmem:$0x3D0];
	v55 =	vmul.f32 v46, v1;
	[tilespmem:$0x1060] =	vst v51  }
0x57: {  	v58 =	vld [tilespmem:$0x3E0];
	v57 =	vmul.f32 v48, v1;
	[tilespmem:$0x1070] =	vst v53  }
0x58: {  	v60 =	vld [tilespmem:$0x3F0];
	v59 =	vmul.f32 v50, v1;
	[tilespmem:$0x1080] =	vst v55  }
0x59: {  	v62 =	vld [tilespmem:$0x400];
	[tilespmem:$0x1090] =	vst v57;
	v61 =	vmul.f32 v52, v1  }
0x5a: {  	v12 =	vld [tilespmem:$0x410];
	[tilespmem:$0x10A0] =	vst v59;
	v63 =	vmul.f32 v54, v1  }
0x5b: {  	v13 =	vmul.f32 v56, v1;
	[tilespmem:$0x10B0] =	vst v61  }
0x5c: {  	v14 =	vbroadcast v0, $0x1;
	v15 =	vmul.f32 v58, v1;
	[tilespmem:$0x10C0] =	vst v63  }
0x5d: {  	v16 =	vmul.f32 v60, v1;
	[tilespmem:$0x10D0] =	vst v13  }
0x5e: {  	(erf) = vrcp.f32 v14;
	[tilespmem:$0x10E0] =	vst v15;
	v17 =	vmul.f32 v62, v1  }
0x5f: {  	[tilespmem:$0x10F0] =	vst v16;
	v1 =	vmul.f32 v12, v1  }
0x60: {  	[tilespmem:$0x1100] =	vst v17  }
0x61: {  	s17 =	simm.s32 @p0 $0x0;
	s16 =	simm.s32 @p0 $0xD00;
	[tilespmem:$0x1110] =	vst v1  }
0x62: {  	[hbm4b:s6+s17] =	stream.linear.scatter @p0 [tilespmem:s16], [sflag:$0x1], $0x298, $0x38;
	[tilespmem:$0x1E00] =	vst v63  }
0x63: {  	s18 =	simm.s32 @!p0 $0xD00;
	s16 =	simm.s32 @!p0 $0x0  }
0x64: {  	[hbm4b:s5+s16] =	stream.linear.scatter @!p0 [tilespmem:s18], [sflag:$0x1], $0x420, $0x38;
	[tilespmem:$0x1E00] =	vst v63  }
0x65: {  	v18 =	vld [tilespmem:$0x420]  }
0x66: {  	v19 =	vld [tilespmem:$0x430]  }
0x67: {  	v20 =	vpop (erf);
	v21 =	vld [tilespmem:$0x440]  }
0x68: {  	v22 =	vld [tilespmem:$0x450];
	v1 =	vmul.f32 $6.283185480e+00, v20  }
0x69: {  	v23 =	vld [tilespmem:$0x460]  }
0x6a: {  	v24 =	vld [tilespmem:$0x470];
	v2 =	vmul.f32 v18, v1  }
0x6b: {  	v25 =	vld [tilespmem:$0x480];
	v3 =	vmul.f32 v19, v1  }
0x6c: {  	v27 =	vld [tilespmem:$0x490];
	v26 =	vmul.f32 v21, v1;
	[tilespmem:$0x1120] =	vst v2  }
0x6d: {  	v29 =	vld [tilespmem:$0x4A0];
	v28 =	vmul.f32 v22, v1;
	[tilespmem:$0x1130] =	vst v3  }
0x6e: {  	v31 =	vld [tilespmem:$0x4B0];
	v30 =	vmul.f32 v23, v1;
	[tilespmem:$0x1140] =	vst v26  }
0x6f: {  	v33 =	vld [tilespmem:$0x4C0];
	v32 =	vmul.f32 v24, v1;
	[tilespmem:$0x1150] =	vst v28  }
0x70: {  	v35 =	vld [tilespmem:$0x4D0];
	v34 =	vmul.f32 v25, v1;
	[tilespmem:$0x1160] =	vst v30  }
0x71: {  	v37 =	vld [tilespmem:$0x4E0];
	v36 =	vmul.f32 v27, v1;
	[tilespmem:$0x1170] =	vst v32  }
0x72: {  	v39 =	vld [tilespmem:$0x4F0];
	v38 =	vmul.f32 v29, v1;
	[tilespmem:$0x1180] =	vst v34  }
0x73: {  	v41 =	vld [tilespmem:$0x500];
	v40 =	vmul.f32 v31, v1;
	[tilespmem:$0x1190] =	vst v36  }
0x74: {  	v43 =	vld [tilespmem:$0x510];
	v42 =	vmul.f32 v33, v1;
	[tilespmem:$0x11A0] =	vst v38  }
0x75: {  	v45 =	vld [tilespmem:$0x520];
	v44 =	vmul.f32 v35, v1;
	[tilespmem:$0x11B0] =	vst v40  }
0x76: {  	v47 =	vld [tilespmem:$0x530];
	v46 =	vmul.f32 v37, v1;
	[tilespmem:$0x11C0] =	vst v42  }
0x77: {  	v49 =	vld [tilespmem:$0x540];
	v48 =	vmul.f32 v39, v1;
	[tilespmem:$0x11D0] =	vst v44  }
0x78: {  	v51 =	vld [tilespmem:$0x550];
	v50 =	vmul.f32 v41, v1;
	[tilespmem:$0x11E0] =	vst v46  }
0x79: {  	v53 =	vld [tilespmem:$0x560];
	v52 =	vmul.f32 v43, v1;
	[tilespmem:$0x11F0] =	vst v48  }
0x7a: {  	v55 =	vld [tilespmem:$0x570];
	v54 =	vmul.f32 v45, v1;
	[tilespmem:$0x1200] =	vst v50  }
0x7b: {  	v57 =	vld [tilespmem:$0x580];
	v56 =	vmul.f32 v47, v1;
	[tilespmem:$0x1210] =	vst v52  }
0x7c: {  	v59 =	vld [tilespmem:$0x590];
	v58 =	vmul.f32 v49, v1;
	[tilespmem:$0x1220] =	vst v54  }
0x7d: {  	v61 =	vld [tilespmem:$0x5A0];
	v60 =	vmul.f32 v51, v1;
	[tilespmem:$0x1230] =	vst v56  }
0x7e: {  	v63 =	vld [tilespmem:$0x5B0];
	v62 =	vmul.f32 v53, v1;
	[tilespmem:$0x1240] =	vst v58  }
0x7f: {  	v13 =	vld [tilespmem:$0x5C0];
	v12 =	vmul.f32 v55, v1;
	[tilespmem:$0x1250] =	vst v60  }
0x80: {  	v15 =	vld [tilespmem:$0x5D0];
	v14 =	vmul.f32 v57, v1;
	[tilespmem:$0x1260] =	vst v62  }
0x81: {  	v17 =	vld [tilespmem:$0x5E0];
	v16 =	vmul.f32 v59, v1;
	[tilespmem:$0x1270] =	vst v12  }
0x82: {  	v18 =	vmul.f32 v61, v1;
	v19 =	vld [tilespmem:$0x5F0];
	[tilespmem:$0x1280] =	vst v14  }
0x83: {  	v20 =	vmul.f32 v63, v1;
	v21 =	vld [tilespmem:$0x600];
	[tilespmem:$0x1290] =	vst v16  }
0x84: {  	v22 =	vmul.f32 v13, v1;
	v23 =	vld [tilespmem:$0x610];
	[tilespmem:$0x12A0] =	vst v18  }
0x85: {  	v24 =	vmul.f32 v15, v1;
	v25 =	vld [tilespmem:$0x620];
	[tilespmem:$0x12B0] =	vst v20  }
0x86: {  	v27 =	vld [tilespmem:$0x630];
	[tilespmem:$0x12C0] =	vst v22;
	v26 =	vmul.f32 v17, v1  }
0x87: {  	v29 =	vld [tilespmem:$0x640];
	[tilespmem:$0x12D0] =	vst v24;
	v28 =	vmul.f32 v19, v1  }
0x88: {  	v31 =	vld [tilespmem:$0x650];
	[tilespmem:$0x12E0] =	vst v26;
	v30 =	vmul.f32 v21, v1  }
0x89: {  	v33 =	vld [tilespmem:$0x660];
	v32 =	vmul.f32 v23, v1;
	[tilespmem:$0x12F0] =	vst v28  }
0x8a: {  	v35 =	vld [tilespmem:$0x670];
	v34 =	vmul.f32 v25, v1;
	[tilespmem:$0x1300] =	vst v30  }
0x8b: {  	v37 =	vld [tilespmem:$0x680];
	v36 =	vmul.f32 v27, v1;
	[tilespmem:$0x1310] =	vst v32  }
0x8c: {  	v39 =	vld [tilespmem:$0x690];
	v38 =	vmul.f32 v29, v1;
	[tilespmem:$0x1320] =	vst v34  }
0x8d: {  	v41 =	vld [tilespmem:$0x6A0];
	v40 =	vmul.f32 v31, v1;
	[tilespmem:$0x1330] =	vst v36  }
0x8e: {  	v43 =	vld [tilespmem:$0x6B0];
	v42 =	vmul.f32 v33, v1;
	[tilespmem:$0x1340] =	vst v38  }
0x8f: {  	v45 =	vld [tilespmem:$0x6C0];
	v44 =	vmul.f32 v35, v1;
	[tilespmem:$0x1350] =	vst v40  }
0x90: {  	v47 =	vld [tilespmem:$0x6D0];
	v46 =	vmul.f32 v37, v1;
	[tilespmem:$0x1360] =	vst v42  }
0x91: {  	v49 =	vld [tilespmem:$0x6E0];
	v48 =	vmul.f32 v39, v1;
	[tilespmem:$0x1370] =	vst v44  }
0x92: {  	v51 =	vld [tilespmem:$0x6F0];
	v50 =	vmul.f32 v41, v1;
	[tilespmem:$0x1380] =	vst v46  }
0x93: {  	v53 =	vld [tilespmem:$0x700];
	v52 =	vmul.f32 v43, v1;
	[tilespmem:$0x1390] =	vst v48  }
0x94: {  	v55 =	vld [tilespmem:$0x710];
	v54 =	vmul.f32 v45, v1;
	[tilespmem:$0x13A0] =	vst v50  }
0x95: {  	v57 =	vld [tilespmem:$0x720];
	v56 =	vmul.f32 v47, v1;
	[tilespmem:$0x13B0] =	vst v52  }
0x96: {  	v59 =	vld [tilespmem:$0x730];
	v58 =	vmul.f32 v49, v1;
	[tilespmem:$0x13C0] =	vst v54  }
0x97: {  	v61 =	vld [tilespmem:$0x740];
	v60 =	vmul.f32 v51, v1;
	[tilespmem:$0x13D0] =	vst v56  }
0x98: {  	v63 =	vld [tilespmem:$0x750];
	v62 =	vmul.f32 v53, v1;
	[tilespmem:$0x13E0] =	vst v58  }
0x99: {  	v13 =	vld [tilespmem:$0x760];
	v12 =	vmul.f32 v55, v1;
	[tilespmem:$0x13F0] =	vst v60  }
0x9a: {  	v15 =	vld [tilespmem:$0x770];
	v14 =	vmul.f32 v57, v1;
	[tilespmem:$0x1400] =	vst v62  }
0x9b: {  	v17 =	vld [tilespmem:$0x780];
	v16 =	vmul.f32 v59, v1;
	[tilespmem:$0x1410] =	vst v12  }
0x9c: {  	v18 =	vmul.f32 v61, v1;
	v19 =	vld [tilespmem:$0x790];
	[tilespmem:$0x1420] =	vst v14  }
0x9d: {  	v20 =	vmul.f32 v63, v1;
	v21 =	vld [tilespmem:$0x7A0];
	[tilespmem:$0x1430] =	vst v16  }
0x9e: {  	v22 =	vmul.f32 v13, v1;
	v23 =	vld [tilespmem:$0x7B0];
	[tilespmem:$0x1440] =	vst v18  }
0x9f: {  	v24 =	vmul.f32 v15, v1;
	v25 =	vld [tilespmem:$0x7C0];
	[tilespmem:$0x1450] =	vst v20  }
0xa0: {  	v27 =	vld [tilespmem:$0x7D0];
	[tilespmem:$0x1460] =	vst v22;
	v26 =	vmul.f32 v17, v1  }
0xa1: {  	v29 =	vld [tilespmem:$0x7E0];
	[tilespmem:$0x1470] =	vst v24;
	v28 =	vmul.f32 v19, v1  }
0xa2: {  	v31 =	vld [tilespmem:$0x7F0];
	[tilespmem:$0x1480] =	vst v26;
	v30 =	vmul.f32 v21, v1  }
0xa3: {  	v33 =	vld [tilespmem:$0x800];
	v32 =	vmul.f32 v23, v1;
	[tilespmem:$0x1490] =	vst v28  }
0xa4: {  	v35 =	vld [tilespmem:$0x810];
	v34 =	vmul.f32 v25, v1;
	[tilespmem:$0x14A0] =	vst v30  }
0xa5: {  	v37 =	vld [tilespmem:$0x820];
	v36 =	vmul.f32 v27, v1;
	[tilespmem:$0x14B0] =	vst v32  }
0xa6: {  	v39 =	vld [tilespmem:$0x830];
	v38 =	vmul.f32 v29, v1;
	[tilespmem:$0x14C0] =	vst v34  }
0xa7: {  	v40 =	vmul.f32 v31, v1;
	[tilespmem:$0x14D0] =	vst v36  }
0xa8: {  	v0 =	vbroadcast v0, $0x2;
	v41 =	vmul.f32 v33, v1;
	[tilespmem:$0x14E0] =	vst v38  }
0xa9: {  	v42 =	vmul.f32 v35, v1;
	[tilespmem:$0x14F0] =	vst v40  }
0xaa: {  	(erf) = vrcp.f32 v0;
	v43 =	vmul.f32 v37, v1;
	[tilespmem:$0x1500] =	vst v41  }
0xab: {  	v1 =	vmul.f32 v39, v1;
	[tilespmem:$0x1510] =	vst v42  }
0xac: {  	[tilespmem:$0x1520] =	vst v43  }
0xad: {  	s18 =	simm.s32 @p0 $0x1120;
	[tilespmem:$0x1530] =	vst v1  }
0xae: {  	[hbm4b:s8+s17] =	stream.linear.scatter @p0 [tilespmem:s18], [sflag:$0x1], $0x298, $0x38;
	[tilespmem:$0x1E00] =	vst v63  }
0xaf: {  	s18 =	simm.s32 @!p0 $0x1120  }
0xb0: {  	[hbm4b:s7+s16] =	stream.linear.scatter @!p0 [tilespmem:s18], [sflag:$0x1], $0x420, $0x38;
	[tilespmem:$0x1E00] =	vst v63  }
0xb1: {  	v44 =	vld [tilespmem:$0x840]  }
0xb2: {  	v45 =	vld [tilespmem:$0x850]  }
0xb3: {  	v46 =	vpop (erf);
	v47 =	vld [tilespmem:$0x860]  }
0xb4: {  	v0 =	vmul.f32 $6.283185480e+00, v46;
	v48 =	vld [tilespmem:$0x870]  }
0xb5: {  	v49 =	vld [tilespmem:$0x880]  }
0xb6: {  	v50 =	vld [tilespmem:$0x890];
	v1 =	vmul.f32 v44, v0  }
0xb7: {  	v51 =	vld [tilespmem:$0x8A0];
	v2 =	vmul.f32 v45, v0  }
0xb8: {  	v53 =	vld [tilespmem:$0x8B0];
	v52 =	vmul.f32 v47, v0;
	[tilespmem:$0x1540] =	vst v1  }
0xb9: {  	v55 =	vld [tilespmem:$0x8C0];
	v54 =	vmul.f32 v48, v0;
	[tilespmem:$0x1550] =	vst v2  }
0xba: {  	v57 =	vld [tilespmem:$0x8D0];
	v56 =	vmul.f32 v49, v0;
	[tilespmem:$0x1560] =	vst v52  }
0xbb: {  	v59 =	vld [tilespmem:$0x8E0];
	v58 =	vmul.f32 v50, v0;
	[tilespmem:$0x1570] =	vst v54  }
0xbc: {  	v61 =	vld [tilespmem:$0x8F0];
	v60 =	vmul.f32 v51, v0;
	[tilespmem:$0x1580] =	vst v56  }
0xbd: {  	v63 =	vld [tilespmem:$0x900];
	v62 =	vmul.f32 v53, v0;
	[tilespmem:$0x1590] =	vst v58  }
0xbe: {  	v9 =	vld [tilespmem:$0x910];
	v8 =	vmul.f32 v55, v0;
	[tilespmem:$0x15A0] =	vst v60  }
0xbf: {  	v11 =	vld [tilespmem:$0x920];
	v10 =	vmul.f32 v57, v0;
	[tilespmem:$0x15B0] =	vst v62  }
0xc0: {  	v13 =	vld [tilespmem:$0x930];
	v12 =	vmul.f32 v59, v0;
	[tilespmem:$0x15C0] =	vst v8  }
0xc1: {  	v15 =	vld [tilespmem:$0x940];
	v14 =	vmul.f32 v61, v0;
	[tilespmem:$0x15D0] =	vst v10  }
0xc2: {  	v17 =	vld [tilespmem:$0x950];
	v16 =	vmul.f32 v63, v0;
	[tilespmem:$0x15E0] =	vst v12  }
0xc3: {  	v19 =	vld [tilespmem:$0x960];
	v18 =	vmul.f32 v9, v0;
	[tilespmem:$0x15F0] =	vst v14  }
0xc4: {  	v21 =	vld [tilespmem:$0x970];
	v20 =	vmul.f32 v11, v0;
	[tilespmem:$0x1600] =	vst v16  }
0xc5: {  	v23 =	vld [tilespmem:$0x980];
	v22 =	vmul.f32 v13, v0;
	[tilespmem:$0x1610] =	vst v18  }
0xc6: {  	v25 =	vld [tilespmem:$0x990];
	v24 =	vmul.f32 v15, v0;
	[tilespmem:$0x1620] =	vst v20  }
0xc7: {  	v27 =	vld [tilespmem:$0x9A0];
	v26 =	vmul.f32 v17, v0;
	[tilespmem:$0x1630] =	vst v22  }
0xc8: {  	v29 =	vld [tilespmem:$0x9B0];
	v28 =	vmul.f32 v19, v0;
	[tilespmem:$0x1640] =	vst v24  }
0xc9: {  	v31 =	vld [tilespmem:$0x9C0];
	v30 =	vmul.f32 v21, v0;
	[tilespmem:$0x1650] =	vst v26  }
0xca: {  	v33 =	vld [tilespmem:$0x9D0];
	v32 =	vmul.f32 v23, v0;
	[tilespmem:$0x1660] =	vst v28  }
0xcb: {  	v35 =	vld [tilespmem:$0x9E0];
	v34 =	vmul.f32 v25, v0;
	[tilespmem:$0x1670] =	vst v30  }
0xcc: {  	v37 =	vld [tilespmem:$0x9F0];
	v36 =	vmul.f32 v27, v0;
	[tilespmem:$0x1680] =	vst v32  }
0xcd: {  	v39 =	vld [tilespmem:$0xA00];
	v38 =	vmul.f32 v29, v0;
	[tilespmem:$0x1690] =	vst v34  }
0xce: {  	v41 =	vld [tilespmem:$0xA10];
	v40 =	vmul.f32 v31, v0;
	[tilespmem:$0x16A0] =	vst v36  }
0xcf: {  	v43 =	vld [tilespmem:$0xA20];
	v42 =	vmul.f32 v33, v0;
	[tilespmem:$0x16B0] =	vst v38  }
0xd0: {  	v44 =	vmul.f32 v35, v0;
	v45 =	vld [tilespmem:$0xA30];
	[tilespmem:$0x16C0] =	vst v40  }
0xd1: {  	v46 =	vmul.f32 v37, v0;
	v47 =	vld [tilespmem:$0xA40];
	[tilespmem:$0x16D0] =	vst v42  }
0xd2: {  	v48 =	vmul.f32 v39, v0;
	v49 =	vld [tilespmem:$0xA50];
	[tilespmem:$0x16E0] =	vst v44  }
0xd3: {  	v50 =	vmul.f32 v41, v0;
	v51 =	vld [tilespmem:$0xA60];
	[tilespmem:$0x16F0] =	vst v46  }
0xd4: {  	v53 =	vld [tilespmem:$0xA70];
	[tilespmem:$0x1700] =	vst v48;
	v52 =	vmul.f32 v43, v0  }
0xd5: {  	v55 =	vld [tilespmem:$0xA80];
	[tilespmem:$0x1710] =	vst v50;
	v54 =	vmul.f32 v45, v0  }
0xd6: {  	v57 =	vld [tilespmem:$0xA90];
	[tilespmem:$0x1720] =	vst v52;
	v56 =	vmul.f32 v47, v0  }
0xd7: {  	v59 =	vld [tilespmem:$0xAA0];
	v58 =	vmul.f32 v49, v0;
	[tilespmem:$0x1730] =	vst v54  }
0xd8: {  	v61 =	vld [tilespmem:$0xAB0];
	v60 =	vmul.f32 v51, v0;
	[tilespmem:$0x1740] =	vst v56  }
0xd9: {  	v63 =	vld [tilespmem:$0xAC0];
	v62 =	vmul.f32 v53, v0;
	[tilespmem:$0x1750] =	vst v58  }
0xda: {  	v10 =	vld [tilespmem:$0xAD0];
	v9 =	vmul.f32 v55, v0;
	[tilespmem:$0x1760] =	vst v60  }
0xdb: {  	v12 =	vld [tilespmem:$0xAE0];
	v11 =	vmul.f32 v57, v0;
	[tilespmem:$0x1770] =	vst v62  }
0xdc: {  	v14 =	vld [tilespmem:$0xAF0];
	v13 =	vmul.f32 v59, v0;
	[tilespmem:$0x1780] =	vst v9  }
0xdd: {  	v16 =	vld [tilespmem:$0xB00];
	v15 =	vmul.f32 v61, v0;
	[tilespmem:$0x1790] =	vst v11  }
0xde: {  	v18 =	vld [tilespmem:$0xB10];
	v17 =	vmul.f32 v63, v0;
	[tilespmem:$0x17A0] =	vst v13  }
0xdf: {  	v20 =	vld [tilespmem:$0xB20];
	[tilespmem:$0x17B0] =	vst v15;
	v19 =	vmul.f32 v10, v0  }
0xe0: {  	v22 =	vld [tilespmem:$0xB30];
	[tilespmem:$0x17C0] =	vst v17;
	v21 =	vmul.f32 v12, v0  }
0xe1: {  	v24 =	vld [tilespmem:$0xB40];
	v23 =	vmul.f32 v14, v0;
	[tilespmem:$0x17D0] =	vst v19  }
0xe2: {  	v26 =	vld [tilespmem:$0xB50];
	v25 =	vmul.f32 v16, v0;
	[tilespmem:$0x17E0] =	vst v21  }
0xe3: {  	v28 =	vld [tilespmem:$0xB60];
	v27 =	vmul.f32 v18, v0;
	[tilespmem:$0x17F0] =	vst v23  }
0xe4: {  	v30 =	vld [tilespmem:$0xB70];
	v29 =	vmul.f32 v20, v0;
	[tilespmem:$0x1800] =	vst v25  }
0xe5: {  	v32 =	vld [tilespmem:$0xB80];
	v31 =	vmul.f32 v22, v0;
	[tilespmem:$0x1810] =	vst v27  }
0xe6: {  	v34 =	vld [tilespmem:$0xB90];
	v33 =	vmul.f32 v24, v0;
	[tilespmem:$0x1820] =	vst v29  }
0xe7: {  	v36 =	vld [tilespmem:$0xBA0];
	v35 =	vmul.f32 v26, v0;
	[tilespmem:$0x1830] =	vst v31  }
0xe8: {  	v38 =	vld [tilespmem:$0xBB0];
	v37 =	vmul.f32 v28, v0;
	[tilespmem:$0x1840] =	vst v33  }
0xe9: {  	v40 =	vld [tilespmem:$0xBC0];
	v39 =	vmul.f32 v30, v0;
	[tilespmem:$0x1850] =	vst v35  }
0xea: {  	v42 =	vld [tilespmem:$0xBD0];
	v41 =	vmul.f32 v32, v0;
	[tilespmem:$0x1860] =	vst v37  }
0xeb: {  	v44 =	vld [tilespmem:$0xBE0];
	v43 =	vmul.f32 v34, v0;
	[tilespmem:$0x1870] =	vst v39  }
0xec: {  	v46 =	vld [tilespmem:$0xBF0];
	v45 =	vmul.f32 v36, v0;
	[tilespmem:$0x1880] =	vst v41  }
0xed: {  	v48 =	vld [tilespmem:$0xC00];
	v47 =	vmul.f32 v38, v0;
	[tilespmem:$0x1890] =	vst v43  }
0xee: {  	v50 =	vld [tilespmem:$0xC10];
	v49 =	vmul.f32 v40, v0;
	[tilespmem:$0x18A0] =	vst v45  }
0xef: {  	v52 =	vld [tilespmem:$0xC20];
	v51 =	vmul.f32 v42, v0;
	[tilespmem:$0x18B0] =	vst v47  }
0xf0: {  	v53 =	vmul.f32 v44, v0;
	v54 =	vld [tilespmem:$0xC30];
	[tilespmem:$0x18C0] =	vst v49  }
0xf1: {  	v55 =	vmul.f32 v46, v0;
	v56 =	vld [tilespmem:$0xC40];
	[tilespmem:$0x18D0] =	vst v51  }
0xf2: {  	v57 =	vmul.f32 v48, v0;
	v58 =	vld [tilespmem:$0xC50];
	[tilespmem:$0x18E0] =	vst v53  }
0xf3: {  	v59 =	vmul.f32 v50, v0;
	[tilespmem:$0x18F0] =	vst v55  }
0xf4: {  	[tilespmem:$0x1900] =	vst v57;
	v60 =	vmul.f32 v52, v0  }
0xf5: {  	[tilespmem:$0x1910] =	vst v59;
	v61 =	vmul.f32 v54, v0  }
0xf6: {  	[tilespmem:$0x1920] =	vst v60;
	v62 =	vmul.f32 v56, v0  }
0xf7: {  	v0 =	vmul.f32 v58, v0;
	[tilespmem:$0x1930] =	vst v61  }
0xf8: {  	[tilespmem:$0x1940] =	vst v62  }
0xf9: {  	s18 =	simm.s32 @p0 $0x1540;
	[tilespmem:$0x1950] =	vst v0  }
0xfa: {  	[hbm4b:s10+s17] =	stream.linear.scatter @p0 [tilespmem:s18], [sflag:$0x1], $0x298, $0x38;
	[tilespmem:$0x1E00] =	vst v63  }
0xfb: {  	s18 =	simm.s32 @!p0 $0x1540  }
0xfc: {  	[hbm4b:s9+s16] =	stream.linear.scatter @!p0 [tilespmem:s18], [sflag:$0x1], $0x420, $0x38;
	[tilespmem:$0x1E00] =	vst v63  }
0xfd: {  	v63 =	vld [tilespmem:$0xD00]  }
0xfe: {  	v8 =	vld [tilespmem:$0x1120]  }
0xff: {  	v9 =	vld [tilespmem:$0x1540]  }
0x100: {  	v10 =	vld [tilespmem:$0xD10]  }
0x101: {  	v11 =	vld [tilespmem:$0x1130]  }
0x102: {  	v12 =	vld [tilespmem:$0x1550]  }
0x103: {  	v13 =	vld [tilespmem:$0xD20]  }
0x104: {  	v15 =	vld [tilespmem:$0x1140]  }
0x105: {  	v16 =	vld [tilespmem:$0x1560]  }
0x106: {  	v18 =	vld [tilespmem:$0xD30]  }
0x107: {  	v20 =	vld [tilespmem:$0x1150]  }
0x108: {  	v22 =	vld [tilespmem:$0x1570];
	v0 =	vmul.f32 v63, v63  }
0x109: {  	v28 =	vld [tilespmem:$0xD50];
	v1 =	vmul.f32 v8, v8;
	v14 =	vmul.f32 v9, v9  }
0x10a: {  	v30 =	vld [tilespmem:$0x1170];
	v3 =	vmul.f32 v10, v10;
	v4 =	vmul.f32 v11, v11  }
0x10b: {  	v23 =	vld [tilespmem:$0x1160];
	v17 =	vmul.f32 v12, v12;
	v21 =	vmul.f32 v13, v13  }
0x10c: {  	v2 =	vmul.f32 v15, v15;
	v9 =	vld [tilespmem:$0xD40];
	v5 =	vmul.f32 v18, v18;
	v0 =	vadd.f32 v1, v0  }
0x10d: {  	v26 =	vmul.f32 v20, v20;
	v6 =	vmul.f32 v22, v22  }
0x10e: {  	v25 =	vld [tilespmem:$0x1580];
	v34 =	vmul.f32 v28, v28;
	v3 =	vadd.f32 v4, v3;
	v0 =	vadd.f32 v14, v0  }
0x10f: {  	v35 =	vmul.f32 v30, v30;
	v2 =	vadd.f32 v2, v21;
	v1 =	vmul.f32 v16, v16  }
0x110: {  	v5 =	vadd.f32 v26, v5;
	v3 =	vadd.f32 v17, v3;
	v19 =	vmul.f32 $-1.250000000e+01, v0  }
0x111: {  	v4 =	vmul.f32 v23, v23;
	v1 =	vadd.f32 v1, v2;
	v29 =	vmul.f32 v9, v9  }
0x112: {  	v10 =	vmul.f32 $-1.250000000e+01, v3;
	v7 =	vmul.f32 $1.442695020e+00, v19  }
0x113: {  	v5 =	vadd.f32 v6, v5;
	v2 =	vmul.f32 v25, v25;
	v27 =	vmul.f32 $-1.250000000e+01, v1  }
0x114: {  	v32 =	vld [tilespmem:$0x1590];
	v4 =	vadd.f32 v4, v29;
	v24 =	vmul.f32 $1.442695020e+00, v10;
	(erf) = vpow2.f32 v7  }
0x115: {  	v33 =	vmul.f32 $-1.250000000e+01, v5;
	(erf) = vrcp.f32 v0  }
0x116: {  	v31 =	vmul.f32 $1.442695020e+00, v27;
	v2 =	vadd.f32 v2, v4;
	(erf) = vpow2.f32 v24  }
0x117: {  	v0 =	vmul.f32 $1.442695020e+00, v33;
	(erf) = vrcp.f32 v3  }
0x118: {  	v36 =	vmul.f32 $-1.250000000e+01, v2;
	(erf) = vpow2.f32 v31  }
0x119: {  	v38 =	vmul.f32 v32, v32;
	v37 =	vadd.f32 v35, v34;
	(erf) = vrcp.f32 v1  }
0x11a: {  	v39 =	vmul.f32 $1.442695020e+00, v36;
	(erf) = vpow2.f32 v0  }
0x11b: {  	v1 =	vadd.f32 v38, v37;
	(erf) = vrcp.f32 v5  }
0x11c: {  	(erf) = vpow2.f32 v39  }
0x11d: {  	v3 =	vmul.f32 $-1.250000000e+01, v1;
	v40 =	vpop (erf)  }
0x11e: {  	(erf) = vrcp.f32 v2;
	v41 =	vpop (erf)  }
0x11f: {  	v3 =	vmul.f32 $1.442695020e+00, v3;
	v42 =	vpop (erf)  }
0x120: {  	v43 =	vpop (erf)  }
0x121: {  	(erf) = vpow2.f32 v3;
	v44 =	vpop (erf)  }
0x122: {  	v0 =	vmul.f32 $6.283185480e+00, v40;
	(erf) = vrcp.f32 v1;
	v45 =	vpop (erf)  }
0x123: {  	v46 =	vmul.f32 $6.283185480e+00, v42;
	v47 =	vpop (erf)  }
0x124: {  	v0 =	vmul.f32 v0, v41;
	v48 =	vmul.f32 $6.283185480e+00, v44;
	v49 =	vpop (erf)  }
0x125: {  	v1 =	vmul.f32 v46, v43;
	v2 =	vmul.f32 $6.283185480e+00, v47;
	v50 =	vpop (erf)  }
0x126: {  	[tilespmem:$0x1980] =	vst v0;
	v51 =	vmul.f32 v48, v45;
	v52 =	vmul.f32 $6.283185480e+00, v50  }
0x127: {  	[tilespmem:$0x1990] =	vst v1;
	v53 =	vmul.f32 v2, v49;
	v54 =	vpop (erf)  }
0x128: {  	[tilespmem:$0x19A0] =	vst v51;
	v55 =	vmul.f32 v52, v54  }
0x129: {  	[tilespmem:$0x19B0] =	vst v53  }
0x12a: {  	v56 =	vpop (erf);
	[tilespmem:$0x19C0] =	vst v55  }
0x12b: {  	v1 =	vpop (erf)  }
0x12c: {  	v57 =	vld [tilespmem:$0xD60]  }
0x12d: {  	v58 =	vld [tilespmem:$0x1180]  }
0x12e: {  	v59 =	vld [tilespmem:$0x15A0]  }
0x12f: {  	v60 =	vld [tilespmem:$0xD70]  }
0x130: {  	v61 =	vld [tilespmem:$0x1190]  }
0x131: {  	v62 =	vld [tilespmem:$0x15B0]  }
0x132: {  	v63 =	vld [tilespmem:$0xD80]  }
0x133: {  	v13 =	vld [tilespmem:$0x11A0]  }
0x134: {  	v14 =	vld [tilespmem:$0x15C0]  }
0x135: {  	v18 =	vld [tilespmem:$0xD90]  }
0x136: {  	v19 =	vld [tilespmem:$0x11B0]  }
0x137: {  	v30 =	vld [tilespmem:$0xDB0]  }
0x138: {  	v0 =	vmul.f32 $6.283185480e+00, v56;
	v11 =	vld [tilespmem:$0x15F0]  }
0x139: {  	v39 =	vld [tilespmem:$0x11F0]  }
0x13a: {  	v0 =	vmul.f32 v0, v1;
	v44 =	vld [tilespmem:$0x1610];
	v2 =	vmul.f32 v57, v57  }
0x13b: {  	v45 =	vld [tilespmem:$0xDE0];
	v3 =	vmul.f32 v58, v58;
	v12 =	vmul.f32 v59, v59  }
0x13c: {  	v48 =	vld [tilespmem:$0x1200];
	v5 =	vmul.f32 v60, v60;
	v6 =	vmul.f32 v61, v61  }
0x13d: {  	v50 =	vld [tilespmem:$0x1620];
	v7 =	vmul.f32 v62, v62;
	v16 =	vmul.f32 v63, v63  }
0x13e: {  	v20 =	vld [tilespmem:$0x15D0];
	v4 =	vmul.f32 v13, v13;
	v23 =	vmul.f32 v18, v18  }
0x13f: {  	v55 =	vld [tilespmem:$0x1210];
	v8 =	vmul.f32 v30, v30;
	v38 =	vmul.f32 v11, v11  }
0x140: {  	v13 =	vld [tilespmem:$0xDC0];
	v9 =	vmul.f32 v39, v39;
	v52 =	vmul.f32 v44, v44  }
0x141: {  	v56 =	vmul.f32 v45, v45;
	v57 =	vmul.f32 v48, v48;
	v58 =	vld [tilespmem:$0x1630]  }
0x142: {  	v11 =	vmul.f32 v50, v50;
	v2 =	vadd.f32 v3, v2;
	v5 =	vadd.f32 v6, v5  }
0x143: {  	v4 =	vadd.f32 v4, v16;
	v3 =	vmul.f32 v14, v14;
	v6 =	vmul.f32 v19, v19;
	v14 =	vld [tilespmem:$0x11E0]  }
0x144: {  	v16 =	vld [tilespmem:$0x1600];
	v19 =	vmul.f32 v55, v55;
	v2 =	vadd.f32 v12, v2;
	v5 =	vadd.f32 v7, v5  }
0x145: {  	v32 =	vld [tilespmem:$0x11D0];
	v3 =	vadd.f32 v3, v4;
	v4 =	vmul.f32 v20, v20;
	v42 =	vmul.f32 v13, v13  }
0x146: {  	v20 =	vmul.f32 v58, v58;
	v15 =	vmul.f32 $-1.250000000e+01, v2  }
0x147: {  	v6 =	vadd.f32 v6, v23;
	v7 =	vmul.f32 $-1.250000000e+01, v5;
	v22 =	vmul.f32 $-1.250000000e+01, v3  }
0x148: {  	v26 =	vld [tilespmem:$0xDA0];
	v43 =	vmul.f32 v14, v14;
	v17 =	vmul.f32 $1.442695020e+00, v15  }
0x149: {  	v27 =	vld [tilespmem:$0x11C0];
	v4 =	vadd.f32 v4, v6;
	v47 =	vmul.f32 v16, v16;
	v21 =	vmul.f32 $1.442695020e+00, v7  }
0x14a: {  	v28 =	vld [tilespmem:$0x15E0];
	v15 =	vmul.f32 v32, v32;
	(erf) = vpow2.f32 v17  }
0x14b: {  	v63 =	vld [tilespmem:$0x1220];
	v25 =	vmul.f32 $-1.250000000e+01, v4;
	(erf) = vrcp.f32 v2  }
0x14c: {  	v45 =	vld [tilespmem:$0xE30];
	v24 =	vmul.f32 $1.442695020e+00, v22;
	v37 =	vadd.f32 v15, v8;
	(erf) = vpow2.f32 v21  }
0x14d: {  	v48 =	vld [tilespmem:$0x1670];
	v8 =	vadd.f32 v43, v42;
	v2 =	vmul.f32 $1.442695020e+00, v25;
	(erf) = vrcp.f32 v5  }
0x14e: {  	v60 =	vld [tilespmem:$0xE00];
	v5 =	vmul.f32 v26, v26;
	(erf) = vpow2.f32 v24  }
0x14f: {  	v36 =	vld [tilespmem:$0xDD0];
	v8 =	vadd.f32 v47, v8;
	(erf) = vrcp.f32 v3;
	v3 =	vmul.f32 v27, v27  }
0x150: {  	v13 =	vmul.f32 v63, v63;
	v6 =	vmul.f32 v28, v28  }
0x151: {  	v53 =	vld [tilespmem:$0xDF0];
	v54 =	vmul.f32 $-1.250000000e+01, v8;
	(erf) = vpow2.f32 v2;
	v5 =	vadd.f32 v3, v5  }
0x152: {  	v55 =	vmul.f32 v48, v48;
	v16 =	vmul.f32 v45, v45  }
0x153: {  	v21 =	vmul.f32 v60, v60;
	v59 =	vmul.f32 $1.442695020e+00, v54;
	v29 =	vpop (erf);
	v5 =	vadd.f32 v6, v5  }
0x154: {  	(erf) = vrcp.f32 v4;
	v6 =	vmul.f32 v36, v36;
	v31 =	vpop (erf)  }
0x155: {  	v7 =	vmul.f32 $6.283185480e+00, v29;
	v33 =	vpop (erf);
	v40 =	vmul.f32 $-1.250000000e+01, v5  }
0x156: {  	v51 =	vadd.f32 v9, v6;
	v6 =	vadd.f32 v57, v56;
	v9 =	vmul.f32 v53, v53;
	v34 =	vpop (erf)  }
0x157: {  	v32 =	vld [tilespmem:$0xE20];
	v1 =	vmul.f32 $6.283185480e+00, v33;
	v3 =	vmul.f32 v7, v31;
	v7 =	vadd.f32 v38, v37;
	v12 =	vpop (erf)  }
0x158: {  	v25 =	vld [tilespmem:$0x1230];
	v4 =	vmul.f32 $1.442695020e+00, v40;
	v6 =	vadd.f32 v11, v6;
	v12 =	vmul.f32 $6.283185480e+00, v12  }
0x159: {  	v2 =	vmul.f32 v1, v34;
	v35 =	vpop (erf);
	v46 =	vmul.f32 $-1.250000000e+01, v7  }
0x15a: {  	v23 =	vld [tilespmem:$0xE10];
	v9 =	vadd.f32 v19, v9;
	v41 =	vpop (erf);
	(erf) = vpow2.f32 v4;
	v11 =	vmul.f32 $-1.250000000e+01, v6  }
0x15b: {  	v18 =	vld [tilespmem:$0x1640];
	v1 =	vmul.f32 v12, v35;
	v10 =	vmul.f32 $6.283185480e+00, v41  }
0x15c: {  	v36 =	vld [tilespmem:$0x1660];
	v9 =	vadd.f32 v20, v9;
	v49 =	vmul.f32 $1.442695020e+00, v46;
	(erf) = vrcp.f32 v5  }
0x15d: {  	v34 =	vld [tilespmem:$0x1240];
	v12 =	vmul.f32 v25, v25;
	v41 =	vmul.f32 v32, v32  }
0x15e: {  	v50 =	vld [tilespmem:$0xE40];
	v5 =	vadd.f32 v52, v51;
	v22 =	vmul.f32 $1.442695020e+00, v11;
	v28 =	vmul.f32 $-1.250000000e+01, v9  }
0x15f: {  	v20 =	vld [tilespmem:$0x1680];
	v61 =	vpop (erf);
	v11 =	vmul.f32 v23, v23;
	(erf) = vpow2.f32 v49  }
0x160: {  	v58 =	vld [tilespmem:$0xE60];
	v62 =	vmul.f32 $-1.250000000e+01, v5;
	v4 =	vmul.f32 v10, v61  }
0x161: {  	v46 =	vld [tilespmem:$0x1250];
	(erf) = vrcp.f32 v7;
	v30 =	vmul.f32 $1.442695020e+00, v28  }
0x162: {  	v52 =	vld [tilespmem:$0x1260];
	v11 =	vadd.f32 v12, v11;
	v42 =	vmul.f32 v34, v34;
	v12 =	vmul.f32 v36, v36  }
0x163: {  	v29 =	vld [tilespmem:$0x1650];
	(erf) = vpow2.f32 v59;
	v17 =	vmul.f32 $1.442695020e+00, v62  }
0x164: {  	v61 =	vld [tilespmem:$0x1280];
	v59 =	vmul.f32 v50, v50;
	v20 =	vmul.f32 v20, v20  }
0x165: {  	(erf) = vrcp.f32 v8;
	v8 =	vmul.f32 v18, v18  }
0x166: {  	v54 =	vld [tilespmem:$0xE50];
	v10 =	vadd.f32 v13, v21;
	v13 =	vmul.f32 v46, v46;
	(erf) = vpow2.f32 v17  }
0x167: {  	v60 =	vmul.f32 v52, v52;
	(erf) = vrcp.f32 v5  }
0x168: {  	v8 =	vadd.f32 v8, v10;
	v10 =	vmul.f32 v29, v29;
	v29 =	vmul.f32 v58, v58  }
0x169: {  	v57 =	vld [tilespmem:$0x1690];
	v13 =	vadd.f32 v13, v16;
	v16 =	vmul.f32 v61, v61;
	v24 =	vpop (erf);
	(erf) = vpow2.f32 v22  }
0x16a: {  	v26 =	vmul.f32 $6.283185480e+00, v24;
	v27 =	vpop (erf);
	(erf) = vrcp.f32 v6  }
0x16b: {  	v31 =	vmul.f32 $-1.250000000e+01, v8;
	v10 =	vadd.f32 v10, v11;
	v24 =	vmul.f32 v54, v54  }
0x16c: {  	v22 =	vld [tilespmem:$0x1270];
	v13 =	vadd.f32 v55, v13;
	v5 =	vmul.f32 v26, v27;
	v33 =	vpop (erf);
	(erf) = vpow2.f32 v30  }
0x16d: {  	v23 =	vld [tilespmem:$0x16B0];
	v11 =	vadd.f32 v42, v41;
	v7 =	vmul.f32 $1.442695020e+00, v31;
	v44 =	vmul.f32 $-1.250000000e+01, v10  }
0x16e: {  	v62 =	vmul.f32 $-1.250000000e+01, v13;
	v27 =	vmul.f32 v57, v57  }
0x16f: {  	v12 =	vadd.f32 v12, v11;
	v14 =	vmul.f32 $6.283185480e+00, v33;
	v35 =	vpop (erf);
	(erf) = vrcp.f32 v9  }
0x170: {  	v37 =	vpop (erf);
	(erf) = vpow2.f32 v7;
	v18 =	vmul.f32 $1.442695020e+00, v44  }
0x171: {  	v26 =	vld [tilespmem:$0x16A0];
	v51 =	vmul.f32 $-1.250000000e+01, v12;
	v25 =	vmul.f32 v22, v22  }
0x172: {  	v44 =	vmul.f32 v23, v23;
	v6 =	vmul.f32 v14, v35;
	v39 =	vpop (erf)  }
0x173: {  	v38 =	vmul.f32 $6.283185480e+00, v37;
	(erf) = vrcp.f32 v8;
	v40 =	vpop (erf)  }
0x174: {  	v45 =	vld [tilespmem:$0xEA0];
	v53 =	vmul.f32 $1.442695020e+00, v51;
	v7 =	vmul.f32 $6.283185480e+00, v40  }
0x175: {  	v15 =	vadd.f32 v25, v24;
	v43 =	vpop (erf);
	v9 =	vmul.f32 v38, v39;
	(erf) = vpow2.f32 v18  }
0x176: {  	v16 =	vadd.f32 v16, v29;
	v31 =	vld [tilespmem:$0xE70];
	v18 =	vmul.f32 $1.442695020e+00, v62;
	v32 =	vmul.f32 v26, v26;
	v17 =	vpop (erf)  }
0x177: {  	v36 =	vld [tilespmem:$0xE80];
	(erf) = vrcp.f32 v10;
	v15 =	vadd.f32 v27, v15;
	v17 =	vmul.f32 $6.283185480e+00, v17  }
0x178: {  	v24 =	vld [tilespmem:$0x16C0];
	v7 =	vmul.f32 v7, v43;
	v47 =	vpop (erf);
	(erf) = vpow2.f32 v53  }
0x179: {  	v38 =	vld [tilespmem:$0x12A0];
	v16 =	vadd.f32 v32, v16;
	v53 =	vmul.f32 v45, v45;
	v35 =	vmul.f32 $-1.250000000e+01, v15  }
0x17a: {  	v8 =	vmul.f32 v17, v47;
	v49 =	vpop (erf);
	(erf) = vrcp.f32 v12  }
0x17b: {  	v26 =	vld [tilespmem:$0x16F0];
	v40 =	vmul.f32 $-1.250000000e+01, v16;
	v17 =	vmul.f32 v31, v31  }
0x17c: {  	v43 =	vld [tilespmem:$0x16D0];
	v14 =	vmul.f32 $6.283185480e+00, v49;
	v19 =	vpop (erf);
	(erf) = vpow2.f32 v18  }
0x17d: {  	v47 =	vld [tilespmem:$0x12C0];
	v37 =	vmul.f32 $1.442695020e+00, v35;
	v18 =	vmul.f32 v36, v36  }
0x17e: {  	v50 =	vld [tilespmem:$0x16E0];
	v46 =	vmul.f32 v38, v38;
	v49 =	vmul.f32 v24, v24;
	v21 =	vpop (erf)  }
0x17f: {  	v21 =	vmul.f32 $6.283185480e+00, v21;
	v11 =	vmul.f32 v14, v19;
	v14 =	vadd.f32 v60, v59  }
0x180: {  	v33 =	vld [tilespmem:$0x1290];
	v26 =	vmul.f32 v26, v26;
	(erf) = vrcp.f32 v13;
	v56 =	vpop (erf)  }
0x181: {  	v52 =	vmul.f32 v43, v43;
	v59 =	vld [tilespmem:$0xEB0];
	v10 =	vmul.f32 v21, v56;
	v63 =	vpop (erf);
	v14 =	vadd.f32 v20, v14  }
0x182: {  	v54 =	vmul.f32 v47, v47;
	v21 =	vmul.f32 $6.283185480e+00, v63;
	v28 =	vpop (erf)  }
0x183: {  	v41 =	vld [tilespmem:$0xE90];
	v48 =	vadd.f32 v46, v18;
	v18 =	vmul.f32 v50, v50;
	v30 =	vmul.f32 $-1.250000000e+01, v14;
	v34 =	vpop (erf)  }
0x184: {  	v56 =	vadd.f32 v54, v53;
	v53 =	vld [tilespmem:$0x1300];
	v12 =	vmul.f32 v21, v28;
	v21 =	vmul.f32 $6.283185480e+00, v34  }
0x185: {  	v20 =	vmul.f32 v33, v33;
	v28 =	vld [tilespmem:$0xEC0];
	v19 =	vmul.f32 $1.442695020e+00, v30;
	v39 =	vpop (erf)  }
0x186: {  	v42 =	vld [tilespmem:$0x12B0];
	v13 =	vmul.f32 v21, v39;
	v25 =	vpop (erf);
	v21 =	vmul.f32 v59, v59  }
0x187: {  	v30 =	vld [tilespmem:$0x12E0];
	(erf) = vpow2.f32 v19;
	v25 =	vmul.f32 $6.283185480e+00, v25  }
0x188: {  	v62 =	vld [tilespmem:$0x12D0];
	v19 =	vmul.f32 v41, v41;
	(erf) = vrcp.f32 v14  }
0x189: {  	v45 =	vld [tilespmem:$0x12F0];
	v14 =	vmul.f32 $1.442695020e+00, v40;
	(erf) = vpow2.f32 v37  }
0x18a: {  	v46 =	vmul.f32 v28, v28;
	v28 =	vmul.f32 v53, v53  }
0x18b: {  	v17 =	vadd.f32 v20, v17;
	(erf) = vrcp.f32 v15;
	v15 =	vmul.f32 v42, v42  }
0x18c: {  	v59 =	vld [tilespmem:$0xEF0];
	v47 =	vmul.f32 v30, v30;
	(erf) = vpow2.f32 v14  }
0x18d: {  	v41 =	vld [tilespmem:$0x1700];
	v14 =	vadd.f32 v44, v17;
	v17 =	vadd.f32 v18, v56;
	v18 =	vmul.f32 v62, v62  }
0x18e: {  	v56 =	vmul.f32 v45, v45;
	(erf) = vrcp.f32 v16;
	v16 =	vadd.f32 v49, v48  }
0x18f: {  	v43 =	vld [tilespmem:$0xED0];
	v57 =	vpop (erf);
	v15 =	vadd.f32 v15, v19;
	v51 =	vmul.f32 $-1.250000000e+01, v14;
	v34 =	vmul.f32 $-1.250000000e+01, v17  }
0x190: {  	v21 =	vadd.f32 v18, v21;
	v18 =	vmul.f32 v25, v57;
	v55 =	vmul.f32 $-1.250000000e+01, v16  }
0x191: {  	v15 =	vadd.f32 v52, v15;
	v20 =	vmul.f32 $1.442695020e+00, v51;
	v35 =	vmul.f32 $1.442695020e+00, v34  }
0x192: {  	v40 =	vadd.f32 v26, v21;
	v21 =	vmul.f32 v41, v41;
	v41 =	vmul.f32 v59, v59  }
0x193: {  	v58 =	vmul.f32 $1.442695020e+00, v55;
	v61 =	vmul.f32 $-1.250000000e+01, v15  }
0x194: {  	v60 =	vpop (erf);
	v55 =	vmul.f32 v43, v43;
	(erf) = vpow2.f32 v20  }
0x195: {  	v51 =	vld [tilespmem:$0xEE0];
	v22 =	vmul.f32 $6.283185480e+00, v60;
	v63 =	vpop (erf);
	v44 =	vmul.f32 $-1.250000000e+01, v40  }
0x196: {  	v48 =	vld [tilespmem:$0x1710];
	(erf) = vrcp.f32 v14;
	v33 =	vpop (erf);
	v14 =	vmul.f32 $1.442695020e+00, v61  }
0x197: {  	v57 =	vld [tilespmem:$0x1720];
	(erf) = vpow2.f32 v58;
	v20 =	vmul.f32 $6.283185480e+00, v33;
	v27 =	vpop (erf)  }
0x198: {  	(erf) = vrcp.f32 v16;
	v36 =	vpop (erf);
	v16 =	vmul.f32 v22, v63  }
0x199: {  	v63 =	vld [tilespmem:$0x1730];
	(erf) = vpow2.f32 v14;
	v37 =	vmul.f32 $6.283185480e+00, v36  }
0x19a: {  	v24 =	vadd.f32 v56, v55;
	v25 =	vmul.f32 v51, v51;
	v29 =	vpop (erf);
	(erf) = vrcp.f32 v15  }
0x19b: {  	v15 =	vmul.f32 v20, v27;
	v27 =	vadd.f32 v47, v46;
	v46 =	vld [tilespmem:$0x1330];
	v14 =	vmul.f32 v37, v29  }
0x19c: {  	v36 =	vadd.f32 v28, v25;
	v29 =	vmul.f32 v48, v48;
	v37 =	vmul.f32 v57, v57  }
0x19d: {  	v50 =	vmul.f32 $1.442695020e+00, v44;
	(erf) = vpow2.f32 v35;
	v27 =	vadd.f32 v21, v27  }
0x19e: {  	v24 =	vadd.f32 v29, v24;
	v22 =	vadd.f32 v37, v36;
	v29 =	vmul.f32 v63, v63;
	v38 =	vpop (erf)  }
0x19f: {  	v32 =	vld [tilespmem:$0x1310];
	v60 =	vmul.f32 $-1.250000000e+01, v27;
	v19 =	vmul.f32 $6.283185480e+00, v38  }
0x1a0: {  	v43 =	vld [tilespmem:$0x1740];
	v39 =	vpop (erf);
	v33 =	vmul.f32 $-1.250000000e+01, v22;
	v51 =	vmul.f32 v46, v46  }
0x1a1: {  	v44 =	vld [tilespmem:$0xF10];
	v42 =	vpop (erf);
	(erf) = vrcp.f32 v17;
	v62 =	vmul.f32 $1.442695020e+00, v60  }
0x1a2: {  	v38 =	vld [tilespmem:$0xF00];
	v23 =	vmul.f32 $6.283185480e+00, v42;
	v17 =	vmul.f32 v19, v39  }
0x1a3: {  	v47 =	vld [tilespmem:$0x1750];
	v49 =	vpop (erf);
	(erf) = vpow2.f32 v50;
	v39 =	vmul.f32 $-1.250000000e+01, v24  }
0x1a4: {  	v57 =	vld [tilespmem:$0xF30];
	v42 =	vmul.f32 v32, v32;
	v48 =	vmul.f32 $1.442695020e+00, v33  }
0x1a5: {  	v60 =	vld [tilespmem:$0x1350];
	v52 =	vpop (erf);
	(erf) = vrcp.f32 v40;
	v19 =	vmul.f32 v23, v49  }
0x1a6: {  	v50 =	vld [tilespmem:$0x1340];
	v23 =	vmul.f32 $6.283185480e+00, v52;
	v54 =	vpop (erf);
	(erf) = vpow2.f32 v62  }
0x1a7: {  	v40 =	vld [tilespmem:$0x1320];
	(erf) = vrcp.f32 v27;
	v26 =	vmul.f32 v38, v38  }
0x1a8: {  	v25 =	vadd.f32 v42, v41;
	v49 =	vld [tilespmem:$0xF20];
	v31 =	vpop (erf);
	v27 =	vmul.f32 v44, v44;
	v20 =	vmul.f32 v23, v54  }
0x1a9: {  	v52 =	vld [tilespmem:$0x1760];
	v58 =	vmul.f32 $6.283185480e+00, v31;
	v23 =	vmul.f32 $1.442695020e+00, v39  }
0x1aa: {  	v42 =	vld [tilespmem:$0x1780];
	v25 =	vadd.f32 v29, v25;
	v31 =	vmul.f32 v43, v43;
	v29 =	vmul.f32 v60, v60  }
0x1ab: {  	v36 =	vld [tilespmem:$0x1770];
	v55 =	vmul.f32 v50, v50;
	(erf) = vpow2.f32 v23  }
0x1ac: {  	v46 =	vld [tilespmem:$0x1790];
	v28 =	vmul.f32 v40, v40;
	v34 =	vmul.f32 $-1.250000000e+01, v25  }
0x1ad: {  	v39 =	vld [tilespmem:$0x1360];
	v23 =	vmul.f32 v47, v47;
	(erf) = vrcp.f32 v24  }
0x1ae: {  	v43 =	vld [tilespmem:$0xF50];
	v27 =	vadd.f32 v51, v27;
	v54 =	vmul.f32 v49, v49;
	v59 =	vmul.f32 v52, v52  }
0x1af: {  	v35 =	vld [tilespmem:$0xF60];
	v51 =	vmul.f32 v42, v42;
	(erf) = vpow2.f32 v48  }
0x1b0: {  	v61 =	vpop (erf);
	v53 =	vmul.f32 $1.442695020e+00, v34;
	v23 =	vadd.f32 v23, v27;
	v27 =	vmul.f32 v57, v57  }
0x1b1: {  	v37 =	vld [tilespmem:$0xF40];
	v34 =	vmul.f32 v36, v36;
	v21 =	vmul.f32 v58, v61  }
0x1b2: {  	[tilespmem:$0x1B10] =	vst v20;
	v20 =	vld [tilespmem:$0x1510];
	v26 =	vadd.f32 v28, v26;
	(erf) = vrcp.f32 v22;
	v48 =	vmul.f32 v39, v39  }
0x1b3: {  	v45 =	vpop (erf);
	v58 =	vadd.f32 v55, v54;
	v28 =	vmul.f32 v43, v43;
	v54 =	vmul.f32 v46, v46  }
0x1b4: {  	v49 =	vld [tilespmem:$0x1380];
	v55 =	vmul.f32 v35, v35;
	v32 =	vmul.f32 $6.283185480e+00, v45  }
0x1b5: {  	v52 =	vld [tilespmem:$0x17A0];
	v26 =	vadd.f32 v31, v26;
	(erf) = vpow2.f32 v53;
	v63 =	vmul.f32 $-1.250000000e+01, v23  }
0x1b6: {  	[tilespmem:$0x1A60] =	vst v8;
	(erf) = vrcp.f32 v25;
	v25 =	vmul.f32 v37, v37  }
0x1b7: {  	[tilespmem:$0x1AC0] =	vst v16;
	v16 =	vld [tilespmem:$0x1500];
	v61 =	vpop (erf);
	v27 =	vadd.f32 v29, v27;
	v8 =	vmul.f32 v20, v20;
	v56 =	vmul.f32 $-1.250000000e+01, v26  }
0x1b8: {  	v24 =	vadd.f32 v59, v58;
	v40 =	vpop (erf);
	v22 =	vmul.f32 v32, v61;
	v38 =	vmul.f32 $1.442695020e+00, v63  }
0x1b9: {  	v45 =	vld [tilespmem:$0x1370];
	v31 =	vmul.f32 $6.283185480e+00, v40;
	v50 =	vadd.f32 v34, v27;
	v30 =	vmul.f32 v49, v49  }
0x1ba: {  	v60 =	vmul.f32 v52, v52;
	v25 =	vadd.f32 v48, v25;
	v62 =	vmul.f32 $1.442695020e+00, v56  }
0x1bb: {  	v41 =	vmul.f32 $-1.250000000e+01, v24;
	v53 =	vmul.f32 $-1.250000000e+01, v50;
	v59 =	vadd.f32 v30, v55  }
0x1bc: {  	[tilespmem:$0x1B30] =	vst v22;
	v22 =	vmul.f32 v16, v16;
	v25 =	vadd.f32 v51, v25;
	(erf) = vpow2.f32 v62  }
0x1bd: {  	v47 =	vpop (erf);
	v44 =	vmul.f32 $1.442695020e+00, v41;
	(erf) = vrcp.f32 v26  }
0x1be: {  	v56 =	vpop (erf);
	v27 =	vadd.f32 v60, v59;
	v26 =	vmul.f32 v45, v45;
	v57 =	vmul.f32 $-1.250000000e+01, v25  }
0x1bf: {  	v41 =	vmul.f32 $6.283185480e+00, v56;
	(erf) = vpow2.f32 v38  }
0x1c0: {  	v58 =	vpop (erf);
	v45 =	vmul.f32 $-1.250000000e+01, v27;
	(erf) = vrcp.f32 v23  }
0x1c1: {  	v61 =	vpop (erf);
	v23 =	vmul.f32 v31, v47;
	v31 =	vmul.f32 $1.442695020e+00, v53  }
0x1c2: {  	[tilespmem:$0x1AF0] =	vst v17;
	v17 =	vld [tilespmem:$0x1920];
	v62 =	vmul.f32 $1.442695020e+00, v57;
	v29 =	vmul.f32 $6.283185480e+00, v61  }
0x1c3: {  	v39 =	vld [tilespmem:$0x17C0];
	v26 =	vadd.f32 v26, v28;
	v63 =	vpop (erf);
	(erf) = vpow2.f32 v44;
	v48 =	vmul.f32 $1.442695020e+00, v45  }
0x1c4: {  	v53 =	vld [tilespmem:$0x1390];
	v42 =	vpop (erf);
	(erf) = vrcp.f32 v24;
	v24 =	vmul.f32 v41, v58  }
0x1c5: {  	v55 =	vld [tilespmem:$0x17B0];
	v26 =	vadd.f32 v54, v26;
	v51 =	vmul.f32 $6.283185480e+00, v42;
	(erf) = vpow2.f32 v31  }
0x1c6: {  	v43 =	vpop (erf);
	v29 =	vmul.f32 v29, v63;
	(erf) = vrcp.f32 v50  }
0x1c7: {  	v41 =	vld [tilespmem:$0xF90];
	v40 =	vmul.f32 $-1.250000000e+01, v26;
	v28 =	vmul.f32 v51, v43  }
0x1c8: {  	v42 =	vld [tilespmem:$0x13B0];
	v51 =	vmul.f32 v39, v39;
	[tilespmem:$0x1B60] =	vst v29;
	v29 =	vmul.f32 v17, v17  }
0x1c9: {  	v57 =	vld [tilespmem:$0xF80];
	(erf) = vpow2.f32 v62;
	v33 =	vmul.f32 v53, v53  }
0x1ca: {  	v50 =	vld [tilespmem:$0xF70];
	v62 =	vmul.f32 v55, v55;
	v44 =	vmul.f32 $1.442695020e+00, v40;
	v46 =	vpop (erf)  }
0x1cb: {  	v38 =	vld [tilespmem:$0x13A0];
	(erf) = vrcp.f32 v25;
	v36 =	vmul.f32 $6.283185480e+00, v46  }
0x1cc: {  	v47 =	vpop (erf);
	v41 =	vmul.f32 v41, v41;
	(erf) = vpow2.f32 v44  }
0x1cd: {  	v45 =	vld [tilespmem:$0xFB0];
	v42 =	vmul.f32 v42, v42;
	v49 =	vpop (erf);
	(erf) = vrcp.f32 v26  }
0x1ce: {  	v52 =	vpop (erf);
	v34 =	vmul.f32 $6.283185480e+00, v49;
	v26 =	vmul.f32 v36, v47;
	v49 =	vld [tilespmem:$0x17D0]  }
0x1cf: {  	v35 =	vmul.f32 v50, v50;
	v47 =	vmul.f32 v57, v57;
	v50 =	vld [tilespmem:$0xFA0];
	v37 =	vpop (erf)  }
0x1d0: {  	(erf) = vpow2.f32 v48;
	v48 =	vmul.f32 v38, v38;
	v54 =	vpop (erf)  }
0x1d1: {  	v25 =	vmul.f32 v34, v52;
	v58 =	vmul.f32 $6.283185480e+00, v37;
	v33 =	vadd.f32 v33, v35;
	v52 =	vld [tilespmem:$0x13C0];
	v56 =	vpop (erf)  }
0x1d2: {  	(erf) = vrcp.f32 v27;
	v32 =	vmul.f32 $6.283185480e+00, v56  }
0x1d3: {  	v59 =	vpop (erf);
	v30 =	vmul.f32 v58, v54;
	v35 =	vadd.f32 v62, v33;
	v55 =	vmul.f32 v49, v49  }
0x1d4: {  	v33 =	vadd.f32 v48, v47;
	v56 =	vld [tilespmem:$0x13D0];
	v60 =	vpop (erf);
	v58 =	vmul.f32 v50, v50;
	v49 =	vmul.f32 v45, v45  }
0x1d5: {  	v27 =	vmul.f32 $6.283185480e+00, v60;
	v43 =	vmul.f32 $-1.250000000e+01, v35  }
0x1d6: {  	v40 =	vpop (erf);
	v31 =	vmul.f32 v32, v59;
	v34 =	vadd.f32 v51, v33;
	v39 =	vmul.f32 v52, v52  }
0x1d7: {  	v44 =	vld [tilespmem:$0x17E0];
	v61 =	vpop (erf);
	v27 =	vmul.f32 v27, v40;
	v43 =	vmul.f32 $1.442695020e+00, v43  }
0x1d8: {  	v48 =	vld [tilespmem:$0x13E0];
	v57 =	vmul.f32 $-1.250000000e+01, v34;
	v63 =	vpop (erf);
	v36 =	vmul.f32 $6.283185480e+00, v61  }
0x1d9: {  	v54 =	vadd.f32 v42, v41;
	v59 =	vld [tilespmem:$0x17F0];
	v38 =	vmul.f32 v56, v56;
	v46 =	vpop (erf);
	(erf) = vpow2.f32 v43  }
0x1da: {  	v51 =	vld [tilespmem:$0x1800];
	v60 =	vmul.f32 $1.442695020e+00, v57;
	v37 =	vmul.f32 $6.283185480e+00, v46  }
0x1db: {  	v61 =	vld [tilespmem:$0xFC0];
	v32 =	vmul.f32 v36, v63;
	v36 =	vadd.f32 v55, v54;
	(erf) = vrcp.f32 v35  }
0x1dc: {  	v56 =	vld [tilespmem:$0x13F0];
	v53 =	vpop (erf);
	v63 =	vmul.f32 v44, v44;
	(erf) = vpow2.f32 v60  }
0x1dd: {  	v52 =	vadd.f32 v38, v49;
	v49 =	vld [tilespmem:$0x1820];
	v33 =	vmul.f32 v37, v53;
	v62 =	vmul.f32 $-1.250000000e+01, v36  }
0x1de: {  	v54 =	vld [tilespmem:$0xFD0];
	(erf) = vrcp.f32 v34;
	v53 =	vmul.f32 v59, v59  }
0x1df: {  	v60 =	vld [tilespmem:$0xFE0];
	v37 =	vadd.f32 v39, v58;
	v58 =	vmul.f32 v48, v48;
	v39 =	vmul.f32 v51, v51  }
0x1e0: {  	v59 =	vld [tilespmem:$0x1810];
	v57 =	vmul.f32 v61, v61;
	v50 =	vmul.f32 $1.442695020e+00, v62  }
0x1e1: {  	v51 =	vmul.f32 v56, v56;
	v37 =	vadd.f32 v63, v37;
	v38 =	vadd.f32 v53, v52  }
0x1e2: {  	v34 =	vadd.f32 v58, v57;
	v57 =	vmul.f32 v49, v49;
	(erf) = vpow2.f32 v50  }
0x1e3: {  	v63 =	vld [tilespmem:$0x1400];
	v55 =	vmul.f32 $-1.250000000e+01, v37;
	v62 =	vmul.f32 $-1.250000000e+01, v38  }
0x1e4: {  	v58 =	vld [tilespmem:$0x1410];
	v50 =	vmul.f32 v54, v54;
	(erf) = vrcp.f32 v36  }
0x1e5: {  	v48 =	vadd.f32 v39, v34;
	v43 =	vmul.f32 v59, v59;
	v36 =	vmul.f32 v60, v60  }
0x1e6: {  	v35 =	vmul.f32 $1.442695020e+00, v55;
	v61 =	vpop (erf);
	v47 =	vmul.f32 $1.442695020e+00, v62  }
0x1e7: {  	v39 =	vadd.f32 v51, v50;
	v55 =	vld [tilespmem:$0xFF0];
	v44 =	vmul.f32 $6.283185480e+00, v61;
	v52 =	vmul.f32 $-1.250000000e+01, v48  }
0x1e8: {  	v62 =	vld [tilespmem:$0x1000];
	v53 =	vmul.f32 v63, v63;
	(erf) = vpow2.f32 v35  }
0x1e9: {  	v56 =	vpop (erf);
	v39 =	vadd.f32 v43, v39;
	v43 =	vmul.f32 v58, v58;
	(erf) = vrcp.f32 v37  }
0x1ea: {  	v61 =	vld [tilespmem:$0x1830];
	v54 =	vmul.f32 $1.442695020e+00, v52;
	v34 =	vmul.f32 v44, v56  }
0x1eb: {  	v59 =	vpop (erf);
	(erf) = vpow2.f32 v47;
	v60 =	vmul.f32 $-1.250000000e+01, v39  }
0x1ec: {  	v36 =	vadd.f32 v53, v36;
	v53 =	vld [tilespmem:$0x1420];
	(erf) = vrcp.f32 v38;
	v38 =	vmul.f32 $6.283185480e+00, v59  }
0x1ed: {  	v56 =	vld [tilespmem:$0x1850];
	v41 =	vmul.f32 v55, v55;
	v37 =	vmul.f32 v62, v62  }
0x1ee: {  	v58 =	vld [tilespmem:$0x1020];
	v63 =	vpop (erf);
	v40 =	vadd.f32 v57, v36;
	(erf) = vpow2.f32 v54;
	v35 =	vmul.f32 $1.442695020e+00, v60  }
0x1ef: {  	v47 =	vld [tilespmem:$0x1840];
	v54 =	vmul.f32 v61, v61;
	(erf) = vrcp.f32 v48;
	v46 =	vpop (erf)  }
0x1f0: {  	v51 =	vld [tilespmem:$0x1030];
	v52 =	vmul.f32 $-1.250000000e+01, v40;
	v46 =	vmul.f32 $6.283185480e+00, v46  }
0x1f1: {  	v49 =	vld [tilespmem:$0x1430];
	(erf) = vpow2.f32 v35;
	v35 =	vmul.f32 v38, v63  }
0x1f2: {  	v48 =	vld [tilespmem:$0x1010];
	v41 =	vadd.f32 v43, v41;
	v59 =	vmul.f32 v53, v53;
	v38 =	vmul.f32 v56, v56  }
0x1f3: {  	v60 =	vld [tilespmem:$0x1440];
	v44 =	vmul.f32 $1.442695020e+00, v52;
	(erf) = vrcp.f32 v39  }
0x1f4: {  	v55 =	vpop (erf);
	v57 =	vadd.f32 v54, v41;
	v62 =	vmul.f32 v47, v47;
	v41 =	vmul.f32 v58, v58  }
0x1f5: {  	v52 =	vld [tilespmem:$0x1450];
	v36 =	vmul.f32 v46, v55;
	v37 =	vadd.f32 v59, v37;
	v59 =	vmul.f32 v51, v51  }
0x1f6: {  	v54 =	vld [tilespmem:$0x1870];
	(erf) = vpow2.f32 v44;
	v61 =	vmul.f32 $-1.250000000e+01, v57  }
0x1f7: {  	v63 =	vmul.f32 v48, v48;
	v48 =	vmul.f32 v49, v49;
	v49 =	vld [tilespmem:$0x1860];
	v37 =	vadd.f32 v62, v37  }
0x1f8: {  	v43 =	vmul.f32 v60, v60;
	v50 =	vmul.f32 $1.442695020e+00, v61  }
0x1f9: {  	(erf) = vrcp.f32 v40;
	v42 =	vadd.f32 v48, v63;
	v53 =	vmul.f32 $-1.250000000e+01, v37  }
0x1fa: {  	v60 =	vmul.f32 v52, v52;
	(erf) = vpow2.f32 v50  }
0x1fb: {  	v38 =	vadd.f32 v38, v42;
	(erf) = vrcp.f32 v57;
	v57 =	vpop (erf);
	v40 =	vmul.f32 $1.442695020e+00, v53  }
0x1fc: {  	v50 =	vld [tilespmem:$0x1880];
	v39 =	vadd.f32 v60, v59;
	v42 =	vmul.f32 v54, v54;
	v56 =	vmul.f32 v49, v49;
	v47 =	vpop (erf)  }
0x1fd: {  	v55 =	vadd.f32 v43, v41;
	v43 =	vmul.f32 $6.283185480e+00, v57;
	v61 =	vpop (erf);
	(erf) = vpow2.f32 v40  }
0x1fe: {  	v58 =	vmul.f32 $-1.250000000e+01, v38;
	v40 =	vadd.f32 v42, v39;
	v63 =	vpop (erf);
	(erf) = vrcp.f32 v37  }
0x1ff: {  	v41 =	vadd.f32 v56, v55;
	v56 =	vmul.f32 $6.283185480e+00, v61;
	v39 =	vmul.f32 v43, v47  }
0x200: {  	v62 =	vmul.f32 $1.442695020e+00, v58;
	v58 =	vmul.f32 $-1.250000000e+01, v40  }
0x201: {  	v47 =	vld [tilespmem:$0x1890];
	v53 =	vpop (erf);
	v50 =	vmul.f32 v50, v50;
	v52 =	vmul.f32 $-1.250000000e+01, v41  }
0x202: {  	v59 =	vmul.f32 $6.283185480e+00, v53;
	v37 =	vmul.f32 v56, v63  }
0x203: {  	v54 =	vpop (erf);
	v53 =	vld [tilespmem:$0x1470];
	(erf) = vpow2.f32 v62;
	v62 =	vmul.f32 $1.442695020e+00, v58  }
0x204: {  	v63 =	vld [tilespmem:$0x1040];
	v57 =	vpop (erf);
	v55 =	vmul.f32 $1.442695020e+00, v52;
	(erf) = vrcp.f32 v38  }
0x205: {  	v56 =	vld [tilespmem:$0x1460];
	v48 =	vpop (erf);
	v38 =	vmul.f32 v59, v54;
	v57 =	vmul.f32 $6.283185480e+00, v57  }
0x206: {  	v52 =	vld [tilespmem:$0x1050];
	v60 =	vpop (erf);
	v47 =	vmul.f32 v47, v47;
	(erf) = vpow2.f32 v55  }
0x207: {  	v61 =	vpop (erf);
	v44 =	vmul.f32 $6.283185480e+00, v60;
	(erf) = vrcp.f32 v41  }
0x208: {  	v54 =	vld [tilespmem:$0x1060];
	v53 =	vmul.f32 v53, v53;
	v55 =	vpop (erf);
	(erf) = vpow2.f32 v62  }
0x209: {  	v41 =	vmul.f32 v44, v61;
	v61 =	vmul.f32 v63, v63  }
0x20a: {  	v49 =	vld [tilespmem:$0x1070];
	v62 =	vmul.f32 v56, v56;
	v58 =	vpop (erf);
	v43 =	vmul.f32 $6.283185480e+00, v55  }
0x20b: {  	(erf) = vrcp.f32 v40;
	v52 =	vmul.f32 v52, v52;
	v51 =	vpop (erf)  }
0x20c: {  	v42 =	vmul.f32 v57, v48;
	v55 =	vld [tilespmem:$0x1480];
	v46 =	vadd.f32 v62, v61;
	v48 =	vpop (erf);
	v63 =	vmul.f32 $6.283185480e+00, v51  }
0x20d: {  	v40 =	vmul.f32 v43, v58;
	v62 =	vadd.f32 v53, v52;
	v58 =	vmul.f32 v54, v54;
	v59 =	vpop (erf)  }
0x20e: {  	[tilespmem:$0x1A90] =	vst v12;
	v12 =	vld [tilespmem:$0x18F0];
	v60 =	vpop (erf);
	v43 =	vmul.f32 $6.283185480e+00, v59;
	v45 =	vmul.f32 v63, v48  }
0x20f: {  	v56 =	vld [tilespmem:$0x18A0];
	v48 =	vadd.f32 v50, v46;
	v47 =	vadd.f32 v47, v62;
	v62 =	vmul.f32 v49, v49;
	v59 =	vpop (erf)  }
0x210: {  	v53 =	vld [tilespmem:$0x1080];
	v43 =	vmul.f32 v43, v60;
	v51 =	vmul.f32 $6.283185480e+00, v59  }
0x211: {  	v63 =	vmul.f32 $-1.250000000e+01, v48;
	v60 =	vpop (erf);
	v59 =	vmul.f32 v55, v55;
	v55 =	vld [tilespmem:$0x18B0]  }
0x212: {  	[tilespmem:$0x19D0] =	vst v0;
	v0 =	vmul.f32 $-1.250000000e+01, v47;
	v61 =	vpop (erf);
	v44 =	vmul.f32 v51, v60;
	v51 =	vld [tilespmem:$0x1490]  }
0x213: {  	v52 =	vmul.f32 $1.442695020e+00, v63;
	v46 =	vmul.f32 $6.283185480e+00, v61;
	v50 =	vadd.f32 v59, v58;
	v58 =	vld [tilespmem:$0x14B0]  }
0x214: {  	v0 =	vmul.f32 $1.442695020e+00, v0;
	v57 =	vpop (erf);
	v60 =	vmul.f32 v56, v56;
	v61 =	vld [tilespmem:$0x14A0]  }
0x215: {  	v56 =	vld [tilespmem:$0x18E0];
	(erf) = vpow2.f32 v52;
	v46 =	vmul.f32 v46, v57  }
0x216: {  	[tilespmem:$0x19F0] =	vst v2;
	v2 =	vadd.f32 v60, v50;
	v50 =	vld [tilespmem:$0x1090];
	(erf) = vrcp.f32 v48;
	v60 =	vmul.f32 v53, v53  }
0x217: {  	v57 =	vmul.f32 v55, v55;
	v63 =	vmul.f32 v51, v51;
	v51 =	vld [tilespmem:$0x18C0]  }
0x218: {  	v59 =	vmul.f32 $-1.250000000e+01, v2;
	v48 =	vmul.f32 v58, v58;
	v58 =	vld [tilespmem:$0x10B0]  }
0x219: {  	(erf) = vpow2.f32 v0;
	v61 =	vmul.f32 v61, v61;
	v54 =	vadd.f32 v63, v62;
	v62 =	vld [tilespmem:$0x18D0]  }
0x21a: {  	[tilespmem:$0x19E0] =	vst v3;
	(erf) = vrcp.f32 v47;
	v0 =	vmul.f32 $1.442695020e+00, v59;
	v63 =	vld [tilespmem:$0x10A0]  }
0x21b: {  	[tilespmem:$0x1A00] =	vst v1;
	v3 =	vadd.f32 v61, v60;
	v55 =	vmul.f32 v50, v50;
	v60 =	vld [tilespmem:$0x14D0];
	v50 =	vmul.f32 v56, v56  }
0x21c: {  	[tilespmem:$0x1AB0] =	vst v18;
	v18 =	vld [tilespmem:$0x10F0];
	v56 =	vmul.f32 v12, v12;
	(erf) = vpow2.f32 v0;
	v1 =	vadd.f32 v57, v54  }
0x21d: {  	[tilespmem:$0x1A10] =	vst v4;
	v54 =	vld [tilespmem:$0x14C0];
	(erf) = vrcp.f32 v2;
	v53 =	vmul.f32 v51, v51  }
0x21e: {  	[tilespmem:$0x1A70] =	vst v11;
	v51 =	vld [tilespmem:$0x14E0];
	v4 =	vmul.f32 v58, v58;
	v11 =	vpop (erf);
	v52 =	vmul.f32 $-1.250000000e+01, v1  }
0x21f: {  	[tilespmem:$0x1A20] =	vst v5;
	v20 =	vmul.f32 $6.283185480e+00, v11;
	v3 =	vadd.f32 v53, v3;
	v5 =	vmul.f32 v62, v62  }
0x220: {  	[tilespmem:$0x1A50] =	vst v7;
	v47 =	vld [tilespmem:$0x10C0];
	v62 =	vmul.f32 v63, v63;
	v7 =	vmul.f32 v60, v60  }
0x221: {  	v59 =	vadd.f32 v48, v55;
	v60 =	vld [tilespmem:$0x1910];
	v57 =	vmul.f32 $1.442695020e+00, v52;
	v61 =	vmul.f32 $-1.250000000e+01, v3  }
0x222: {  	[tilespmem:$0x1A30] =	vst v6;
	v52 =	vld [tilespmem:$0x1900];
	v63 =	vmul.f32 v54, v54;
	v55 =	vadd.f32 v7, v4;
	v4 =	vmul.f32 v18, v18  }
0x223: {  	[tilespmem:$0x1A40] =	vst v9;
	v2 =	vadd.f32 v5, v59;
	v54 =	vld [tilespmem:$0x10D0];
	(erf) = vpow2.f32 v57;
	v59 =	vmul.f32 v51, v51  }
0x224: {  	[tilespmem:$0x1B40] =	vst v23;
	v23 =	vld [tilespmem:$0x1930];
	(erf) = vrcp.f32 v1;
	v0 =	vmul.f32 $1.442695020e+00, v61  }
0x225: {  	[tilespmem:$0x1B00] =	vst v19;
	v57 =	vld [tilespmem:$0x14F0];
	v48 =	vmul.f32 $-1.250000000e+01, v2;
	v5 =	vadd.f32 v63, v62;
	v1 =	vmul.f32 v47, v47  }
0x226: {  	[tilespmem:$0x1B80] =	vst v26;
	v26 =	vld [tilespmem:$0x1100];
	v19 =	vmul.f32 v60, v60;
	(erf) = vpow2.f32 v0  }
0x227: {  	[tilespmem:$0x1A80] =	vst v10;
	v51 =	vld [tilespmem:$0x1110];
	v53 =	vmul.f32 $1.442695020e+00, v48;
	v5 =	vadd.f32 v50, v5;
	v63 =	vmul.f32 v52, v52  }
0x228: {  	[tilespmem:$0x1AA0] =	vst v13;
	v61 =	vld [tilespmem:$0x10E0];
	(erf) = vrcp.f32 v3;
	v6 =	vmul.f32 v54, v54  }
0x229: {  	[tilespmem:$0x1AD0] =	vst v15;
	v47 =	vld [tilespmem:$0x1520];
	v1 =	vadd.f32 v59, v1;
	(erf) = vpow2.f32 v53;
	v58 =	vmul.f32 $-1.250000000e+01, v5  }
0x22a: {  	[tilespmem:$0x1AE0] =	vst v14;
	v49 =	vld [tilespmem:$0x1940];
	v3 =	vadd.f32 v56, v55;
	v7 =	vmul.f32 v57, v57;
	v53 =	vmul.f32 v23, v23  }
0x22b: {  	[tilespmem:$0x1B20] =	vst v21;
	v59 =	vld [tilespmem:$0x1950];
	v1 =	vadd.f32 v63, v1;
	v57 =	vmul.f32 v26, v26;
	(erf) = vrcp.f32 v2  }
0x22c: {  	[tilespmem:$0x1B50] =	vst v24;
	v62 =	vmul.f32 $-1.250000000e+01, v3;
	v0 =	vmul.f32 $1.442695020e+00, v58  }
0x22d: {  	[tilespmem:$0x1B70] =	vst v28;
	v4 =	vadd.f32 v8, v4;
	v54 =	vld [tilespmem:$0x1530];
	v2 =	vmul.f32 v61, v61;
	v21 =	vmul.f32 $-1.250000000e+01, v1  }
0x22e: {  	[tilespmem:$0x1B90] =	vst v25;
	v6 =	vadd.f32 v7, v6;
	v58 =	vmul.f32 v47, v47;
	v7 =	vmul.f32 v51, v51  }
0x22f: {  	[tilespmem:$0x1BA0] =	vst v30;
	v4 =	vadd.f32 v53, v4;
	v9 =	vmul.f32 $1.442695020e+00, v62;
	v62 =	vmul.f32 v49, v49  }
0x230: {  	[tilespmem:$0x1BB0] =	vst v31;
	v2 =	vadd.f32 v22, v2;
	v22 =	vmul.f32 v59, v59;
	(erf) = vpow2.f32 v0;
	v0 =	vpop (erf)  }
0x231: {  	[tilespmem:$0x1BC0] =	vst v27;
	v6 =	vadd.f32 v19, v6;
	v24 =	vmul.f32 $1.442695020e+00, v21;
	(erf) = vrcp.f32 v5;
	v5 =	vpop (erf)  }
0x232: {  	[tilespmem:$0x1BD0] =	vst v32;
	v61 =	vmul.f32 $-1.250000000e+01, v4;
	v10 =	vmul.f32 v54, v54;
	v2 =	vadd.f32 v29, v2;
	v13 =	vpop (erf)  }
0x233: {  	[tilespmem:$0x1BE0] =	vst v33;
	v28 =	vmul.f32 $-1.250000000e+01, v6;
	(erf) = vpow2.f32 v9;
	v48 =	vpop (erf)  }
0x234: {  	[tilespmem:$0x1BF0] =	vst v34;
	v55 =	vmul.f32 $-1.250000000e+01, v2;
	v9 =	vmul.f32 $1.442695020e+00, v61;
	v50 =	vpop (erf)  }
0x235: {  	[tilespmem:$0x1C00] =	vst v35;
	v8 =	vadd.f32 v58, v57;
	v0 =	vmul.f32 v20, v0;
	(erf) = vrcp.f32 v3;
	v52 =	vpop (erf)  }
0x236: {  	[tilespmem:$0x1C10] =	vst v36;
	v7 =	vadd.f32 v10, v7;
	v14 =	vmul.f32 $1.442695020e+00, v28;
	(erf) = vpow2.f32 v24;
	v56 =	vpop (erf)  }
0x237: {  	[tilespmem:$0x1C20] =	vst v39;
	v8 =	vadd.f32 v62, v8;
	v5 =	vmul.f32 $6.283185480e+00, v5;
	(erf) = vrcp.f32 v1;
	v63 =	vpop (erf)  }
0x238: {  	[tilespmem:$0x1C30] =	vst v37;
	v7 =	vadd.f32 v22, v7;
	v60 =	vmul.f32 $1.442695020e+00, v55;
	(erf) = vpow2.f32 v14;
	v21 =	vpop (erf)  }
0x239: {  	[tilespmem:$0x1C40] =	vst v38;
	v24 =	vmul.f32 $-1.250000000e+01, v8;
	(erf) = vrcp.f32 v6;
	v23 =	vpop (erf)  }
0x23a: {  	[tilespmem:$0x1C50] =	vst v42;
	v28 =	vmul.f32 $-1.250000000e+01, v7;
	(erf) = vpow2.f32 v60;
	v25 =	vpop (erf)  }
0x23b: {  	[tilespmem:$0x1C60] =	vst v41;
	v5 =	vmul.f32 v5, v13;
	(erf) = vrcp.f32 v2;
	v26 =	vpop (erf)  }
0x23c: {  	[tilespmem:$0x1C70] =	vst v40;
	v2 =	vmul.f32 $1.442695020e+00, v24;
	(erf) = vpow2.f32 v9;
	v27 =	vpop (erf)  }
0x23d: {  	[tilespmem:$0x1C80] =	vst v45;
	v31 =	vmul.f32 $6.283185480e+00, v48;
	(erf) = vrcp.f32 v4;
	v29 =	vpop (erf)  }
0x23e: {  	[tilespmem:$0x1C90] =	vst v43;
	v4 =	vmul.f32 $1.442695020e+00, v28;
	(erf) = vpow2.f32 v2;
	v30 =	vpop (erf)  }
0x23f: {  	[tilespmem:$0x1CA0] =	vst v44;
	v1 =	vmul.f32 $6.283185480e+00, v52;
	v32 =	vpop (erf);
	(erf) = vrcp.f32 v8  }
0x240: {  	[tilespmem:$0x1CB0] =	vst v46;
	v3 =	vmul.f32 v31, v50;
	v33 =	vpop (erf);
	(erf) = vpow2.f32 v4  }
0x241: {  	[tilespmem:$0x1CC0] =	vst v0;
	v35 =	vmul.f32 v1, v56;
	v36 =	vmul.f32 $6.283185480e+00, v63;
	v34 =	vpop (erf)  }
0x242: {  	[tilespmem:$0x1CD0] =	vst v5;
	v37 =	vmul.f32 $6.283185480e+00, v23;
	(erf) = vrcp.f32 v7;
	v38 =	vpop (erf)  }
0x243: {  	[tilespmem:$0x1CE0] =	vst v3;
	v1 =	vmul.f32 v36, v21;
	v40 =	vmul.f32 $6.283185480e+00, v26;
	v39 =	vpop (erf)  }
0x244: {  	[tilespmem:$0x1CF0] =	vst v35;
	v42 =	vmul.f32 v37, v25;
	v43 =	vmul.f32 $6.283185480e+00, v29;
	v41 =	vpop (erf)  }
0x245: {  	[tilespmem:$0x1D00] =	vst v1;
	v45 =	vmul.f32 v40, v27;
	v46 =	vmul.f32 $6.283185480e+00, v32;
	v44 =	vpop (erf)  }
0x246: {  	[tilespmem:$0x1D10] =	vst v42;
	v48 =	vmul.f32 v43, v30;
	v49 =	vmul.f32 $6.283185480e+00, v34;
	v47 =	vpop (erf)  }
0x247: {  	[tilespmem:$0x1D20] =	vst v45;
	v51 =	vmul.f32 v46, v33;
	v52 =	vmul.f32 $6.283185480e+00, v39;
	v50 =	vpop (erf)  }
0x248: {  	[tilespmem:$0x1D30] =	vst v48;
	v54 =	vmul.f32 v49, v38;
	v55 =	vmul.f32 $6.283185480e+00, v44;
	v53 =	vpop (erf)  }
0x249: {  	[tilespmem:$0x1D40] =	vst v51;
	v57 =	vmul.f32 v52, v41;
	v58 =	vmul.f32 $6.283185480e+00, v50;
	v56 =	vpop (erf)  }
0x24a: {  	[tilespmem:$0x1D50] =	vst v54;
	v59 =	vmul.f32 v55, v47;
	v60 =	vmul.f32 $6.283185480e+00, v56  }
0x24b: {  	[tilespmem:$0x1D60] =	vst v57;
	v61 =	vmul.f32 v58, v53;
	v62 =	vpop (erf)  }
0x24c: {  	[tilespmem:$0x1D70] =	vst v59;
	v63 =	vmul.f32 v60, v62  }
0x24d: {  	[tilespmem:$0x1D80] =	vst v61  }
0x24e: {  	s18 =	simm.s32 @p0 $0x1980;
	[tilespmem:$0x1D90] =	vst v63  }
0x24f: {  	[hbm4b:s12+s17] =	stream.linear.scatter @p0 [tilespmem:s18], [sflag:$0x1], $0x298, $0x38;
	[tilespmem:$0x1E00] =	vst v63  }
0x250: {  	s17 =	simm.s32 @p0 $0x1  }
0x251: {  	_ =	swait.ge @p0 [sflag:s17], $0x298  }
0x252: {  	[sflag:s17] =	ssyncset.done @p0 $0x0  }
0x253: {  	[sflag:s17] =	ssyncadd.s32 @p0 $0xFFFFFD68  }
0x254: {  	_ =	swait.ge @p0 [sflag:s17], $0x298  }
0x255: {  	[sflag:s17] =	ssyncset.done @p0 $0x0  }
0x256: {  	[sflag:s17] =	ssyncadd.s32 @p0 $0xFFFFFD68  }
0x257: {  	_ =	swait.ge @p0 [sflag:s17], $0x298  }
0x258: {  	[sflag:s17] =	ssyncset.done @p0 $0x0  }
0x259: {  	[sflag:s17] =	ssyncadd.s32 @p0 $0xFFFFFD68  }
0x25a: {  	_ =	swait.ge @p0 [sflag:s17], $0x298  }
0x25b: {  	[sflag:s17] =	ssyncset.done @p0 $0x0  }
0x25c: {  	[sflag:s17] =	ssyncadd.s32 @p0 $0xFFFFFD68;
	s17 =	simm.s32 @!p0 $0x1980  }
0x25d: {  	[hbm4b:s11+s16] =	stream.linear.scatter @!p0 [tilespmem:s17], [sflag:$0x1], $0x420, $0x38;
	[tilespmem:$0x1E00] =	vst v63  }
0x25e: {  	s16 =	simm.s32 @!p0 $0x1  }
0x25f: {  	_ =	swait.ge @!p0 [sflag:s16], $0x420  }
0x260: {  	[sflag:s16] =	ssyncset.done @!p0 $0x0  }
0x261: {  	[sflag:s16] =	ssyncadd.s32 @!p0 $0xFFFFFBE0  }
0x262: {  	_ =	swait.ge @!p0 [sflag:s16], $0x420  }
0x263: {  	[sflag:s16] =	ssyncset.done @!p0 $0x0  }
0x264: {  	s13 =	sadd.s32 $0xFFFFFFFF, s13;
	[sflag:s16] =	ssyncadd.s32 @!p0 $0xFFFFFBE0  }
0x265: {  	p1 =	sne.s32 s13, $0x0;
	_ =	swait.ge @!p0 [sflag:s16], $0x420  }
.Ltmp0:
0x266: {  	[sflag:s16] =	ssyncset.done @!p0 $0x0;
	(pc) =	sbr.rel @p1 .LBB2_1-.Ltmp0, $4  }
0x267: {  	[sflag:s16] =	ssyncadd.s32 @!p0 $0xFFFFFBE0  }
0x268: {  	_ =	swait.ge @!p0 [sflag:s16], $0x420  }
0x269: {  	[sflag:s16] =	ssyncset.done @!p0 $0x0  }
0x26a: {  	[sflag:s16] =	ssyncadd.s32 @!p0 $0xFFFFFBE0  }
0x26b: {  	_ =	sfence.sel $0x180000  }
0x26c: {  	[bflag:$0x0] =	sbarrier.arrive $0xFFFF  }
0x26d: {  	p0 =	sne.s32 s0, $0x0;
	_ =	strace $0x90000047  }
0x26e: {  	s0 =	sadd.s32 @!p0 $0x100000, s2;
	[bflag:$0x2] =	sbarrier.arrive $0xFFFF  }
0x26f: {  	[sflag:s0] =	ssyncadd.tile.s32 @!p0 $0x1;
	_ =	shalt  }
.Lfunc_end2:
_tile_overlayer_lowered:
.L_overlay_start_2:
0x270: {  	(tag) =	ssettag $0x2  }
0x271: {  	s0 =	rddreg [dreg:$0x0];
	s2 =	stileid.u32  }
0x272: {  	s1 =	rddreg [dreg:$0x1];
	p0 =	sne.s32 s2, $0x0  }
0x273: {  	s3 =	rddreg [dreg:$0x2];
	[bflag:$0x3] =	sbarrier.arrive $0xFFFF;
	s2 =	simm.s32 @!p0 $0x1C02  }
0x274: {  	[timem:s3], [sflag:s2] =	dma.local @!p0 [hbm:s0], s1  }
0x275: {  	s0 =	simm.s32 @!p0 $0x2  }
0x276: {  	_ =	swait.ge @!p0 [sflag:s0], s1  }
0x277: {  	s1 =	ssub.s32 @!p0 $0x0, s1;
	[sflag:s0] =	ssyncset.done @!p0 $0x0  }
0x278: {  	[sflag:s0] =	ssyncadd.s32 @!p0 s1  }
0x279: {  	[bflag:$0x3] =	sbarrier.arrive $0xFFFF  }
0x27a: {  	_ =	shalt  }

</sc_bundles>
